<compile_context>
chip_gen: v7x
topology: tpu7x:2x2x1
jax: 0.10.2.dev20260603
libtpu: 0.0.44.dev20260713+nightly
codegen_flags: <defaults>
</compile_context>

<pallas_src>
import functools

import jax
import jax.numpy as jnp
from jax import lax
from jax.experimental import pallas as pl
from jax.experimental.pallas import tpu as pltpu
from jax.experimental.pallas import tpu_sc as plsc

N_NODES = 10000
N_EDGES = 320000
D_FEAT = 128
HID = 64

NC = 2
NS = 16
NW = NC * NS
EPW = N_EDGES // NW
CHUNK = 128
NCH = 80
PPW = NCH * CHUNK - EPW
NB = 8
Y_ROWS = N_NODES + 16
RPT = N_NODES // NS



def _proj_body(x_ref, w1_ref, y_ref):
    i = pl.program_id(0)
    y = lax.dot_general(x_ref[...], w1_ref[...], (((1,), (1,)), ((), ())),
                        preferred_element_type=jnp.float32)
    blk = y.shape[0]
    row = i * blk + lax.broadcasted_iota(jnp.int32, y.shape, 0)
    y_ref[...] = jnp.where(row < N_NODES, y, 0.0)


def _project(x, w1):
    blk = 2504
    return pl.pallas_call(
        _proj_body,
        grid=(Y_ROWS // blk,),
        in_specs=[
            pl.BlockSpec((blk, D_FEAT), lambda i: (i, 0)),
            pl.BlockSpec((HID, D_FEAT), lambda i: (0, 0)),
        ],
        out_specs=pl.BlockSpec((blk, HID), lambda i: (i, 0)),
        out_shape=jax.ShapeDtypeStruct((Y_ROWS, HID), jnp.float32),
    )(x, w1)



def _segsum_body(y_hbm, eidx_hbm, out_hbm,
                 si_flat, di_flat, rows, acc, *gsems):
    c = lax.axis_index("c")
    s = lax.axis_index("s")
    wid = s * NC + c
    base = wid * EPW
    iota = lax.iota(jnp.int32, 16)

    zsem = gsems[NB]
    dsem = gsems[NB + 1]
    gsems = gsems[:NB]

    pltpu.make_async_copy(eidx_hbm.at[0, pl.ds(base, EPW)],
                          si_flat.at[pl.ds(0, EPW)], gsems[0]).start()
    pltpu.make_async_copy(eidx_hbm.at[1, pl.ds(base, EPW)],
                          di_flat.at[pl.ds(0, EPW)], dsem).start()

    z16 = jnp.zeros((16,), jnp.float32)

    def _zfill(i, carry):
        rows[0, i // 4, pl.ds((i % 4) * 16, 16)] = z16
        return carry

    lax.fori_loop(0, CHUNK * 4, _zfill, 0)
    for k in range(RPT // CHUNK):
        pltpu.make_async_copy(
            rows.at[0], acc.at[pl.ds(s * RPT + k * CHUNK, CHUNK)],
            zsem).start()
    _zrem = RPT % CHUNK
    if _zrem:
        pltpu.make_async_copy(
            rows.at[0].at[pl.ds(0, _zrem)],
            acc.at[pl.ds(s * RPT + (RPT // CHUNK) * CHUNK, _zrem)],
            zsem).start()

    pltpu.make_async_copy(eidx_hbm.at[0, pl.ds(base, EPW)],
                          si_flat.at[pl.ds(0, EPW)], gsems[0]).wait()
    for j in range(PPW // 16):
        si_flat[pl.ds(EPW + j * 16, 16)] = N_NODES + iota
    for b in range(1, NB):
        pltpu.make_async_copy(
            y_hbm.at[si_flat.at[pl.ds(b * CHUNK, CHUNK)]],
            rows.at[b], gsems[b]).start()

    for k in range(RPT // CHUNK):
        pltpu.make_async_copy(
            rows.at[0], acc.at[pl.ds(s * RPT + k * CHUNK, CHUNK)],
            zsem).wait()
    if _zrem:
        pltpu.make_async_copy(
            rows.at[0].at[pl.ds(0, _zrem)],
            acc.at[pl.ds(s * RPT + (RPT // CHUNK) * CHUNK, _zrem)],
            zsem).wait()
    pltpu.make_async_copy(
        y_hbm.at[si_flat.at[pl.ds(0, CHUNK)]], rows.at[0], gsems[0]).start()

    pltpu.make_async_copy(eidx_hbm.at[1, pl.ds(base, EPW)],
                          di_flat.at[pl.ds(0, EPW)], dsem).wait()
    for j in range(PPW // 16):
        pv = ((wid * PPW + j * 16 + iota) * 41) % N_NODES
        di_flat[pl.ds(EPW + j * 16, 16)] = pv

    plsc.subcore_barrier()

    def _outer(o, carry):
        for b in range(NB):
            ch = o * NB + b
            pltpu.make_async_copy(
                y_hbm.at[si_flat.at[pl.ds(ch * CHUNK, CHUNK)]],
                rows.at[b], gsems[b]).wait()
            pltpu.sync_copy(rows.at[b],
                            acc.at[di_flat.at[pl.ds(ch * CHUNK, CHUNK)]],
                            add=True)

            @pl.when(o < (NCH // NB) - 1)
            def _():
                pltpu.make_async_copy(
                    y_hbm.at[si_flat.at[pl.ds((ch + NB) * CHUNK, CHUNK)]],
                    rows.at[b], gsems[b]).start()
        return carry

    lax.fori_loop(0, NCH // NB, _outer, 0)

    plsc.subcore_barrier()
    pltpu.sync_copy(acc.at[pl.ds(s * RPT, RPT)],
                    out_hbm.at[pl.ds(s * RPT, RPT), pl.ds(c * HID, HID)])


def _segsum(y, eidx):
    mesh = plsc.VectorSubcoreMesh(core_axis_name="c", subcore_axis_name="s")
    k = functools.partial(
        pl.kernel,
        out_type=jax.ShapeDtypeStruct((N_NODES, 2 * HID), jnp.float32),
        mesh=mesh,
        scratch_types=[
            pltpu.VMEM((NCH * CHUNK,), jnp.int32),
            pltpu.VMEM((NCH * CHUNK,), jnp.int32),
            pltpu.VMEM((NB, CHUNK, HID), jnp.float32),
            pltpu.VMEM_SHARED((N_NODES, HID), jnp.float32),
        ] + [pltpu.SemaphoreType.DMA] * (NB + 2),
        compiler_params=pltpu.CompilerParams(use_tc_tiling_on_sc=False),
    )(_segsum_body)
    return k(y, eidx)



def _finish_body(y_ref, agg_ref, eps_ref, b1_ref, w2_ref, b2_ref,
                 g_ref, be_ref, wl_ref, bl_ref, o_ref):
    agg = agg_ref[:, :HID] + agg_ref[:, HID:]
    h = (1.0 + eps_ref[0, 0]) * y_ref[:N_NODES] + agg + b1_ref[...]
    h = jnp.maximum(h, 0.0)
    h = lax.dot_general(h, w2_ref[...], (((1,), (1,)), ((), ())),
                        preferred_element_type=jnp.float32) + b2_ref[...]
    mean = jnp.mean(h, axis=0, keepdims=True)
    var = jnp.mean((h - mean) ** 2, axis=0, keepdims=True)
    h = (h - mean) * lax.rsqrt(var + 1e-5) * g_ref[...] + be_ref[...]
    h = jnp.maximum(h, 0.0)
    o_ref[...] = lax.dot_general(wl_ref[...], h, (((1,), (1,)), ((), ())),
                                 preferred_element_type=jnp.float32) + bl_ref[...]


def _finish(y, agg2, eps, b1, w2, b2, gamma, beta, wl, bl):
    return pl.pallas_call(
        _finish_body,
        out_shape=jax.ShapeDtypeStruct((HID, N_NODES), jnp.float32),
    )(y, agg2, eps, b1, w2, b2, gamma, beta, wl, bl)


def kernel(x, edge_index, eps, W1, b1, W2, b2, gamma, beta, Wl, bl):
    eidx = edge_index.astype(jnp.int32)
    y = _project(x, W1)
    agg2 = _segsum(y, eidx)
    out_t = _finish(y, agg2,
                    jnp.asarray(eps, jnp.float32).reshape(1, 1),
                    b1.reshape(1, HID), W2, b2.reshape(1, HID),
                    gamma.reshape(1, HID), beta.reshape(1, HID),
                    Wl, bl.reshape(HID, 1))
    return out_t.T

# --- scband reference (transcript-rebuilt; emitter-appended) ---
"""Pipeline reference for scband-ginwith-skip-60928406061119 (READ-ONLY COPY).

The authoritative reference and input builder live on the scoring server;
editing this copy changes nothing except your own understanding.
"""

import jax, jax.numpy as jnp
import numpy as np

N_NODES = 10000
N_EDGES = 320000
D_FEAT = 128
HID = 64


def setup_inputs(seed: int = 0) -> dict:
    key = jax.random.key(seed)
    ks = jax.random.split(key, 10)
    x = jax.random.normal(ks[0], (N_NODES, D_FEAT), dtype=jnp.float32)
    edge_index = jax.random.randint(ks[1], (2, N_EDGES), 0, N_NODES, dtype=jnp.int64)
    # GINConv MLP: Linear(128->64), ReLU, Linear(64->64)
    W1 = jax.random.normal(ks[2], (HID, D_FEAT), dtype=jnp.float32) * (1.0 / np.sqrt(D_FEAT))
    b1 = jnp.zeros((HID,), dtype=jnp.float32)
    W2 = jax.random.normal(ks[3], (HID, HID), dtype=jnp.float32) * (1.0 / np.sqrt(HID))
    b2 = jnp.zeros((HID,), dtype=jnp.float32)
    eps = jnp.array(0.0, dtype=jnp.float32)  # train_eps=True, init 0
    # BatchNorm1d affine params
    gamma = jnp.ones((HID,), dtype=jnp.float32)
    beta = jnp.zeros((HID,), dtype=jnp.float32)
    # linears[0]: Linear(64->64)
    Wl = jax.random.normal(ks[4], (HID, HID), dtype=jnp.float32) * (1.0 / np.sqrt(HID))
    bl = jnp.zeros((HID,), dtype=jnp.float32)
    return {"x": x, "edge_index": edge_index, "eps": eps, "W1": W1, "b1": b1,
            "W2": W2, "b2": b2, "gamma": gamma, "beta": beta, "Wl": Wl, "bl": bl}


def reference(x, edge_index, eps, W1, b1, W2, b2, gamma, beta, Wl, bl):
    src = edge_index[0]
    dst = edge_index[1]
    # GINConv sum aggregation over incoming edges (source_to_target)
    agg = jax.ops.segment_sum(x[src], dst, num_segments=N_NODES)
    h = (1.0 + eps) * x + agg
    # MLP
    h = jnp.maximum(h @ W1.T + b1, 0.0)
    h = h @ W2.T + b2
    # BatchNorm1d (training mode: batch statistics, biased variance)
    mean = jnp.mean(h, axis=0)
    var = jnp.var(h, axis=0)
    h = (h - mean) / jnp.sqrt(var + 1e-5) * gamma + beta
    # i == 0: no skip on first layer
    h = jnp.maximum(h, 0.0)
    # linears[0] applied to xs[1]; cat of single tensor is identity
    out = h @ Wl.T + bl
    return out

if __name__ == "__main__":
    import jax
    _d = setup_inputs()
    print(jax.jit(kernel)(*tuple(_d.values())))

</pallas_src>

<mosaic_0001>
#map = affine_map<(d0, d1) -> (0, 0)>
module attributes {stable_mosaic.version = 14 : i64} {
  func.func @_segsum_body(%arg0: i32, %arg1: i32, %arg2: memref<10016x64xf32, #tpu.memory_space<hbm>>, %arg3: memref<2x320000xi32, #tpu.memory_space<hbm>>, %arg4: memref<10000x128xf32, #tpu.memory_space<hbm>>, %arg5: memref<10240xi32, #tpu.memory_space<vmem>>, %arg6: memref<10240xi32, #tpu.memory_space<vmem>>, %arg7: memref<8x128x64xf32, #tpu.memory_space<vmem>>, %arg8: memref<10000x64xf32, #tpu.memory_space<vmem_shared>>, %arg9: memref<!tpu.dma_semaphore, #tpu.memory_space<semaphore_mem>>, %arg10: memref<!tpu.dma_semaphore, #tpu.memory_space<semaphore_mem>>, %arg11: memref<!tpu.dma_semaphore, #tpu.memory_space<semaphore_mem>>, %arg12: memref<!tpu.dma_semaphore, #tpu.memory_space<semaphore_mem>>, %arg13: memref<!tpu.dma_semaphore, #tpu.memory_space<semaphore_mem>>, %arg14: memref<!tpu.dma_semaphore, #tpu.memory_space<semaphore_mem>>, %arg15: memref<!tpu.dma_semaphore, #tpu.memory_space<semaphore_mem>>, %arg16: memref<!tpu.dma_semaphore, #tpu.memory_space<semaphore_mem>>, %arg17: memref<!tpu.dma_semaphore, #tpu.memory_space<semaphore_mem>>, %arg18: memref<!tpu.dma_semaphore, #tpu.memory_space<semaphore_mem>>) attributes {dimension_semantics = [#tpu.dimension_semantics<core_parallel>, #tpu.dimension_semantics<subcore_parallel>], iteration_bounds = array<i64: 2, 16>, scalar_prefetch = 0 : i64, scratch_operands = 14 : i64, tpu.core_type = #tpu.core_type<sc_vector_subcore>, window_params = [{transform_indices = #map}, {transform_indices = #map}, {transform_indices = #map}]} {
    %mul3A = arith.constant 2 : i32
    %mul3A_0 = arith.muli %arg1, %mul3A : i32
    %add3A = arith.addi %mul3A_0, %arg0 : i32
    %mul3A_1 = arith.constant 10000 : i32
    %mul3A_2 = arith.muli %add3A, %mul3A_1 : i32
    %iota3A = tpu.iota {dimensions = array<i32: 0>} : vector<16xi32>
    %dma_start3A = arith.constant 0 : i32
    %dma_start3A_3 = arith.constant 0 : i32
    %dma_start3A_4 = tpu.memref_slice %arg5[%dma_start3A_3] : memref<10240xi32, #tpu.memory_space<vmem>> -> memref<10000xi32, #tpu.memory_space<vmem>>
    %dma_start3A_5 = tpu.memref_slice %arg3[%dma_start3A, %mul3A_2] : memref<2x320000xi32, #tpu.memory_space<hbm>> -> memref<1x10000xi32, #tpu.memory_space<hbm>>
    %dma_start3A_6 = tpu.memref_squeeze %dma_start3A_5 : memref<1x10000xi32, #tpu.memory_space<hbm>> -> memref<10000xi32, #tpu.memory_space<hbm>>
    %dma_start3A_7 = arith.constant 0 : i32
    %dma_start3A_8 = tpu.memref_slice %arg5[%dma_start3A_7] : memref<10240xi32, #tpu.memory_space<vmem>> -> memref<10000xi32, #tpu.memory_space<vmem>>
    %dma_start3A_9 = tpu.memref_slice %arg3[%dma_start3A, %mul3A_2] : memref<2x320000xi32, #tpu.memory_space<hbm>> -> memref<1x10000xi32, #tpu.memory_space<hbm>>
    %dma_start3A_10 = tpu.memref_squeeze %dma_start3A_9 : memref<1x10000xi32, #tpu.memory_space<hbm>> -> memref<10000xi32, #tpu.memory_space<hbm>>
    tpu.enqueue_dma source(%dma_start3A_10 : memref<10000xi32, #tpu.memory_space<hbm>>) target(%dma_start3A_8 : memref<10000xi32, #tpu.memory_space<vmem>>) target_semaphore(%arg9 : memref<!tpu.dma_semaphore, #tpu.memory_space<semaphore_mem>>)
    %dma_start3A_11 = arith.constant 1 : i32
    %dma_start3A_12 = arith.constant 0 : i32
    %dma_start3A_13 = tpu.memref_slice %arg6[%dma_start3A_12] : memref<10240xi32, #tpu.memory_space<vmem>> -> memref<10000xi32, #tpu.memory_space<vmem>>
    %dma_start3A_14 = tpu.memref_slice %arg3[%dma_start3A_11, %mul3A_2] : memref<2x320000xi32, #tpu.memory_space<hbm>> -> memref<1x10000xi32, #tpu.memory_space<hbm>>
    %dma_start3A_15 = tpu.memref_squeeze %dma_start3A_14 : memref<1x10000xi32, #tpu.memory_space<hbm>> -> memref<10000xi32, #tpu.memory_space<hbm>>
    %dma_start3A_16 = arith.constant 0 : i32
    %dma_start3A_17 = tpu.memref_slice %arg6[%dma_start3A_16] : memref<10240xi32, #tpu.memory_space<vmem>> -> memref<10000xi32, #tpu.memory_space<vmem>>
    %dma_start3A_18 = tpu.memref_slice %arg3[%dma_start3A_11, %mul3A_2] : memref<2x320000xi32, #tpu.memory_space<hbm>> -> memref<1x10000xi32, #tpu.memory_space<hbm>>
    %dma_start3A_19 = tpu.memref_squeeze %dma_start3A_18 : memref<1x10000xi32, #tpu.memory_space<hbm>> -> memref<10000xi32, #tpu.memory_space<hbm>>
    tpu.enqueue_dma source(%dma_start3A_19 : memref<10000xi32, #tpu.memory_space<hbm>>) target(%dma_start3A_17 : memref<10000xi32, #tpu.memory_space<vmem>>) target_semaphore(%arg18 : memref<!tpu.dma_semaphore, #tpu.memory_space<semaphore_mem>>)
    %broadcast_in_dim3A = arith.constant 0.000000e+00 : f32
    %broadcast_in_dim3A_20 = vector.broadcast %broadcast_in_dim3A : f32 to vector<16xf32>
    %scan3A = arith.constant 0 : i32
    %scan3A_21 = arith.constant 0 : i32
    %scan3A_22 = arith.constant 512 : i32
    %scan3A_23 = arith.addi %scan3A_21, %scan3A_22 : i32
    %scan3A_24 = arith.constant 1 : i32
    scf.for %scan3A_940 = %scan3A_21 to %scan3A_23 step %scan3A_24  : i32 {
      %jit3A_941 = arith.constant 4 : i32
      %div3A = arith.divsi %scan3A_940, %jit3A_941 : i32
      %sign3A = arith.constant 0 : i32
      %sign3A_942 = arith.cmpi sgt, %scan3A_940, %sign3A : i32
      %sign3A_943 = arith.extui %sign3A_942 : i1 to i32
      %sign3A_944 = arith.constant 0 : i32
      %sign3A_945 = arith.cmpi slt, %scan3A_940, %sign3A_944 : i32
      %sign3A_946 = arith.extui %sign3A_945 : i1 to i32
      %sign3A_947 = arith.subi %sign3A_943, %sign3A_946 : i32
      %sign3A_948 = arith.constant 0 : i32
      %sign3A_949 = arith.cmpi sgt, %jit3A_941, %sign3A_948 : i32
      %sign3A_950 = arith.extui %sign3A_949 : i1 to i32
      %sign3A_951 = arith.constant 0 : i32
      %sign3A_952 = arith.cmpi slt, %jit3A_941, %sign3A_951 : i32
      %sign3A_953 = arith.extui %sign3A_952 : i1 to i32
      %sign3A_954 = arith.subi %sign3A_950, %sign3A_953 : i32
      %ne3A_955 = arith.cmpi ne, %sign3A_947, %sign3A_954 : i32
      %rem3A_956 = arith.remsi %scan3A_940, %jit3A_941 : i32
      %ne3A_957 = arith.constant 0 : i32
      %ne3A_958 = arith.cmpi ne, %rem3A_956, %ne3A_957 : i32
      %and3A_959 = arith.andi %ne3A_955, %ne3A_958 : i1
      %sub3A = arith.constant 1 : i32
      %sub3A_960 = arith.subi %div3A, %sub3A : i32
      %select_n3A_961 = arith.select %and3A_959, %sub3A_960, %div3A : i32
      %jit3A_962 = arith.constant 4 : i32
      %eq3A_963 = arith.constant 0 : i32
      %eq3A_964 = arith.cmpi eq, %jit3A_962, %eq3A_963 : i32
      %jit3A_965 = arith.constant 1 : i32
      %select_n3A_966 = arith.select %eq3A_964, %jit3A_965, %jit3A_962 : i32
      %rem3A_967 = arith.remsi %scan3A_940, %select_n3A_966 : i32
      %ne3A_968 = arith.constant 0 : i32
      %ne3A_969 = arith.cmpi ne, %rem3A_967, %ne3A_968 : i32
      %lt3A_970 = arith.constant 0 : i32
      %lt3A_971 = arith.cmpi slt, %rem3A_967, %lt3A_970 : i32
      %lt3A_972 = arith.constant 0 : i32
      %lt3A_973 = arith.cmpi slt, %select_n3A_966, %lt3A_972 : i32
      %ne3A_974 = arith.xori %lt3A_971, %lt3A_973 : i1
      %and3A_975 = arith.andi %ne3A_974, %ne3A_969 : i1
      %add3A_976 = arith.addi %rem3A_967, %select_n3A_966 : i32
      %select_n3A_977 = arith.select %and3A_975, %add3A_976, %rem3A_967 : i32
      %mul3A_978 = arith.constant 16 : i32
      %mul3A_979 = arith.muli %select_n3A_977, %mul3A_978 : i32
      %swap3A_980 = arith.constant 0 : i32
      %swap3A_981 = arith.index_cast %swap3A_980 : i32 to index
      %swap3A_982 = arith.index_cast %select_n3A_961 : i32 to index
      %swap3A_983 = arith.index_cast %mul3A_979 : i32 to index
      %swap3A_984 = tpu.vector_load %arg7[%swap3A_981, %swap3A_982, %swap3A_983] {strides = array<i32>} : memref<8x128x64xf32, #tpu.memory_space<vmem>>, vector<1x1x16xf32>,
      %swap3A_985 = vector.shape_cast %swap3A_984 : vector<1x1x16xf32> to vector<16xf32>
      %swap3A_986 = vector.shape_cast %broadcast_in_dim3A_20 : vector<16xf32> to vector<1x1x16xf32>
      tpu.vector_store %arg7[%swap3A_981, %swap3A_982, %swap3A_983], %swap3A_986 {strides = array<i32>} : memref<8x128x64xf32, #tpu.memory_space<vmem>>, vector<1x1x16xf32>,
    }
    %scan3A_25 = arith.constant 512 : i32
    %mul3A_26 = arith.constant 625 : i32
    %mul3A_27 = arith.muli %arg1, %mul3A_26 : i32
    %add3A_28 = arith.constant 0 : i32
    %add3A_29 = arith.addi %mul3A_27, %add3A_28 : i32
    %dma_start3A_30 = arith.constant 0 : i32
    %dma_start3A_31 = arith.constant 0 : i32
    %dma_start3A_32 = arith.constant 0 : i32
    %dma_start3A_33 = tpu.memref_slice %arg7[%dma_start3A_30, %dma_start3A_31, %dma_start3A_32] : memref<8x128x64xf32, #tpu.memory_space<vmem>> -> memref<1x128x64xf32, #tpu.memory_space<vmem>>
    %dma_start3A_34 = tpu.memref_squeeze %dma_start3A_33 : memref<1x128x64xf32, #tpu.memory_space<vmem>> -> memref<128x64xf32, #tpu.memory_space<vmem>>
    %dma_start3A_35 = arith.constant 0 : i32
    %dma_start3A_36 = tpu.memref_slice %arg8[%add3A_29, %dma_start3A_35] : memref<10000x64xf32, #tpu.memory_space<vmem_shared>> -> memref<128x64xf32, #tpu.memory_space<vmem_shared>>
    %dma_start3A_37 = arith.constant 0 : i32
    %dma_start3A_38 = tpu.memref_slice %arg8[%add3A_29, %dma_start3A_37] : memref<10000x64xf32, #tpu.memory_space<vmem_shared>> -> memref<128x64xf32, #tpu.memory_space<vmem_shared>>
    %dma_start3A_39 = arith.constant 0 : i32
    %dma_start3A_40 = arith.constant 0 : i32
    %dma_start3A_41 = tpu.memref_slice %arg7[%dma_start3A_30, %dma_start3A_39, %dma_start3A_40] : memref<8x128x64xf32, #tpu.memory_space<vmem>> -> memref<1x128x64xf32, #tpu.memory_space<vmem>>
    %dma_start3A_42 = tpu.memref_squeeze %dma_start3A_41 : memref<1x128x64xf32, #tpu.memory_space<vmem>> -> memref<128x64xf32, #tpu.memory_space<vmem>>
    tpu.enqueue_dma source(%dma_start3A_42 : memref<128x64xf32, #tpu.memory_space<vmem>>) target(%dma_start3A_38 : memref<128x64xf32, #tpu.memory_space<vmem_shared>>) target_semaphore(%arg17 : memref<!tpu.dma_semaphore, #tpu.memory_space<semaphore_mem>>)
    %mul3A_43 = arith.constant 625 : i32
    %mul3A_44 = arith.muli %arg1, %mul3A_43 : i32
    %add3A_45 = arith.constant 128 : i32
    %add3A_46 = arith.addi %mul3A_44, %add3A_45 : i32
    %dma_start3A_47 = arith.constant 0 : i32
    %dma_start3A_48 = arith.constant 0 : i32
    %dma_start3A_49 = arith.constant 0 : i32
    %dma_start3A_50 = tpu.memref_slice %arg7[%dma_start3A_47, %dma_start3A_48, %dma_start3A_49] : memref<8x128x64xf32, #tpu.memory_space<vmem>> -> memref<1x128x64xf32, #tpu.memory_space<vmem>>
    %dma_start3A_51 = tpu.memref_squeeze %dma_start3A_50 : memref<1x128x64xf32, #tpu.memory_space<vmem>> -> memref<128x64xf32, #tpu.memory_space<vmem>>
    %dma_start3A_52 = arith.constant 0 : i32
    %dma_start3A_53 = tpu.memref_slice %arg8[%add3A_46, %dma_start3A_52] : memref<10000x64xf32, #tpu.memory_space<vmem_shared>> -> memref<128x64xf32, #tpu.memory_space<vmem_shared>>
    %dma_start3A_54 = arith.constant 0 : i32
    %dma_start3A_55 = tpu.memref_slice %arg8[%add3A_46, %dma_start3A_54] : memref<10000x64xf32, #tpu.memory_space<vmem_shared>> -> memref<128x64xf32, #tpu.memory_space<vmem_shared>>
    %dma_start3A_56 = arith.constant 0 : i32
    %dma_start3A_57 = arith.constant 0 : i32
    %dma_start3A_58 = tpu.memref_slice %arg7[%dma_start3A_47, %dma_start3A_56, %dma_start3A_57] : memref<8x128x64xf32, #tpu.memory_space<vmem>> -> memref<1x128x64xf32, #tpu.memory_space<vmem>>
    %dma_start3A_59 = tpu.memref_squeeze %dma_start3A_58 : memref<1x128x64xf32, #tpu.memory_space<vmem>> -> memref<128x64xf32, #tpu.memory_space<vmem>>
    tpu.enqueue_dma source(%dma_start3A_59 : memref<128x64xf32, #tpu.memory_space<vmem>>) target(%dma_start3A_55 : memref<128x64xf32, #tpu.memory_space<vmem_shared>>) target_semaphore(%arg17 : memref<!tpu.dma_semaphore, #tpu.memory_space<semaphore_mem>>)
    %mul3A_60 = arith.constant 625 : i32
    %mul3A_61 = arith.muli %arg1, %mul3A_60 : i32
    %add3A_62 = arith.constant 256 : i32
    %add3A_63 = arith.addi %mul3A_61, %add3A_62 : i32
    %dma_start3A_64 = arith.constant 0 : i32
    %dma_start3A_65 = arith.constant 0 : i32
    %dma_start3A_66 = arith.constant 0 : i32
    %dma_start3A_67 = tpu.memref_slice %arg7[%dma_start3A_64, %dma_start3A_65, %dma_start3A_66] : memref<8x128x64xf32, #tpu.memory_space<vmem>> -> memref<1x128x64xf32, #tpu.memory_space<vmem>>
    %dma_start3A_68 = tpu.memref_squeeze %dma_start3A_67 : memref<1x128x64xf32, #tpu.memory_space<vmem>> -> memref<128x64xf32, #tpu.memory_space<vmem>>
    %dma_start3A_69 = arith.constant 0 : i32
    %dma_start3A_70 = tpu.memref_slice %arg8[%add3A_63, %dma_start3A_69] : memref<10000x64xf32, #tpu.memory_space<vmem_shared>> -> memref<128x64xf32, #tpu.memory_space<vmem_shared>>
    %dma_start3A_71 = arith.constant 0 : i32
    %dma_start3A_72 = tpu.memref_slice %arg8[%add3A_63, %dma_start3A_71] : memref<10000x64xf32, #tpu.memory_space<vmem_shared>> -> memref<128x64xf32, #tpu.memory_space<vmem_shared>>
    %dma_start3A_73 = arith.constant 0 : i32
    %dma_start3A_74 = arith.constant 0 : i32
    %dma_start3A_75 = tpu.memref_slice %arg7[%dma_start3A_64, %dma_start3A_73, %dma_start3A_74] : memref<8x128x64xf32, #tpu.memory_space<vmem>> -> memref<1x128x64xf32, #tpu.memory_space<vmem>>
    %dma_start3A_76 = tpu.memref_squeeze %dma_start3A_75 : memref<1x128x64xf32, #tpu.memory_space<vmem>> -> memref<128x64xf32, #tpu.memory_space<vmem>>
    tpu.enqueue_dma source(%dma_start3A_76 : memref<128x64xf32, #tpu.memory_space<vmem>>) target(%dma_start3A_72 : memref<128x64xf32, #tpu.memory_space<vmem_shared>>) target_semaphore(%arg17 : memref<!tpu.dma_semaphore, #tpu.memory_space<semaphore_mem>>)
    %mul3A_77 = arith.constant 625 : i32
    %mul3A_78 = arith.muli %arg1, %mul3A_77 : i32
    %add3A_79 = arith.constant 384 : i32
    %add3A_80 = arith.addi %mul3A_78, %add3A_79 : i32
    %dma_start3A_81 = arith.constant 0 : i32
    %dma_start3A_82 = arith.constant 0 : i32
    %dma_start3A_83 = arith.constant 0 : i32
    %dma_start3A_84 = tpu.memref_slice %arg7[%dma_start3A_81, %dma_start3A_82, %dma_start3A_83] : memref<8x128x64xf32, #tpu.memory_space<vmem>> -> memref<1x128x64xf32, #tpu.memory_space<vmem>>
    %dma_start3A_85 = tpu.memref_squeeze %dma_start3A_84 : memref<1x128x64xf32, #tpu.memory_space<vmem>> -> memref<128x64xf32, #tpu.memory_space<vmem>>
    %dma_start3A_86 = arith.constant 0 : i32
    %dma_start3A_87 = tpu.memref_slice %arg8[%add3A_80, %dma_start3A_86] : memref<10000x64xf32, #tpu.memory_space<vmem_shared>> -> memref<128x64xf32, #tpu.memory_space<vmem_shared>>
    %dma_start3A_88 = arith.constant 0 : i32
    %dma_start3A_89 = tpu.memref_slice %arg8[%add3A_80, %dma_start3A_88] : memref<10000x64xf32, #tpu.memory_space<vmem_shared>> -> memref<128x64xf32, #tpu.memory_space<vmem_shared>>
    %dma_start3A_90 = arith.constant 0 : i32
    %dma_start3A_91 = arith.constant 0 : i32
    %dma_start3A_92 = tpu.memref_slice %arg7[%dma_start3A_81, %dma_start3A_90, %dma_start3A_91] : memref<8x128x64xf32, #tpu.memory_space<vmem>> -> memref<1x128x64xf32, #tpu.memory_space<vmem>>
    %dma_start3A_93 = tpu.memref_squeeze %dma_start3A_92 : memref<1x128x64xf32, #tpu.memory_space<vmem>> -> memref<128x64xf32, #tpu.memory_space<vmem>>
    tpu.enqueue_dma source(%dma_start3A_93 : memref<128x64xf32, #tpu.memory_space<vmem>>) target(%dma_start3A_89 : memref<128x64xf32, #tpu.memory_space<vmem_shared>>) target_semaphore(%arg17 : memref<!tpu.dma_semaphore, #tpu.memory_space<semaphore_mem>>)
    %mul3A_94 = arith.constant 625 : i32
    %mul3A_95 = arith.muli %arg1, %mul3A_94 : i32
    %add3A_96 = arith.constant 512 : i32
    %add3A_97 = arith.addi %mul3A_95, %add3A_96 : i32
    %dma_start3A_98 = arith.constant 0 : i32
    %dma_start3A_99 = arith.constant 0 : i32
    %dma_start3A_100 = arith.constant 0 : i32
    %dma_start3A_101 = tpu.memref_slice %arg7[%dma_start3A_98, %dma_start3A_99, %dma_start3A_100] : memref<8x128x64xf32, #tpu.memory_space<vmem>> -> memref<1x128x64xf32, #tpu.memory_space<vmem>>
    %dma_start3A_102 = tpu.memref_squeeze %dma_start3A_101 : memref<1x128x64xf32, #tpu.memory_space<vmem>> -> memref<128x64xf32, #tpu.memory_space<vmem>>
    %dma_start3A_103 = arith.constant 0 : i32
    %dma_start3A_104 = arith.constant 0 : i32
    %dma_start3A_105 = tpu.memref_slice %dma_start3A_102[%dma_start3A_103, %dma_start3A_104] : memref<128x64xf32, #tpu.memory_space<vmem>> -> memref<113x64xf32, #tpu.memory_space<vmem>>
    %dma_start3A_106 = arith.constant 0 : i32
    %dma_start3A_107 = tpu.memref_slice %arg8[%add3A_97, %dma_start3A_106] : memref<10000x64xf32, #tpu.memory_space<vmem_shared>> -> memref<113x64xf32, #tpu.memory_space<vmem_shared>>
    %dma_start3A_108 = arith.constant 0 : i32
    %dma_start3A_109 = tpu.memref_slice %arg8[%add3A_97, %dma_start3A_108] : memref<10000x64xf32, #tpu.memory_space<vmem_shared>> -> memref<113x64xf32, #tpu.memory_space<vmem_shared>>
    %dma_start3A_110 = arith.constant 0 : i32
    %dma_start3A_111 = arith.constant 0 : i32
    %dma_start3A_112 = tpu.memref_slice %arg7[%dma_start3A_98, %dma_start3A_110, %dma_start3A_111] : memref<8x128x64xf32, #tpu.memory_space<vmem>> -> memref<1x128x64xf32, #tpu.memory_space<vmem>>
    %dma_start3A_113 = tpu.memref_squeeze %dma_start3A_112 : memref<1x128x64xf32, #tpu.memory_space<vmem>> -> memref<128x64xf32, #tpu.memory_space<vmem>>
    %dma_start3A_114 = arith.constant 0 : i32
    %dma_start3A_115 = arith.constant 0 : i32
    %dma_start3A_116 = tpu.memref_slice %dma_start3A_113[%dma_start3A_114, %dma_start3A_115] : memref<128x64xf32, #tpu.memory_space<vmem>> -> memref<113x64xf32, #tpu.memory_space<vmem>>
    tpu.enqueue_dma source(%dma_start3A_116 : memref<113x64xf32, #tpu.memory_space<vmem>>) target(%dma_start3A_109 : memref<113x64xf32, #tpu.memory_space<vmem_shared>>) target_semaphore(%arg17 : memref<!tpu.dma_semaphore, #tpu.memory_space<semaphore_mem>>)
    %dma_wait3A = arith.constant 0 : i32
    %dma_wait3A_117 = arith.constant 0 : i32
    %dma_wait3A_118 = tpu.memref_slice %arg5[%dma_wait3A_117] : memref<10240xi32, #tpu.memory_space<vmem>> -> memref<10000xi32, #tpu.memory_space<vmem>>
    %dma_wait3A_119 = tpu.memref_slice %arg3[%dma_wait3A, %mul3A_2] : memref<2x320000xi32, #tpu.memory_space<hbm>> -> memref<1x10000xi32, #tpu.memory_space<hbm>>
    %dma_wait3A_120 = tpu.memref_squeeze %dma_wait3A_119 : memref<1x10000xi32, #tpu.memory_space<hbm>> -> memref<10000xi32, #tpu.memory_space<hbm>>
    %dma_wait3A_121 = arith.constant 0 : i32
    %dma_wait3A_122 = tpu.memref_slice %arg5[%dma_wait3A_121] : memref<10240xi32, #tpu.memory_space<vmem>> -> memref<10000xi32, #tpu.memory_space<vmem>>
    %dma_wait3A_123 = tpu.memref_slice %arg3[%dma_wait3A, %mul3A_2] : memref<2x320000xi32, #tpu.memory_space<hbm>> -> memref<1x10000xi32, #tpu.memory_space<hbm>>
    %dma_wait3A_124 = tpu.memref_squeeze %dma_wait3A_123 : memref<1x10000xi32, #tpu.memory_space<hbm>> -> memref<10000xi32, #tpu.memory_space<hbm>>
    tpu.wait_dma2 semaphore(%arg9 : memref<!tpu.dma_semaphore, #tpu.memory_space<semaphore_mem>>) src(%dma_wait3A_124 : memref<10000xi32, #tpu.memory_space<hbm>>) dst(%dma_wait3A_122 : memref<10000xi32, #tpu.memory_space<vmem>>)
    %add3A_125 = arith.constant 10000 : i32
    %add3A_126 = vector.broadcast %add3A_125 : i32 to vector<16xi32>
    %add3A_127 = arith.addi %add3A_126, %iota3A : vector<16xi32>
    %swap3A = arith.constant 10000 : index
    %swap3A_128 = tpu.vector_load %arg5[%swap3A] {strides = array<i32>} : memref<10240xi32, #tpu.memory_space<vmem>>, vector<16xi32>,
    %swap3A_129 = vector.shape_cast %swap3A_128 : vector<16xi32> to vector<16xi32>
    %swap3A_130 = vector.shape_cast %add3A_127 : vector<16xi32> to vector<16xi32>
    tpu.vector_store %arg5[%swap3A], %swap3A_130 {strides = array<i32>} : memref<10240xi32, #tpu.memory_space<vmem>>, vector<16xi32>,
    %add3A_131 = arith.constant 10000 : i32
    %add3A_132 = vector.broadcast %add3A_131 : i32 to vector<16xi32>
    %add3A_133 = arith.addi %add3A_132, %iota3A : vector<16xi32>
    %swap3A_134 = arith.constant 10016 : index
    %swap3A_135 = tpu.vector_load %arg5[%swap3A_134] {strides = array<i32>} : memref<10240xi32, #tpu.memory_space<vmem>>, vector<16xi32>,
    %swap3A_136 = vector.shape_cast %swap3A_135 : vector<16xi32> to vector<16xi32>
    %swap3A_137 = vector.shape_cast %add3A_133 : vector<16xi32> to vector<16xi32>
    tpu.vector_store %arg5[%swap3A_134], %swap3A_137 {strides = array<i32>} : memref<10240xi32, #tpu.memory_space<vmem>>, vector<16xi32>,
    %add3A_138 = arith.constant 10000 : i32
    %add3A_139 = vector.broadcast %add3A_138 : i32 to vector<16xi32>
    %add3A_140 = arith.addi %add3A_139, %iota3A : vector<16xi32>
    %swap3A_141 = arith.constant 10032 : index
    %swap3A_142 = tpu.vector_load %arg5[%swap3A_141] {strides = array<i32>} : memref<10240xi32, #tpu.memory_space<vmem>>, vector<16xi32>,
    %swap3A_143 = vector.shape_cast %swap3A_142 : vector<16xi32> to vector<16xi32>
    %swap3A_144 = vector.shape_cast %add3A_140 : vector<16xi32> to vector<16xi32>
    tpu.vector_store %arg5[%swap3A_141], %swap3A_144 {strides = array<i32>} : memref<10240xi32, #tpu.memory_space<vmem>>, vector<16xi32>,
    %add3A_145 = arith.constant 10000 : i32
    %add3A_146 = vector.broadcast %add3A_145 : i32 to vector<16xi32>
    %add3A_147 = arith.addi %add3A_146, %iota3A : vector<16xi32>
    %swap3A_148 = arith.constant 10048 : index
    %swap3A_149 = tpu.vector_load %arg5[%swap3A_148] {strides = array<i32>} : memref<10240xi32, #tpu.memory_space<vmem>>, vector<16xi32>,
    %swap3A_150 = vector.shape_cast %swap3A_149 : vector<16xi32> to vector<16xi32>
    %swap3A_151 = vector.shape_cast %add3A_147 : vector<16xi32> to vector<16xi32>
    tpu.vector_store %arg5[%swap3A_148], %swap3A_151 {strides = array<i32>} : memref<10240xi32, #tpu.memory_space<vmem>>, vector<16xi32>,
    %add3A_152 = arith.constant 10000 : i32
    %add3A_153 = vector.broadcast %add3A_152 : i32 to vector<16xi32>
    %add3A_154 = arith.addi %add3A_153, %iota3A : vector<16xi32>
    %swap3A_155 = arith.constant 10064 : index
    %swap3A_156 = tpu.vector_load %arg5[%swap3A_155] {strides = array<i32>} : memref<10240xi32, #tpu.memory_space<vmem>>, vector<16xi32>,
    %swap3A_157 = vector.shape_cast %swap3A_156 : vector<16xi32> to vector<16xi32>
    %swap3A_158 = vector.shape_cast %add3A_154 : vector<16xi32> to vector<16xi32>
    tpu.vector_store %arg5[%swap3A_155], %swap3A_158 {strides = array<i32>} : memref<10240xi32, #tpu.memory_space<vmem>>, vector<16xi32>,
    %add3A_159 = arith.constant 10000 : i32
    %add3A_160 = vector.broadcast %add3A_159 : i32 to vector<16xi32>
    %add3A_161 = arith.addi %add3A_160, %iota3A : vector<16xi32>
    %swap3A_162 = arith.constant 10080 : index
    %swap3A_163 = tpu.vector_load %arg5[%swap3A_162] {strides = array<i32>} : memref<10240xi32, #tpu.memory_space<vmem>>, vector<16xi32>,
    %swap3A_164 = vector.shape_cast %swap3A_163 : vector<16xi32> to vector<16xi32>
    %swap3A_165 = vector.shape_cast %add3A_161 : vector<16xi32> to vector<16xi32>
    tpu.vector_store %arg5[%swap3A_162], %swap3A_165 {strides = array<i32>} : memref<10240xi32, #tpu.memory_space<vmem>>, vector<16xi32>,
    %add3A_166 = arith.constant 10000 : i32
    %add3A_167 = vector.broadcast %add3A_166 : i32 to vector<16xi32>
    %add3A_168 = arith.addi %add3A_167, %iota3A : vector<16xi32>
    %swap3A_169 = arith.constant 10096 : index
    %swap3A_170 = tpu.vector_load %arg5[%swap3A_169] {strides = array<i32>} : memref<10240xi32, #tpu.memory_space<vmem>>, vector<16xi32>,
    %swap3A_171 = vector.shape_cast %swap3A_170 : vector<16xi32> to vector<16xi32>
    %swap3A_172 = vector.shape_cast %add3A_168 : vector<16xi32> to vector<16xi32>
    tpu.vector_store %arg5[%swap3A_169], %swap3A_172 {strides = array<i32>} : memref<10240xi32, #tpu.memory_space<vmem>>, vector<16xi32>,
    %add3A_173 = arith.constant 10000 : i32
    %add3A_174 = vector.broadcast %add3A_173 : i32 to vector<16xi32>
    %add3A_175 = arith.addi %add3A_174, %iota3A : vector<16xi32>
    %swap3A_176 = arith.constant 10112 : index
    %swap3A_177 = tpu.vector_load %arg5[%swap3A_176] {strides = array<i32>} : memref<10240xi32, #tpu.memory_space<vmem>>, vector<16xi32>,
    %swap3A_178 = vector.shape_cast %swap3A_177 : vector<16xi32> to vector<16xi32>
    %swap3A_179 = vector.shape_cast %add3A_175 : vector<16xi32> to vector<16xi32>
    tpu.vector_store %arg5[%swap3A_176], %swap3A_179 {strides = array<i32>} : memref<10240xi32, #tpu.memory_space<vmem>>, vector<16xi32>,
    %add3A_180 = arith.constant 10000 : i32
    %add3A_181 = vector.broadcast %add3A_180 : i32 to vector<16xi32>
    %add3A_182 = arith.addi %add3A_181, %iota3A : vector<16xi32>
    %swap3A_183 = arith.constant 10128 : index
    %swap3A_184 = tpu.vector_load %arg5[%swap3A_183] {strides = array<i32>} : memref<10240xi32, #tpu.memory_space<vmem>>, vector<16xi32>,
    %swap3A_185 = vector.shape_cast %swap3A_184 : vector<16xi32> to vector<16xi32>
    %swap3A_186 = vector.shape_cast %add3A_182 : vector<16xi32> to vector<16xi32>
    tpu.vector_store %arg5[%swap3A_183], %swap3A_186 {strides = array<i32>} : memref<10240xi32, #tpu.memory_space<vmem>>, vector<16xi32>,
    %add3A_187 = arith.constant 10000 : i32
    %add3A_188 = vector.broadcast %add3A_187 : i32 to vector<16xi32>
    %add3A_189 = arith.addi %add3A_188, %iota3A : vector<16xi32>
    %swap3A_190 = arith.constant 10144 : index
    %swap3A_191 = tpu.vector_load %arg5[%swap3A_190] {strides = array<i32>} : memref<10240xi32, #tpu.memory_space<vmem>>, vector<16xi32>,
    %swap3A_192 = vector.shape_cast %swap3A_191 : vector<16xi32> to vector<16xi32>
    %swap3A_193 = vector.shape_cast %add3A_189 : vector<16xi32> to vector<16xi32>
    tpu.vector_store %arg5[%swap3A_190], %swap3A_193 {strides = array<i32>} : memref<10240xi32, #tpu.memory_space<vmem>>, vector<16xi32>,
    %add3A_194 = arith.constant 10000 : i32
    %add3A_195 = vector.broadcast %add3A_194 : i32 to vector<16xi32>
    %add3A_196 = arith.addi %add3A_195, %iota3A : vector<16xi32>
    %swap3A_197 = arith.constant 10160 : index
    %swap3A_198 = tpu.vector_load %arg5[%swap3A_197] {strides = array<i32>} : memref<10240xi32, #tpu.memory_space<vmem>>, vector<16xi32>,
    %swap3A_199 = vector.shape_cast %swap3A_198 : vector<16xi32> to vector<16xi32>
    %swap3A_200 = vector.shape_cast %add3A_196 : vector<16xi32> to vector<16xi32>
    tpu.vector_store %arg5[%swap3A_197], %swap3A_200 {strides = array<i32>} : memref<10240xi32, #tpu.memory_space<vmem>>, vector<16xi32>,
    %add3A_201 = arith.constant 10000 : i32
    %add3A_202 = vector.broadcast %add3A_201 : i32 to vector<16xi32>
    %add3A_203 = arith.addi %add3A_202, %iota3A : vector<16xi32>
    %swap3A_204 = arith.constant 10176 : index
    %swap3A_205 = tpu.vector_load %arg5[%swap3A_204] {strides = array<i32>} : memref<10240xi32, #tpu.memory_space<vmem>>, vector<16xi32>,
    %swap3A_206 = vector.shape_cast %swap3A_205 : vector<16xi32> to vector<16xi32>
    %swap3A_207 = vector.shape_cast %add3A_203 : vector<16xi32> to vector<16xi32>
    tpu.vector_store %arg5[%swap3A_204], %swap3A_207 {strides = array<i32>} : memref<10240xi32, #tpu.memory_space<vmem>>, vector<16xi32>,
    %add3A_208 = arith.constant 10000 : i32
    %add3A_209 = vector.broadcast %add3A_208 : i32 to vector<16xi32>
    %add3A_210 = arith.addi %add3A_209, %iota3A : vector<16xi32>
    %swap3A_211 = arith.constant 10192 : index
    %swap3A_212 = tpu.vector_load %arg5[%swap3A_211] {strides = array<i32>} : memref<10240xi32, #tpu.memory_space<vmem>>, vector<16xi32>,
    %swap3A_213 = vector.shape_cast %swap3A_212 : vector<16xi32> to vector<16xi32>
    %swap3A_214 = vector.shape_cast %add3A_210 : vector<16xi32> to vector<16xi32>
    tpu.vector_store %arg5[%swap3A_211], %swap3A_214 {strides = array<i32>} : memref<10240xi32, #tpu.memory_space<vmem>>, vector<16xi32>,
    %add3A_215 = arith.constant 10000 : i32
    %add3A_216 = vector.broadcast %add3A_215 : i32 to vector<16xi32>
    %add3A_217 = arith.addi %add3A_216, %iota3A : vector<16xi32>
    %swap3A_218 = arith.constant 10208 : index
    %swap3A_219 = tpu.vector_load %arg5[%swap3A_218] {strides = array<i32>} : memref<10240xi32, #tpu.memory_space<vmem>>, vector<16xi32>,
    %swap3A_220 = vector.shape_cast %swap3A_219 : vector<16xi32> to vector<16xi32>
    %swap3A_221 = vector.shape_cast %add3A_217 : vector<16xi32> to vector<16xi32>
    tpu.vector_store %arg5[%swap3A_218], %swap3A_221 {strides = array<i32>} : memref<10240xi32, #tpu.memory_space<vmem>>, vector<16xi32>,
    %add3A_222 = arith.constant 10000 : i32
    %add3A_223 = vector.broadcast %add3A_222 : i32 to vector<16xi32>
    %add3A_224 = arith.addi %add3A_223, %iota3A : vector<16xi32>
    %swap3A_225 = arith.constant 10224 : index
    %swap3A_226 = tpu.vector_load %arg5[%swap3A_225] {strides = array<i32>} : memref<10240xi32, #tpu.memory_space<vmem>>, vector<16xi32>,
    %swap3A_227 = vector.shape_cast %swap3A_226 : vector<16xi32> to vector<16xi32>
    %swap3A_228 = vector.shape_cast %add3A_224 : vector<16xi32> to vector<16xi32>
    tpu.vector_store %arg5[%swap3A_225], %swap3A_228 {strides = array<i32>} : memref<10240xi32, #tpu.memory_space<vmem>>, vector<16xi32>,
    %dma_start3A_229 = arith.constant 1 : i32
    %dma_start3A_230 = arith.constant 0 : i32
    %dma_start3A_231 = arith.constant 0 : i32
    %dma_start3A_232 = tpu.memref_slice %arg7[%dma_start3A_229, %dma_start3A_230, %dma_start3A_231] : memref<8x128x64xf32, #tpu.memory_space<vmem>> -> memref<1x128x64xf32, #tpu.memory_space<vmem>>
    %dma_start3A_233 = tpu.memref_squeeze %dma_start3A_232 : memref<1x128x64xf32, #tpu.memory_space<vmem>> -> memref<128x64xf32, #tpu.memory_space<vmem>>
    %dma_start3A_234 = arith.constant 128 : i32
    %dma_start3A_235 = tpu.memref_slice %arg5[%dma_start3A_234] : memref<10240xi32, #tpu.memory_space<vmem>> -> memref<128xi32, #tpu.memory_space<vmem>>
    %dma_start3A_236 = arith.constant 0 : i32
    %dma_start3A_237 = arith.constant 0 : i32
    %dma_start3A_238 = tpu.memref_slice %arg2[%dma_start3A_236, %dma_start3A_237] : memref<10016x64xf32, #tpu.memory_space<hbm>> -> memref<10016x64xf32, #tpu.memory_space<hbm>>
    tpu.enqueue_indirect_dma source(%dma_start3A_238 : memref<10016x64xf32, #tpu.memory_space<hbm>>) target(%dma_start3A_233 : memref<128x64xf32, #tpu.memory_space<vmem>>) offsets(%dma_start3A_235 : memref<128xi32, #tpu.memory_space<vmem>>) semaphore(%arg10 : memref<!tpu.dma_semaphore, #tpu.memory_space<semaphore_mem>>)
    %dma_start3A_239 = arith.constant 2 : i32
    %dma_start3A_240 = arith.constant 0 : i32
    %dma_start3A_241 = arith.constant 0 : i32
    %dma_start3A_242 = tpu.memref_slice %arg7[%dma_start3A_239, %dma_start3A_240, %dma_start3A_241] : memref<8x128x64xf32, #tpu.memory_space<vmem>> -> memref<1x128x64xf32, #tpu.memory_space<vmem>>
    %dma_start3A_243 = tpu.memref_squeeze %dma_start3A_242 : memref<1x128x64xf32, #tpu.memory_space<vmem>> -> memref<128x64xf32, #tpu.memory_space<vmem>>
    %dma_start3A_244 = arith.constant 256 : i32
    %dma_start3A_245 = tpu.memref_slice %arg5[%dma_start3A_244] : memref<10240xi32, #tpu.memory_space<vmem>> -> memref<128xi32, #tpu.memory_space<vmem>>
    %dma_start3A_246 = arith.constant 0 : i32
    %dma_start3A_247 = arith.constant 0 : i32
    %dma_start3A_248 = tpu.memref_slice %arg2[%dma_start3A_246, %dma_start3A_247] : memref<10016x64xf32, #tpu.memory_space<hbm>> -> memref<10016x64xf32, #tpu.memory_space<hbm>>
    tpu.enqueue_indirect_dma source(%dma_start3A_248 : memref<10016x64xf32, #tpu.memory_space<hbm>>) target(%dma_start3A_243 : memref<128x64xf32, #tpu.memory_space<vmem>>) offsets(%dma_start3A_245 : memref<128xi32, #tpu.memory_space<vmem>>) semaphore(%arg11 : memref<!tpu.dma_semaphore, #tpu.memory_space<semaphore_mem>>)
    %dma_start3A_249 = arith.constant 3 : i32
    %dma_start3A_250 = arith.constant 0 : i32
    %dma_start3A_251 = arith.constant 0 : i32
    %dma_start3A_252 = tpu.memref_slice %arg7[%dma_start3A_249, %dma_start3A_250, %dma_start3A_251] : memref<8x128x64xf32, #tpu.memory_space<vmem>> -> memref<1x128x64xf32, #tpu.memory_space<vmem>>
    %dma_start3A_253 = tpu.memref_squeeze %dma_start3A_252 : memref<1x128x64xf32, #tpu.memory_space<vmem>> -> memref<128x64xf32, #tpu.memory_space<vmem>>
    %dma_start3A_254 = arith.constant 384 : i32
    %dma_start3A_255 = tpu.memref_slice %arg5[%dma_start3A_254] : memref<10240xi32, #tpu.memory_space<vmem>> -> memref<128xi32, #tpu.memory_space<vmem>>
    %dma_start3A_256 = arith.constant 0 : i32
    %dma_start3A_257 = arith.constant 0 : i32
    %dma_start3A_258 = tpu.memref_slice %arg2[%dma_start3A_256, %dma_start3A_257] : memref<10016x64xf32, #tpu.memory_space<hbm>> -> memref<10016x64xf32, #tpu.memory_space<hbm>>
    tpu.enqueue_indirect_dma source(%dma_start3A_258 : memref<10016x64xf32, #tpu.memory_space<hbm>>) target(%dma_start3A_253 : memref<128x64xf32, #tpu.memory_space<vmem>>) offsets(%dma_start3A_255 : memref<128xi32, #tpu.memory_space<vmem>>) semaphore(%arg12 : memref<!tpu.dma_semaphore, #tpu.memory_space<semaphore_mem>>)
    %dma_start3A_259 = arith.constant 4 : i32
    %dma_start3A_260 = arith.constant 0 : i32
    %dma_start3A_261 = arith.constant 0 : i32
    %dma_start3A_262 = tpu.memref_slice %arg7[%dma_start3A_259, %dma_start3A_260, %dma_start3A_261] : memref<8x128x64xf32, #tpu.memory_space<vmem>> -> memref<1x128x64xf32, #tpu.memory_space<vmem>>
    %dma_start3A_263 = tpu.memref_squeeze %dma_start3A_262 : memref<1x128x64xf32, #tpu.memory_space<vmem>> -> memref<128x64xf32, #tpu.memory_space<vmem>>
    %dma_start3A_264 = arith.constant 512 : i32
    %dma_start3A_265 = tpu.memref_slice %arg5[%dma_start3A_264] : memref<10240xi32, #tpu.memory_space<vmem>> -> memref<128xi32, #tpu.memory_space<vmem>>
    %dma_start3A_266 = arith.constant 0 : i32
    %dma_start3A_267 = arith.constant 0 : i32
    %dma_start3A_268 = tpu.memref_slice %arg2[%dma_start3A_266, %dma_start3A_267] : memref<10016x64xf32, #tpu.memory_space<hbm>> -> memref<10016x64xf32, #tpu.memory_space<hbm>>
    tpu.enqueue_indirect_dma source(%dma_start3A_268 : memref<10016x64xf32, #tpu.memory_space<hbm>>) target(%dma_start3A_263 : memref<128x64xf32, #tpu.memory_space<vmem>>) offsets(%dma_start3A_265 : memref<128xi32, #tpu.memory_space<vmem>>) semaphore(%arg13 : memref<!tpu.dma_semaphore, #tpu.memory_space<semaphore_mem>>)
    %dma_start3A_269 = arith.constant 5 : i32
    %dma_start3A_270 = arith.constant 0 : i32
    %dma_start3A_271 = arith.constant 0 : i32
    %dma_start3A_272 = tpu.memref_slice %arg7[%dma_start3A_269, %dma_start3A_270, %dma_start3A_271] : memref<8x128x64xf32, #tpu.memory_space<vmem>> -> memref<1x128x64xf32, #tpu.memory_space<vmem>>
    %dma_start3A_273 = tpu.memref_squeeze %dma_start3A_272 : memref<1x128x64xf32, #tpu.memory_space<vmem>> -> memref<128x64xf32, #tpu.memory_space<vmem>>
    %dma_start3A_274 = arith.constant 640 : i32
    %dma_start3A_275 = tpu.memref_slice %arg5[%dma_start3A_274] : memref<10240xi32, #tpu.memory_space<vmem>> -> memref<128xi32, #tpu.memory_space<vmem>>
    %dma_start3A_276 = arith.constant 0 : i32
    %dma_start3A_277 = arith.constant 0 : i32
    %dma_start3A_278 = tpu.memref_slice %arg2[%dma_start3A_276, %dma_start3A_277] : memref<10016x64xf32, #tpu.memory_space<hbm>> -> memref<10016x64xf32, #tpu.memory_space<hbm>>
    tpu.enqueue_indirect_dma source(%dma_start3A_278 : memref<10016x64xf32, #tpu.memory_space<hbm>>) target(%dma_start3A_273 : memref<128x64xf32, #tpu.memory_space<vmem>>) offsets(%dma_start3A_275 : memref<128xi32, #tpu.memory_space<vmem>>) semaphore(%arg14 : memref<!tpu.dma_semaphore, #tpu.memory_space<semaphore_mem>>)
    %dma_start3A_279 = arith.constant 6 : i32
    %dma_start3A_280 = arith.constant 0 : i32
    %dma_start3A_281 = arith.constant 0 : i32
    %dma_start3A_282 = tpu.memref_slice %arg7[%dma_start3A_279, %dma_start3A_280, %dma_start3A_281] : memref<8x128x64xf32, #tpu.memory_space<vmem>> -> memref<1x128x64xf32, #tpu.memory_space<vmem>>
    %dma_start3A_283 = tpu.memref_squeeze %dma_start3A_282 : memref<1x128x64xf32, #tpu.memory_space<vmem>> -> memref<128x64xf32, #tpu.memory_space<vmem>>
    %dma_start3A_284 = arith.constant 768 : i32
    %dma_start3A_285 = tpu.memref_slice %arg5[%dma_start3A_284] : memref<10240xi32, #tpu.memory_space<vmem>> -> memref<128xi32, #tpu.memory_space<vmem>>
    %dma_start3A_286 = arith.constant 0 : i32
    %dma_start3A_287 = arith.constant 0 : i32
    %dma_start3A_288 = tpu.memref_slice %arg2[%dma_start3A_286, %dma_start3A_287] : memref<10016x64xf32, #tpu.memory_space<hbm>> -> memref<10016x64xf32, #tpu.memory_space<hbm>>
    tpu.enqueue_indirect_dma source(%dma_start3A_288 : memref<10016x64xf32, #tpu.memory_space<hbm>>) target(%dma_start3A_283 : memref<128x64xf32, #tpu.memory_space<vmem>>) offsets(%dma_start3A_285 : memref<128xi32, #tpu.memory_space<vmem>>) semaphore(%arg15 : memref<!tpu.dma_semaphore, #tpu.memory_space<semaphore_mem>>)
    %dma_start3A_289 = arith.constant 7 : i32
    %dma_start3A_290 = arith.constant 0 : i32
    %dma_start3A_291 = arith.constant 0 : i32
    %dma_start3A_292 = tpu.memref_slice %arg7[%dma_start3A_289, %dma_start3A_290, %dma_start3A_291] : memref<8x128x64xf32, #tpu.memory_space<vmem>> -> memref<1x128x64xf32, #tpu.memory_space<vmem>>
    %dma_start3A_293 = tpu.memref_squeeze %dma_start3A_292 : memref<1x128x64xf32, #tpu.memory_space<vmem>> -> memref<128x64xf32, #tpu.memory_space<vmem>>
    %dma_start3A_294 = arith.constant 896 : i32
    %dma_start3A_295 = tpu.memref_slice %arg5[%dma_start3A_294] : memref<10240xi32, #tpu.memory_space<vmem>> -> memref<128xi32, #tpu.memory_space<vmem>>
    %dma_start3A_296 = arith.constant 0 : i32
    %dma_start3A_297 = arith.constant 0 : i32
    %dma_start3A_298 = tpu.memref_slice %arg2[%dma_start3A_296, %dma_start3A_297] : memref<10016x64xf32, #tpu.memory_space<hbm>> -> memref<10016x64xf32, #tpu.memory_space<hbm>>
    tpu.enqueue_indirect_dma source(%dma_start3A_298 : memref<10016x64xf32, #tpu.memory_space<hbm>>) target(%dma_start3A_293 : memref<128x64xf32, #tpu.memory_space<vmem>>) offsets(%dma_start3A_295 : memref<128xi32, #tpu.memory_space<vmem>>) semaphore(%arg16 : memref<!tpu.dma_semaphore, #tpu.memory_space<semaphore_mem>>)
    %mul3A_299 = arith.constant 625 : i32
    %mul3A_300 = arith.muli %arg1, %mul3A_299 : i32
    %add3A_301 = arith.constant 0 : i32
    %add3A_302 = arith.addi %mul3A_300, %add3A_301 : i32
    %dma_wait3A_303 = arith.constant 0 : i32
    %dma_wait3A_304 = arith.constant 0 : i32
    %dma_wait3A_305 = arith.constant 0 : i32
    %dma_wait3A_306 = tpu.memref_slice %arg7[%dma_wait3A_303, %dma_wait3A_304, %dma_wait3A_305] : memref<8x128x64xf32, #tpu.memory_space<vmem>> -> memref<1x128x64xf32, #tpu.memory_space<vmem>>
    %dma_wait3A_307 = tpu.memref_squeeze %dma_wait3A_306 : memref<1x128x64xf32, #tpu.memory_space<vmem>> -> memref<128x64xf32, #tpu.memory_space<vmem>>
    %dma_wait3A_308 = arith.constant 0 : i32
    %dma_wait3A_309 = tpu.memref_slice %arg8[%add3A_302, %dma_wait3A_308] : memref<10000x64xf32, #tpu.memory_space<vmem_shared>> -> memref<128x64xf32, #tpu.memory_space<vmem_shared>>
    %dma_wait3A_310 = arith.constant 0 : i32
    %dma_wait3A_311 = tpu.memref_slice %arg8[%add3A_302, %dma_wait3A_310] : memref<10000x64xf32, #tpu.memory_space<vmem_shared>> -> memref<128x64xf32, #tpu.memory_space<vmem_shared>>
    %dma_wait3A_312 = arith.constant 0 : i32
    %dma_wait3A_313 = arith.constant 0 : i32
    %dma_wait3A_314 = tpu.memref_slice %arg7[%dma_wait3A_303, %dma_wait3A_312, %dma_wait3A_313] : memref<8x128x64xf32, #tpu.memory_space<vmem>> -> memref<1x128x64xf32, #tpu.memory_space<vmem>>
    %dma_wait3A_315 = tpu.memref_squeeze %dma_wait3A_314 : memref<1x128x64xf32, #tpu.memory_space<vmem>> -> memref<128x64xf32, #tpu.memory_space<vmem>>
    tpu.wait_dma2 semaphore(%arg17 : memref<!tpu.dma_semaphore, #tpu.memory_space<semaphore_mem>>) src(%dma_wait3A_315 : memref<128x64xf32, #tpu.memory_space<vmem>>) dst(%dma_wait3A_311 : memref<128x64xf32, #tpu.memory_space<vmem_shared>>)
    %mul3A_316 = arith.constant 625 : i32
    %mul3A_317 = arith.muli %arg1, %mul3A_316 : i32
    %add3A_318 = arith.constant 128 : i32
    %add3A_319 = arith.addi %mul3A_317, %add3A_318 : i32
    %dma_wait3A_320 = arith.constant 0 : i32
    %dma_wait3A_321 = arith.constant 0 : i32
    %dma_wait3A_322 = arith.constant 0 : i32
    %dma_wait3A_323 = tpu.memref_slice %arg7[%dma_wait3A_320, %dma_wait3A_321, %dma_wait3A_322] : memref<8x128x64xf32, #tpu.memory_space<vmem>> -> memref<1x128x64xf32, #tpu.memory_space<vmem>>
    %dma_wait3A_324 = tpu.memref_squeeze %dma_wait3A_323 : memref<1x128x64xf32, #tpu.memory_space<vmem>> -> memref<128x64xf32, #tpu.memory_space<vmem>>
    %dma_wait3A_325 = arith.constant 0 : i32
    %dma_wait3A_326 = tpu.memref_slice %arg8[%add3A_319, %dma_wait3A_325] : memref<10000x64xf32, #tpu.memory_space<vmem_shared>> -> memref<128x64xf32, #tpu.memory_space<vmem_shared>>
    %dma_wait3A_327 = arith.constant 0 : i32
    %dma_wait3A_328 = tpu.memref_slice %arg8[%add3A_319, %dma_wait3A_327] : memref<10000x64xf32, #tpu.memory_space<vmem_shared>> -> memref<128x64xf32, #tpu.memory_space<vmem_shared>>
    %dma_wait3A_329 = arith.constant 0 : i32
    %dma_wait3A_330 = arith.constant 0 : i32
    %dma_wait3A_331 = tpu.memref_slice %arg7[%dma_wait3A_320, %dma_wait3A_329, %dma_wait3A_330] : memref<8x128x64xf32, #tpu.memory_space<vmem>> -> memref<1x128x64xf32, #tpu.memory_space<vmem>>
    %dma_wait3A_332 = tpu.memref_squeeze %dma_wait3A_331 : memref<1x128x64xf32, #tpu.memory_space<vmem>> -> memref<128x64xf32, #tpu.memory_space<vmem>>
    tpu.wait_dma2 semaphore(%arg17 : memref<!tpu.dma_semaphore, #tpu.memory_space<semaphore_mem>>) src(%dma_wait3A_332 : memref<128x64xf32, #tpu.memory_space<vmem>>) dst(%dma_wait3A_328 : memref<128x64xf32, #tpu.memory_space<vmem_shared>>)
    %mul3A_333 = arith.constant 625 : i32
    %mul3A_334 = arith.muli %arg1, %mul3A_333 : i32
    %add3A_335 = arith.constant 256 : i32
    %add3A_336 = arith.addi %mul3A_334, %add3A_335 : i32
    %dma_wait3A_337 = arith.constant 0 : i32
    %dma_wait3A_338 = arith.constant 0 : i32
    %dma_wait3A_339 = arith.constant 0 : i32
    %dma_wait3A_340 = tpu.memref_slice %arg7[%dma_wait3A_337, %dma_wait3A_338, %dma_wait3A_339] : memref<8x128x64xf32, #tpu.memory_space<vmem>> -> memref<1x128x64xf32, #tpu.memory_space<vmem>>
    %dma_wait3A_341 = tpu.memref_squeeze %dma_wait3A_340 : memref<1x128x64xf32, #tpu.memory_space<vmem>> -> memref<128x64xf32, #tpu.memory_space<vmem>>
    %dma_wait3A_342 = arith.constant 0 : i32
    %dma_wait3A_343 = tpu.memref_slice %arg8[%add3A_336, %dma_wait3A_342] : memref<10000x64xf32, #tpu.memory_space<vmem_shared>> -> memref<128x64xf32, #tpu.memory_space<vmem_shared>>
    %dma_wait3A_344 = arith.constant 0 : i32
    %dma_wait3A_345 = tpu.memref_slice %arg8[%add3A_336, %dma_wait3A_344] : memref<10000x64xf32, #tpu.memory_space<vmem_shared>> -> memref<128x64xf32, #tpu.memory_space<vmem_shared>>
    %dma_wait3A_346 = arith.constant 0 : i32
    %dma_wait3A_347 = arith.constant 0 : i32
    %dma_wait3A_348 = tpu.memref_slice %arg7[%dma_wait3A_337, %dma_wait3A_346, %dma_wait3A_347] : memref<8x128x64xf32, #tpu.memory_space<vmem>> -> memref<1x128x64xf32, #tpu.memory_space<vmem>>
    %dma_wait3A_349 = tpu.memref_squeeze %dma_wait3A_348 : memref<1x128x64xf32, #tpu.memory_space<vmem>> -> memref<128x64xf32, #tpu.memory_space<vmem>>
    tpu.wait_dma2 semaphore(%arg17 : memref<!tpu.dma_semaphore, #tpu.memory_space<semaphore_mem>>) src(%dma_wait3A_349 : memref<128x64xf32, #tpu.memory_space<vmem>>) dst(%dma_wait3A_345 : memref<128x64xf32, #tpu.memory_space<vmem_shared>>)
    %mul3A_350 = arith.constant 625 : i32
    %mul3A_351 = arith.muli %arg1, %mul3A_350 : i32
    %add3A_352 = arith.constant 384 : i32
    %add3A_353 = arith.addi %mul3A_351, %add3A_352 : i32
    %dma_wait3A_354 = arith.constant 0 : i32
    %dma_wait3A_355 = arith.constant 0 : i32
    %dma_wait3A_356 = arith.constant 0 : i32
    %dma_wait3A_357 = tpu.memref_slice %arg7[%dma_wait3A_354, %dma_wait3A_355, %dma_wait3A_356] : memref<8x128x64xf32, #tpu.memory_space<vmem>> -> memref<1x128x64xf32, #tpu.memory_space<vmem>>
    %dma_wait3A_358 = tpu.memref_squeeze %dma_wait3A_357 : memref<1x128x64xf32, #tpu.memory_space<vmem>> -> memref<128x64xf32, #tpu.memory_space<vmem>>
    %dma_wait3A_359 = arith.constant 0 : i32
    %dma_wait3A_360 = tpu.memref_slice %arg8[%add3A_353, %dma_wait3A_359] : memref<10000x64xf32, #tpu.memory_space<vmem_shared>> -> memref<128x64xf32, #tpu.memory_space<vmem_shared>>
    %dma_wait3A_361 = arith.constant 0 : i32
    %dma_wait3A_362 = tpu.memref_slice %arg8[%add3A_353, %dma_wait3A_361] : memref<10000x64xf32, #tpu.memory_space<vmem_shared>> -> memref<128x64xf32, #tpu.memory_space<vmem_shared>>
    %dma_wait3A_363 = arith.constant 0 : i32
    %dma_wait3A_364 = arith.constant 0 : i32
    %dma_wait3A_365 = tpu.memref_slice %arg7[%dma_wait3A_354, %dma_wait3A_363, %dma_wait3A_364] : memref<8x128x64xf32, #tpu.memory_space<vmem>> -> memref<1x128x64xf32, #tpu.memory_space<vmem>>
    %dma_wait3A_366 = tpu.memref_squeeze %dma_wait3A_365 : memref<1x128x64xf32, #tpu.memory_space<vmem>> -> memref<128x64xf32, #tpu.memory_space<vmem>>
    tpu.wait_dma2 semaphore(%arg17 : memref<!tpu.dma_semaphore, #tpu.memory_space<semaphore_mem>>) src(%dma_wait3A_366 : memref<128x64xf32, #tpu.memory_space<vmem>>) dst(%dma_wait3A_362 : memref<128x64xf32, #tpu.memory_space<vmem_shared>>)
    %mul3A_367 = arith.constant 625 : i32
    %mul3A_368 = arith.muli %arg1, %mul3A_367 : i32
    %add3A_369 = arith.constant 512 : i32
    %add3A_370 = arith.addi %mul3A_368, %add3A_369 : i32
    %dma_wait3A_371 = arith.constant 0 : i32
    %dma_wait3A_372 = arith.constant 0 : i32
    %dma_wait3A_373 = arith.constant 0 : i32
    %dma_wait3A_374 = tpu.memref_slice %arg7[%dma_wait3A_371, %dma_wait3A_372, %dma_wait3A_373] : memref<8x128x64xf32, #tpu.memory_space<vmem>> -> memref<1x128x64xf32, #tpu.memory_space<vmem>>
    %dma_wait3A_375 = tpu.memref_squeeze %dma_wait3A_374 : memref<1x128x64xf32, #tpu.memory_space<vmem>> -> memref<128x64xf32, #tpu.memory_space<vmem>>
    %dma_wait3A_376 = arith.constant 0 : i32
    %dma_wait3A_377 = arith.constant 0 : i32
    %dma_wait3A_378 = tpu.memref_slice %dma_wait3A_375[%dma_wait3A_376, %dma_wait3A_377] : memref<128x64xf32, #tpu.memory_space<vmem>> -> memref<113x64xf32, #tpu.memory_space<vmem>>
    %dma_wait3A_379 = arith.constant 0 : i32
    %dma_wait3A_380 = tpu.memref_slice %arg8[%add3A_370, %dma_wait3A_379] : memref<10000x64xf32, #tpu.memory_space<vmem_shared>> -> memref<113x64xf32, #tpu.memory_space<vmem_shared>>
    %dma_wait3A_381 = arith.constant 0 : i32
    %dma_wait3A_382 = tpu.memref_slice %arg8[%add3A_370, %dma_wait3A_381] : memref<10000x64xf32, #tpu.memory_space<vmem_shared>> -> memref<113x64xf32, #tpu.memory_space<vmem_shared>>
    %dma_wait3A_383 = arith.constant 0 : i32
    %dma_wait3A_384 = arith.constant 0 : i32
    %dma_wait3A_385 = tpu.memref_slice %arg7[%dma_wait3A_371, %dma_wait3A_383, %dma_wait3A_384] : memref<8x128x64xf32, #tpu.memory_space<vmem>> -> memref<1x128x64xf32, #tpu.memory_space<vmem>>
    %dma_wait3A_386 = tpu.memref_squeeze %dma_wait3A_385 : memref<1x128x64xf32, #tpu.memory_space<vmem>> -> memref<128x64xf32, #tpu.memory_space<vmem>>
    %dma_wait3A_387 = arith.constant 0 : i32
    %dma_wait3A_388 = arith.constant 0 : i32
    %dma_wait3A_389 = tpu.memref_slice %dma_wait3A_386[%dma_wait3A_387, %dma_wait3A_388] : memref<128x64xf32, #tpu.memory_space<vmem>> -> memref<113x64xf32, #tpu.memory_space<vmem>>
    tpu.wait_dma2 semaphore(%arg17 : memref<!tpu.dma_semaphore, #tpu.memory_space<semaphore_mem>>) src(%dma_wait3A_389 : memref<113x64xf32, #tpu.memory_space<vmem>>) dst(%dma_wait3A_382 : memref<113x64xf32, #tpu.memory_space<vmem_shared>>)
    %dma_start3A_390 = arith.constant 0 : i32
    %dma_start3A_391 = arith.constant 0 : i32
    %dma_start3A_392 = arith.constant 0 : i32
    %dma_start3A_393 = tpu.memref_slice %arg7[%dma_start3A_390, %dma_start3A_391, %dma_start3A_392] : memref<8x128x64xf32, #tpu.memory_space<vmem>> -> memref<1x128x64xf32, #tpu.memory_space<vmem>>
    %dma_start3A_394 = tpu.memref_squeeze %dma_start3A_393 : memref<1x128x64xf32, #tpu.memory_space<vmem>> -> memref<128x64xf32, #tpu.memory_space<vmem>>
    %dma_start3A_395 = arith.constant 0 : i32
    %dma_start3A_396 = tpu.memref_slice %arg5[%dma_start3A_395] : memref<10240xi32, #tpu.memory_space<vmem>> -> memref<128xi32, #tpu.memory_space<vmem>>
    %dma_start3A_397 = arith.constant 0 : i32
    %dma_start3A_398 = arith.constant 0 : i32
    %dma_start3A_399 = tpu.memref_slice %arg2[%dma_start3A_397, %dma_start3A_398] : memref<10016x64xf32, #tpu.memory_space<hbm>> -> memref<10016x64xf32, #tpu.memory_space<hbm>>
    tpu.enqueue_indirect_dma source(%dma_start3A_399 : memref<10016x64xf32, #tpu.memory_space<hbm>>) target(%dma_start3A_394 : memref<128x64xf32, #tpu.memory_space<vmem>>) offsets(%dma_start3A_396 : memref<128xi32, #tpu.memory_space<vmem>>) semaphore(%arg9 : memref<!tpu.dma_semaphore, #tpu.memory_space<semaphore_mem>>)
    %dma_wait3A_400 = arith.constant 1 : i32
    %dma_wait3A_401 = arith.constant 0 : i32
    %dma_wait3A_402 = tpu.memref_slice %arg6[%dma_wait3A_401] : memref<10240xi32, #tpu.memory_space<vmem>> -> memref<10000xi32, #tpu.memory_space<vmem>>
    %dma_wait3A_403 = tpu.memref_slice %arg3[%dma_wait3A_400, %mul3A_2] : memref<2x320000xi32, #tpu.memory_space<hbm>> -> memref<1x10000xi32, #tpu.memory_space<hbm>>
    %dma_wait3A_404 = tpu.memref_squeeze %dma_wait3A_403 : memref<1x10000xi32, #tpu.memory_space<hbm>> -> memref<10000xi32, #tpu.memory_space<hbm>>
    %dma_wait3A_405 = arith.constant 0 : i32
    %dma_wait3A_406 = tpu.memref_slice %arg6[%dma_wait3A_405] : memref<10240xi32, #tpu.memory_space<vmem>> -> memref<10000xi32, #tpu.memory_space<vmem>>
    %dma_wait3A_407 = tpu.memref_slice %arg3[%dma_wait3A_400, %mul3A_2] : memref<2x320000xi32, #tpu.memory_space<hbm>> -> memref<1x10000xi32, #tpu.memory_space<hbm>>
    %dma_wait3A_408 = tpu.memref_squeeze %dma_wait3A_407 : memref<1x10000xi32, #tpu.memory_space<hbm>> -> memref<10000xi32, #tpu.memory_space<hbm>>
    tpu.wait_dma2 semaphore(%arg18 : memref<!tpu.dma_semaphore, #tpu.memory_space<semaphore_mem>>) src(%dma_wait3A_408 : memref<10000xi32, #tpu.memory_space<hbm>>) dst(%dma_wait3A_406 : memref<10000xi32, #tpu.memory_space<vmem>>)
    %mul3A_409 = arith.constant 240 : i32
    %mul3A_410 = arith.muli %add3A, %mul3A_409 : i32
    %add3A_411 = arith.constant 0 : i32
    %add3A_412 = arith.addi %mul3A_410, %add3A_411 : i32
    %add3A_413 = vector.broadcast %add3A_412 : i32 to vector<16xi32>
    %add3A_414 = arith.addi %add3A_413, %iota3A : vector<16xi32>
    %mul3A_415 = arith.constant 41 : i32
    %mul3A_416 = vector.broadcast %mul3A_415 : i32 to vector<16xi32>
    %mul3A_417 = arith.muli %add3A_414, %mul3A_416 : vector<16xi32>
    %jit3A = arith.constant 10000 : i32
    %eq3A = arith.constant 0 : i32
    %eq3A_418 = arith.cmpi eq, %jit3A, %eq3A : i32
    %jit3A_419 = arith.constant 1 : i32
    %select_n3A = arith.select %eq3A_418, %jit3A_419, %jit3A : i32
    %rem3A = vector.broadcast %select_n3A : i32 to vector<16xi32>
    %rem3A_420 = arith.remsi %mul3A_417, %rem3A : vector<16xi32>
    %ne3A = arith.constant 0 : i32
    %ne3A_421 = vector.broadcast %ne3A : i32 to vector<16xi32>
    %ne3A_422 = arith.cmpi ne, %rem3A_420, %ne3A_421 : vector<16xi32>
    %lt3A = arith.constant 0 : i32
    %lt3A_423 = vector.broadcast %lt3A : i32 to vector<16xi32>
    %lt3A_424 = arith.cmpi slt, %rem3A_420, %lt3A_423 : vector<16xi32>
    %lt3A_425 = arith.constant 0 : i32
    %lt3A_426 = arith.cmpi slt, %select_n3A, %lt3A_425 : i32
    %ne3A_427 = vector.broadcast %lt3A_426 : i1 to vector<16xi1>
    %ne3A_428 = vector.broadcast %ne3A_427 : vector<16xi1> to vector<16xi1>
    %ne3A_429 = arith.xori %lt3A_424, %ne3A_428 : vector<16xi1>
    %and3A = arith.andi %ne3A_429, %ne3A_422 : vector<16xi1>
    %add3A_430 = vector.broadcast %select_n3A : i32 to vector<16xi32>
    %add3A_431 = arith.addi %rem3A_420, %add3A_430 : vector<16xi32>
    %select_n3A_432 = arith.select %and3A, %add3A_431, %rem3A_420 : vector<16xi1>, vector<16xi32>
    %swap3A_433 = arith.constant 10000 : index
    %swap3A_434 = tpu.vector_load %arg6[%swap3A_433] {strides = array<i32>} : memref<10240xi32, #tpu.memory_space<vmem>>, vector<16xi32>,
    %swap3A_435 = vector.shape_cast %swap3A_434 : vector<16xi32> to vector<16xi32>
    %swap3A_436 = vector.shape_cast %select_n3A_432 : vector<16xi32> to vector<16xi32>
    tpu.vector_store %arg6[%swap3A_433], %swap3A_436 {strides = array<i32>} : memref<10240xi32, #tpu.memory_space<vmem>>, vector<16xi32>,
    %mul3A_437 = arith.constant 240 : i32
    %mul3A_438 = arith.muli %add3A, %mul3A_437 : i32
    %add3A_439 = arith.constant 16 : i32
    %add3A_440 = arith.addi %mul3A_438, %add3A_439 : i32
    %add3A_441 = vector.broadcast %add3A_440 : i32 to vector<16xi32>
    %add3A_442 = arith.addi %add3A_441, %iota3A : vector<16xi32>
    %mul3A_443 = arith.constant 41 : i32
    %mul3A_444 = vector.broadcast %mul3A_443 : i32 to vector<16xi32>
    %mul3A_445 = arith.muli %add3A_442, %mul3A_444 : vector<16xi32>
    %jit3A_446 = arith.constant 10000 : i32
    %eq3A_447 = arith.constant 0 : i32
    %eq3A_448 = arith.cmpi eq, %jit3A_446, %eq3A_447 : i32
    %jit3A_449 = arith.constant 1 : i32
    %select_n3A_450 = arith.select %eq3A_448, %jit3A_449, %jit3A_446 : i32
    %rem3A_451 = vector.broadcast %select_n3A_450 : i32 to vector<16xi32>
    %rem3A_452 = arith.remsi %mul3A_445, %rem3A_451 : vector<16xi32>
    %ne3A_453 = arith.constant 0 : i32
    %ne3A_454 = vector.broadcast %ne3A_453 : i32 to vector<16xi32>
    %ne3A_455 = arith.cmpi ne, %rem3A_452, %ne3A_454 : vector<16xi32>
    %lt3A_456 = arith.constant 0 : i32
    %lt3A_457 = vector.broadcast %lt3A_456 : i32 to vector<16xi32>
    %lt3A_458 = arith.cmpi slt, %rem3A_452, %lt3A_457 : vector<16xi32>
    %lt3A_459 = arith.constant 0 : i32
    %lt3A_460 = arith.cmpi slt, %select_n3A_450, %lt3A_459 : i32
    %ne3A_461 = vector.broadcast %lt3A_460 : i1 to vector<16xi1>
    %ne3A_462 = vector.broadcast %ne3A_461 : vector<16xi1> to vector<16xi1>
    %ne3A_463 = arith.xori %lt3A_458, %ne3A_462 : vector<16xi1>
    %and3A_464 = arith.andi %ne3A_463, %ne3A_455 : vector<16xi1>
    %add3A_465 = vector.broadcast %select_n3A_450 : i32 to vector<16xi32>
    %add3A_466 = arith.addi %rem3A_452, %add3A_465 : vector<16xi32>
    %select_n3A_467 = arith.select %and3A_464, %add3A_466, %rem3A_452 : vector<16xi1>, vector<16xi32>
    %swap3A_468 = arith.constant 10016 : index
    %swap3A_469 = tpu.vector_load %arg6[%swap3A_468] {strides = array<i32>} : memref<10240xi32, #tpu.memory_space<vmem>>, vector<16xi32>,
    %swap3A_470 = vector.shape_cast %swap3A_469 : vector<16xi32> to vector<16xi32>
    %swap3A_471 = vector.shape_cast %select_n3A_467 : vector<16xi32> to vector<16xi32>
    tpu.vector_store %arg6[%swap3A_468], %swap3A_471 {strides = array<i32>} : memref<10240xi32, #tpu.memory_space<vmem>>, vector<16xi32>,
    %mul3A_472 = arith.constant 240 : i32
    %mul3A_473 = arith.muli %add3A, %mul3A_472 : i32
    %add3A_474 = arith.constant 32 : i32
    %add3A_475 = arith.addi %mul3A_473, %add3A_474 : i32
    %add3A_476 = vector.broadcast %add3A_475 : i32 to vector<16xi32>
    %add3A_477 = arith.addi %add3A_476, %iota3A : vector<16xi32>
    %mul3A_478 = arith.constant 41 : i32
    %mul3A_479 = vector.broadcast %mul3A_478 : i32 to vector<16xi32>
    %mul3A_480 = arith.muli %add3A_477, %mul3A_479 : vector<16xi32>
    %jit3A_481 = arith.constant 10000 : i32
    %eq3A_482 = arith.constant 0 : i32
    %eq3A_483 = arith.cmpi eq, %jit3A_481, %eq3A_482 : i32
    %jit3A_484 = arith.constant 1 : i32
    %select_n3A_485 = arith.select %eq3A_483, %jit3A_484, %jit3A_481 : i32
    %rem3A_486 = vector.broadcast %select_n3A_485 : i32 to vector<16xi32>
    %rem3A_487 = arith.remsi %mul3A_480, %rem3A_486 : vector<16xi32>
    %ne3A_488 = arith.constant 0 : i32
    %ne3A_489 = vector.broadcast %ne3A_488 : i32 to vector<16xi32>
    %ne3A_490 = arith.cmpi ne, %rem3A_487, %ne3A_489 : vector<16xi32>
    %lt3A_491 = arith.constant 0 : i32
    %lt3A_492 = vector.broadcast %lt3A_491 : i32 to vector<16xi32>
    %lt3A_493 = arith.cmpi slt, %rem3A_487, %lt3A_492 : vector<16xi32>
    %lt3A_494 = arith.constant 0 : i32
    %lt3A_495 = arith.cmpi slt, %select_n3A_485, %lt3A_494 : i32
    %ne3A_496 = vector.broadcast %lt3A_495 : i1 to vector<16xi1>
    %ne3A_497 = vector.broadcast %ne3A_496 : vector<16xi1> to vector<16xi1>
    %ne3A_498 = arith.xori %lt3A_493, %ne3A_497 : vector<16xi1>
    %and3A_499 = arith.andi %ne3A_498, %ne3A_490 : vector<16xi1>
    %add3A_500 = vector.broadcast %select_n3A_485 : i32 to vector<16xi32>
    %add3A_501 = arith.addi %rem3A_487, %add3A_500 : vector<16xi32>
    %select_n3A_502 = arith.select %and3A_499, %add3A_501, %rem3A_487 : vector<16xi1>, vector<16xi32>
    %swap3A_503 = arith.constant 10032 : index
    %swap3A_504 = tpu.vector_load %arg6[%swap3A_503] {strides = array<i32>} : memref<10240xi32, #tpu.memory_space<vmem>>, vector<16xi32>,
    %swap3A_505 = vector.shape_cast %swap3A_504 : vector<16xi32> to vector<16xi32>
    %swap3A_506 = vector.shape_cast %select_n3A_502 : vector<16xi32> to vector<16xi32>
    tpu.vector_store %arg6[%swap3A_503], %swap3A_506 {strides = array<i32>} : memref<10240xi32, #tpu.memory_space<vmem>>, vector<16xi32>,
    %mul3A_507 = arith.constant 240 : i32
    %mul3A_508 = arith.muli %add3A, %mul3A_507 : i32
    %add3A_509 = arith.constant 48 : i32
    %add3A_510 = arith.addi %mul3A_508, %add3A_509 : i32
    %add3A_511 = vector.broadcast %add3A_510 : i32 to vector<16xi32>
    %add3A_512 = arith.addi %add3A_511, %iota3A : vector<16xi32>
    %mul3A_513 = arith.constant 41 : i32
    %mul3A_514 = vector.broadcast %mul3A_513 : i32 to vector<16xi32>
    %mul3A_515 = arith.muli %add3A_512, %mul3A_514 : vector<16xi32>
    %jit3A_516 = arith.constant 10000 : i32
    %eq3A_517 = arith.constant 0 : i32
    %eq3A_518 = arith.cmpi eq, %jit3A_516, %eq3A_517 : i32
    %jit3A_519 = arith.constant 1 : i32
    %select_n3A_520 = arith.select %eq3A_518, %jit3A_519, %jit3A_516 : i32
    %rem3A_521 = vector.broadcast %select_n3A_520 : i32 to vector<16xi32>
    %rem3A_522 = arith.remsi %mul3A_515, %rem3A_521 : vector<16xi32>
    %ne3A_523 = arith.constant 0 : i32
    %ne3A_524 = vector.broadcast %ne3A_523 : i32 to vector<16xi32>
    %ne3A_525 = arith.cmpi ne, %rem3A_522, %ne3A_524 : vector<16xi32>
    %lt3A_526 = arith.constant 0 : i32
    %lt3A_527 = vector.broadcast %lt3A_526 : i32 to vector<16xi32>
    %lt3A_528 = arith.cmpi slt, %rem3A_522, %lt3A_527 : vector<16xi32>
    %lt3A_529 = arith.constant 0 : i32
    %lt3A_530 = arith.cmpi slt, %select_n3A_520, %lt3A_529 : i32
    %ne3A_531 = vector.broadcast %lt3A_530 : i1 to vector<16xi1>
    %ne3A_532 = vector.broadcast %ne3A_531 : vector<16xi1> to vector<16xi1>
    %ne3A_533 = arith.xori %lt3A_528, %ne3A_532 : vector<16xi1>
    %and3A_534 = arith.andi %ne3A_533, %ne3A_525 : vector<16xi1>
    %add3A_535 = vector.broadcast %select_n3A_520 : i32 to vector<16xi32>
    %add3A_536 = arith.addi %rem3A_522, %add3A_535 : vector<16xi32>
    %select_n3A_537 = arith.select %and3A_534, %add3A_536, %rem3A_522 : vector<16xi1>, vector<16xi32>
    %swap3A_538 = arith.constant 10048 : index
    %swap3A_539 = tpu.vector_load %arg6[%swap3A_538] {strides = array<i32>} : memref<10240xi32, #tpu.memory_space<vmem>>, vector<16xi32>,
    %swap3A_540 = vector.shape_cast %swap3A_539 : vector<16xi32> to vector<16xi32>
    %swap3A_541 = vector.shape_cast %select_n3A_537 : vector<16xi32> to vector<16xi32>
    tpu.vector_store %arg6[%swap3A_538], %swap3A_541 {strides = array<i32>} : memref<10240xi32, #tpu.memory_space<vmem>>, vector<16xi32>,
    %mul3A_542 = arith.constant 240 : i32
    %mul3A_543 = arith.muli %add3A, %mul3A_542 : i32
    %add3A_544 = arith.constant 64 : i32
    %add3A_545 = arith.addi %mul3A_543, %add3A_544 : i32
    %add3A_546 = vector.broadcast %add3A_545 : i32 to vector<16xi32>
    %add3A_547 = arith.addi %add3A_546, %iota3A : vector<16xi32>
    %mul3A_548 = arith.constant 41 : i32
    %mul3A_549 = vector.broadcast %mul3A_548 : i32 to vector<16xi32>
    %mul3A_550 = arith.muli %add3A_547, %mul3A_549 : vector<16xi32>
    %jit3A_551 = arith.constant 10000 : i32
    %eq3A_552 = arith.constant 0 : i32
    %eq3A_553 = arith.cmpi eq, %jit3A_551, %eq3A_552 : i32
    %jit3A_554 = arith.constant 1 : i32
    %select_n3A_555 = arith.select %eq3A_553, %jit3A_554, %jit3A_551 : i32
    %rem3A_556 = vector.broadcast %select_n3A_555 : i32 to vector<16xi32>
    %rem3A_557 = arith.remsi %mul3A_550, %rem3A_556 : vector<16xi32>
    %ne3A_558 = arith.constant 0 : i32
    %ne3A_559 = vector.broadcast %ne3A_558 : i32 to vector<16xi32>
    %ne3A_560 = arith.cmpi ne, %rem3A_557, %ne3A_559 : vector<16xi32>
    %lt3A_561 = arith.constant 0 : i32
    %lt3A_562 = vector.broadcast %lt3A_561 : i32 to vector<16xi32>
    %lt3A_563 = arith.cmpi slt, %rem3A_557, %lt3A_562 : vector<16xi32>
    %lt3A_564 = arith.constant 0 : i32
    %lt3A_565 = arith.cmpi slt, %select_n3A_555, %lt3A_564 : i32
    %ne3A_566 = vector.broadcast %lt3A_565 : i1 to vector<16xi1>
    %ne3A_567 = vector.broadcast %ne3A_566 : vector<16xi1> to vector<16xi1>
    %ne3A_568 = arith.xori %lt3A_563, %ne3A_567 : vector<16xi1>
    %and3A_569 = arith.andi %ne3A_568, %ne3A_560 : vector<16xi1>
    %add3A_570 = vector.broadcast %select_n3A_555 : i32 to vector<16xi32>
    %add3A_571 = arith.addi %rem3A_557, %add3A_570 : vector<16xi32>
    %select_n3A_572 = arith.select %and3A_569, %add3A_571, %rem3A_557 : vector<16xi1>, vector<16xi32>
    %swap3A_573 = arith.constant 10064 : index
    %swap3A_574 = tpu.vector_load %arg6[%swap3A_573] {strides = array<i32>} : memref<10240xi32, #tpu.memory_space<vmem>>, vector<16xi32>,
    %swap3A_575 = vector.shape_cast %swap3A_574 : vector<16xi32> to vector<16xi32>
    %swap3A_576 = vector.shape_cast %select_n3A_572 : vector<16xi32> to vector<16xi32>
    tpu.vector_store %arg6[%swap3A_573], %swap3A_576 {strides = array<i32>} : memref<10240xi32, #tpu.memory_space<vmem>>, vector<16xi32>,
    %mul3A_577 = arith.constant 240 : i32
    %mul3A_578 = arith.muli %add3A, %mul3A_577 : i32
    %add3A_579 = arith.constant 80 : i32
    %add3A_580 = arith.addi %mul3A_578, %add3A_579 : i32
    %add3A_581 = vector.broadcast %add3A_580 : i32 to vector<16xi32>
    %add3A_582 = arith.addi %add3A_581, %iota3A : vector<16xi32>
    %mul3A_583 = arith.constant 41 : i32
    %mul3A_584 = vector.broadcast %mul3A_583 : i32 to vector<16xi32>
    %mul3A_585 = arith.muli %add3A_582, %mul3A_584 : vector<16xi32>
    %jit3A_586 = arith.constant 10000 : i32
    %eq3A_587 = arith.constant 0 : i32
    %eq3A_588 = arith.cmpi eq, %jit3A_586, %eq3A_587 : i32
    %jit3A_589 = arith.constant 1 : i32
    %select_n3A_590 = arith.select %eq3A_588, %jit3A_589, %jit3A_586 : i32
    %rem3A_591 = vector.broadcast %select_n3A_590 : i32 to vector<16xi32>
    %rem3A_592 = arith.remsi %mul3A_585, %rem3A_591 : vector<16xi32>
    %ne3A_593 = arith.constant 0 : i32
    %ne3A_594 = vector.broadcast %ne3A_593 : i32 to vector<16xi32>
    %ne3A_595 = arith.cmpi ne, %rem3A_592, %ne3A_594 : vector<16xi32>
    %lt3A_596 = arith.constant 0 : i32
    %lt3A_597 = vector.broadcast %lt3A_596 : i32 to vector<16xi32>
    %lt3A_598 = arith.cmpi slt, %rem3A_592, %lt3A_597 : vector<16xi32>
    %lt3A_599 = arith.constant 0 : i32
    %lt3A_600 = arith.cmpi slt, %select_n3A_590, %lt3A_599 : i32
    %ne3A_601 = vector.broadcast %lt3A_600 : i1 to vector<16xi1>
    %ne3A_602 = vector.broadcast %ne3A_601 : vector<16xi1> to vector<16xi1>
    %ne3A_603 = arith.xori %lt3A_598, %ne3A_602 : vector<16xi1>
    %and3A_604 = arith.andi %ne3A_603, %ne3A_595 : vector<16xi1>
    %add3A_605 = vector.broadcast %select_n3A_590 : i32 to vector<16xi32>
    %add3A_606 = arith.addi %rem3A_592, %add3A_605 : vector<16xi32>
    %select_n3A_607 = arith.select %and3A_604, %add3A_606, %rem3A_592 : vector<16xi1>, vector<16xi32>
    %swap3A_608 = arith.constant 10080 : index
    %swap3A_609 = tpu.vector_load %arg6[%swap3A_608] {strides = array<i32>} : memref<10240xi32, #tpu.memory_space<vmem>>, vector<16xi32>,
    %swap3A_610 = vector.shape_cast %swap3A_609 : vector<16xi32> to vector<16xi32>
    %swap3A_611 = vector.shape_cast %select_n3A_607 : vector<16xi32> to vector<16xi32>
    tpu.vector_store %arg6[%swap3A_608], %swap3A_611 {strides = array<i32>} : memref<10240xi32, #tpu.memory_space<vmem>>, vector<16xi32>,
    %mul3A_612 = arith.constant 240 : i32
    %mul3A_613 = arith.muli %add3A, %mul3A_612 : i32
    %add3A_614 = arith.constant 96 : i32
    %add3A_615 = arith.addi %mul3A_613, %add3A_614 : i32
    %add3A_616 = vector.broadcast %add3A_615 : i32 to vector<16xi32>
    %add3A_617 = arith.addi %add3A_616, %iota3A : vector<16xi32>
    %mul3A_618 = arith.constant 41 : i32
    %mul3A_619 = vector.broadcast %mul3A_618 : i32 to vector<16xi32>
    %mul3A_620 = arith.muli %add3A_617, %mul3A_619 : vector<16xi32>
    %jit3A_621 = arith.constant 10000 : i32
    %eq3A_622 = arith.constant 0 : i32
    %eq3A_623 = arith.cmpi eq, %jit3A_621, %eq3A_622 : i32
    %jit3A_624 = arith.constant 1 : i32
    %select_n3A_625 = arith.select %eq3A_623, %jit3A_624, %jit3A_621 : i32
    %rem3A_626 = vector.broadcast %select_n3A_625 : i32 to vector<16xi32>
    %rem3A_627 = arith.remsi %mul3A_620, %rem3A_626 : vector<16xi32>
    %ne3A_628 = arith.constant 0 : i32
    %ne3A_629 = vector.broadcast %ne3A_628 : i32 to vector<16xi32>
    %ne3A_630 = arith.cmpi ne, %rem3A_627, %ne3A_629 : vector<16xi32>
    %lt3A_631 = arith.constant 0 : i32
    %lt3A_632 = vector.broadcast %lt3A_631 : i32 to vector<16xi32>
    %lt3A_633 = arith.cmpi slt, %rem3A_627, %lt3A_632 : vector<16xi32>
    %lt3A_634 = arith.constant 0 : i32
    %lt3A_635 = arith.cmpi slt, %select_n3A_625, %lt3A_634 : i32
    %ne3A_636 = vector.broadcast %lt3A_635 : i1 to vector<16xi1>
    %ne3A_637 = vector.broadcast %ne3A_636 : vector<16xi1> to vector<16xi1>
    %ne3A_638 = arith.xori %lt3A_633, %ne3A_637 : vector<16xi1>
    %and3A_639 = arith.andi %ne3A_638, %ne3A_630 : vector<16xi1>
    %add3A_640 = vector.broadcast %select_n3A_625 : i32 to vector<16xi32>
    %add3A_641 = arith.addi %rem3A_627, %add3A_640 : vector<16xi32>
    %select_n3A_642 = arith.select %and3A_639, %add3A_641, %rem3A_627 : vector<16xi1>, vector<16xi32>
    %swap3A_643 = arith.constant 10096 : index
    %swap3A_644 = tpu.vector_load %arg6[%swap3A_643] {strides = array<i32>} : memref<10240xi32, #tpu.memory_space<vmem>>, vector<16xi32>,
    %swap3A_645 = vector.shape_cast %swap3A_644 : vector<16xi32> to vector<16xi32>
    %swap3A_646 = vector.shape_cast %select_n3A_642 : vector<16xi32> to vector<16xi32>
    tpu.vector_store %arg6[%swap3A_643], %swap3A_646 {strides = array<i32>} : memref<10240xi32, #tpu.memory_space<vmem>>, vector<16xi32>,
    %mul3A_647 = arith.constant 240 : i32
    %mul3A_648 = arith.muli %add3A, %mul3A_647 : i32
    %add3A_649 = arith.constant 112 : i32
    %add3A_650 = arith.addi %mul3A_648, %add3A_649 : i32
    %add3A_651 = vector.broadcast %add3A_650 : i32 to vector<16xi32>
    %add3A_652 = arith.addi %add3A_651, %iota3A : vector<16xi32>
    %mul3A_653 = arith.constant 41 : i32
    %mul3A_654 = vector.broadcast %mul3A_653 : i32 to vector<16xi32>
    %mul3A_655 = arith.muli %add3A_652, %mul3A_654 : vector<16xi32>
    %jit3A_656 = arith.constant 10000 : i32
    %eq3A_657 = arith.constant 0 : i32
    %eq3A_658 = arith.cmpi eq, %jit3A_656, %eq3A_657 : i32
    %jit3A_659 = arith.constant 1 : i32
    %select_n3A_660 = arith.select %eq3A_658, %jit3A_659, %jit3A_656 : i32
    %rem3A_661 = vector.broadcast %select_n3A_660 : i32 to vector<16xi32>
    %rem3A_662 = arith.remsi %mul3A_655, %rem3A_661 : vector<16xi32>
    %ne3A_663 = arith.constant 0 : i32
    %ne3A_664 = vector.broadcast %ne3A_663 : i32 to vector<16xi32>
    %ne3A_665 = arith.cmpi ne, %rem3A_662, %ne3A_664 : vector<16xi32>
    %lt3A_666 = arith.constant 0 : i32
    %lt3A_667 = vector.broadcast %lt3A_666 : i32 to vector<16xi32>
    %lt3A_668 = arith.cmpi slt, %rem3A_662, %lt3A_667 : vector<16xi32>
    %lt3A_669 = arith.constant 0 : i32
    %lt3A_670 = arith.cmpi slt, %select_n3A_660, %lt3A_669 : i32
    %ne3A_671 = vector.broadcast %lt3A_670 : i1 to vector<16xi1>
    %ne3A_672 = vector.broadcast %ne3A_671 : vector<16xi1> to vector<16xi1>
    %ne3A_673 = arith.xori %lt3A_668, %ne3A_672 : vector<16xi1>
    %and3A_674 = arith.andi %ne3A_673, %ne3A_665 : vector<16xi1>
    %add3A_675 = vector.broadcast %select_n3A_660 : i32 to vector<16xi32>
    %add3A_676 = arith.addi %rem3A_662, %add3A_675 : vector<16xi32>
    %select_n3A_677 = arith.select %and3A_674, %add3A_676, %rem3A_662 : vector<16xi1>, vector<16xi32>
    %swap3A_678 = arith.constant 10112 : index
    %swap3A_679 = tpu.vector_load %arg6[%swap3A_678] {strides = array<i32>} : memref<10240xi32, #tpu.memory_space<vmem>>, vector<16xi32>,
    %swap3A_680 = vector.shape_cast %swap3A_679 : vector<16xi32> to vector<16xi32>
    %swap3A_681 = vector.shape_cast %select_n3A_677 : vector<16xi32> to vector<16xi32>
    tpu.vector_store %arg6[%swap3A_678], %swap3A_681 {strides = array<i32>} : memref<10240xi32, #tpu.memory_space<vmem>>, vector<16xi32>,
    %mul3A_682 = arith.constant 240 : i32
    %mul3A_683 = arith.muli %add3A, %mul3A_682 : i32
    %add3A_684 = arith.constant 128 : i32
    %add3A_685 = arith.addi %mul3A_683, %add3A_684 : i32
    %add3A_686 = vector.broadcast %add3A_685 : i32 to vector<16xi32>
    %add3A_687 = arith.addi %add3A_686, %iota3A : vector<16xi32>
    %mul3A_688 = arith.constant 41 : i32
    %mul3A_689 = vector.broadcast %mul3A_688 : i32 to vector<16xi32>
    %mul3A_690 = arith.muli %add3A_687, %mul3A_689 : vector<16xi32>
    %jit3A_691 = arith.constant 10000 : i32
    %eq3A_692 = arith.constant 0 : i32
    %eq3A_693 = arith.cmpi eq, %jit3A_691, %eq3A_692 : i32
    %jit3A_694 = arith.constant 1 : i32
    %select_n3A_695 = arith.select %eq3A_693, %jit3A_694, %jit3A_691 : i32
    %rem3A_696 = vector.broadcast %select_n3A_695 : i32 to vector<16xi32>
    %rem3A_697 = arith.remsi %mul3A_690, %rem3A_696 : vector<16xi32>
    %ne3A_698 = arith.constant 0 : i32
    %ne3A_699 = vector.broadcast %ne3A_698 : i32 to vector<16xi32>
    %ne3A_700 = arith.cmpi ne, %rem3A_697, %ne3A_699 : vector<16xi32>
    %lt3A_701 = arith.constant 0 : i32
    %lt3A_702 = vector.broadcast %lt3A_701 : i32 to vector<16xi32>
    %lt3A_703 = arith.cmpi slt, %rem3A_697, %lt3A_702 : vector<16xi32>
    %lt3A_704 = arith.constant 0 : i32
    %lt3A_705 = arith.cmpi slt, %select_n3A_695, %lt3A_704 : i32
    %ne3A_706 = vector.broadcast %lt3A_705 : i1 to vector<16xi1>
    %ne3A_707 = vector.broadcast %ne3A_706 : vector<16xi1> to vector<16xi1>
    %ne3A_708 = arith.xori %lt3A_703, %ne3A_707 : vector<16xi1>
    %and3A_709 = arith.andi %ne3A_708, %ne3A_700 : vector<16xi1>
    %add3A_710 = vector.broadcast %select_n3A_695 : i32 to vector<16xi32>
    %add3A_711 = arith.addi %rem3A_697, %add3A_710 : vector<16xi32>
    %select_n3A_712 = arith.select %and3A_709, %add3A_711, %rem3A_697 : vector<16xi1>, vector<16xi32>
    %swap3A_713 = arith.constant 10128 : index
    %swap3A_714 = tpu.vector_load %arg6[%swap3A_713] {strides = array<i32>} : memref<10240xi32, #tpu.memory_space<vmem>>, vector<16xi32>,
    %swap3A_715 = vector.shape_cast %swap3A_714 : vector<16xi32> to vector<16xi32>
    %swap3A_716 = vector.shape_cast %select_n3A_712 : vector<16xi32> to vector<16xi32>
    tpu.vector_store %arg6[%swap3A_713], %swap3A_716 {strides = array<i32>} : memref<10240xi32, #tpu.memory_space<vmem>>, vector<16xi32>,
    %mul3A_717 = arith.constant 240 : i32
    %mul3A_718 = arith.muli %add3A, %mul3A_717 : i32
    %add3A_719 = arith.constant 144 : i32
    %add3A_720 = arith.addi %mul3A_718, %add3A_719 : i32
    %add3A_721 = vector.broadcast %add3A_720 : i32 to vector<16xi32>
    %add3A_722 = arith.addi %add3A_721, %iota3A : vector<16xi32>
    %mul3A_723 = arith.constant 41 : i32
    %mul3A_724 = vector.broadcast %mul3A_723 : i32 to vector<16xi32>
    %mul3A_725 = arith.muli %add3A_722, %mul3A_724 : vector<16xi32>
    %jit3A_726 = arith.constant 10000 : i32
    %eq3A_727 = arith.constant 0 : i32
    %eq3A_728 = arith.cmpi eq, %jit3A_726, %eq3A_727 : i32
    %jit3A_729 = arith.constant 1 : i32
    %select_n3A_730 = arith.select %eq3A_728, %jit3A_729, %jit3A_726 : i32
    %rem3A_731 = vector.broadcast %select_n3A_730 : i32 to vector<16xi32>
    %rem3A_732 = arith.remsi %mul3A_725, %rem3A_731 : vector<16xi32>
    %ne3A_733 = arith.constant 0 : i32
    %ne3A_734 = vector.broadcast %ne3A_733 : i32 to vector<16xi32>
    %ne3A_735 = arith.cmpi ne, %rem3A_732, %ne3A_734 : vector<16xi32>
    %lt3A_736 = arith.constant 0 : i32
    %lt3A_737 = vector.broadcast %lt3A_736 : i32 to vector<16xi32>
    %lt3A_738 = arith.cmpi slt, %rem3A_732, %lt3A_737 : vector<16xi32>
    %lt3A_739 = arith.constant 0 : i32
    %lt3A_740 = arith.cmpi slt, %select_n3A_730, %lt3A_739 : i32
    %ne3A_741 = vector.broadcast %lt3A_740 : i1 to vector<16xi1>
    %ne3A_742 = vector.broadcast %ne3A_741 : vector<16xi1> to vector<16xi1>
    %ne3A_743 = arith.xori %lt3A_738, %ne3A_742 : vector<16xi1>
    %and3A_744 = arith.andi %ne3A_743, %ne3A_735 : vector<16xi1>
    %add3A_745 = vector.broadcast %select_n3A_730 : i32 to vector<16xi32>
    %add3A_746 = arith.addi %rem3A_732, %add3A_745 : vector<16xi32>
    %select_n3A_747 = arith.select %and3A_744, %add3A_746, %rem3A_732 : vector<16xi1>, vector<16xi32>
    %swap3A_748 = arith.constant 10144 : index
    %swap3A_749 = tpu.vector_load %arg6[%swap3A_748] {strides = array<i32>} : memref<10240xi32, #tpu.memory_space<vmem>>, vector<16xi32>,
    %swap3A_750 = vector.shape_cast %swap3A_749 : vector<16xi32> to vector<16xi32>
    %swap3A_751 = vector.shape_cast %select_n3A_747 : vector<16xi32> to vector<16xi32>
    tpu.vector_store %arg6[%swap3A_748], %swap3A_751 {strides = array<i32>} : memref<10240xi32, #tpu.memory_space<vmem>>, vector<16xi32>,
    %mul3A_752 = arith.constant 240 : i32
    %mul3A_753 = arith.muli %add3A, %mul3A_752 : i32
    %add3A_754 = arith.constant 160 : i32
    %add3A_755 = arith.addi %mul3A_753, %add3A_754 : i32
    %add3A_756 = vector.broadcast %add3A_755 : i32 to vector<16xi32>
    %add3A_757 = arith.addi %add3A_756, %iota3A : vector<16xi32>
    %mul3A_758 = arith.constant 41 : i32
    %mul3A_759 = vector.broadcast %mul3A_758 : i32 to vector<16xi32>
    %mul3A_760 = arith.muli %add3A_757, %mul3A_759 : vector<16xi32>
    %jit3A_761 = arith.constant 10000 : i32
    %eq3A_762 = arith.constant 0 : i32
    %eq3A_763 = arith.cmpi eq, %jit3A_761, %eq3A_762 : i32
    %jit3A_764 = arith.constant 1 : i32
    %select_n3A_765 = arith.select %eq3A_763, %jit3A_764, %jit3A_761 : i32
    %rem3A_766 = vector.broadcast %select_n3A_765 : i32 to vector<16xi32>
    %rem3A_767 = arith.remsi %mul3A_760, %rem3A_766 : vector<16xi32>
    %ne3A_768 = arith.constant 0 : i32
    %ne3A_769 = vector.broadcast %ne3A_768 : i32 to vector<16xi32>
    %ne3A_770 = arith.cmpi ne, %rem3A_767, %ne3A_769 : vector<16xi32>
    %lt3A_771 = arith.constant 0 : i32
    %lt3A_772 = vector.broadcast %lt3A_771 : i32 to vector<16xi32>
    %lt3A_773 = arith.cmpi slt, %rem3A_767, %lt3A_772 : vector<16xi32>
    %lt3A_774 = arith.constant 0 : i32
    %lt3A_775 = arith.cmpi slt, %select_n3A_765, %lt3A_774 : i32
    %ne3A_776 = vector.broadcast %lt3A_775 : i1 to vector<16xi1>
    %ne3A_777 = vector.broadcast %ne3A_776 : vector<16xi1> to vector<16xi1>
    %ne3A_778 = arith.xori %lt3A_773, %ne3A_777 : vector<16xi1>
    %and3A_779 = arith.andi %ne3A_778, %ne3A_770 : vector<16xi1>
    %add3A_780 = vector.broadcast %select_n3A_765 : i32 to vector<16xi32>
    %add3A_781 = arith.addi %rem3A_767, %add3A_780 : vector<16xi32>
    %select_n3A_782 = arith.select %and3A_779, %add3A_781, %rem3A_767 : vector<16xi1>, vector<16xi32>
    %swap3A_783 = arith.constant 10160 : index
    %swap3A_784 = tpu.vector_load %arg6[%swap3A_783] {strides = array<i32>} : memref<10240xi32, #tpu.memory_space<vmem>>, vector<16xi32>,
    %swap3A_785 = vector.shape_cast %swap3A_784 : vector<16xi32> to vector<16xi32>
    %swap3A_786 = vector.shape_cast %select_n3A_782 : vector<16xi32> to vector<16xi32>
    tpu.vector_store %arg6[%swap3A_783], %swap3A_786 {strides = array<i32>} : memref<10240xi32, #tpu.memory_space<vmem>>, vector<16xi32>,
    %mul3A_787 = arith.constant 240 : i32
    %mul3A_788 = arith.muli %add3A, %mul3A_787 : i32
    %add3A_789 = arith.constant 176 : i32
    %add3A_790 = arith.addi %mul3A_788, %add3A_789 : i32
    %add3A_791 = vector.broadcast %add3A_790 : i32 to vector<16xi32>
    %add3A_792 = arith.addi %add3A_791, %iota3A : vector<16xi32>
    %mul3A_793 = arith.constant 41 : i32
    %mul3A_794 = vector.broadcast %mul3A_793 : i32 to vector<16xi32>
    %mul3A_795 = arith.muli %add3A_792, %mul3A_794 : vector<16xi32>
    %jit3A_796 = arith.constant 10000 : i32
    %eq3A_797 = arith.constant 0 : i32
    %eq3A_798 = arith.cmpi eq, %jit3A_796, %eq3A_797 : i32
    %jit3A_799 = arith.constant 1 : i32
    %select_n3A_800 = arith.select %eq3A_798, %jit3A_799, %jit3A_796 : i32
    %rem3A_801 = vector.broadcast %select_n3A_800 : i32 to vector<16xi32>
    %rem3A_802 = arith.remsi %mul3A_795, %rem3A_801 : vector<16xi32>
    %ne3A_803 = arith.constant 0 : i32
    %ne3A_804 = vector.broadcast %ne3A_803 : i32 to vector<16xi32>
    %ne3A_805 = arith.cmpi ne, %rem3A_802, %ne3A_804 : vector<16xi32>
    %lt3A_806 = arith.constant 0 : i32
    %lt3A_807 = vector.broadcast %lt3A_806 : i32 to vector<16xi32>
    %lt3A_808 = arith.cmpi slt, %rem3A_802, %lt3A_807 : vector<16xi32>
    %lt3A_809 = arith.constant 0 : i32
    %lt3A_810 = arith.cmpi slt, %select_n3A_800, %lt3A_809 : i32
    %ne3A_811 = vector.broadcast %lt3A_810 : i1 to vector<16xi1>
    %ne3A_812 = vector.broadcast %ne3A_811 : vector<16xi1> to vector<16xi1>
    %ne3A_813 = arith.xori %lt3A_808, %ne3A_812 : vector<16xi1>
    %and3A_814 = arith.andi %ne3A_813, %ne3A_805 : vector<16xi1>
    %add3A_815 = vector.broadcast %select_n3A_800 : i32 to vector<16xi32>
    %add3A_816 = arith.addi %rem3A_802, %add3A_815 : vector<16xi32>
    %select_n3A_817 = arith.select %and3A_814, %add3A_816, %rem3A_802 : vector<16xi1>, vector<16xi32>
    %swap3A_818 = arith.constant 10176 : index
    %swap3A_819 = tpu.vector_load %arg6[%swap3A_818] {strides = array<i32>} : memref<10240xi32, #tpu.memory_space<vmem>>, vector<16xi32>,
    %swap3A_820 = vector.shape_cast %swap3A_819 : vector<16xi32> to vector<16xi32>
    %swap3A_821 = vector.shape_cast %select_n3A_817 : vector<16xi32> to vector<16xi32>
    tpu.vector_store %arg6[%swap3A_818], %swap3A_821 {strides = array<i32>} : memref<10240xi32, #tpu.memory_space<vmem>>, vector<16xi32>,
    %mul3A_822 = arith.constant 240 : i32
    %mul3A_823 = arith.muli %add3A, %mul3A_822 : i32
    %add3A_824 = arith.constant 192 : i32
    %add3A_825 = arith.addi %mul3A_823, %add3A_824 : i32
    %add3A_826 = vector.broadcast %add3A_825 : i32 to vector<16xi32>
    %add3A_827 = arith.addi %add3A_826, %iota3A : vector<16xi32>
    %mul3A_828 = arith.constant 41 : i32
    %mul3A_829 = vector.broadcast %mul3A_828 : i32 to vector<16xi32>
    %mul3A_830 = arith.muli %add3A_827, %mul3A_829 : vector<16xi32>
    %jit3A_831 = arith.constant 10000 : i32
    %eq3A_832 = arith.constant 0 : i32
    %eq3A_833 = arith.cmpi eq, %jit3A_831, %eq3A_832 : i32
    %jit3A_834 = arith.constant 1 : i32
    %select_n3A_835 = arith.select %eq3A_833, %jit3A_834, %jit3A_831 : i32
    %rem3A_836 = vector.broadcast %select_n3A_835 : i32 to vector<16xi32>
    %rem3A_837 = arith.remsi %mul3A_830, %rem3A_836 : vector<16xi32>
    %ne3A_838 = arith.constant 0 : i32
    %ne3A_839 = vector.broadcast %ne3A_838 : i32 to vector<16xi32>
    %ne3A_840 = arith.cmpi ne, %rem3A_837, %ne3A_839 : vector<16xi32>
    %lt3A_841 = arith.constant 0 : i32
    %lt3A_842 = vector.broadcast %lt3A_841 : i32 to vector<16xi32>
    %lt3A_843 = arith.cmpi slt, %rem3A_837, %lt3A_842 : vector<16xi32>
    %lt3A_844 = arith.constant 0 : i32
    %lt3A_845 = arith.cmpi slt, %select_n3A_835, %lt3A_844 : i32
    %ne3A_846 = vector.broadcast %lt3A_845 : i1 to vector<16xi1>
    %ne3A_847 = vector.broadcast %ne3A_846 : vector<16xi1> to vector<16xi1>
    %ne3A_848 = arith.xori %lt3A_843, %ne3A_847 : vector<16xi1>
    %and3A_849 = arith.andi %ne3A_848, %ne3A_840 : vector<16xi1>
    %add3A_850 = vector.broadcast %select_n3A_835 : i32 to vector<16xi32>
    %add3A_851 = arith.addi %rem3A_837, %add3A_850 : vector<16xi32>
    %select_n3A_852 = arith.select %and3A_849, %add3A_851, %rem3A_837 : vector<16xi1>, vector<16xi32>
    %swap3A_853 = arith.constant 10192 : index
    %swap3A_854 = tpu.vector_load %arg6[%swap3A_853] {strides = array<i32>} : memref<10240xi32, #tpu.memory_space<vmem>>, vector<16xi32>,
    %swap3A_855 = vector.shape_cast %swap3A_854 : vector<16xi32> to vector<16xi32>
    %swap3A_856 = vector.shape_cast %select_n3A_852 : vector<16xi32> to vector<16xi32>
    tpu.vector_store %arg6[%swap3A_853], %swap3A_856 {strides = array<i32>} : memref<10240xi32, #tpu.memory_space<vmem>>, vector<16xi32>,
    %mul3A_857 = arith.constant 240 : i32
    %mul3A_858 = arith.muli %add3A, %mul3A_857 : i32
    %add3A_859 = arith.constant 208 : i32
    %add3A_860 = arith.addi %mul3A_858, %add3A_859 : i32
    %add3A_861 = vector.broadcast %add3A_860 : i32 to vector<16xi32>
    %add3A_862 = arith.addi %add3A_861, %iota3A : vector<16xi32>
    %mul3A_863 = arith.constant 41 : i32
    %mul3A_864 = vector.broadcast %mul3A_863 : i32 to vector<16xi32>
    %mul3A_865 = arith.muli %add3A_862, %mul3A_864 : vector<16xi32>
    %jit3A_866 = arith.constant 10000 : i32
    %eq3A_867 = arith.constant 0 : i32
    %eq3A_868 = arith.cmpi eq, %jit3A_866, %eq3A_867 : i32
    %jit3A_869 = arith.constant 1 : i32
    %select_n3A_870 = arith.select %eq3A_868, %jit3A_869, %jit3A_866 : i32
    %rem3A_871 = vector.broadcast %select_n3A_870 : i32 to vector<16xi32>
    %rem3A_872 = arith.remsi %mul3A_865, %rem3A_871 : vector<16xi32>
    %ne3A_873 = arith.constant 0 : i32
    %ne3A_874 = vector.broadcast %ne3A_873 : i32 to vector<16xi32>
    %ne3A_875 = arith.cmpi ne, %rem3A_872, %ne3A_874 : vector<16xi32>
    %lt3A_876 = arith.constant 0 : i32
    %lt3A_877 = vector.broadcast %lt3A_876 : i32 to vector<16xi32>
    %lt3A_878 = arith.cmpi slt, %rem3A_872, %lt3A_877 : vector<16xi32>
    %lt3A_879 = arith.constant 0 : i32
    %lt3A_880 = arith.cmpi slt, %select_n3A_870, %lt3A_879 : i32
    %ne3A_881 = vector.broadcast %lt3A_880 : i1 to vector<16xi1>
    %ne3A_882 = vector.broadcast %ne3A_881 : vector<16xi1> to vector<16xi1>
    %ne3A_883 = arith.xori %lt3A_878, %ne3A_882 : vector<16xi1>
    %and3A_884 = arith.andi %ne3A_883, %ne3A_875 : vector<16xi1>
    %add3A_885 = vector.broadcast %select_n3A_870 : i32 to vector<16xi32>
    %add3A_886 = arith.addi %rem3A_872, %add3A_885 : vector<16xi32>
    %select_n3A_887 = arith.select %and3A_884, %add3A_886, %rem3A_872 : vector<16xi1>, vector<16xi32>
    %swap3A_888 = arith.constant 10208 : index
    %swap3A_889 = tpu.vector_load %arg6[%swap3A_888] {strides = array<i32>} : memref<10240xi32, #tpu.memory_space<vmem>>, vector<16xi32>,
    %swap3A_890 = vector.shape_cast %swap3A_889 : vector<16xi32> to vector<16xi32>
    %swap3A_891 = vector.shape_cast %select_n3A_887 : vector<16xi32> to vector<16xi32>
    tpu.vector_store %arg6[%swap3A_888], %swap3A_891 {strides = array<i32>} : memref<10240xi32, #tpu.memory_space<vmem>>, vector<16xi32>,
    %mul3A_892 = arith.constant 240 : i32
    %mul3A_893 = arith.muli %add3A, %mul3A_892 : i32
    %add3A_894 = arith.constant 224 : i32
    %add3A_895 = arith.addi %mul3A_893, %add3A_894 : i32
    %add3A_896 = vector.broadcast %add3A_895 : i32 to vector<16xi32>
    %add3A_897 = arith.addi %add3A_896, %iota3A : vector<16xi32>
    %mul3A_898 = arith.constant 41 : i32
    %mul3A_899 = vector.broadcast %mul3A_898 : i32 to vector<16xi32>
    %mul3A_900 = arith.muli %add3A_897, %mul3A_899 : vector<16xi32>
    %jit3A_901 = arith.constant 10000 : i32
    %eq3A_902 = arith.constant 0 : i32
    %eq3A_903 = arith.cmpi eq, %jit3A_901, %eq3A_902 : i32
    %jit3A_904 = arith.constant 1 : i32
    %select_n3A_905 = arith.select %eq3A_903, %jit3A_904, %jit3A_901 : i32
    %rem3A_906 = vector.broadcast %select_n3A_905 : i32 to vector<16xi32>
    %rem3A_907 = arith.remsi %mul3A_900, %rem3A_906 : vector<16xi32>
    %ne3A_908 = arith.constant 0 : i32
    %ne3A_909 = vector.broadcast %ne3A_908 : i32 to vector<16xi32>
    %ne3A_910 = arith.cmpi ne, %rem3A_907, %ne3A_909 : vector<16xi32>
    %lt3A_911 = arith.constant 0 : i32
    %lt3A_912 = vector.broadcast %lt3A_911 : i32 to vector<16xi32>
    %lt3A_913 = arith.cmpi slt, %rem3A_907, %lt3A_912 : vector<16xi32>
    %lt3A_914 = arith.constant 0 : i32
    %lt3A_915 = arith.cmpi slt, %select_n3A_905, %lt3A_914 : i32
    %ne3A_916 = vector.broadcast %lt3A_915 : i1 to vector<16xi1>
    %ne3A_917 = vector.broadcast %ne3A_916 : vector<16xi1> to vector<16xi1>
    %ne3A_918 = arith.xori %lt3A_913, %ne3A_917 : vector<16xi1>
    %and3A_919 = arith.andi %ne3A_918, %ne3A_910 : vector<16xi1>
    %add3A_920 = vector.broadcast %select_n3A_905 : i32 to vector<16xi32>
    %add3A_921 = arith.addi %rem3A_907, %add3A_920 : vector<16xi32>
    %select_n3A_922 = arith.select %and3A_919, %add3A_921, %rem3A_907 : vector<16xi1>, vector<16xi32>
    %swap3A_923 = arith.constant 10224 : index
    %swap3A_924 = tpu.vector_load %arg6[%swap3A_923] {strides = array<i32>} : memref<10240xi32, #tpu.memory_space<vmem>>, vector<16xi32>,
    %swap3A_925 = vector.shape_cast %swap3A_924 : vector<16xi32> to vector<16xi32>
    %swap3A_926 = vector.shape_cast %select_n3A_922 : vector<16xi32> to vector<16xi32>
    tpu.vector_store %arg6[%swap3A_923], %swap3A_926 {strides = array<i32>} : memref<10240xi32, #tpu.memory_space<vmem>>, vector<16xi32>,
    %barrier3A = arith.constant 0 : index
    tpu.barrier barrier_id(%barrier3A)
    %scan3A_927 = arith.constant 0 : i32
    %scan3A_928 = arith.constant 0 : i32
    %scan3A_929 = arith.constant 10 : i32
    %scan3A_930 = arith.addi %scan3A_928, %scan3A_929 : i32
    %scan3A_931 = arith.constant 1 : i32
    scf.for %scan3A_940 = %scan3A_928 to %scan3A_930 step %scan3A_931  : i32 {
      %mul3A_941 = arith.constant 8 : i32
      %mul3A_942 = arith.muli %scan3A_940, %mul3A_941 : i32
      %add3A_943 = arith.constant 0 : i32
      %add3A_944 = arith.addi %mul3A_942, %add3A_943 : i32
      %mul3A_945 = arith.constant 128 : i32
      %mul3A_946 = arith.muli %add3A_944, %mul3A_945 : i32
      %dma_wait3A_947 = arith.constant 0 : i32
      %dma_wait3A_948 = arith.constant 0 : i32
      %dma_wait3A_949 = arith.constant 0 : i32
      %dma_wait3A_950 = tpu.memref_slice %arg7[%dma_wait3A_947, %dma_wait3A_948, %dma_wait3A_949] : memref<8x128x64xf32, #tpu.memory_space<vmem>> -> memref<1x128x64xf32, #tpu.memory_space<vmem>>
      %dma_wait3A_951 = tpu.memref_squeeze %dma_wait3A_950 : memref<1x128x64xf32, #tpu.memory_space<vmem>> -> memref<128x64xf32, #tpu.memory_space<vmem>>
      %dma_wait3A_952 = tpu.memref_slice %arg5[%mul3A_946] : memref<10240xi32, #tpu.memory_space<vmem>> -> memref<128xi32, #tpu.memory_space<vmem>>
      %dma_wait3A_953 = arith.constant 0 : i32
      %dma_wait3A_954 = arith.constant 0 : i32
      %dma_wait3A_955 = tpu.memref_slice %arg2[%dma_wait3A_953, %dma_wait3A_954] : memref<10016x64xf32, #tpu.memory_space<hbm>> -> memref<10016x64xf32, #tpu.memory_space<hbm>>
      tpu.wait_indirect_dma semaphore(%arg9 : memref<!tpu.dma_semaphore, #tpu.memory_space<semaphore_mem>>) src(%dma_wait3A_955 : memref<10016x64xf32, #tpu.memory_space<hbm>>) dst(%dma_wait3A_951 : memref<128x64xf32, #tpu.memory_space<vmem>>)
      %mul3A_956 = arith.constant 128 : i32
      %mul3A_957 = arith.muli %add3A_944, %mul3A_956 : i32
      %run_scoped3A = arith.constant 0 : i32
      "tpu.region"() ({
        %run_scoped3A_1122 = tpu.sem_alloc : memref<!tpu.dma_semaphore, #tpu.memory_space<semaphore_mem>>
        %dma_start3A_1123 = arith.constant 0 : i32
        %dma_start3A_1124 = arith.constant 0 : i32
        %dma_start3A_1125 = tpu.memref_slice %arg7[%run_scoped3A, %dma_start3A_1123, %dma_start3A_1124] : memref<8x128x64xf32, #tpu.memory_space<vmem>> -> memref<1x128x64xf32, #tpu.memory_space<vmem>>
        %dma_start3A_1126 = tpu.memref_squeeze %dma_start3A_1125 : memref<1x128x64xf32, #tpu.memory_space<vmem>> -> memref<128x64xf32, #tpu.memory_space<vmem>>
        %dma_start3A_1127 = tpu.memref_slice %arg6[%mul3A_957] : memref<10240xi32, #tpu.memory_space<vmem>> -> memref<128xi32, #tpu.memory_space<vmem>>
        %dma_start3A_1128 = arith.constant 0 : i32
        %dma_start3A_1129 = arith.constant 0 : i32
        %dma_start3A_1130 = tpu.memref_slice %arg8[%dma_start3A_1128, %dma_start3A_1129] : memref<10000x64xf32, #tpu.memory_space<vmem_shared>> -> memref<10000x64xf32, #tpu.memory_space<vmem_shared>>
        tpu.enqueue_indirect_dma source(%dma_start3A_1126 : memref<128x64xf32, #tpu.memory_space<vmem>>) target(%dma_start3A_1130 : memref<10000x64xf32, #tpu.memory_space<vmem_shared>>) offsets(%dma_start3A_1127 : memref<128xi32, #tpu.memory_space<vmem>>) semaphore(%run_scoped3A_1122 : memref<!tpu.dma_semaphore, #tpu.memory_space<semaphore_mem>>) {add = true}
        %dma_wait3A_1131 = arith.constant 0 : i32
        %dma_wait3A_1132 = arith.constant 0 : i32
        %dma_wait3A_1133 = tpu.memref_slice %arg7[%run_scoped3A, %dma_wait3A_1131, %dma_wait3A_1132] : memref<8x128x64xf32, #tpu.memory_space<vmem>> -> memref<1x128x64xf32, #tpu.memory_space<vmem>>
        %dma_wait3A_1134 = tpu.memref_squeeze %dma_wait3A_1133 : memref<1x128x64xf32, #tpu.memory_space<vmem>> -> memref<128x64xf32, #tpu.memory_space<vmem>>
        %dma_wait3A_1135 = tpu.memref_slice %arg6[%mul3A_957] : memref<10240xi32, #tpu.memory_space<vmem>> -> memref<128xi32, #tpu.memory_space<vmem>>
        %dma_wait3A_1136 = arith.constant 0 : i32
        %dma_wait3A_1137 = arith.constant 0 : i32
        %dma_wait3A_1138 = tpu.memref_slice %arg8[%dma_wait3A_1136, %dma_wait3A_1137] : memref<10000x64xf32, #tpu.memory_space<vmem_shared>> -> memref<10000x64xf32, #tpu.memory_space<vmem_shared>>
        tpu.wait_indirect_dma semaphore(%run_scoped3A_1122 : memref<!tpu.dma_semaphore, #tpu.memory_space<semaphore_mem>>) src(%dma_wait3A_1134 : memref<128x64xf32, #tpu.memory_space<vmem>>) dst(%dma_wait3A_1138 : memref<10000x64xf32, #tpu.memory_space<vmem_shared>>)
        tpu.yield
      }) : () -> ()
      %lt3A_958 = arith.constant 9 : i32
      %lt3A_959 = arith.cmpi slt, %scan3A_940, %lt3A_958 : i32
      %convert_element_type3A = arith.extui %lt3A_959 : i1 to i32
      %cond3A = arith.constant 0 : i32
      %cond3A_960 = arith.cmpi ne, %convert_element_type3A, %cond3A : i32
      scf.if %cond3A_960 {
        %add3A_1122 = arith.constant 8 : i32
        %add3A_1123 = arith.addi %add3A_944, %add3A_1122 : i32
        %mul3A_1124 = arith.constant 128 : i32
        %mul3A_1125 = arith.muli %add3A_1123, %mul3A_1124 : i32
        %dma_start3A_1126 = arith.constant 0 : i32
        %dma_start3A_1127 = arith.constant 0 : i32
        %dma_start3A_1128 = arith.constant 0 : i32
        %dma_start3A_1129 = tpu.memref_slice %arg7[%dma_start3A_1126, %dma_start3A_1127, %dma_start3A_1128] : memref<8x128x64xf32, #tpu.memory_space<vmem>> -> memref<1x128x64xf32, #tpu.memory_space<vmem>>
        %dma_start3A_1130 = tpu.memref_squeeze %dma_start3A_1129 : memref<1x128x64xf32, #tpu.memory_space<vmem>> -> memref<128x64xf32, #tpu.memory_space<vmem>>
        %dma_start3A_1131 = tpu.memref_slice %arg5[%mul3A_1125] : memref<10240xi32, #tpu.memory_space<vmem>> -> memref<128xi32, #tpu.memory_space<vmem>>
        %dma_start3A_1132 = arith.constant 0 : i32
        %dma_start3A_1133 = arith.constant 0 : i32
        %dma_start3A_1134 = tpu.memref_slice %arg2[%dma_start3A_1132, %dma_start3A_1133] : memref<10016x64xf32, #tpu.memory_space<hbm>> -> memref<10016x64xf32, #tpu.memory_space<hbm>>
        tpu.enqueue_indirect_dma source(%dma_start3A_1134 : memref<10016x64xf32, #tpu.memory_space<hbm>>) target(%dma_start3A_1130 : memref<128x64xf32, #tpu.memory_space<vmem>>) offsets(%dma_start3A_1131 : memref<128xi32, #tpu.memory_space<vmem>>) semaphore(%arg9 : memref<!tpu.dma_semaphore, #tpu.memory_space<semaphore_mem>>)
      } else {
      }
      %mul3A_961 = arith.constant 8 : i32
      %mul3A_962 = arith.muli %scan3A_940, %mul3A_961 : i32
      %add3A_963 = arith.constant 1 : i32
      %add3A_964 = arith.addi %mul3A_962, %add3A_963 : i32
      %mul3A_965 = arith.constant 128 : i32
      %mul3A_966 = arith.muli %add3A_964, %mul3A_965 : i32
      %dma_wait3A_967 = arith.constant 1 : i32
      %dma_wait3A_968 = arith.constant 0 : i32
      %dma_wait3A_969 = arith.constant 0 : i32
      %dma_wait3A_970 = tpu.memref_slice %arg7[%dma_wait3A_967, %dma_wait3A_968, %dma_wait3A_969] : memref<8x128x64xf32, #tpu.memory_space<vmem>> -> memref<1x128x64xf32, #tpu.memory_space<vmem>>
      %dma_wait3A_971 = tpu.memref_squeeze %dma_wait3A_970 : memref<1x128x64xf32, #tpu.memory_space<vmem>> -> memref<128x64xf32, #tpu.memory_space<vmem>>
      %dma_wait3A_972 = tpu.memref_slice %arg5[%mul3A_966] : memref<10240xi32, #tpu.memory_space<vmem>> -> memref<128xi32, #tpu.memory_space<vmem>>
      %dma_wait3A_973 = arith.constant 0 : i32
      %dma_wait3A_974 = arith.constant 0 : i32
      %dma_wait3A_975 = tpu.memref_slice %arg2[%dma_wait3A_973, %dma_wait3A_974] : memref<10016x64xf32, #tpu.memory_space<hbm>> -> memref<10016x64xf32, #tpu.memory_space<hbm>>
      tpu.wait_indirect_dma semaphore(%arg10 : memref<!tpu.dma_semaphore, #tpu.memory_space<semaphore_mem>>) src(%dma_wait3A_975 : memref<10016x64xf32, #tpu.memory_space<hbm>>) dst(%dma_wait3A_971 : memref<128x64xf32, #tpu.memory_space<vmem>>)
      %mul3A_976 = arith.constant 128 : i32
      %mul3A_977 = arith.muli %add3A_964, %mul3A_976 : i32
      %run_scoped3A_978 = arith.constant 1 : i32
      "tpu.region"() ({
        %run_scoped3A_1122 = tpu.sem_alloc : memref<!tpu.dma_semaphore, #tpu.memory_space<semaphore_mem>>
        %dma_start3A_1123 = arith.constant 0 : i32
        %dma_start3A_1124 = arith.constant 0 : i32
        %dma_start3A_1125 = tpu.memref_slice %arg7[%run_scoped3A_978, %dma_start3A_1123, %dma_start3A_1124] : memref<8x128x64xf32, #tpu.memory_space<vmem>> -> memref<1x128x64xf32, #tpu.memory_space<vmem>>
        %dma_start3A_1126 = tpu.memref_squeeze %dma_start3A_1125 : memref<1x128x64xf32, #tpu.memory_space<vmem>> -> memref<128x64xf32, #tpu.memory_space<vmem>>
        %dma_start3A_1127 = tpu.memref_slice %arg6[%mul3A_977] : memref<10240xi32, #tpu.memory_space<vmem>> -> memref<128xi32, #tpu.memory_space<vmem>>
        %dma_start3A_1128 = arith.constant 0 : i32
        %dma_start3A_1129 = arith.constant 0 : i32
        %dma_start3A_1130 = tpu.memref_slice %arg8[%dma_start3A_1128, %dma_start3A_1129] : memref<10000x64xf32, #tpu.memory_space<vmem_shared>> -> memref<10000x64xf32, #tpu.memory_space<vmem_shared>>
        tpu.enqueue_indirect_dma source(%dma_start3A_1126 : memref<128x64xf32, #tpu.memory_space<vmem>>) target(%dma_start3A_1130 : memref<10000x64xf32, #tpu.memory_space<vmem_shared>>) offsets(%dma_start3A_1127 : memref<128xi32, #tpu.memory_space<vmem>>) semaphore(%run_scoped3A_1122 : memref<!tpu.dma_semaphore, #tpu.memory_space<semaphore_mem>>) {add = true}
        %dma_wait3A_1131 = arith.constant 0 : i32
        %dma_wait3A_1132 = arith.constant 0 : i32
        %dma_wait3A_1133 = tpu.memref_slice %arg7[%run_scoped3A_978, %dma_wait3A_1131, %dma_wait3A_1132] : memref<8x128x64xf32, #tpu.memory_space<vmem>> -> memref<1x128x64xf32, #tpu.memory_space<vmem>>
        %dma_wait3A_1134 = tpu.memref_squeeze %dma_wait3A_1133 : memref<1x128x64xf32, #tpu.memory_space<vmem>> -> memref<128x64xf32, #tpu.memory_space<vmem>>
        %dma_wait3A_1135 = tpu.memref_slice %arg6[%mul3A_977] : memref<10240xi32, #tpu.memory_space<vmem>> -> memref<128xi32, #tpu.memory_space<vmem>>
        %dma_wait3A_1136 = arith.constant 0 : i32
        %dma_wait3A_1137 = arith.constant 0 : i32
        %dma_wait3A_1138 = tpu.memref_slice %arg8[%dma_wait3A_1136, %dma_wait3A_1137] : memref<10000x64xf32, #tpu.memory_space<vmem_shared>> -> memref<10000x64xf32, #tpu.memory_space<vmem_shared>>
        tpu.wait_indirect_dma semaphore(%run_scoped3A_1122 : memref<!tpu.dma_semaphore, #tpu.memory_space<semaphore_mem>>) src(%dma_wait3A_1134 : memref<128x64xf32, #tpu.memory_space<vmem>>) dst(%dma_wait3A_1138 : memref<10000x64xf32, #tpu.memory_space<vmem_shared>>)
        tpu.yield
      }) : () -> ()
      %lt3A_979 = arith.constant 9 : i32
      %lt3A_980 = arith.cmpi slt, %scan3A_940, %lt3A_979 : i32
      %convert_element_type3A_981 = arith.extui %lt3A_980 : i1 to i32
      %cond3A_982 = arith.constant 0 : i32
      %cond3A_983 = arith.cmpi ne, %convert_element_type3A_981, %cond3A_982 : i32
      scf.if %cond3A_983 {
        %add3A_1122 = arith.constant 8 : i32
        %add3A_1123 = arith.addi %add3A_964, %add3A_1122 : i32
        %mul3A_1124 = arith.constant 128 : i32
        %mul3A_1125 = arith.muli %add3A_1123, %mul3A_1124 : i32
        %dma_start3A_1126 = arith.constant 1 : i32
        %dma_start3A_1127 = arith.constant 0 : i32
        %dma_start3A_1128 = arith.constant 0 : i32
        %dma_start3A_1129 = tpu.memref_slice %arg7[%dma_start3A_1126, %dma_start3A_1127, %dma_start3A_1128] : memref<8x128x64xf32, #tpu.memory_space<vmem>> -> memref<1x128x64xf32, #tpu.memory_space<vmem>>
        %dma_start3A_1130 = tpu.memref_squeeze %dma_start3A_1129 : memref<1x128x64xf32, #tpu.memory_space<vmem>> -> memref<128x64xf32, #tpu.memory_space<vmem>>
        %dma_start3A_1131 = tpu.memref_slice %arg5[%mul3A_1125] : memref<10240xi32, #tpu.memory_space<vmem>> -> memref<128xi32, #tpu.memory_space<vmem>>
        %dma_start3A_1132 = arith.constant 0 : i32
        %dma_start3A_1133 = arith.constant 0 : i32
        %dma_start3A_1134 = tpu.memref_slice %arg2[%dma_start3A_1132, %dma_start3A_1133] : memref<10016x64xf32, #tpu.memory_space<hbm>> -> memref<10016x64xf32, #tpu.memory_space<hbm>>
        tpu.enqueue_indirect_dma source(%dma_start3A_1134 : memref<10016x64xf32, #tpu.memory_space<hbm>>) target(%dma_start3A_1130 : memref<128x64xf32, #tpu.memory_space<vmem>>) offsets(%dma_start3A_1131 : memref<128xi32, #tpu.memory_space<vmem>>) semaphore(%arg10 : memref<!tpu.dma_semaphore, #tpu.memory_space<semaphore_mem>>)
      } else {
      }
      %mul3A_984 = arith.constant 8 : i32
      %mul3A_985 = arith.muli %scan3A_940, %mul3A_984 : i32
      %add3A_986 = arith.constant 2 : i32
      %add3A_987 = arith.addi %mul3A_985, %add3A_986 : i32
      %mul3A_988 = arith.constant 128 : i32
      %mul3A_989 = arith.muli %add3A_987, %mul3A_988 : i32
      %dma_wait3A_990 = arith.constant 2 : i32
      %dma_wait3A_991 = arith.constant 0 : i32
      %dma_wait3A_992 = arith.constant 0 : i32
      %dma_wait3A_993 = tpu.memref_slice %arg7[%dma_wait3A_990, %dma_wait3A_991, %dma_wait3A_992] : memref<8x128x64xf32, #tpu.memory_space<vmem>> -> memref<1x128x64xf32, #tpu.memory_space<vmem>>
      %dma_wait3A_994 = tpu.memref_squeeze %dma_wait3A_993 : memref<1x128x64xf32, #tpu.memory_space<vmem>> -> memref<128x64xf32, #tpu.memory_space<vmem>>
      %dma_wait3A_995 = tpu.memref_slice %arg5[%mul3A_989] : memref<10240xi32, #tpu.memory_space<vmem>> -> memref<128xi32, #tpu.memory_space<vmem>>
      %dma_wait3A_996 = arith.constant 0 : i32
      %dma_wait3A_997 = arith.constant 0 : i32
      %dma_wait3A_998 = tpu.memref_slice %arg2[%dma_wait3A_996, %dma_wait3A_997] : memref<10016x64xf32, #tpu.memory_space<hbm>> -> memref<10016x64xf32, #tpu.memory_space<hbm>>
      tpu.wait_indirect_dma semaphore(%arg11 : memref<!tpu.dma_semaphore, #tpu.memory_space<semaphore_mem>>) src(%dma_wait3A_998 : memref<10016x64xf32, #tpu.memory_space<hbm>>) dst(%dma_wait3A_994 : memref<128x64xf32, #tpu.memory_space<vmem>>)
      %mul3A_999 = arith.constant 128 : i32
      %mul3A_1000 = arith.muli %add3A_987, %mul3A_999 : i32
      %run_scoped3A_1001 = arith.constant 2 : i32
      "tpu.region"() ({
        %run_scoped3A_1122 = tpu.sem_alloc : memref<!tpu.dma_semaphore, #tpu.memory_space<semaphore_mem>>
        %dma_start3A_1123 = arith.constant 0 : i32
        %dma_start3A_1124 = arith.constant 0 : i32
        %dma_start3A_1125 = tpu.memref_slice %arg7[%run_scoped3A_1001, %dma_start3A_1123, %dma_start3A_1124] : memref<8x128x64xf32, #tpu.memory_space<vmem>> -> memref<1x128x64xf32, #tpu.memory_space<vmem>>
        %dma_start3A_1126 = tpu.memref_squeeze %dma_start3A_1125 : memref<1x128x64xf32, #tpu.memory_space<vmem>> -> memref<128x64xf32, #tpu.memory_space<vmem>>
        %dma_start3A_1127 = tpu.memref_slice %arg6[%mul3A_1000] : memref<10240xi32, #tpu.memory_space<vmem>> -> memref<128xi32, #tpu.memory_space<vmem>>
        %dma_start3A_1128 = arith.constant 0 : i32
        %dma_start3A_1129 = arith.constant 0 : i32
        %dma_start3A_1130 = tpu.memref_slice %arg8[%dma_start3A_1128, %dma_start3A_1129] : memref<10000x64xf32, #tpu.memory_space<vmem_shared>> -> memref<10000x64xf32, #tpu.memory_space<vmem_shared>>
        tpu.enqueue_indirect_dma source(%dma_start3A_1126 : memref<128x64xf32, #tpu.memory_space<vmem>>) target(%dma_start3A_1130 : memref<10000x64xf32, #tpu.memory_space<vmem_shared>>) offsets(%dma_start3A_1127 : memref<128xi32, #tpu.memory_space<vmem>>) semaphore(%run_scoped3A_1122 : memref<!tpu.dma_semaphore, #tpu.memory_space<semaphore_mem>>) {add = true}
        %dma_wait3A_1131 = arith.constant 0 : i32
        %dma_wait3A_1132 = arith.constant 0 : i32
        %dma_wait3A_1133 = tpu.memref_slice %arg7[%run_scoped3A_1001, %dma_wait3A_1131, %dma_wait3A_1132] : memref<8x128x64xf32, #tpu.memory_space<vmem>> -> memref<1x128x64xf32, #tpu.memory_space<vmem>>
        %dma_wait3A_1134 = tpu.memref_squeeze %dma_wait3A_1133 : memref<1x128x64xf32, #tpu.memory_space<vmem>> -> memref<128x64xf32, #tpu.memory_space<vmem>>
        %dma_wait3A_1135 = tpu.memref_slice %arg6[%mul3A_1000] : memref<10240xi32, #tpu.memory_space<vmem>> -> memref<128xi32, #tpu.memory_space<vmem>>
        %dma_wait3A_1136 = arith.constant 0 : i32
        %dma_wait3A_1137 = arith.constant 0 : i32
        %dma_wait3A_1138 = tpu.memref_slice %arg8[%dma_wait3A_1136, %dma_wait3A_1137] : memref<10000x64xf32, #tpu.memory_space<vmem_shared>> -> memref<10000x64xf32, #tpu.memory_space<vmem_shared>>
        tpu.wait_indirect_dma semaphore(%run_scoped3A_1122 : memref<!tpu.dma_semaphore, #tpu.memory_space<semaphore_mem>>) src(%dma_wait3A_1134 : memref<128x64xf32, #tpu.memory_space<vmem>>) dst(%dma_wait3A_1138 : memref<10000x64xf32, #tpu.memory_space<vmem_shared>>)
        tpu.yield
      }) : () -> ()
      %lt3A_1002 = arith.constant 9 : i32
      %lt3A_1003 = arith.cmpi slt, %scan3A_940, %lt3A_1002 : i32
      %convert_element_type3A_1004 = arith.extui %lt3A_1003 : i1 to i32
      %cond3A_1005 = arith.constant 0 : i32
      %cond3A_1006 = arith.cmpi ne, %convert_element_type3A_1004, %cond3A_1005 : i32
      scf.if %cond3A_1006 {
        %add3A_1122 = arith.constant 8 : i32
        %add3A_1123 = arith.addi %add3A_987, %add3A_1122 : i32
        %mul3A_1124 = arith.constant 128 : i32
        %mul3A_1125 = arith.muli %add3A_1123, %mul3A_1124 : i32
        %dma_start3A_1126 = arith.constant 2 : i32
        %dma_start3A_1127 = arith.constant 0 : i32
        %dma_start3A_1128 = arith.constant 0 : i32
        %dma_start3A_1129 = tpu.memref_slice %arg7[%dma_start3A_1126, %dma_start3A_1127, %dma_start3A_1128] : memref<8x128x64xf32, #tpu.memory_space<vmem>> -> memref<1x128x64xf32, #tpu.memory_space<vmem>>
        %dma_start3A_1130 = tpu.memref_squeeze %dma_start3A_1129 : memref<1x128x64xf32, #tpu.memory_space<vmem>> -> memref<128x64xf32, #tpu.memory_space<vmem>>
        %dma_start3A_1131 = tpu.memref_slice %arg5[%mul3A_1125] : memref<10240xi32, #tpu.memory_space<vmem>> -> memref<128xi32, #tpu.memory_space<vmem>>
        %dma_start3A_1132 = arith.constant 0 : i32
        %dma_start3A_1133 = arith.constant 0 : i32
        %dma_start3A_1134 = tpu.memref_slice %arg2[%dma_start3A_1132, %dma_start3A_1133] : memref<10016x64xf32, #tpu.memory_space<hbm>> -> memref<10016x64xf32, #tpu.memory_space<hbm>>
        tpu.enqueue_indirect_dma source(%dma_start3A_1134 : memref<10016x64xf32, #tpu.memory_space<hbm>>) target(%dma_start3A_1130 : memref<128x64xf32, #tpu.memory_space<vmem>>) offsets(%dma_start3A_1131 : memref<128xi32, #tpu.memory_space<vmem>>) semaphore(%arg11 : memref<!tpu.dma_semaphore, #tpu.memory_space<semaphore_mem>>)
      } else {
      }
      %mul3A_1007 = arith.constant 8 : i32
      %mul3A_1008 = arith.muli %scan3A_940, %mul3A_1007 : i32
      %add3A_1009 = arith.constant 3 : i32
      %add3A_1010 = arith.addi %mul3A_1008, %add3A_1009 : i32
      %mul3A_1011 = arith.constant 128 : i32
      %mul3A_1012 = arith.muli %add3A_1010, %mul3A_1011 : i32
      %dma_wait3A_1013 = arith.constant 3 : i32
      %dma_wait3A_1014 = arith.constant 0 : i32
      %dma_wait3A_1015 = arith.constant 0 : i32
      %dma_wait3A_1016 = tpu.memref_slice %arg7[%dma_wait3A_1013, %dma_wait3A_1014, %dma_wait3A_1015] : memref<8x128x64xf32, #tpu.memory_space<vmem>> -> memref<1x128x64xf32, #tpu.memory_space<vmem>>
      %dma_wait3A_1017 = tpu.memref_squeeze %dma_wait3A_1016 : memref<1x128x64xf32, #tpu.memory_space<vmem>> -> memref<128x64xf32, #tpu.memory_space<vmem>>
      %dma_wait3A_1018 = tpu.memref_slice %arg5[%mul3A_1012] : memref<10240xi32, #tpu.memory_space<vmem>> -> memref<128xi32, #tpu.memory_space<vmem>>
      %dma_wait3A_1019 = arith.constant 0 : i32
      %dma_wait3A_1020 = arith.constant 0 : i32
      %dma_wait3A_1021 = tpu.memref_slice %arg2[%dma_wait3A_1019, %dma_wait3A_1020] : memref<10016x64xf32, #tpu.memory_space<hbm>> -> memref<10016x64xf32, #tpu.memory_space<hbm>>
      tpu.wait_indirect_dma semaphore(%arg12 : memref<!tpu.dma_semaphore, #tpu.memory_space<semaphore_mem>>) src(%dma_wait3A_1021 : memref<10016x64xf32, #tpu.memory_space<hbm>>) dst(%dma_wait3A_1017 : memref<128x64xf32, #tpu.memory_space<vmem>>)
      %mul3A_1022 = arith.constant 128 : i32
      %mul3A_1023 = arith.muli %add3A_1010, %mul3A_1022 : i32
      %run_scoped3A_1024 = arith.constant 3 : i32
      "tpu.region"() ({
        %run_scoped3A_1122 = tpu.sem_alloc : memref<!tpu.dma_semaphore, #tpu.memory_space<semaphore_mem>>
        %dma_start3A_1123 = arith.constant 0 : i32
        %dma_start3A_1124 = arith.constant 0 : i32
        %dma_start3A_1125 = tpu.memref_slice %arg7[%run_scoped3A_1024, %dma_start3A_1123, %dma_start3A_1124] : memref<8x128x64xf32, #tpu.memory_space<vmem>> -> memref<1x128x64xf32, #tpu.memory_space<vmem>>
        %dma_start3A_1126 = tpu.memref_squeeze %dma_start3A_1125 : memref<1x128x64xf32, #tpu.memory_space<vmem>> -> memref<128x64xf32, #tpu.memory_space<vmem>>
        %dma_start3A_1127 = tpu.memref_slice %arg6[%mul3A_1023] : memref<10240xi32, #tpu.memory_space<vmem>> -> memref<128xi32, #tpu.memory_space<vmem>>
        %dma_start3A_1128 = arith.constant 0 : i32
        %dma_start3A_1129 = arith.constant 0 : i32
        %dma_start3A_1130 = tpu.memref_slice %arg8[%dma_start3A_1128, %dma_start3A_1129] : memref<10000x64xf32, #tpu.memory_space<vmem_shared>> -> memref<10000x64xf32, #tpu.memory_space<vmem_shared>>
        tpu.enqueue_indirect_dma source(%dma_start3A_1126 : memref<128x64xf32, #tpu.memory_space<vmem>>) target(%dma_start3A_1130 : memref<10000x64xf32, #tpu.memory_space<vmem_shared>>) offsets(%dma_start3A_1127 : memref<128xi32, #tpu.memory_space<vmem>>) semaphore(%run_scoped3A_1122 : memref<!tpu.dma_semaphore, #tpu.memory_space<semaphore_mem>>) {add = true}
        %dma_wait3A_1131 = arith.constant 0 : i32
        %dma_wait3A_1132 = arith.constant 0 : i32
        %dma_wait3A_1133 = tpu.memref_slice %arg7[%run_scoped3A_1024, %dma_wait3A_1131, %dma_wait3A_1132] : memref<8x128x64xf32, #tpu.memory_space<vmem>> -> memref<1x128x64xf32, #tpu.memory_space<vmem>>
        %dma_wait3A_1134 = tpu.memref_squeeze %dma_wait3A_1133 : memref<1x128x64xf32, #tpu.memory_space<vmem>> -> memref<128x64xf32, #tpu.memory_space<vmem>>
        %dma_wait3A_1135 = tpu.memref_slice %arg6[%mul3A_1023] : memref<10240xi32, #tpu.memory_space<vmem>> -> memref<128xi32, #tpu.memory_space<vmem>>
        %dma_wait3A_1136 = arith.constant 0 : i32
        %dma_wait3A_1137 = arith.constant 0 : i32
        %dma_wait3A_1138 = tpu.memref_slice %arg8[%dma_wait3A_1136, %dma_wait3A_1137] : memref<10000x64xf32, #tpu.memory_space<vmem_shared>> -> memref<10000x64xf32, #tpu.memory_space<vmem_shared>>
        tpu.wait_indirect_dma semaphore(%run_scoped3A_1122 : memref<!tpu.dma_semaphore, #tpu.memory_space<semaphore_mem>>) src(%dma_wait3A_1134 : memref<128x64xf32, #tpu.memory_space<vmem>>) dst(%dma_wait3A_1138 : memref<10000x64xf32, #tpu.memory_space<vmem_shared>>)
        tpu.yield
      }) : () -> ()
      %lt3A_1025 = arith.constant 9 : i32
      %lt3A_1026 = arith.cmpi slt, %scan3A_940, %lt3A_1025 : i32
      %convert_element_type3A_1027 = arith.extui %lt3A_1026 : i1 to i32
      %cond3A_1028 = arith.constant 0 : i32
      %cond3A_1029 = arith.cmpi ne, %convert_element_type3A_1027, %cond3A_1028 : i32
      scf.if %cond3A_1029 {
        %add3A_1122 = arith.constant 8 : i32
        %add3A_1123 = arith.addi %add3A_1010, %add3A_1122 : i32
        %mul3A_1124 = arith.constant 128 : i32
        %mul3A_1125 = arith.muli %add3A_1123, %mul3A_1124 : i32
        %dma_start3A_1126 = arith.constant 3 : i32
        %dma_start3A_1127 = arith.constant 0 : i32
        %dma_start3A_1128 = arith.constant 0 : i32
        %dma_start3A_1129 = tpu.memref_slice %arg7[%dma_start3A_1126, %dma_start3A_1127, %dma_start3A_1128] : memref<8x128x64xf32, #tpu.memory_space<vmem>> -> memref<1x128x64xf32, #tpu.memory_space<vmem>>
        %dma_start3A_1130 = tpu.memref_squeeze %dma_start3A_1129 : memref<1x128x64xf32, #tpu.memory_space<vmem>> -> memref<128x64xf32, #tpu.memory_space<vmem>>
        %dma_start3A_1131 = tpu.memref_slice %arg5[%mul3A_1125] : memref<10240xi32, #tpu.memory_space<vmem>> -> memref<128xi32, #tpu.memory_space<vmem>>
        %dma_start3A_1132 = arith.constant 0 : i32
        %dma_start3A_1133 = arith.constant 0 : i32
        %dma_start3A_1134 = tpu.memref_slice %arg2[%dma_start3A_1132, %dma_start3A_1133] : memref<10016x64xf32, #tpu.memory_space<hbm>> -> memref<10016x64xf32, #tpu.memory_space<hbm>>
        tpu.enqueue_indirect_dma source(%dma_start3A_1134 : memref<10016x64xf32, #tpu.memory_space<hbm>>) target(%dma_start3A_1130 : memref<128x64xf32, #tpu.memory_space<vmem>>) offsets(%dma_start3A_1131 : memref<128xi32, #tpu.memory_space<vmem>>) semaphore(%arg12 : memref<!tpu.dma_semaphore, #tpu.memory_space<semaphore_mem>>)
      } else {
      }
      %mul3A_1030 = arith.constant 8 : i32
      %mul3A_1031 = arith.muli %scan3A_940, %mul3A_1030 : i32
      %add3A_1032 = arith.constant 4 : i32
      %add3A_1033 = arith.addi %mul3A_1031, %add3A_1032 : i32
      %mul3A_1034 = arith.constant 128 : i32
      %mul3A_1035 = arith.muli %add3A_1033, %mul3A_1034 : i32
      %dma_wait3A_1036 = arith.constant 4 : i32
      %dma_wait3A_1037 = arith.constant 0 : i32
      %dma_wait3A_1038 = arith.constant 0 : i32
      %dma_wait3A_1039 = tpu.memref_slice %arg7[%dma_wait3A_1036, %dma_wait3A_1037, %dma_wait3A_1038] : memref<8x128x64xf32, #tpu.memory_space<vmem>> -> memref<1x128x64xf32, #tpu.memory_space<vmem>>
      %dma_wait3A_1040 = tpu.memref_squeeze %dma_wait3A_1039 : memref<1x128x64xf32, #tpu.memory_space<vmem>> -> memref<128x64xf32, #tpu.memory_space<vmem>>
      %dma_wait3A_1041 = tpu.memref_slice %arg5[%mul3A_1035] : memref<10240xi32, #tpu.memory_space<vmem>> -> memref<128xi32, #tpu.memory_space<vmem>>
      %dma_wait3A_1042 = arith.constant 0 : i32
      %dma_wait3A_1043 = arith.constant 0 : i32
      %dma_wait3A_1044 = tpu.memref_slice %arg2[%dma_wait3A_1042, %dma_wait3A_1043] : memref<10016x64xf32, #tpu.memory_space<hbm>> -> memref<10016x64xf32, #tpu.memory_space<hbm>>
      tpu.wait_indirect_dma semaphore(%arg13 : memref<!tpu.dma_semaphore, #tpu.memory_space<semaphore_mem>>) src(%dma_wait3A_1044 : memref<10016x64xf32, #tpu.memory_space<hbm>>) dst(%dma_wait3A_1040 : memref<128x64xf32, #tpu.memory_space<vmem>>)
      %mul3A_1045 = arith.constant 128 : i32
      %mul3A_1046 = arith.muli %add3A_1033, %mul3A_1045 : i32
      %run_scoped3A_1047 = arith.constant 4 : i32
      "tpu.region"() ({
        %run_scoped3A_1122 = tpu.sem_alloc : memref<!tpu.dma_semaphore, #tpu.memory_space<semaphore_mem>>
        %dma_start3A_1123 = arith.constant 0 : i32
        %dma_start3A_1124 = arith.constant 0 : i32
        %dma_start3A_1125 = tpu.memref_slice %arg7[%run_scoped3A_1047, %dma_start3A_1123, %dma_start3A_1124] : memref<8x128x64xf32, #tpu.memory_space<vmem>> -> memref<1x128x64xf32, #tpu.memory_space<vmem>>
        %dma_start3A_1126 = tpu.memref_squeeze %dma_start3A_1125 : memref<1x128x64xf32, #tpu.memory_space<vmem>> -> memref<128x64xf32, #tpu.memory_space<vmem>>
        %dma_start3A_1127 = tpu.memref_slice %arg6[%mul3A_1046] : memref<10240xi32, #tpu.memory_space<vmem>> -> memref<128xi32, #tpu.memory_space<vmem>>
        %dma_start3A_1128 = arith.constant 0 : i32
        %dma_start3A_1129 = arith.constant 0 : i32
        %dma_start3A_1130 = tpu.memref_slice %arg8[%dma_start3A_1128, %dma_start3A_1129] : memref<10000x64xf32, #tpu.memory_space<vmem_shared>> -> memref<10000x64xf32, #tpu.memory_space<vmem_shared>>
        tpu.enqueue_indirect_dma source(%dma_start3A_1126 : memref<128x64xf32, #tpu.memory_space<vmem>>) target(%dma_start3A_1130 : memref<10000x64xf32, #tpu.memory_space<vmem_shared>>) offsets(%dma_start3A_1127 : memref<128xi32, #tpu.memory_space<vmem>>) semaphore(%run_scoped3A_1122 : memref<!tpu.dma_semaphore, #tpu.memory_space<semaphore_mem>>) {add = true}
        %dma_wait3A_1131 = arith.constant 0 : i32
        %dma_wait3A_1132 = arith.constant 0 : i32
        %dma_wait3A_1133 = tpu.memref_slice %arg7[%run_scoped3A_1047, %dma_wait3A_1131, %dma_wait3A_1132] : memref<8x128x64xf32, #tpu.memory_space<vmem>> -> memref<1x128x64xf32, #tpu.memory_space<vmem>>
        %dma_wait3A_1134 = tpu.memref_squeeze %dma_wait3A_1133 : memref<1x128x64xf32, #tpu.memory_space<vmem>> -> memref<128x64xf32, #tpu.memory_space<vmem>>
        %dma_wait3A_1135 = tpu.memref_slice %arg6[%mul3A_1046] : memref<10240xi32, #tpu.memory_space<vmem>> -> memref<128xi32, #tpu.memory_space<vmem>>
        %dma_wait3A_1136 = arith.constant 0 : i32
        %dma_wait3A_1137 = arith.constant 0 : i32
        %dma_wait3A_1138 = tpu.memref_slice %arg8[%dma_wait3A_1136, %dma_wait3A_1137] : memref<10000x64xf32, #tpu.memory_space<vmem_shared>> -> memref<10000x64xf32, #tpu.memory_space<vmem_shared>>
        tpu.wait_indirect_dma semaphore(%run_scoped3A_1122 : memref<!tpu.dma_semaphore, #tpu.memory_space<semaphore_mem>>) src(%dma_wait3A_1134 : memref<128x64xf32, #tpu.memory_space<vmem>>) dst(%dma_wait3A_1138 : memref<10000x64xf32, #tpu.memory_space<vmem_shared>>)
        tpu.yield
      }) : () -> ()
      %lt3A_1048 = arith.constant 9 : i32
      %lt3A_1049 = arith.cmpi slt, %scan3A_940, %lt3A_1048 : i32
      %convert_element_type3A_1050 = arith.extui %lt3A_1049 : i1 to i32
      %cond3A_1051 = arith.constant 0 : i32
      %cond3A_1052 = arith.cmpi ne, %convert_element_type3A_1050, %cond3A_1051 : i32
      scf.if %cond3A_1052 {
        %add3A_1122 = arith.constant 8 : i32
        %add3A_1123 = arith.addi %add3A_1033, %add3A_1122 : i32
        %mul3A_1124 = arith.constant 128 : i32
        %mul3A_1125 = arith.muli %add3A_1123, %mul3A_1124 : i32
        %dma_start3A_1126 = arith.constant 4 : i32
        %dma_start3A_1127 = arith.constant 0 : i32
        %dma_start3A_1128 = arith.constant 0 : i32
        %dma_start3A_1129 = tpu.memref_slice %arg7[%dma_start3A_1126, %dma_start3A_1127, %dma_start3A_1128] : memref<8x128x64xf32, #tpu.memory_space<vmem>> -> memref<1x128x64xf32, #tpu.memory_space<vmem>>
        %dma_start3A_1130 = tpu.memref_squeeze %dma_start3A_1129 : memref<1x128x64xf32, #tpu.memory_space<vmem>> -> memref<128x64xf32, #tpu.memory_space<vmem>>
        %dma_start3A_1131 = tpu.memref_slice %arg5[%mul3A_1125] : memref<10240xi32, #tpu.memory_space<vmem>> -> memref<128xi32, #tpu.memory_space<vmem>>
        %dma_start3A_1132 = arith.constant 0 : i32
        %dma_start3A_1133 = arith.constant 0 : i32
        %dma_start3A_1134 = tpu.memref_slice %arg2[%dma_start3A_1132, %dma_start3A_1133] : memref<10016x64xf32, #tpu.memory_space<hbm>> -> memref<10016x64xf32, #tpu.memory_space<hbm>>
        tpu.enqueue_indirect_dma source(%dma_start3A_1134 : memref<10016x64xf32, #tpu.memory_space<hbm>>) target(%dma_start3A_1130 : memref<128x64xf32, #tpu.memory_space<vmem>>) offsets(%dma_start3A_1131 : memref<128xi32, #tpu.memory_space<vmem>>) semaphore(%arg13 : memref<!tpu.dma_semaphore, #tpu.memory_space<semaphore_mem>>)
      } else {
      }
      %mul3A_1053 = arith.constant 8 : i32
      %mul3A_1054 = arith.muli %scan3A_940, %mul3A_1053 : i32
      %add3A_1055 = arith.constant 5 : i32
      %add3A_1056 = arith.addi %mul3A_1054, %add3A_1055 : i32
      %mul3A_1057 = arith.constant 128 : i32
      %mul3A_1058 = arith.muli %add3A_1056, %mul3A_1057 : i32
      %dma_wait3A_1059 = arith.constant 5 : i32
      %dma_wait3A_1060 = arith.constant 0 : i32
      %dma_wait3A_1061 = arith.constant 0 : i32
      %dma_wait3A_1062 = tpu.memref_slice %arg7[%dma_wait3A_1059, %dma_wait3A_1060, %dma_wait3A_1061] : memref<8x128x64xf32, #tpu.memory_space<vmem>> -> memref<1x128x64xf32, #tpu.memory_space<vmem>>
      %dma_wait3A_1063 = tpu.memref_squeeze %dma_wait3A_1062 : memref<1x128x64xf32, #tpu.memory_space<vmem>> -> memref<128x64xf32, #tpu.memory_space<vmem>>
      %dma_wait3A_1064 = tpu.memref_slice %arg5[%mul3A_1058] : memref<10240xi32, #tpu.memory_space<vmem>> -> memref<128xi32, #tpu.memory_space<vmem>>
      %dma_wait3A_1065 = arith.constant 0 : i32
      %dma_wait3A_1066 = arith.constant 0 : i32
      %dma_wait3A_1067 = tpu.memref_slice %arg2[%dma_wait3A_1065, %dma_wait3A_1066] : memref<10016x64xf32, #tpu.memory_space<hbm>> -> memref<10016x64xf32, #tpu.memory_space<hbm>>
      tpu.wait_indirect_dma semaphore(%arg14 : memref<!tpu.dma_semaphore, #tpu.memory_space<semaphore_mem>>) src(%dma_wait3A_1067 : memref<10016x64xf32, #tpu.memory_space<hbm>>) dst(%dma_wait3A_1063 : memref<128x64xf32, #tpu.memory_space<vmem>>)
      %mul3A_1068 = arith.constant 128 : i32
      %mul3A_1069 = arith.muli %add3A_1056, %mul3A_1068 : i32
      %run_scoped3A_1070 = arith.constant 5 : i32
      "tpu.region"() ({
        %run_scoped3A_1122 = tpu.sem_alloc : memref<!tpu.dma_semaphore, #tpu.memory_space<semaphore_mem>>
        %dma_start3A_1123 = arith.constant 0 : i32
        %dma_start3A_1124 = arith.constant 0 : i32
        %dma_start3A_1125 = tpu.memref_slice %arg7[%run_scoped3A_1070, %dma_start3A_1123, %dma_start3A_1124] : memref<8x128x64xf32, #tpu.memory_space<vmem>> -> memref<1x128x64xf32, #tpu.memory_space<vmem>>
        %dma_start3A_1126 = tpu.memref_squeeze %dma_start3A_1125 : memref<1x128x64xf32, #tpu.memory_space<vmem>> -> memref<128x64xf32, #tpu.memory_space<vmem>>
        %dma_start3A_1127 = tpu.memref_slice %arg6[%mul3A_1069] : memref<10240xi32, #tpu.memory_space<vmem>> -> memref<128xi32, #tpu.memory_space<vmem>>
        %dma_start3A_1128 = arith.constant 0 : i32
        %dma_start3A_1129 = arith.constant 0 : i32
        %dma_start3A_1130 = tpu.memref_slice %arg8[%dma_start3A_1128, %dma_start3A_1129] : memref<10000x64xf32, #tpu.memory_space<vmem_shared>> -> memref<10000x64xf32, #tpu.memory_space<vmem_shared>>
        tpu.enqueue_indirect_dma source(%dma_start3A_1126 : memref<128x64xf32, #tpu.memory_space<vmem>>) target(%dma_start3A_1130 : memref<10000x64xf32, #tpu.memory_space<vmem_shared>>) offsets(%dma_start3A_1127 : memref<128xi32, #tpu.memory_space<vmem>>) semaphore(%run_scoped3A_1122 : memref<!tpu.dma_semaphore, #tpu.memory_space<semaphore_mem>>) {add = true}
        %dma_wait3A_1131 = arith.constant 0 : i32
        %dma_wait3A_1132 = arith.constant 0 : i32
        %dma_wait3A_1133 = tpu.memref_slice %arg7[%run_scoped3A_1070, %dma_wait3A_1131, %dma_wait3A_1132] : memref<8x128x64xf32, #tpu.memory_space<vmem>> -> memref<1x128x64xf32, #tpu.memory_space<vmem>>
        %dma_wait3A_1134 = tpu.memref_squeeze %dma_wait3A_1133 : memref<1x128x64xf32, #tpu.memory_space<vmem>> -> memref<128x64xf32, #tpu.memory_space<vmem>>
        %dma_wait3A_1135 = tpu.memref_slice %arg6[%mul3A_1069] : memref<10240xi32, #tpu.memory_space<vmem>> -> memref<128xi32, #tpu.memory_space<vmem>>
        %dma_wait3A_1136 = arith.constant 0 : i32
        %dma_wait3A_1137 = arith.constant 0 : i32
        %dma_wait3A_1138 = tpu.memref_slice %arg8[%dma_wait3A_1136, %dma_wait3A_1137] : memref<10000x64xf32, #tpu.memory_space<vmem_shared>> -> memref<10000x64xf32, #tpu.memory_space<vmem_shared>>
        tpu.wait_indirect_dma semaphore(%run_scoped3A_1122 : memref<!tpu.dma_semaphore, #tpu.memory_space<semaphore_mem>>) src(%dma_wait3A_1134 : memref<128x64xf32, #tpu.memory_space<vmem>>) dst(%dma_wait3A_1138 : memref<10000x64xf32, #tpu.memory_space<vmem_shared>>)
        tpu.yield
      }) : () -> ()
      %lt3A_1071 = arith.constant 9 : i32
      %lt3A_1072 = arith.cmpi slt, %scan3A_940, %lt3A_1071 : i32
      %convert_element_type3A_1073 = arith.extui %lt3A_1072 : i1 to i32
      %cond3A_1074 = arith.constant 0 : i32
      %cond3A_1075 = arith.cmpi ne, %convert_element_type3A_1073, %cond3A_1074 : i32
      scf.if %cond3A_1075 {
        %add3A_1122 = arith.constant 8 : i32
        %add3A_1123 = arith.addi %add3A_1056, %add3A_1122 : i32
        %mul3A_1124 = arith.constant 128 : i32
        %mul3A_1125 = arith.muli %add3A_1123, %mul3A_1124 : i32
        %dma_start3A_1126 = arith.constant 5 : i32
        %dma_start3A_1127 = arith.constant 0 : i32
        %dma_start3A_1128 = arith.constant 0 : i32
        %dma_start3A_1129 = tpu.memref_slice %arg7[%dma_start3A_1126, %dma_start3A_1127, %dma_start3A_1128] : memref<8x128x64xf32, #tpu.memory_space<vmem>> -> memref<1x128x64xf32, #tpu.memory_space<vmem>>
        %dma_start3A_1130 = tpu.memref_squeeze %dma_start3A_1129 : memref<1x128x64xf32, #tpu.memory_space<vmem>> -> memref<128x64xf32, #tpu.memory_space<vmem>>
        %dma_start3A_1131 = tpu.memref_slice %arg5[%mul3A_1125] : memref<10240xi32, #tpu.memory_space<vmem>> -> memref<128xi32, #tpu.memory_space<vmem>>
        %dma_start3A_1132 = arith.constant 0 : i32
        %dma_start3A_1133 = arith.constant 0 : i32
        %dma_start3A_1134 = tpu.memref_slice %arg2[%dma_start3A_1132, %dma_start3A_1133] : memref<10016x64xf32, #tpu.memory_space<hbm>> -> memref<10016x64xf32, #tpu.memory_space<hbm>>
        tpu.enqueue_indirect_dma source(%dma_start3A_1134 : memref<10016x64xf32, #tpu.memory_space<hbm>>) target(%dma_start3A_1130 : memref<128x64xf32, #tpu.memory_space<vmem>>) offsets(%dma_start3A_1131 : memref<128xi32, #tpu.memory_space<vmem>>) semaphore(%arg14 : memref<!tpu.dma_semaphore, #tpu.memory_space<semaphore_mem>>)
      } else {
      }
      %mul3A_1076 = arith.constant 8 : i32
      %mul3A_1077 = arith.muli %scan3A_940, %mul3A_1076 : i32
      %add3A_1078 = arith.constant 6 : i32
      %add3A_1079 = arith.addi %mul3A_1077, %add3A_1078 : i32
      %mul3A_1080 = arith.constant 128 : i32
      %mul3A_1081 = arith.muli %add3A_1079, %mul3A_1080 : i32
      %dma_wait3A_1082 = arith.constant 6 : i32
      %dma_wait3A_1083 = arith.constant 0 : i32
      %dma_wait3A_1084 = arith.constant 0 : i32
      %dma_wait3A_1085 = tpu.memref_slice %arg7[%dma_wait3A_1082, %dma_wait3A_1083, %dma_wait3A_1084] : memref<8x128x64xf32, #tpu.memory_space<vmem>> -> memref<1x128x64xf32, #tpu.memory_space<vmem>>
      %dma_wait3A_1086 = tpu.memref_squeeze %dma_wait3A_1085 : memref<1x128x64xf32, #tpu.memory_space<vmem>> -> memref<128x64xf32, #tpu.memory_space<vmem>>
      %dma_wait3A_1087 = tpu.memref_slice %arg5[%mul3A_1081] : memref<10240xi32, #tpu.memory_space<vmem>> -> memref<128xi32, #tpu.memory_space<vmem>>
      %dma_wait3A_1088 = arith.constant 0 : i32
      %dma_wait3A_1089 = arith.constant 0 : i32
      %dma_wait3A_1090 = tpu.memref_slice %arg2[%dma_wait3A_1088, %dma_wait3A_1089] : memref<10016x64xf32, #tpu.memory_space<hbm>> -> memref<10016x64xf32, #tpu.memory_space<hbm>>
      tpu.wait_indirect_dma semaphore(%arg15 : memref<!tpu.dma_semaphore, #tpu.memory_space<semaphore_mem>>) src(%dma_wait3A_1090 : memref<10016x64xf32, #tpu.memory_space<hbm>>) dst(%dma_wait3A_1086 : memref<128x64xf32, #tpu.memory_space<vmem>>)
      %mul3A_1091 = arith.constant 128 : i32
      %mul3A_1092 = arith.muli %add3A_1079, %mul3A_1091 : i32
      %run_scoped3A_1093 = arith.constant 6 : i32
      "tpu.region"() ({
        %run_scoped3A_1122 = tpu.sem_alloc : memref<!tpu.dma_semaphore, #tpu.memory_space<semaphore_mem>>
        %dma_start3A_1123 = arith.constant 0 : i32
        %dma_start3A_1124 = arith.constant 0 : i32
        %dma_start3A_1125 = tpu.memref_slice %arg7[%run_scoped3A_1093, %dma_start3A_1123, %dma_start3A_1124] : memref<8x128x64xf32, #tpu.memory_space<vmem>> -> memref<1x128x64xf32, #tpu.memory_space<vmem>>
        %dma_start3A_1126 = tpu.memref_squeeze %dma_start3A_1125 : memref<1x128x64xf32, #tpu.memory_space<vmem>> -> memref<128x64xf32, #tpu.memory_space<vmem>>
        %dma_start3A_1127 = tpu.memref_slice %arg6[%mul3A_1092] : memref<10240xi32, #tpu.memory_space<vmem>> -> memref<128xi32, #tpu.memory_space<vmem>>
        %dma_start3A_1128 = arith.constant 0 : i32
        %dma_start3A_1129 = arith.constant 0 : i32
        %dma_start3A_1130 = tpu.memref_slice %arg8[%dma_start3A_1128, %dma_start3A_1129] : memref<10000x64xf32, #tpu.memory_space<vmem_shared>> -> memref<10000x64xf32, #tpu.memory_space<vmem_shared>>
        tpu.enqueue_indirect_dma source(%dma_start3A_1126 : memref<128x64xf32, #tpu.memory_space<vmem>>) target(%dma_start3A_1130 : memref<10000x64xf32, #tpu.memory_space<vmem_shared>>) offsets(%dma_start3A_1127 : memref<128xi32, #tpu.memory_space<vmem>>) semaphore(%run_scoped3A_1122 : memref<!tpu.dma_semaphore, #tpu.memory_space<semaphore_mem>>) {add = true}
        %dma_wait3A_1131 = arith.constant 0 : i32
        %dma_wait3A_1132 = arith.constant 0 : i32
        %dma_wait3A_1133 = tpu.memref_slice %arg7[%run_scoped3A_1093, %dma_wait3A_1131, %dma_wait3A_1132] : memref<8x128x64xf32, #tpu.memory_space<vmem>> -> memref<1x128x64xf32, #tpu.memory_space<vmem>>
        %dma_wait3A_1134 = tpu.memref_squeeze %dma_wait3A_1133 : memref<1x128x64xf32, #tpu.memory_space<vmem>> -> memref<128x64xf32, #tpu.memory_space<vmem>>
        %dma_wait3A_1135 = tpu.memref_slice %arg6[%mul3A_1092] : memref<10240xi32, #tpu.memory_space<vmem>> -> memref<128xi32, #tpu.memory_space<vmem>>
        %dma_wait3A_1136 = arith.constant 0 : i32
        %dma_wait3A_1137 = arith.constant 0 : i32
        %dma_wait3A_1138 = tpu.memref_slice %arg8[%dma_wait3A_1136, %dma_wait3A_1137] : memref<10000x64xf32, #tpu.memory_space<vmem_shared>> -> memref<10000x64xf32, #tpu.memory_space<vmem_shared>>
        tpu.wait_indirect_dma semaphore(%run_scoped3A_1122 : memref<!tpu.dma_semaphore, #tpu.memory_space<semaphore_mem>>) src(%dma_wait3A_1134 : memref<128x64xf32, #tpu.memory_space<vmem>>) dst(%dma_wait3A_1138 : memref<10000x64xf32, #tpu.memory_space<vmem_shared>>)
        tpu.yield
      }) : () -> ()
      %lt3A_1094 = arith.constant 9 : i32
      %lt3A_1095 = arith.cmpi slt, %scan3A_940, %lt3A_1094 : i32
      %convert_element_type3A_1096 = arith.extui %lt3A_1095 : i1 to i32
      %cond3A_1097 = arith.constant 0 : i32
      %cond3A_1098 = arith.cmpi ne, %convert_element_type3A_1096, %cond3A_1097 : i32
      scf.if %cond3A_1098 {
        %add3A_1122 = arith.constant 8 : i32
        %add3A_1123 = arith.addi %add3A_1079, %add3A_1122 : i32
        %mul3A_1124 = arith.constant 128 : i32
        %mul3A_1125 = arith.muli %add3A_1123, %mul3A_1124 : i32
        %dma_start3A_1126 = arith.constant 6 : i32
        %dma_start3A_1127 = arith.constant 0 : i32
        %dma_start3A_1128 = arith.constant 0 : i32
        %dma_start3A_1129 = tpu.memref_slice %arg7[%dma_start3A_1126, %dma_start3A_1127, %dma_start3A_1128] : memref<8x128x64xf32, #tpu.memory_space<vmem>> -> memref<1x128x64xf32, #tpu.memory_space<vmem>>
        %dma_start3A_1130 = tpu.memref_squeeze %dma_start3A_1129 : memref<1x128x64xf32, #tpu.memory_space<vmem>> -> memref<128x64xf32, #tpu.memory_space<vmem>>
        %dma_start3A_1131 = tpu.memref_slice %arg5[%mul3A_1125] : memref<10240xi32, #tpu.memory_space<vmem>> -> memref<128xi32, #tpu.memory_space<vmem>>
        %dma_start3A_1132 = arith.constant 0 : i32
        %dma_start3A_1133 = arith.constant 0 : i32
        %dma_start3A_1134 = tpu.memref_slice %arg2[%dma_start3A_1132, %dma_start3A_1133] : memref<10016x64xf32, #tpu.memory_space<hbm>> -> memref<10016x64xf32, #tpu.memory_space<hbm>>
        tpu.enqueue_indirect_dma source(%dma_start3A_1134 : memref<10016x64xf32, #tpu.memory_space<hbm>>) target(%dma_start3A_1130 : memref<128x64xf32, #tpu.memory_space<vmem>>) offsets(%dma_start3A_1131 : memref<128xi32, #tpu.memory_space<vmem>>) semaphore(%arg15 : memref<!tpu.dma_semaphore, #tpu.memory_space<semaphore_mem>>)
      } else {
      }
      %mul3A_1099 = arith.constant 8 : i32
      %mul3A_1100 = arith.muli %scan3A_940, %mul3A_1099 : i32
      %add3A_1101 = arith.constant 7 : i32
      %add3A_1102 = arith.addi %mul3A_1100, %add3A_1101 : i32
      %mul3A_1103 = arith.constant 128 : i32
      %mul3A_1104 = arith.muli %add3A_1102, %mul3A_1103 : i32
      %dma_wait3A_1105 = arith.constant 7 : i32
      %dma_wait3A_1106 = arith.constant 0 : i32
      %dma_wait3A_1107 = arith.constant 0 : i32
      %dma_wait3A_1108 = tpu.memref_slice %arg7[%dma_wait3A_1105, %dma_wait3A_1106, %dma_wait3A_1107] : memref<8x128x64xf32, #tpu.memory_space<vmem>> -> memref<1x128x64xf32, #tpu.memory_space<vmem>>
      %dma_wait3A_1109 = tpu.memref_squeeze %dma_wait3A_1108 : memref<1x128x64xf32, #tpu.memory_space<vmem>> -> memref<128x64xf32, #tpu.memory_space<vmem>>
      %dma_wait3A_1110 = tpu.memref_slice %arg5[%mul3A_1104] : memref<10240xi32, #tpu.memory_space<vmem>> -> memref<128xi32, #tpu.memory_space<vmem>>
      %dma_wait3A_1111 = arith.constant 0 : i32
      %dma_wait3A_1112 = arith.constant 0 : i32
      %dma_wait3A_1113 = tpu.memref_slice %arg2[%dma_wait3A_1111, %dma_wait3A_1112] : memref<10016x64xf32, #tpu.memory_space<hbm>> -> memref<10016x64xf32, #tpu.memory_space<hbm>>
      tpu.wait_indirect_dma semaphore(%arg16 : memref<!tpu.dma_semaphore, #tpu.memory_space<semaphore_mem>>) src(%dma_wait3A_1113 : memref<10016x64xf32, #tpu.memory_space<hbm>>) dst(%dma_wait3A_1109 : memref<128x64xf32, #tpu.memory_space<vmem>>)
      %mul3A_1114 = arith.constant 128 : i32
      %mul3A_1115 = arith.muli %add3A_1102, %mul3A_1114 : i32
      %run_scoped3A_1116 = arith.constant 7 : i32
      "tpu.region"() ({
        %run_scoped3A_1122 = tpu.sem_alloc : memref<!tpu.dma_semaphore, #tpu.memory_space<semaphore_mem>>
        %dma_start3A_1123 = arith.constant 0 : i32
        %dma_start3A_1124 = arith.constant 0 : i32
        %dma_start3A_1125 = tpu.memref_slice %arg7[%run_scoped3A_1116, %dma_start3A_1123, %dma_start3A_1124] : memref<8x128x64xf32, #tpu.memory_space<vmem>> -> memref<1x128x64xf32, #tpu.memory_space<vmem>>
        %dma_start3A_1126 = tpu.memref_squeeze %dma_start3A_1125 : memref<1x128x64xf32, #tpu.memory_space<vmem>> -> memref<128x64xf32, #tpu.memory_space<vmem>>
        %dma_start3A_1127 = tpu.memref_slice %arg6[%mul3A_1115] : memref<10240xi32, #tpu.memory_space<vmem>> -> memref<128xi32, #tpu.memory_space<vmem>>
        %dma_start3A_1128 = arith.constant 0 : i32
        %dma_start3A_1129 = arith.constant 0 : i32
        %dma_start3A_1130 = tpu.memref_slice %arg8[%dma_start3A_1128, %dma_start3A_1129] : memref<10000x64xf32, #tpu.memory_space<vmem_shared>> -> memref<10000x64xf32, #tpu.memory_space<vmem_shared>>
        tpu.enqueue_indirect_dma source(%dma_start3A_1126 : memref<128x64xf32, #tpu.memory_space<vmem>>) target(%dma_start3A_1130 : memref<10000x64xf32, #tpu.memory_space<vmem_shared>>) offsets(%dma_start3A_1127 : memref<128xi32, #tpu.memory_space<vmem>>) semaphore(%run_scoped3A_1122 : memref<!tpu.dma_semaphore, #tpu.memory_space<semaphore_mem>>) {add = true}
        %dma_wait3A_1131 = arith.constant 0 : i32
        %dma_wait3A_1132 = arith.constant 0 : i32
        %dma_wait3A_1133 = tpu.memref_slice %arg7[%run_scoped3A_1116, %dma_wait3A_1131, %dma_wait3A_1132] : memref<8x128x64xf32, #tpu.memory_space<vmem>> -> memref<1x128x64xf32, #tpu.memory_space<vmem>>
        %dma_wait3A_1134 = tpu.memref_squeeze %dma_wait3A_1133 : memref<1x128x64xf32, #tpu.memory_space<vmem>> -> memref<128x64xf32, #tpu.memory_space<vmem>>
        %dma_wait3A_1135 = tpu.memref_slice %arg6[%mul3A_1115] : memref<10240xi32, #tpu.memory_space<vmem>> -> memref<128xi32, #tpu.memory_space<vmem>>
        %dma_wait3A_1136 = arith.constant 0 : i32
        %dma_wait3A_1137 = arith.constant 0 : i32
        %dma_wait3A_1138 = tpu.memref_slice %arg8[%dma_wait3A_1136, %dma_wait3A_1137] : memref<10000x64xf32, #tpu.memory_space<vmem_shared>> -> memref<10000x64xf32, #tpu.memory_space<vmem_shared>>
        tpu.wait_indirect_dma semaphore(%run_scoped3A_1122 : memref<!tpu.dma_semaphore, #tpu.memory_space<semaphore_mem>>) src(%dma_wait3A_1134 : memref<128x64xf32, #tpu.memory_space<vmem>>) dst(%dma_wait3A_1138 : memref<10000x64xf32, #tpu.memory_space<vmem_shared>>)
        tpu.yield
      }) : () -> ()
      %lt3A_1117 = arith.constant 9 : i32
      %lt3A_1118 = arith.cmpi slt, %scan3A_940, %lt3A_1117 : i32
      %convert_element_type3A_1119 = arith.extui %lt3A_1118 : i1 to i32
      %cond3A_1120 = arith.constant 0 : i32
      %cond3A_1121 = arith.cmpi ne, %convert_element_type3A_1119, %cond3A_1120 : i32
      scf.if %cond3A_1121 {
        %add3A_1122 = arith.constant 8 : i32
        %add3A_1123 = arith.addi %add3A_1102, %add3A_1122 : i32
        %mul3A_1124 = arith.constant 128 : i32
        %mul3A_1125 = arith.muli %add3A_1123, %mul3A_1124 : i32
        %dma_start3A_1126 = arith.constant 7 : i32
        %dma_start3A_1127 = arith.constant 0 : i32
        %dma_start3A_1128 = arith.constant 0 : i32
        %dma_start3A_1129 = tpu.memref_slice %arg7[%dma_start3A_1126, %dma_start3A_1127, %dma_start3A_1128] : memref<8x128x64xf32, #tpu.memory_space<vmem>> -> memref<1x128x64xf32, #tpu.memory_space<vmem>>
        %dma_start3A_1130 = tpu.memref_squeeze %dma_start3A_1129 : memref<1x128x64xf32, #tpu.memory_space<vmem>> -> memref<128x64xf32, #tpu.memory_space<vmem>>
        %dma_start3A_1131 = tpu.memref_slice %arg5[%mul3A_1125] : memref<10240xi32, #tpu.memory_space<vmem>> -> memref<128xi32, #tpu.memory_space<vmem>>
        %dma_start3A_1132 = arith.constant 0 : i32
        %dma_start3A_1133 = arith.constant 0 : i32
        %dma_start3A_1134 = tpu.memref_slice %arg2[%dma_start3A_1132, %dma_start3A_1133] : memref<10016x64xf32, #tpu.memory_space<hbm>> -> memref<10016x64xf32, #tpu.memory_space<hbm>>
        tpu.enqueue_indirect_dma source(%dma_start3A_1134 : memref<10016x64xf32, #tpu.memory_space<hbm>>) target(%dma_start3A_1130 : memref<128x64xf32, #tpu.memory_space<vmem>>) offsets(%dma_start3A_1131 : memref<128xi32, #tpu.memory_space<vmem>>) semaphore(%arg16 : memref<!tpu.dma_semaphore, #tpu.memory_space<semaphore_mem>>)
      } else {
      }
    }
    %scan3A_932 = arith.constant 10 : i32
    %barrier3A_933 = arith.constant 0 : index
    tpu.barrier barrier_id(%barrier3A_933)
    %mul3A_934 = arith.constant 625 : i32
    %mul3A_935 = arith.muli %arg1, %mul3A_934 : i32
    %mul3A_936 = arith.constant 625 : i32
    %mul3A_937 = arith.muli %arg1, %mul3A_936 : i32
    %mul3A_938 = arith.constant 64 : i32
    %mul3A_939 = arith.muli %arg0, %mul3A_938 : i32
    "tpu.region"() ({
      %run_scoped3A = tpu.sem_alloc : memref<!tpu.dma_semaphore, #tpu.memory_space<semaphore_mem>>
      %dma_start3A_940 = tpu.memref_slice %arg4[%mul3A_937, %mul3A_939] : memref<10000x128xf32, #tpu.memory_space<hbm>> -> memref<625x64xf32, #tpu.memory_space<hbm>>
      %dma_start3A_941 = arith.constant 0 : i32
      %dma_start3A_942 = tpu.memref_slice %arg8[%mul3A_935, %dma_start3A_941] : memref<10000x64xf32, #tpu.memory_space<vmem_shared>> -> memref<625x64xf32, #tpu.memory_space<vmem_shared>>
      tpu.enqueue_dma source(%dma_start3A_942 : memref<625x64xf32, #tpu.memory_space<vmem_shared>>) target(%dma_start3A_940 : memref<625x64xf32, #tpu.memory_space<hbm>>) target_semaphore(%run_scoped3A : memref<!tpu.dma_semaphore, #tpu.memory_space<semaphore_mem>>)
      %dma_wait3A_943 = tpu.memref_slice %arg4[%mul3A_937, %mul3A_939] : memref<10000x128xf32, #tpu.memory_space<hbm>> -> memref<625x64xf32, #tpu.memory_space<hbm>>
      %dma_wait3A_944 = arith.constant 0 : i32
      %dma_wait3A_945 = tpu.memref_slice %arg8[%mul3A_935, %dma_wait3A_944] : memref<10000x64xf32, #tpu.memory_space<vmem_shared>> -> memref<625x64xf32, #tpu.memory_space<vmem_shared>>
      tpu.wait_dma2 semaphore(%run_scoped3A : memref<!tpu.dma_semaphore, #tpu.memory_space<semaphore_mem>>) src(%dma_wait3A_945 : memref<625x64xf32, #tpu.memory_space<vmem_shared>>) dst(%dma_wait3A_943 : memref<625x64xf32, #tpu.memory_space<hbm>>)
      tpu.yield
    }) : () -> ()
    return
  }
}

module attributes {stable_mosaic.version = 14 : i64} {
  func.func @_proj_body(%arg0: i32, %arg1: memref<2504x128xf32, #tpu.memory_space<vmem>>, %arg2: memref<64x128xf32, #tpu.memory_space<vmem>>, %arg3: memref<2504x64xf32, #tpu.memory_space<vmem>>) attributes {dimension_semantics = [#tpu.dimension_semantics<arbitrary>], iteration_bounds = array<i64: 4>, scalar_prefetch = 0 : i64, scratch_operands = 0 : i64, tpu.core_type = #tpu.core_type<tc>, window_params = [{transform_indices = @transform_0, window_bounds = array<i64: 2504, 128>}, {pipeline_mode = #tpu.pipeline_mode<synchronous>, transform_indices = @transform_1, window_bounds = array<i64: 64, 128>}, {transform_indices = @transform_2, window_bounds = array<i64: 2504, 64>}]} {
    %get3A = arith.constant 0 : index
    %get3A_0 = arith.constant 0 : index
    %get3A_1 = vector.load %arg1[%get3A, %get3A_0] : memref<2504x128xf32, #tpu.memory_space<vmem>>, vector<2504x128xf32>
    %get3A_2 = arith.constant 0 : index
    %get3A_3 = arith.constant 0 : index
    %get3A_4 = vector.load %arg2[%get3A_2, %get3A_3] : memref<64x128xf32, #tpu.memory_space<vmem>>, vector<64x128xf32>
    %dot_general3A = arith.constant dense<0.000000e+00> : vector<2504x64xf32>
    %dot_general3A_5 = tpu.matmul %get3A_1, %get3A_4, %dot_general3A {dimension_numbers = #tpu.dot_dimension_numbers<[1], [1], [0], [0], [0, 0, 1, 0], [], []>, transpose_lhs_hint = false} : vector<2504x128xf32>, vector<64x128xf32>, vector<2504x64xf32> -> vector<2504x64xf32>
    %mul3A = arith.constant 2504 : i32
    %mul3A_6 = arith.muli %arg0, %mul3A : i32
    %iota3A = tpu.iota {dimensions = array<i32: 0>} : vector<2504x64xi32>
    %add3A = vector.broadcast %mul3A_6 : i32 to vector<2504x64xi32>
    %add3A_7 = arith.addi %add3A, %iota3A : vector<2504x64xi32>
    %lt3A = arith.constant 10000 : i32
    %lt3A_8 = vector.broadcast %lt3A : i32 to vector<2504x64xi32>
    %lt3A_9 = arith.cmpi slt, %add3A_7, %lt3A_8 : vector<2504x64xi32>
    %jit3A = arith.constant 0.000000e+00 : f32
    %broadcast_in_dim3A = vector.broadcast %jit3A : f32 to vector<2504x64xf32>
    %select_n3A = arith.select %lt3A_9, %dot_general3A_5, %broadcast_in_dim3A : vector<2504x64xi1>, vector<2504x64xf32>
    %swap3A = arith.constant 0 : index
    %swap3A_10 = arith.constant 0 : index
    %swap3A_11 = vector.load %arg3[%swap3A, %swap3A_10] : memref<2504x64xf32, #tpu.memory_space<vmem>>, vector<2504x64xf32>
    tpu.vector_store %arg3[%swap3A, %swap3A_10], %select_n3A {strides = array<i32>} : memref<2504x64xf32, #tpu.memory_space<vmem>>, vector<2504x64xf32>,
    return
  }
  func.func @transform_0(%arg0: i32) -> (i32, i32) {
    %c0_i32 = arith.constant 0 : i32
    %c0_i32_0 = arith.constant 0 : i32
    return %arg0, %c0_i32 : i32, i32
  }
  func.func @transform_1(%arg0: i32) -> (i32, i32) {
    %c0_i32 = arith.constant 0 : i32
    %c0_i32_0 = arith.constant 0 : i32
    %c0_i32_1 = arith.constant 0 : i32
    return %c0_i32, %c0_i32_0 : i32, i32
  }
  func.func @transform_2(%arg0: i32) -> (i32, i32) {
    %c0_i32 = arith.constant 0 : i32
    %c0_i32_0 = arith.constant 0 : i32
    return %arg0, %c0_i32 : i32, i32
  }
}

module attributes {stable_mosaic.version = 14 : i64} {
  func.func @_finish_body(%arg0: memref<10016x64xf32, #tpu.memory_space<vmem>>, %arg1: memref<10000x128xf32, #tpu.memory_space<vmem>>, %arg2: memref<1x1xf32, #tpu.memory_space<vmem>>, %arg3: memref<1x64xf32, #tpu.memory_space<vmem>>, %arg4: memref<64x64xf32, #tpu.memory_space<vmem>>, %arg5: memref<1x64xf32, #tpu.memory_space<vmem>>, %arg6: memref<1x64xf32, #tpu.memory_space<vmem>>, %arg7: memref<1x64xf32, #tpu.memory_space<vmem>>, %arg8: memref<64x64xf32, #tpu.memory_space<vmem>>, %arg9: memref<64x1xf32, #tpu.memory_space<vmem>>, %arg10: memref<64x10000xf32, #tpu.memory_space<vmem>>) attributes {dimension_semantics = [], scalar_prefetch = 0 : i64, scratch_operands = 0 : i64, tpu.core_type = #tpu.core_type<tc>} {
    %get3A = arith.constant 0 : index
    %get3A_0 = arith.constant 0 : index
    %get3A_1 = vector.load %arg1[%get3A, %get3A_0] : memref<10000x128xf32, #tpu.memory_space<vmem>>, vector<10000x64xf32>
    %get3A_2 = arith.constant 0 : index
    %get3A_3 = arith.constant 64 : index
    %get3A_4 = vector.load %arg1[%get3A_2, %get3A_3] : memref<10000x128xf32, #tpu.memory_space<vmem>>, vector<10000x64xf32>
    %add3A = arith.addf %get3A_1, %get3A_4 : vector<10000x64xf32>
    %get3A_5 = arith.constant 0 : index
    %get3A_6 = arith.constant 0 : index
    %get3A_7 = vector.load %arg2[%get3A_5, %get3A_6] : memref<1x1xf32, #tpu.memory_space<vmem>>, vector<1x1xf32>
    %get3A_8 = vector.extract %get3A_7[0, 0] : f32 from vector<1x1xf32>
    %add3A_9 = arith.constant 1.000000e+00 : f32
    %add3A_10 = arith.addf %add3A_9, %get3A_8 : f32
    %get3A_11 = arith.constant 0 : index
    %get3A_12 = arith.constant 0 : index
    %get3A_13 = vector.load %arg0[%get3A_11, %get3A_12] : memref<10016x64xf32, #tpu.memory_space<vmem>>, vector<10000x64xf32>
    %mul3A = vector.broadcast %add3A_10 : f32 to vector<10000x64xf32>
    %mul3A_14 = arith.mulf %mul3A, %get3A_13 : vector<10000x64xf32>
    %add3A_15 = arith.addf %mul3A_14, %add3A : vector<10000x64xf32>
    %get3A_16 = arith.constant 0 : index
    %get3A_17 = arith.constant 0 : index
    %get3A_18 = vector.load %arg3[%get3A_16, %get3A_17] : memref<1x64xf32, #tpu.memory_space<vmem>>, vector<1x64xf32>
    %add3A_19 = vector.broadcast %get3A_18 : vector<1x64xf32> to vector<10000x64xf32>
    %add3A_20 = arith.addf %add3A_15, %add3A_19 : vector<10000x64xf32>
    %max3A = arith.constant 0.000000e+00 : f32
    %max3A_21 = vector.broadcast %max3A : f32 to vector<10000x64xf32>
    %max3A_22 = arith.maximumf %add3A_20, %max3A_21 : vector<10000x64xf32>
    %get3A_23 = arith.constant 0 : index
    %get3A_24 = arith.constant 0 : index
    %get3A_25 = vector.load %arg4[%get3A_23, %get3A_24] : memref<64x64xf32, #tpu.memory_space<vmem>>, vector<64x64xf32>
    %dot_general3A = arith.constant dense<0.000000e+00> : vector<10000x64xf32>
    %dot_general3A_26 = tpu.matmul %max3A_22, %get3A_25, %dot_general3A {dimension_numbers = #tpu.dot_dimension_numbers<[1], [1], [0], [0], [0, 0, 1, 0], [], []>, transpose_lhs_hint = false} : vector<10000x64xf32>, vector<64x64xf32>, vector<10000x64xf32> -> vector<10000x64xf32>
    %get3A_27 = arith.constant 0 : index
    %get3A_28 = arith.constant 0 : index
    %get3A_29 = vector.load %arg5[%get3A_27, %get3A_28] : memref<1x64xf32, #tpu.memory_space<vmem>>, vector<1x64xf32>
    %add3A_30 = vector.broadcast %get3A_29 : vector<1x64xf32> to vector<10000x64xf32>
    %add3A_31 = arith.addf %dot_general3A_26, %add3A_30 : vector<10000x64xf32>
    %reduce_sum3A = arith.constant dense<0.000000e+00> : vector<64xf32>
    %reduce_sum3A_32 = vector.multi_reduction <add>, %add3A_31, %reduce_sum3A [0] : vector<10000x64xf32> to vector<64xf32>
    %broadcast_in_dim3A = vector.shape_cast %reduce_sum3A_32 : vector<64xf32> to vector<1x64xf32>
    %div3A = arith.constant 1.000000e+04 : f32
    %div3A_33 = vector.broadcast %div3A : f32 to vector<1x64xf32>
    %div3A_34 = arith.divf %broadcast_in_dim3A, %div3A_33 : vector<1x64xf32>
    %sub3A = vector.broadcast %div3A_34 : vector<1x64xf32> to vector<10000x64xf32>
    %sub3A_35 = arith.subf %add3A_31, %sub3A : vector<10000x64xf32>
    %integer_pow3A = arith.mulf %sub3A_35, %sub3A_35 : vector<10000x64xf32>
    %reduce_sum3A_36 = arith.constant dense<0.000000e+00> : vector<64xf32>
    %reduce_sum3A_37 = vector.multi_reduction <add>, %integer_pow3A, %reduce_sum3A_36 [0] : vector<10000x64xf32> to vector<64xf32>
    %broadcast_in_dim3A_38 = vector.shape_cast %reduce_sum3A_37 : vector<64xf32> to vector<1x64xf32>
    %div3A_39 = arith.constant 1.000000e+04 : f32
    %div3A_40 = vector.broadcast %div3A_39 : f32 to vector<1x64xf32>
    %div3A_41 = arith.divf %broadcast_in_dim3A_38, %div3A_40 : vector<1x64xf32>
    %sub3A_42 = vector.broadcast %div3A_34 : vector<1x64xf32> to vector<10000x64xf32>
    %sub3A_43 = arith.subf %add3A_31, %sub3A_42 : vector<10000x64xf32>
    %add3A_44 = arith.constant 9.99999974E-6 : f32
    %add3A_45 = vector.broadcast %add3A_44 : f32 to vector<1x64xf32>
    %add3A_46 = arith.addf %div3A_41, %add3A_45 : vector<1x64xf32>
    %rsqrt3A = math.rsqrt %add3A_46 : vector<1x64xf32>
    %mul3A_47 = vector.broadcast %rsqrt3A : vector<1x64xf32> to vector<10000x64xf32>
    %mul3A_48 = arith.mulf %sub3A_43, %mul3A_47 : vector<10000x64xf32>
    %get3A_49 = arith.constant 0 : index
    %get3A_50 = arith.constant 0 : index
    %get3A_51 = vector.load %arg6[%get3A_49, %get3A_50] : memref<1x64xf32, #tpu.memory_space<vmem>>, vector<1x64xf32>
    %mul3A_52 = vector.broadcast %get3A_51 : vector<1x64xf32> to vector<10000x64xf32>
    %mul3A_53 = arith.mulf %mul3A_48, %mul3A_52 : vector<10000x64xf32>
    %get3A_54 = arith.constant 0 : index
    %get3A_55 = arith.constant 0 : index
    %get3A_56 = vector.load %arg7[%get3A_54, %get3A_55] : memref<1x64xf32, #tpu.memory_space<vmem>>, vector<1x64xf32>
    %add3A_57 = vector.broadcast %get3A_56 : vector<1x64xf32> to vector<10000x64xf32>
    %add3A_58 = arith.addf %mul3A_53, %add3A_57 : vector<10000x64xf32>
    %max3A_59 = arith.constant 0.000000e+00 : f32
    %max3A_60 = vector.broadcast %max3A_59 : f32 to vector<10000x64xf32>
    %max3A_61 = arith.maximumf %add3A_58, %max3A_60 : vector<10000x64xf32>
    %get3A_62 = arith.constant 0 : index
    %get3A_63 = arith.constant 0 : index
    %get3A_64 = vector.load %arg8[%get3A_62, %get3A_63] : memref<64x64xf32, #tpu.memory_space<vmem>>, vector<64x64xf32>
    %dot_general3A_65 = arith.constant dense<0.000000e+00> : vector<64x10000xf32>
    %dot_general3A_66 = tpu.matmul %get3A_64, %max3A_61, %dot_general3A_65 {dimension_numbers = #tpu.dot_dimension_numbers<[1], [1], [0], [0], [0, 0, 1, 0], [], []>, transpose_lhs_hint = false} : vector<64x64xf32>, vector<10000x64xf32>, vector<64x10000xf32> -> vector<64x10000xf32>
    %get3A_67 = arith.constant 0 : index
    %get3A_68 = arith.constant 0 : index
    %get3A_69 = vector.load %arg9[%get3A_67, %get3A_68] : memref<64x1xf32, #tpu.memory_space<vmem>>, vector<64x1xf32>
    %add3A_70 = vector.broadcast %get3A_69 : vector<64x1xf32> to vector<64x10000xf32>
    %add3A_71 = arith.addf %dot_general3A_66, %add3A_70 : vector<64x10000xf32>
    %swap3A = arith.constant 0 : index
    %swap3A_72 = arith.constant 0 : index
    %swap3A_73 = vector.load %arg10[%swap3A, %swap3A_72] : memref<64x10000xf32, #tpu.memory_space<vmem>>, vector<64x10000xf32>
    tpu.vector_store %arg10[%swap3A, %swap3A_72], %add3A_71 {strides = array<i32>} : memref<64x10000xf32, #tpu.memory_space<vmem>>, vector<64x10000xf32>,
    return
  }
}

</mosaic_0001>

<sc_bundles>
// kernel: kernel.5.cloned.1.call-start
scs
__scs_entry_jumppad:
0x0: {  	(pc) =	sbr.rel $0x88, $3  }
0x1: {  	(tag) =	ssettag $0x0;
	lr =	simm.s32 $0x1  }
0x2: {  	[smem:$0x3F96] =	sst lr;
	_ =	strace $0xD0000000  }
0x3: {  	_ = 	snop  }
0x4: {  	_ = 	snop  }
0x5: {  	_ = 	snop  }
0x6: {  	_ = 	snop  }
0x7: {  	_ = 	snop  }
__scs_overlays_trampoline_lowered:
0x8: {  	[smem:$0x3FA5] =	sst s0  }
0x9: {  	[smem:$0x3FA6] =	sst s1  }
0xa: {  	[smem:$0x3FA7] =	sst s2  }
0xb: {  	[smem:$0x3FA8] =	sst s3  }
0xc: {  	[smem:$0x3FA9] =	sst s4  }
0xd: {  	[smem:$0x3FAA] =	sst s5  }
0xe: {  	[smem:$0x3FAB] =	sst s6  }
0xf: {  	[smem:$0x3FAC] =	sst s7  }
0x10: {  	[smem:$0x3FAD] =	sst s8  }
0x11: {  	[smem:$0x3FAE] =	sst s9;
	s0 =	simm.s32 @!p0 $0x0  }
0x12: {  	s1 =	sld [smem:$0x3F94];
	s0 =	simm.s32 @p0 $0x1  }
0x13: {  	[smem:$0x3FAF] =	sst s0;
	s0 =	simm.s32 @!p1 $0x0  }
0x14: {  	s2 =	sld [smem:$0x3F93];
	s0 =	simm.s32 @p1 $0x1  }
0x15: {  	[smem:$0x3FB0] =	sst s0;
	s0 =	simm.s32 @!p2 $0x0  }
0x16: {  	s3 =	sld [smem:$0x3FDB];
	s0 =	simm.s32 @p2 $0x1  }
0x17: {  	s4 =	simm.s32 $0x1BF5;
	[smem:$0x3FB2] =	sst s0  }
0x18: {  	s0 =	sld [smem:$0x3F95];
	_ =	swait.ge [sflag:s4], $0x0  }
0x19: {  	s7 =	sld [smem:$0x3F96]  }
0x1a: {  	s8 =	sadd.s32 $0xFFFFE003, lr  }
0x1b: {  	s9 =	sadd.s32 $0xFFFFFEF7, lr;
	s5 =	simm.s32 $0xFFFFFFFF;
	p2 =	slt.u32 s8, $0xFFFFF086  }
0x1c: {  	p1 =	slt.u32 s9, $0xF7A;
	s5 =	simm.s32 @!p2 $0x0  }
0x1d: {  	s5 =	simm.s32 @p1 $0x1;
	p0 =	seq.s32 s7, s2  }
0x1e: {  	s7 =	smul.u32 @!p0 $0xF7A, s2;
	p2 =	seq.s32 @!p0 s5, $0x0  }
0x1f: {  	s9 =	smul.u32 $0xF7A, s1;
	s8 =	simm.s32 @!p0 $0x1BF5;
	p2 =	por !p2, p0  }
0x20: {  	[sflag:s8] =	ssyncset.s32 @!p0 $0xFFFFF086;
	s6 =	sadd.s32 @!p0 s3, s7;
	s7 =	simm.s32 @!p0 $0x108  }
0x21: {  	s3 =	sadd.s32 s3, s9;
	s6 =	sadd.s32 @!p0 $0x88, s6;
	s7 =	simm.s32 @p2 $0x1082  }
0x22: {  	[simem:s7], [sflag:s8] =	dma.local @!p0 [hbm:s6], $0xF7A  }
0x23: {  	s9 =	sor.u32 $0xD0000000, s2;
	s6 =	simm.s32 $0x108;
	_ =	swait.ge @!p0 [sflag:s8], $0x0  }
0x24: {  	s3 =	sadd.s32 $0x88, s3;
	s6 =	simm.s32 @!p1 $0x1082;
	[sflag:s4] =	ssyncset.s32 $0xFFFFF086  }
0x25: {  	[simem:s6], [sflag:s4] =	dma.local [hbm:s3], $0xF7A  }
0x26: {  	[smem:$0x3F96] =	sst s1;
	(tag) =	ssettag s2;
	_ =	strace s9  }
0x27: {  	s1 =	sld [smem:$0x3FA6]  }
0x28: {  	s2 =	sld [smem:$0x3FA7]  }
0x29: {  	s4 =	sld [smem:$0x3FA9]  }
0x2a: {  	p0 =	seq.s32 s5, $0x0;
	s5 =	sld [smem:$0x3FAA]  }
0x2b: {  	s6 =	sld [smem:$0x3FAB]  }
0x2c: {  	s7 =	sld [smem:$0x3FAC]  }
0x2d: {  	s3 =	simm.s32 $0x108;
	s8 =	sld [smem:$0x3FAD]  }
0x2e: {  	s3 =	simm.s32 @!p0 $0x1082;
	s9 =	sld [smem:$0x3FAE]  }
0x2f: {  	lr =	sadd.s32 s0, s3;
	s0 =	sld [smem:$0x3FA5]  }
0x30: {  	s3 =	sld [smem:$0x3FA8]  }
0x31: {  	[smem:$0x3FB1] =	sst s10  }
0x32: {  	s10 =	sld [smem:$0x3FAF];
	_ =	sdelay $0x3  }
0x33: {  	p0 =	seq.s32 s10, $0x1;
	s10 =	sld [smem:$0x3FB1];
	_ =	sdelay $0x3  }
0x34: {  	[smem:$0x3FB1] =	sst s10  }
0x35: {  	s10 =	sld [smem:$0x3FB0];
	_ =	sdelay $0x3  }
0x36: {  	p1 =	seq.s32 s10, $0x1;
	s10 =	sld [smem:$0x3FB1];
	_ =	sdelay $0x3  }
0x37: {  	[smem:$0x3FB1] =	sst s10  }
0x38: {  	s10 =	sld [smem:$0x3FB2]  }
0x39: {  	_ = 	snop;
	(pc) =	sbr.ind lr, $3  }
0x3a: {  	_ = 	snop  }
0x3b: {  	_ = 	snop  }
0x3c: {  	p2 =	seq.s32 s10, $0x1;
	s10 =	sld [smem:$0x3FB1]  }
0x3d: {  	_ =	shalt  }
0x3e: {  	_ =	shalt  }
0x3f: {  	_ =	shalt  }
0x40: {  	_ =	shalt  }
0x41: {  	_ =	shalt  }
0x42: {  	_ =	shalt  }
0x43: {  	_ =	shalt  }
0x44: {  	_ =	shalt  }
0x45: {  	_ =	shalt  }
0x46: {  	_ =	shalt  }
0x47: {  	_ =	shalt  }
0x48: {  	_ =	shalt  }
0x49: {  	_ =	shalt  }
0x4a: {  	_ =	shalt  }
0x4b: {  	_ =	shalt  }
0x4c: {  	_ =	shalt  }
0x4d: {  	_ =	shalt  }
0x4e: {  	_ =	shalt  }
0x4f: {  	_ =	shalt  }
0x50: {  	_ =	shalt  }
0x51: {  	_ =	shalt  }
0x52: {  	_ =	shalt  }
0x53: {  	_ =	shalt  }
0x54: {  	_ =	shalt  }
0x55: {  	_ =	shalt  }
0x56: {  	_ =	shalt  }
0x57: {  	_ =	shalt  }
0x58: {  	_ =	shalt  }
0x59: {  	_ =	shalt  }
0x5a: {  	_ =	shalt  }
0x5b: {  	_ =	shalt  }
0x5c: {  	_ =	shalt  }
0x5d: {  	_ =	shalt  }
0x5e: {  	_ =	shalt  }
0x5f: {  	_ =	shalt  }
0x60: {  	_ =	shalt  }
0x61: {  	_ =	shalt  }
0x62: {  	_ =	shalt  }
0x63: {  	_ =	shalt  }
0x64: {  	_ =	shalt  }
0x65: {  	_ =	shalt  }
0x66: {  	_ =	shalt  }
0x67: {  	_ =	shalt  }
0x68: {  	_ =	shalt  }
0x69: {  	_ =	shalt  }
0x6a: {  	_ =	shalt  }
0x6b: {  	_ =	shalt  }
0x6c: {  	_ =	shalt  }
0x6d: {  	_ =	shalt  }
0x6e: {  	_ =	shalt  }
0x6f: {  	_ =	shalt  }
0x70: {  	_ =	shalt  }
0x71: {  	_ =	shalt  }
0x72: {  	_ =	shalt  }
0x73: {  	_ =	shalt  }
0x74: {  	_ =	shalt  }
0x75: {  	_ =	shalt  }
0x76: {  	_ =	shalt  }
0x77: {  	_ =	shalt  }
0x78: {  	_ =	shalt  }
0x79: {  	_ =	shalt  }
0x7a: {  	_ =	shalt  }
0x7b: {  	_ =	shalt  }
0x7c: {  	_ =	shalt  }
0x7d: {  	_ =	shalt  }
0x7e: {  	_ =	shalt  }
0x7f: {  	_ =	shalt  }
0x80: {  	_ =	shalt  }
0x81: {  	_ =	shalt  }
0x82: {  	_ =	shalt  }
0x83: {  	_ =	shalt  }
0x84: {  	_ =	shalt  }
0x85: {  	_ =	shalt  }
0x86: {  	_ =	shalt  }
0x87: {  	_ =	shalt  }
.Lfunc_end0:
.L_simem_size_0:
called_computation_lowered:
.L_overlay_start_0:
0x88: {  	s2 =	sld [smem:$0x3FD9]  }
0x89: {  	s3 =	sld [smem:$0x3FFE];
	_ =	sdelay $0x1  }
0x8a: {  	s1 =	srdreg.scid  }
0x8b: {  	s0 =	sand.u32 $0x1, s1  }
0x8c: {  	s17 =	sshll.u32 s0, $0xA;
	s2 =	sadd.s32 s3, s2  }
0x8d: {  	s2 =	sadd.s32 s2, s17  }
0x8e: {  	[smem:$0x3FBD] =	sst s2  }
0x8f: {  	_ = 	snop  }
0x90: {  	s2 =	sld [smem:$0x3FD0];
	(tm) =	ssettm $0x1  }
0x91: {  	s18 =	sld [smem:$0x3FFB];
	_ =	sdelay $0x3  }
0x92: {  	_ =	strace s18  }
0x93: {  	s3 =	sld [smem:$0x3FFC];
	_ =	sdelay $0x3  }
0x94: {  	_ =	strace s3  }
0x95: {  	s3 =	sld [smem:$0x3FFD];
	_ =	sdelay $0x3  }
0x96: {  	_ =	strace s3  }
0x97: {  	_ =	strace $0x8FFFFFFF  }
0x98: {  	s19 =	sld [smem:$0x3FDB];
	_ =	sdelay $0x1  }
0x99: {  	s4 =	simm.s32 $_scs_section_size  }
0x9a: {  	s5 =	simm.s32 $_size__tile_overlayer_lowered;
	s6 =	simm.s32 $_tile_overlayer_lowered  }
0x9b: {  	s22 =	simm.s32 $0x1BFF;
	s21 =	sshll.u32 s6, $0x1;
	s3 =	sadd.s32 s4, s19  }
0x9c: {  	s7 =	simm.s32 $0x0;
	s20 =	sshll.u32 s5, $0x1;
	s5 =	sadd.s32 s21, s3  }
0x9d: {  	[timem:s7], [sflag:s22] =	dma.local [hbm:s5], s20  }
0x9e: {  	_ =	swait.ge [sflag:s22], s20  }
0x9f: {  	s4 =	ssub.s32 $0x0, s20;
	[sflag:s22] =	ssyncset.done $0x0  }
0xa0: {  	[sflag:s22] =	ssyncadd.s32 s4;
	_ =	sdelay $0x1  }
0xa1: {  	s23 =	simm.s32 $0x1B8B  }
0xa2: {  	_ =	swait.ge [sflag:s23], $0x1  }
0xa3: {  	[sflag:s23] =	ssyncset.done $0x0  }
0xa4: {  	s25 =	simm.s32 $0x1B8E;
	s24 =	sld [smem:$0x3FFE];
	[sflag:s23] =	ssyncadd.s32 $0xFFFFFFFF  }
0xa5: {  	s26 =	simm.s32 $execute0_lowered;
	[smem:$0x3FD2] =	sst s25  }
0xa6: {  	s5 =	sshll.u32 s26, $0x1;
	_ =	strace $0x80000046;
	[dreg:$0x1] =	wrdreg $0xFFFFFFFF  }
0xa7: {  	s28 =	simm.s32 $_size_execute0_lowered;
	s3 =	sadd.s32 s3, s5;
	[dreg:$0x0] =	wrdreg $0x0  }
0xa8: {  	s5 =	sshll.u32 s28, $0x1;
	[dreg:$0x2] =	wrdreg s3  }
0xa9: {  	[dreg:$0x3] =	wrdreg s5  }
0xaa: {  	[dreg:$0x4] =	wrdreg $0xC0  }
0xab: {  	_ =	task [dreg:s7], $0x5FFFF  }
0xac: {  	[dreg:$0x1] =	wrdreg $0xFFFFFFFF  }
0xad: {  	[dreg:$0x0] =	wrdreg $0x60  }
0xae: {  	[dreg:$0x2] =	wrdreg s2  }
0xaf: {  	[dreg:$0x3] =	wrdreg s24  }
0xb0: {  	[dreg:$0x4] =	wrdreg $0x150000  }
0xb1: {  	[dreg:$0x5] =	wrdreg $0x9  }
0xb2: {  	_ =	task.clear_ibuf [dreg:s7], $0x6FFFF;
	_ =	strace $0x90000046  }
0xb3: {  	s29 =	simm.s32 $0x9;
	_ =	strace $0x80000048  }
0xb4: {  	_ =	swait.ge [sflag:s29], $0x1  }
0xb5: {  	[sflag:s29] =	ssyncadd.s32 $0xFFFFFFFF  }
0xb6: {  	_ =	strace $0x90000048  }
0xb7: {  	_ =	sfence  }
0xb8: {  	s30 =	sld [smem:$0x0];
	_ =	sdelay $0x2  }
0xb9: {  	s31 =	sshll.u32 s1, $0xD;
	s1 =	sshrl.u32 s1, $0x2  }
0xba: {  	s3 =	sand.u32 $0x4000, s31;
	s1 =	sadd.s32 s1, s30  }
0xbb: {  	s0 =	sor.u32 s3, s0;
	s1 =	sshll.u32 s1, $0x11  }
0xbc: {  	s0 =	sor.u32 s1, s0  }
0xbd: {  	s0 =	sadd.s32 $0x8F2B, s0  }
0xbe: {  	[sflag:s0] =	ssyncadd.remote.s32 $0x1  }
0xbf: {  	_ =	sfence.sel $0xFFFF  }
0xc0: {  	[dreg:$0x0] =	wrdreg $0xFFFFFFFF;
	(pc) =	sbr.abs _section_cstart, $3  }
0xc1: {  	[dreg:$0x1] =	wrdreg $0xFFFFFFFF  }
0xc2: {  	_ =	task.clear_ibuf [dreg:s7], $0x2FFFF;
	_ =	strace $0x9FFFFFFF  }
0xc3: {  	(tm) =	ssettm $0x7FFFFFFF  }
tec
execute0_lowered:
.L_overlay_start_1:
0x0: {  	(tag) =	ssettag $0x1  }
0x1: {  	s0 =	srdreg.scid;
	s1 =	stileid.u32  }
0x2: {  	s2 =	sand.u32 $0x1, s0;
	s14 =	sshll.u32 s1, $0x1  }
0x3: {  	s0 =	sor.u32 s2, s14  }
0x4: {  	s5 =	smul.u32 $0xF0, s0;
	_ =	sdelay $0x1  }
0x5: {  	v0 =	vmov s5  }
0x6: {  	s3 =	rddreg [dreg:$0x2];
	s15 =	simm.s32 $0x0;
	v0 =	vmul.u32 $0x29, v0  }
0x7: {  	v1 =	vlaneseq.u32;
	[smem:$0x7FF] =	sst s15  }
0x8: {  	v15 =	vmul.u32 $0x29, v1;
	[dreg:$0x4] =	wrdreg s2;
	v0 =	vbroadcast v0, $0x0  }
0x9: {  	[dreg:$0x5] =	wrdreg s0  }
0xa: {  	s2 =	rddreg [dreg:$0x0];
	_ =	strace $0x80000047;
	v16 =	vadd.s32 v15, v0  }
0xb: {  	(v2sf) =	vpush v16, $0xD;
	_ =	sdelay $0x1  }
0xc: {  	(v2sf) =	vpush v16, $0xC;
	_ =	sdelay $0x1  }
0xd: {  	(v2sf) =	vpush v16, $0xE;
	_ =	sdelay $0x1  }
0xe: {  	(v2sf) =	vpush v16, $0xF;
	_ =	sdelay $0x1  }
0xf: {  	(v2sf) =	vpush v16, $0x9;
	_ =	sdelay $0x1  }
0x10: {  	(v2sf) =	vpush v16, $0x8;
	_ =	sdelay $0x1  }
0x11: {  	(v2sf) =	vpush v16, $0xA;
	_ =	sdelay $0x1  }
0x12: {  	(v2sf) =	vpush v16, $0xB  }
0x13: {  	s16 =	spop (v2sf)  }
0x14: {  	(v2sf) =	vpush v16, $0x0;
	s6 =	smulhi.u32 $0x68DB8BAD, s16;
	s0 =	sshra.s32 s16, $0x1F  }
0x15: {  	s17 =	spop (v2sf);
	s8 =	smul.u32 $0x68DB8BAD, s0  }
0x16: {  	(v2sf) =	vpush v16, $0x1;
	s7 =	smulhi.u32 $0x68DB8BAD, s17;
	s0 =	sshra.s32 s17, $0x1F  }
0x17: {  	s18 =	spop (v2sf);
	s10 =	smul.u32 $0x68DB8BAD, s0  }
0x18: {  	(v2sf) =	vpush v16, $0x2;
	s9 =	smulhi.u32 $0x68DB8BAD, s18;
	s0 =	sshra.s32 s18, $0x1F  }
0x19: {  	s19 =	spop (v2sf);
	s12 =	smul.u32 $0x68DB8BAD, s0  }
0x1a: {  	(v2sf) =	vpush v16, $0x3;
	s11 =	smulhi.u32 $0x68DB8BAD, s19;
	s0 =	sshra.s32 s19, $0x1F  }
0x1b: {  	s20 =	spop (v2sf);
	(v2sf) =	vpush v16, $0x4;
	s14 =	smul.u32 $0x68DB8BAD, s0  }
0x1c: {  	s13 =	smulhi.u32 $0x68DB8BAD, s20;
	s0 =	sshra.s32 s20, $0x1F  }
0x1d: {  	s21 =	spop (v2sf);
	s15 =	smul.u32 $0x68DB8BAD, s0  }
0x1e: {  	(v2sf) =	vpush v16, $0x5;
	s16 =	smulhi.u32 $0x68DB8BAD, s21;
	s0 =	sshra.s32 s21, $0x1F  }
0x1f: {  	s23 =	spop (v2sf);
	s18 =	smul.u32 $0x68DB8BAD, s0  }
0x20: {  	s17 =	smulhi.u32 $0x68DB8BAD, s23;
	s0 =	sshra.s32 s23, $0x1F  }
0x21: {  	s24 =	spop (v2sf);
	s19 =	smul.u32 $0x68DB8BAD, s0  }
0x22: {  	s22 =	sadd.s32 $0x10, s5;
	(v2sf) =	vpush v16, $0x6;
	s20 =	smulhi.u32 $0x68DB8BAD, s24;
	s0 =	sshra.s32 s24, $0x1F  }
0x23: {  	v0 =	vmov s22;
	s25 =	spop (v2sf);
	s22 =	smul.u32 $0x68DB8BAD, s0  }
0x24: {  	s21 =	smulhi.u32 $0x68DB8BAD, s25;
	s0 =	sshra.s32 s25, $0x1F  }
0x25: {  	v0 =	vmul.u32 $0x29, v0;
	s26 =	spop (v2sf);
	s1 =	smul.u32 $0x68DB8BAD, s0  }
0x26: {  	(v2sf) =	vpush v16, $0x7;
	s23 =	smulhi.u32 $0x68DB8BAD, s26;
	s0 =	sshra.s32 s26, $0x1F  }
0x27: {  	v0 =	vbroadcast v0, $0x0;
	s25 =	smul.u32 $0x68DB8BAD, s0;
	s28 =	spop (v2sf)  }
0x28: {  	s24 =	smulhi.u32 $0x68DB8BAD, s28;
	s0 =	sshra.s32 s28, $0x1F  }
0x29: {  	v38 =	vadd.s32 v15, v0;
	s4 =	spop (v2sf);
	s28 =	smul.u32 $0x68DB8BAD, s0  }
0x2a: {  	(v2sf) =	vpush v38, $0xD;
	s26 =	smulhi.u32 $0x68DB8BAD, s4;
	s0 =	sshra.s32 s4, $0x1F;
	s4 =	spop (v2sf)  }
0x2b: {  	s30 =	smul.u32 $0x68DB8BAD, s0;
	s0 =	sshra.s32 s4, $0x1F  }
0x2c: {  	s0 =	smul.u32 $0x68DB8BAD, s0  }
0x2d: {  	s29 =	smulhi.u32 $0x68DB8BAD, s4;
	s4 =	spop (v2sf)  }
0x2e: {  	(v2sf) =	vpush v38, $0xC;
	[smem:$0x5EF] =	sst s0;
	s0 =	sshra.s32 s4, $0x1F  }
0x2f: {  	s0 =	smul.u32 $0x68DB8BAD, s0  }
0x30: {  	s31 =	smulhi.u32 $0x68DB8BAD, s4  }
0x31: {  	[smem:$0x5F0] =	sst s0;
	s0 =	spop (v2sf)  }
0x32: {  	(v2sf) =	vpush v38, $0xE;
	s4 =	smulhi.u32 $0x68DB8BAD, s0;
	s0 =	sshra.s32 s0, $0x1F  }
0x33: {  	s0 =	smul.u32 $0x68DB8BAD, s0;
	_ =	sdelay $0x1  }
0x34: {  	[smem:$0x5F2] =	sst s0;
	s0 =	spop (v2sf)  }
0x35: {  	(v2sf) =	vpush v38, $0xF;
	[smem:$0x5F1] =	sst s4;
	s4 =	smulhi.u32 $0x68DB8BAD, s0;
	s0 =	sshra.s32 s0, $0x1F  }
0x36: {  	s0 =	smul.u32 $0x68DB8BAD, s0;
	_ =	sdelay $0x1  }
0x37: {  	[smem:$0x5F4] =	sst s0;
	s0 =	spop (v2sf)  }
0x38: {  	(v2sf) =	vpush v38, $0x9;
	[smem:$0x5F3] =	sst s4;
	s4 =	smulhi.u32 $0x68DB8BAD, s0;
	s0 =	sshra.s32 s0, $0x1F  }
0x39: {  	s0 =	smul.u32 $0x68DB8BAD, s0;
	_ =	sdelay $0x1  }
0x3a: {  	[smem:$0x5F6] =	sst s0;
	s0 =	spop (v2sf)  }
0x3b: {  	(v2sf) =	vpush v38, $0x8;
	[smem:$0x5F5] =	sst s4;
	s4 =	smulhi.u32 $0x68DB8BAD, s0;
	s0 =	sshra.s32 s0, $0x1F  }
0x3c: {  	s0 =	smul.u32 $0x68DB8BAD, s0;
	_ =	sdelay $0x1  }
0x3d: {  	[smem:$0x5F8] =	sst s0;
	s0 =	spop (v2sf)  }
0x3e: {  	(v2sf) =	vpush v38, $0xA;
	[smem:$0x5F7] =	sst s4;
	s4 =	smulhi.u32 $0x68DB8BAD, s0;
	s0 =	sshra.s32 s0, $0x1F  }
0x3f: {  	s0 =	smul.u32 $0x68DB8BAD, s0;
	_ =	sdelay $0x1  }
0x40: {  	[smem:$0x5FA] =	sst s0;
	s0 =	spop (v2sf)  }
0x41: {  	(v2sf) =	vpush v38, $0xB;
	[smem:$0x5F9] =	sst s4;
	s4 =	smulhi.u32 $0x68DB8BAD, s0;
	s0 =	sshra.s32 s0, $0x1F  }
0x42: {  	s0 =	smul.u32 $0x68DB8BAD, s0;
	_ =	sdelay $0x1  }
0x43: {  	[smem:$0x5FC] =	sst s0;
	s0 =	spop (v2sf)  }
0x44: {  	(v2sf) =	vpush v38, $0x0;
	[smem:$0x5FB] =	sst s4;
	s4 =	smulhi.u32 $0x68DB8BAD, s0;
	s0 =	sshra.s32 s0, $0x1F  }
0x45: {  	s0 =	smul.u32 $0x68DB8BAD, s0  }
0x46: {  	[smem:$0x5FD] =	sst s4  }
0x47: {  	s4 =	sadd.s32 $0x20, s5;
	[smem:$0x5FE] =	sst s0;
	s0 =	spop (v2sf)  }
0x48: {  	(v2sf) =	vpush v38, $0x1;
	v0 =	vmov s4;
	s4 =	smulhi.u32 $0x68DB8BAD, s0;
	s0 =	sshra.s32 s0, $0x1F  }
0x49: {  	s0 =	smul.u32 $0x68DB8BAD, s0;
	_ =	sdelay $0x1  }
0x4a: {  	[smem:$0x600] =	sst s0;
	s0 =	spop (v2sf)  }
0x4b: {  	(v2sf) =	vpush v38, $0x2;
	[smem:$0x5FF] =	sst s4;
	s4 =	smulhi.u32 $0x68DB8BAD, s0;
	s0 =	sshra.s32 s0, $0x1F  }
0x4c: {  	s0 =	smul.u32 $0x68DB8BAD, s0;
	_ =	sdelay $0x1  }
0x4d: {  	[smem:$0x602] =	sst s0;
	s0 =	spop (v2sf)  }
0x4e: {  	(v2sf) =	vpush v38, $0x3;
	[smem:$0x601] =	sst s4;
	s4 =	smulhi.u32 $0x68DB8BAD, s0;
	s0 =	sshra.s32 s0, $0x1F  }
0x4f: {  	s0 =	smul.u32 $0x68DB8BAD, s0;
	_ =	sdelay $0x1  }
0x50: {  	[smem:$0x604] =	sst s0;
	s0 =	spop (v2sf)  }
0x51: {  	(v2sf) =	vpush v38, $0x4;
	[smem:$0x603] =	sst s4;
	s4 =	smulhi.u32 $0x68DB8BAD, s0;
	s0 =	sshra.s32 s0, $0x1F  }
0x52: {  	s0 =	smul.u32 $0x68DB8BAD, s0;
	_ =	sdelay $0x1  }
0x53: {  	[smem:$0x606] =	sst s0;
	s0 =	spop (v2sf)  }
0x54: {  	(v2sf) =	vpush v38, $0x5;
	[smem:$0x605] =	sst s4;
	s4 =	smulhi.u32 $0x68DB8BAD, s0;
	s0 =	sshra.s32 s0, $0x1F  }
0x55: {  	s0 =	smul.u32 $0x68DB8BAD, s0;
	_ =	sdelay $0x1  }
0x56: {  	[smem:$0x608] =	sst s0;
	s0 =	spop (v2sf)  }
0x57: {  	(v2sf) =	vpush v38, $0x6;
	[smem:$0x607] =	sst s4;
	s4 =	smulhi.u32 $0x68DB8BAD, s0;
	s0 =	sshra.s32 s0, $0x1F  }
0x58: {  	s0 =	smul.u32 $0x68DB8BAD, s0;
	_ =	sdelay $0x1  }
0x59: {  	v0 =	vmul.u32 $0x29, v0;
	[smem:$0x60A] =	sst s0;
	s0 =	spop (v2sf)  }
0x5a: {  	(v2sf) =	vpush v38, $0x7;
	[smem:$0x609] =	sst s4;
	s4 =	smulhi.u32 $0x68DB8BAD, s0;
	s0 =	sshra.s32 s0, $0x1F  }
0x5b: {  	v0 =	vbroadcast v0, $0x0;
	s0 =	smul.u32 $0x68DB8BAD, s0;
	_ =	sdelay $0x1  }
0x5c: {  	v37 =	vadd.s32 v15, v0;
	[smem:$0x60C] =	sst s0;
	s0 =	spop (v2sf)  }
0x5d: {  	(v2sf) =	vpush v37, $0xD;
	[smem:$0x60B] =	sst s4;
	s4 =	smulhi.u32 $0x68DB8BAD, s0;
	s0 =	sshra.s32 s0, $0x1F  }
0x5e: {  	s0 =	smul.u32 $0x68DB8BAD, s0;
	_ =	sdelay $0x1  }
0x5f: {  	[smem:$0x60E] =	sst s0;
	s0 =	spop (v2sf)  }
0x60: {  	(v2sf) =	vpush v37, $0xC;
	[smem:$0x60D] =	sst s4;
	s4 =	smulhi.u32 $0x68DB8BAD, s0;
	s0 =	sshra.s32 s0, $0x1F  }
0x61: {  	s0 =	smul.u32 $0x68DB8BAD, s0;
	_ =	sdelay $0x1  }
0x62: {  	[smem:$0x610] =	sst s0;
	s0 =	spop (v2sf)  }
0x63: {  	(v2sf) =	vpush v37, $0xE;
	[smem:$0x60F] =	sst s4;
	s4 =	smulhi.u32 $0x68DB8BAD, s0;
	s0 =	sshra.s32 s0, $0x1F  }
0x64: {  	s0 =	smul.u32 $0x68DB8BAD, s0;
	_ =	sdelay $0x1  }
0x65: {  	[smem:$0x612] =	sst s0;
	s0 =	spop (v2sf)  }
0x66: {  	(v2sf) =	vpush v37, $0xF;
	[smem:$0x611] =	sst s4;
	s4 =	smulhi.u32 $0x68DB8BAD, s0;
	s0 =	sshra.s32 s0, $0x1F  }
0x67: {  	s0 =	smul.u32 $0x68DB8BAD, s0;
	_ =	sdelay $0x1  }
0x68: {  	[smem:$0x614] =	sst s0;
	s0 =	spop (v2sf)  }
0x69: {  	(v2sf) =	vpush v37, $0x9;
	[smem:$0x613] =	sst s4;
	s4 =	smulhi.u32 $0x68DB8BAD, s0;
	s0 =	sshra.s32 s0, $0x1F  }
0x6a: {  	s0 =	smul.u32 $0x68DB8BAD, s0;
	_ =	sdelay $0x1  }
0x6b: {  	[smem:$0x616] =	sst s0;
	s0 =	spop (v2sf)  }
0x6c: {  	(v2sf) =	vpush v37, $0x8;
	[smem:$0x615] =	sst s4;
	s4 =	smulhi.u32 $0x68DB8BAD, s0;
	s0 =	sshra.s32 s0, $0x1F  }
0x6d: {  	s0 =	smul.u32 $0x68DB8BAD, s0;
	_ =	sdelay $0x1  }
0x6e: {  	[smem:$0x618] =	sst s0;
	s0 =	spop (v2sf)  }
0x6f: {  	(v2sf) =	vpush v37, $0xA;
	[smem:$0x617] =	sst s4;
	s4 =	smulhi.u32 $0x68DB8BAD, s0;
	s0 =	sshra.s32 s0, $0x1F  }
0x70: {  	s0 =	smul.u32 $0x68DB8BAD, s0;
	_ =	sdelay $0x1  }
0x71: {  	[smem:$0x61A] =	sst s0;
	s0 =	spop (v2sf)  }
0x72: {  	(v2sf) =	vpush v37, $0xB;
	[smem:$0x619] =	sst s4;
	s4 =	smulhi.u32 $0x68DB8BAD, s0;
	s0 =	sshra.s32 s0, $0x1F  }
0x73: {  	s0 =	smul.u32 $0x68DB8BAD, s0;
	_ =	sdelay $0x1  }
0x74: {  	[smem:$0x61C] =	sst s0;
	s0 =	spop (v2sf)  }
0x75: {  	(v2sf) =	vpush v37, $0x0;
	[smem:$0x61B] =	sst s4;
	s4 =	smulhi.u32 $0x68DB8BAD, s0;
	s0 =	sshra.s32 s0, $0x1F  }
0x76: {  	s0 =	smul.u32 $0x68DB8BAD, s0  }
0x77: {  	[smem:$0x61D] =	sst s4  }
0x78: {  	s4 =	sadd.s32 $0x30, s5;
	[smem:$0x61E] =	sst s0;
	s0 =	spop (v2sf)  }
0x79: {  	(v2sf) =	vpush v37, $0x1;
	v0 =	vmov s4;
	s4 =	smulhi.u32 $0x68DB8BAD, s0;
	s0 =	sshra.s32 s0, $0x1F  }
0x7a: {  	s0 =	smul.u32 $0x68DB8BAD, s0;
	_ =	sdelay $0x1  }
0x7b: {  	[smem:$0x620] =	sst s0;
	s0 =	spop (v2sf)  }
0x7c: {  	(v2sf) =	vpush v37, $0x2;
	[smem:$0x61F] =	sst s4;
	s4 =	smulhi.u32 $0x68DB8BAD, s0;
	s0 =	sshra.s32 s0, $0x1F  }
0x7d: {  	s0 =	smul.u32 $0x68DB8BAD, s0;
	_ =	sdelay $0x1  }
0x7e: {  	[smem:$0x622] =	sst s0;
	s0 =	spop (v2sf)  }
0x7f: {  	(v2sf) =	vpush v37, $0x3;
	[smem:$0x621] =	sst s4;
	s4 =	smulhi.u32 $0x68DB8BAD, s0;
	s0 =	sshra.s32 s0, $0x1F  }
0x80: {  	s0 =	smul.u32 $0x68DB8BAD, s0;
	_ =	sdelay $0x1  }
0x81: {  	[smem:$0x624] =	sst s0;
	s0 =	spop (v2sf)  }
0x82: {  	(v2sf) =	vpush v37, $0x4;
	[smem:$0x623] =	sst s4;
	s4 =	smulhi.u32 $0x68DB8BAD, s0;
	s0 =	sshra.s32 s0, $0x1F  }
0x83: {  	s0 =	smul.u32 $0x68DB8BAD, s0;
	_ =	sdelay $0x1  }
0x84: {  	[smem:$0x626] =	sst s0;
	s0 =	spop (v2sf)  }
0x85: {  	(v2sf) =	vpush v37, $0x5;
	[smem:$0x625] =	sst s4;
	s4 =	smulhi.u32 $0x68DB8BAD, s0;
	s0 =	sshra.s32 s0, $0x1F  }
0x86: {  	s0 =	smul.u32 $0x68DB8BAD, s0;
	_ =	sdelay $0x1  }
0x87: {  	[smem:$0x628] =	sst s0;
	s0 =	spop (v2sf)  }
0x88: {  	(v2sf) =	vpush v37, $0x6;
	[smem:$0x627] =	sst s4;
	s4 =	smulhi.u32 $0x68DB8BAD, s0;
	s0 =	sshra.s32 s0, $0x1F  }
0x89: {  	s0 =	smul.u32 $0x68DB8BAD, s0;
	_ =	sdelay $0x1  }
0x8a: {  	v0 =	vmul.u32 $0x29, v0;
	[smem:$0x62A] =	sst s0;
	s0 =	spop (v2sf)  }
0x8b: {  	(v2sf) =	vpush v37, $0x7;
	[smem:$0x629] =	sst s4;
	s4 =	smulhi.u32 $0x68DB8BAD, s0;
	s0 =	sshra.s32 s0, $0x1F  }
0x8c: {  	v0 =	vbroadcast v0, $0x0;
	s0 =	smul.u32 $0x68DB8BAD, s0;
	_ =	sdelay $0x1  }
0x8d: {  	v36 =	vadd.s32 v15, v0;
	[smem:$0x62C] =	sst s0;
	s0 =	spop (v2sf)  }
0x8e: {  	(v2sf) =	vpush v36, $0xD;
	[smem:$0x62B] =	sst s4;
	s4 =	smulhi.u32 $0x68DB8BAD, s0;
	s0 =	sshra.s32 s0, $0x1F  }
0x8f: {  	s0 =	smul.u32 $0x68DB8BAD, s0;
	_ =	sdelay $0x1  }
0x90: {  	[smem:$0x62E] =	sst s0;
	s0 =	spop (v2sf)  }
0x91: {  	(v2sf) =	vpush v36, $0xC;
	[smem:$0x62D] =	sst s4;
	s4 =	smulhi.u32 $0x68DB8BAD, s0;
	s0 =	sshra.s32 s0, $0x1F  }
0x92: {  	s0 =	smul.u32 $0x68DB8BAD, s0;
	_ =	sdelay $0x1  }
0x93: {  	[smem:$0x630] =	sst s0;
	s0 =	spop (v2sf)  }
0x94: {  	(v2sf) =	vpush v36, $0xE;
	[smem:$0x62F] =	sst s4;
	s4 =	smulhi.u32 $0x68DB8BAD, s0;
	s0 =	sshra.s32 s0, $0x1F  }
0x95: {  	s0 =	smul.u32 $0x68DB8BAD, s0;
	_ =	sdelay $0x1  }
0x96: {  	[smem:$0x632] =	sst s0;
	s0 =	spop (v2sf)  }
0x97: {  	[smem:$0x631] =	sst s4;
	s4 =	smulhi.u32 $0x68DB8BAD, s0;
	s0 =	sshra.s32 s0, $0x1F  }
0x98: {  	(v2sf) =	vpush v36, $0xF;
	s0 =	smul.u32 $0x68DB8BAD, s0;
	_ =	sdelay $0x1  }
0x99: {  	[smem:$0x634] =	sst s0;
	s0 =	spop (v2sf)  }
0x9a: {  	[smem:$0x633] =	sst s4;
	s4 =	smulhi.u32 $0x68DB8BAD, s0;
	s0 =	sshra.s32 s0, $0x1F  }
0x9b: {  	(v2sf) =	vpush v36, $0x9;
	s0 =	smul.u32 $0x68DB8BAD, s0;
	_ =	sdelay $0x1  }
0x9c: {  	[smem:$0x636] =	sst s0;
	s0 =	spop (v2sf)  }
0x9d: {  	[smem:$0x635] =	sst s4;
	s4 =	smulhi.u32 $0x68DB8BAD, s0;
	s0 =	sshra.s32 s0, $0x1F  }
0x9e: {  	(v2sf) =	vpush v36, $0x8;
	s0 =	smul.u32 $0x68DB8BAD, s0;
	_ =	sdelay $0x1  }
0x9f: {  	(v2sf) =	vpush v36, $0xA;
	[smem:$0x638] =	sst s0;
	s0 =	spop (v2sf)  }
0xa0: {  	(v2sf) =	vpush v36, $0xB;
	[smem:$0x637] =	sst s4;
	s4 =	smulhi.u32 $0x68DB8BAD, s0  }
0xa1: {  	(v2sf) =	vpush v36, $0x0;
	s0 =	sshra.s32 s0, $0x1F  }
0xa2: {  	(v2sf) =	vpush v36, $0x1;
	s0 =	smul.u32 $0x68DB8BAD, s0;
	[smem:$0x639] =	sst s4  }
0xa3: {  	(v2sf) =	vpush v36, $0x2  }
0xa4: {  	[smem:$0x63A] =	sst s0;
	s0 =	spop (v2sf)  }
0xa5: {  	s4 =	smulhi.u32 $0x68DB8BAD, s0;
	s0 =	sshra.s32 s0, $0x1F  }
0xa6: {  	s0 =	smul.u32 $0x68DB8BAD, s0;
	_ =	sdelay $0x1  }
0xa7: {  	[smem:$0x63C] =	sst s0;
	s0 =	spop (v2sf)  }
0xa8: {  	[smem:$0x63B] =	sst s4;
	s4 =	smulhi.u32 $0x68DB8BAD, s0;
	s0 =	sshra.s32 s0, $0x1F  }
0xa9: {  	s0 =	smul.u32 $0x68DB8BAD, s0  }
0xaa: {  	[smem:$0x63D] =	sst s4  }
0xab: {  	s4 =	sadd.s32 $0x40, s5;
	[smem:$0x63E] =	sst s0;
	s0 =	spop (v2sf)  }
0xac: {  	v0 =	vmov s4;
	s4 =	smulhi.u32 $0x68DB8BAD, s0;
	s0 =	sshra.s32 s0, $0x1F  }
0xad: {  	s0 =	smul.u32 $0x68DB8BAD, s0;
	_ =	sdelay $0x1  }
0xae: {  	[smem:$0x640] =	sst s0;
	s0 =	spop (v2sf)  }
0xaf: {  	[smem:$0x63F] =	sst s4;
	s4 =	smulhi.u32 $0x68DB8BAD, s0;
	s0 =	sshra.s32 s0, $0x1F  }
0xb0: {  	s0 =	smul.u32 $0x68DB8BAD, s0;
	_ =	sdelay $0x1  }
0xb1: {  	[smem:$0x642] =	sst s0;
	s0 =	spop (v2sf)  }
0xb2: {  	(v2sf) =	vpush v36, $0x3;
	[smem:$0x641] =	sst s4;
	s4 =	smulhi.u32 $0x68DB8BAD, s0;
	s0 =	sshra.s32 s0, $0x1F  }
0xb3: {  	s0 =	smul.u32 $0x68DB8BAD, s0;
	_ =	sdelay $0x1  }
0xb4: {  	[smem:$0x644] =	sst s0;
	s0 =	spop (v2sf)  }
0xb5: {  	(v2sf) =	vpush v36, $0x4;
	[smem:$0x643] =	sst s4;
	s4 =	smulhi.u32 $0x68DB8BAD, s0;
	s0 =	sshra.s32 s0, $0x1F  }
0xb6: {  	s0 =	smul.u32 $0x68DB8BAD, s0;
	_ =	sdelay $0x1  }
0xb7: {  	[smem:$0x646] =	sst s0;
	s0 =	spop (v2sf)  }
0xb8: {  	(v2sf) =	vpush v36, $0x5;
	[smem:$0x645] =	sst s4;
	s4 =	smulhi.u32 $0x68DB8BAD, s0;
	s0 =	sshra.s32 s0, $0x1F  }
0xb9: {  	s0 =	smul.u32 $0x68DB8BAD, s0;
	_ =	sdelay $0x1  }
0xba: {  	[smem:$0x648] =	sst s0;
	s0 =	spop (v2sf)  }
0xbb: {  	(v2sf) =	vpush v36, $0x6;
	[smem:$0x647] =	sst s4;
	s4 =	smulhi.u32 $0x68DB8BAD, s0;
	s0 =	sshra.s32 s0, $0x1F  }
0xbc: {  	s0 =	smul.u32 $0x68DB8BAD, s0;
	_ =	sdelay $0x1  }
0xbd: {  	v0 =	vmul.u32 $0x29, v0;
	[smem:$0x64A] =	sst s0;
	s0 =	spop (v2sf)  }
0xbe: {  	(v2sf) =	vpush v36, $0x7;
	[smem:$0x649] =	sst s4;
	s4 =	smulhi.u32 $0x68DB8BAD, s0;
	s0 =	sshra.s32 s0, $0x1F  }
0xbf: {  	v0 =	vbroadcast v0, $0x0;
	s0 =	smul.u32 $0x68DB8BAD, s0;
	_ =	sdelay $0x1  }
0xc0: {  	v35 =	vadd.s32 v15, v0;
	[smem:$0x64C] =	sst s0;
	s0 =	spop (v2sf)  }
0xc1: {  	(v2sf) =	vpush v35, $0xD;
	[smem:$0x64B] =	sst s4;
	s4 =	smulhi.u32 $0x68DB8BAD, s0;
	s0 =	sshra.s32 s0, $0x1F  }
0xc2: {  	s0 =	smul.u32 $0x68DB8BAD, s0;
	_ =	sdelay $0x1  }
0xc3: {  	[smem:$0x64E] =	sst s0;
	s0 =	spop (v2sf)  }
0xc4: {  	(v2sf) =	vpush v35, $0xC;
	[smem:$0x64D] =	sst s4;
	s4 =	smulhi.u32 $0x68DB8BAD, s0;
	s0 =	sshra.s32 s0, $0x1F  }
0xc5: {  	s0 =	smul.u32 $0x68DB8BAD, s0;
	_ =	sdelay $0x1  }
0xc6: {  	[smem:$0x650] =	sst s0;
	s0 =	spop (v2sf)  }
0xc7: {  	(v2sf) =	vpush v35, $0xE;
	[smem:$0x64F] =	sst s4;
	s4 =	smulhi.u32 $0x68DB8BAD, s0;
	s0 =	sshra.s32 s0, $0x1F  }
0xc8: {  	s0 =	smul.u32 $0x68DB8BAD, s0;
	_ =	sdelay $0x1  }
0xc9: {  	[smem:$0x652] =	sst s0;
	s0 =	spop (v2sf)  }
0xca: {  	(v2sf) =	vpush v35, $0xF;
	[smem:$0x651] =	sst s4;
	s4 =	smulhi.u32 $0x68DB8BAD, s0;
	s0 =	sshra.s32 s0, $0x1F  }
0xcb: {  	s0 =	smul.u32 $0x68DB8BAD, s0;
	_ =	sdelay $0x1  }
0xcc: {  	[smem:$0x654] =	sst s0;
	s0 =	spop (v2sf)  }
0xcd: {  	(v2sf) =	vpush v35, $0x9;
	[smem:$0x653] =	sst s4;
	s4 =	smulhi.u32 $0x68DB8BAD, s0;
	s0 =	sshra.s32 s0, $0x1F  }
0xce: {  	s0 =	smul.u32 $0x68DB8BAD, s0;
	_ =	sdelay $0x1  }
0xcf: {  	[smem:$0x656] =	sst s0;
	s0 =	spop (v2sf)  }
0xd0: {  	(v2sf) =	vpush v35, $0x8;
	[smem:$0x655] =	sst s4;
	s4 =	smulhi.u32 $0x68DB8BAD, s0;
	s0 =	sshra.s32 s0, $0x1F  }
0xd1: {  	s0 =	smul.u32 $0x68DB8BAD, s0;
	_ =	sdelay $0x1  }
0xd2: {  	[smem:$0x658] =	sst s0;
	s0 =	spop (v2sf)  }
0xd3: {  	(v2sf) =	vpush v35, $0xA;
	[smem:$0x657] =	sst s4;
	s4 =	smulhi.u32 $0x68DB8BAD, s0;
	s0 =	sshra.s32 s0, $0x1F  }
0xd4: {  	s0 =	smul.u32 $0x68DB8BAD, s0;
	_ =	sdelay $0x1  }
0xd5: {  	[smem:$0x65A] =	sst s0;
	s0 =	spop (v2sf)  }
0xd6: {  	(v2sf) =	vpush v35, $0xB;
	[smem:$0x659] =	sst s4;
	s4 =	smulhi.u32 $0x68DB8BAD, s0;
	s0 =	sshra.s32 s0, $0x1F  }
0xd7: {  	s0 =	smul.u32 $0x68DB8BAD, s0;
	_ =	sdelay $0x1  }
0xd8: {  	[smem:$0x65C] =	sst s0;
	s0 =	spop (v2sf)  }
0xd9: {  	(v2sf) =	vpush v35, $0x0;
	[smem:$0x65B] =	sst s4;
	s4 =	smulhi.u32 $0x68DB8BAD, s0;
	s0 =	sshra.s32 s0, $0x1F  }
0xda: {  	s0 =	smul.u32 $0x68DB8BAD, s0  }
0xdb: {  	[smem:$0x65D] =	sst s4  }
0xdc: {  	s4 =	sadd.s32 $0x50, s5;
	[smem:$0x65E] =	sst s0;
	s0 =	spop (v2sf)  }
0xdd: {  	(v2sf) =	vpush v35, $0x1;
	v0 =	vmov s4;
	s4 =	smulhi.u32 $0x68DB8BAD, s0;
	s0 =	sshra.s32 s0, $0x1F  }
0xde: {  	s0 =	smul.u32 $0x68DB8BAD, s0;
	_ =	sdelay $0x1  }
0xdf: {  	[smem:$0x660] =	sst s0;
	s0 =	spop (v2sf)  }
0xe0: {  	(v2sf) =	vpush v35, $0x2;
	[smem:$0x65F] =	sst s4;
	s4 =	smulhi.u32 $0x68DB8BAD, s0;
	s0 =	sshra.s32 s0, $0x1F  }
0xe1: {  	s0 =	smul.u32 $0x68DB8BAD, s0;
	_ =	sdelay $0x1  }
0xe2: {  	[smem:$0x662] =	sst s0;
	s0 =	spop (v2sf)  }
0xe3: {  	(v2sf) =	vpush v35, $0x3;
	[smem:$0x661] =	sst s4;
	s4 =	smulhi.u32 $0x68DB8BAD, s0;
	s0 =	sshra.s32 s0, $0x1F  }
0xe4: {  	s0 =	smul.u32 $0x68DB8BAD, s0;
	_ =	sdelay $0x1  }
0xe5: {  	[smem:$0x664] =	sst s0;
	s0 =	spop (v2sf)  }
0xe6: {  	(v2sf) =	vpush v35, $0x4;
	[smem:$0x663] =	sst s4;
	s4 =	smulhi.u32 $0x68DB8BAD, s0;
	s0 =	sshra.s32 s0, $0x1F  }
0xe7: {  	s0 =	smul.u32 $0x68DB8BAD, s0;
	_ =	sdelay $0x1  }
0xe8: {  	[smem:$0x666] =	sst s0;
	s0 =	spop (v2sf)  }
0xe9: {  	(v2sf) =	vpush v35, $0x5;
	[smem:$0x665] =	sst s4;
	s4 =	smulhi.u32 $0x68DB8BAD, s0;
	s0 =	sshra.s32 s0, $0x1F  }
0xea: {  	s0 =	smul.u32 $0x68DB8BAD, s0;
	_ =	sdelay $0x1  }
0xeb: {  	[smem:$0x668] =	sst s0;
	s0 =	spop (v2sf)  }
0xec: {  	(v2sf) =	vpush v35, $0x6;
	[smem:$0x667] =	sst s4;
	s4 =	smulhi.u32 $0x68DB8BAD, s0;
	s0 =	sshra.s32 s0, $0x1F  }
0xed: {  	s0 =	smul.u32 $0x68DB8BAD, s0;
	_ =	sdelay $0x1  }
0xee: {  	v0 =	vmul.u32 $0x29, v0;
	[smem:$0x66A] =	sst s0;
	s0 =	spop (v2sf)  }
0xef: {  	(v2sf) =	vpush v35, $0x7;
	[smem:$0x669] =	sst s4;
	s4 =	smulhi.u32 $0x68DB8BAD, s0;
	s0 =	sshra.s32 s0, $0x1F  }
0xf0: {  	v0 =	vbroadcast v0, $0x0;
	s0 =	smul.u32 $0x68DB8BAD, s0;
	_ =	sdelay $0x1  }
0xf1: {  	v34 =	vadd.s32 v15, v0;
	[smem:$0x66C] =	sst s0;
	s0 =	spop (v2sf)  }
0xf2: {  	(v2sf) =	vpush v34, $0xD;
	[smem:$0x66B] =	sst s4;
	s4 =	smulhi.u32 $0x68DB8BAD, s0;
	s0 =	sshra.s32 s0, $0x1F  }
0xf3: {  	s0 =	smul.u32 $0x68DB8BAD, s0;
	_ =	sdelay $0x1  }
0xf4: {  	[smem:$0x66E] =	sst s0;
	s0 =	spop (v2sf)  }
0xf5: {  	(v2sf) =	vpush v34, $0xC;
	[smem:$0x66D] =	sst s4;
	s4 =	smulhi.u32 $0x68DB8BAD, s0;
	s0 =	sshra.s32 s0, $0x1F  }
0xf6: {  	s0 =	smul.u32 $0x68DB8BAD, s0;
	_ =	sdelay $0x1  }
0xf7: {  	[smem:$0x670] =	sst s0;
	s0 =	spop (v2sf)  }
0xf8: {  	(v2sf) =	vpush v34, $0xE;
	[smem:$0x66F] =	sst s4;
	s4 =	smulhi.u32 $0x68DB8BAD, s0;
	s0 =	sshra.s32 s0, $0x1F  }
0xf9: {  	s0 =	smul.u32 $0x68DB8BAD, s0;
	_ =	sdelay $0x1  }
0xfa: {  	[smem:$0x672] =	sst s0;
	s0 =	spop (v2sf)  }
0xfb: {  	(v2sf) =	vpush v34, $0xF;
	[smem:$0x671] =	sst s4;
	s4 =	smulhi.u32 $0x68DB8BAD, s0;
	s0 =	sshra.s32 s0, $0x1F  }
0xfc: {  	s0 =	smul.u32 $0x68DB8BAD, s0;
	_ =	sdelay $0x1  }
0xfd: {  	[smem:$0x674] =	sst s0;
	s0 =	spop (v2sf)  }
0xfe: {  	(v2sf) =	vpush v34, $0x9;
	[smem:$0x673] =	sst s4;
	s4 =	smulhi.u32 $0x68DB8BAD, s0;
	s0 =	sshra.s32 s0, $0x1F  }
0xff: {  	s0 =	smul.u32 $0x68DB8BAD, s0;
	_ =	sdelay $0x1  }
0x100: {  	[smem:$0x676] =	sst s0;
	s0 =	spop (v2sf)  }
0x101: {  	(v2sf) =	vpush v34, $0x8;
	[smem:$0x675] =	sst s4;
	s4 =	smulhi.u32 $0x68DB8BAD, s0;
	s0 =	sshra.s32 s0, $0x1F  }
0x102: {  	s0 =	smul.u32 $0x68DB8BAD, s0;
	_ =	sdelay $0x1  }
0x103: {  	[smem:$0x678] =	sst s0;
	s0 =	spop (v2sf)  }
0x104: {  	(v2sf) =	vpush v34, $0xA;
	[smem:$0x677] =	sst s4;
	s4 =	smulhi.u32 $0x68DB8BAD, s0;
	s0 =	sshra.s32 s0, $0x1F  }
0x105: {  	s0 =	smul.u32 $0x68DB8BAD, s0;
	_ =	sdelay $0x1  }
0x106: {  	[smem:$0x67A] =	sst s0;
	s0 =	spop (v2sf)  }
0x107: {  	(v2sf) =	vpush v34, $0xB;
	[smem:$0x679] =	sst s4;
	s4 =	smulhi.u32 $0x68DB8BAD, s0;
	s0 =	sshra.s32 s0, $0x1F  }
0x108: {  	s0 =	smul.u32 $0x68DB8BAD, s0;
	_ =	sdelay $0x1  }
0x109: {  	[smem:$0x67C] =	sst s0;
	s0 =	spop (v2sf)  }
0x10a: {  	(v2sf) =	vpush v34, $0x0;
	[smem:$0x67B] =	sst s4;
	s4 =	smulhi.u32 $0x68DB8BAD, s0;
	s0 =	sshra.s32 s0, $0x1F  }
0x10b: {  	s0 =	smul.u32 $0x68DB8BAD, s0  }
0x10c: {  	[smem:$0x67D] =	sst s4  }
0x10d: {  	s4 =	sadd.s32 $0x60, s5;
	[smem:$0x67E] =	sst s0;
	s0 =	spop (v2sf)  }
0x10e: {  	(v2sf) =	vpush v34, $0x1;
	v0 =	vmov s4;
	s4 =	smulhi.u32 $0x68DB8BAD, s0;
	s0 =	sshra.s32 s0, $0x1F  }
0x10f: {  	s0 =	smul.u32 $0x68DB8BAD, s0;
	_ =	sdelay $0x1  }
0x110: {  	[smem:$0x680] =	sst s0;
	s0 =	spop (v2sf)  }
0x111: {  	(v2sf) =	vpush v34, $0x2;
	[smem:$0x67F] =	sst s4;
	s4 =	smulhi.u32 $0x68DB8BAD, s0;
	s0 =	sshra.s32 s0, $0x1F  }
0x112: {  	s0 =	smul.u32 $0x68DB8BAD, s0;
	_ =	sdelay $0x1  }
0x113: {  	[smem:$0x682] =	sst s0;
	s0 =	spop (v2sf)  }
0x114: {  	(v2sf) =	vpush v34, $0x3;
	[smem:$0x681] =	sst s4;
	s4 =	smulhi.u32 $0x68DB8BAD, s0;
	s0 =	sshra.s32 s0, $0x1F  }
0x115: {  	s0 =	smul.u32 $0x68DB8BAD, s0;
	_ =	sdelay $0x1  }
0x116: {  	[smem:$0x684] =	sst s0;
	s0 =	spop (v2sf)  }
0x117: {  	(v2sf) =	vpush v34, $0x4;
	[smem:$0x683] =	sst s4;
	s4 =	smulhi.u32 $0x68DB8BAD, s0;
	s0 =	sshra.s32 s0, $0x1F  }
0x118: {  	s0 =	smul.u32 $0x68DB8BAD, s0;
	_ =	sdelay $0x1  }
0x119: {  	[smem:$0x686] =	sst s0;
	s0 =	spop (v2sf)  }
0x11a: {  	(v2sf) =	vpush v34, $0x5;
	[smem:$0x685] =	sst s4;
	s4 =	smulhi.u32 $0x68DB8BAD, s0;
	s0 =	sshra.s32 s0, $0x1F  }
0x11b: {  	s0 =	smul.u32 $0x68DB8BAD, s0;
	_ =	sdelay $0x1  }
0x11c: {  	[smem:$0x688] =	sst s0;
	s0 =	spop (v2sf)  }
0x11d: {  	(v2sf) =	vpush v34, $0x6;
	[smem:$0x687] =	sst s4;
	s4 =	smulhi.u32 $0x68DB8BAD, s0;
	s0 =	sshra.s32 s0, $0x1F  }
0x11e: {  	s0 =	smul.u32 $0x68DB8BAD, s0;
	_ =	sdelay $0x1  }
0x11f: {  	v0 =	vmul.u32 $0x29, v0;
	[smem:$0x68A] =	sst s0;
	s0 =	spop (v2sf)  }
0x120: {  	(v2sf) =	vpush v34, $0x7;
	[smem:$0x689] =	sst s4;
	s4 =	smulhi.u32 $0x68DB8BAD, s0;
	s0 =	sshra.s32 s0, $0x1F  }
0x121: {  	v0 =	vbroadcast v0, $0x0;
	s0 =	smul.u32 $0x68DB8BAD, s0;
	_ =	sdelay $0x1  }
0x122: {  	v33 =	vadd.s32 v15, v0;
	[smem:$0x68C] =	sst s0;
	s0 =	spop (v2sf)  }
0x123: {  	(v2sf) =	vpush v33, $0xD;
	[smem:$0x68B] =	sst s4;
	s4 =	smulhi.u32 $0x68DB8BAD, s0;
	s0 =	sshra.s32 s0, $0x1F  }
0x124: {  	s0 =	smul.u32 $0x68DB8BAD, s0;
	_ =	sdelay $0x1  }
0x125: {  	[smem:$0x68E] =	sst s0;
	s0 =	spop (v2sf)  }
0x126: {  	(v2sf) =	vpush v33, $0xC;
	[smem:$0x68D] =	sst s4;
	s4 =	smulhi.u32 $0x68DB8BAD, s0;
	s0 =	sshra.s32 s0, $0x1F  }
0x127: {  	s0 =	smul.u32 $0x68DB8BAD, s0;
	_ =	sdelay $0x1  }
0x128: {  	[smem:$0x690] =	sst s0;
	s0 =	spop (v2sf)  }
0x129: {  	(v2sf) =	vpush v33, $0xE;
	[smem:$0x68F] =	sst s4;
	s4 =	smulhi.u32 $0x68DB8BAD, s0;
	s0 =	sshra.s32 s0, $0x1F  }
0x12a: {  	s0 =	smul.u32 $0x68DB8BAD, s0;
	_ =	sdelay $0x1  }
0x12b: {  	[smem:$0x692] =	sst s0;
	s0 =	spop (v2sf)  }
0x12c: {  	(v2sf) =	vpush v33, $0xF;
	[smem:$0x691] =	sst s4;
	s4 =	smulhi.u32 $0x68DB8BAD, s0;
	s0 =	sshra.s32 s0, $0x1F  }
0x12d: {  	s0 =	smul.u32 $0x68DB8BAD, s0;
	_ =	sdelay $0x1  }
0x12e: {  	s8 =	sadd.s32 s8, s6;
	[smem:$0x694] =	sst s0;
	s0 =	spop (v2sf)  }
0x12f: {  	(v2sf) =	vpush v33, $0x9;
	[smem:$0x693] =	sst s4;
	s4 =	smulhi.u32 $0x68DB8BAD, s0;
	s0 =	sshra.s32 s0, $0x1F  }
0x130: {  	s10 =	sadd.s32 s10, s7;
	[smem:$0x729] =	sst s8;
	s0 =	smul.u32 $0x68DB8BAD, s0  }
0x131: {  	[smem:$0x728] =	sst s10  }
0x132: {  	s12 =	sadd.s32 s12, s9;
	[smem:$0x696] =	sst s0;
	s0 =	spop (v2sf)  }
0x133: {  	(v2sf) =	vpush v33, $0x8;
	[smem:$0x695] =	sst s4;
	s4 =	smulhi.u32 $0x68DB8BAD, s0;
	s0 =	sshra.s32 s0, $0x1F  }
0x134: {  	s16 =	sadd.s32 s18, s16;
	[smem:$0x72A] =	sst s12;
	s0 =	smul.u32 $0x68DB8BAD, s0  }
0x135: {  	[smem:$0x72D] =	sst s16  }
0x136: {  	s18 =	sadd.s32 s19, s17;
	[smem:$0x698] =	sst s0;
	s0 =	spop (v2sf)  }
0x137: {  	(v2sf) =	vpush v33, $0xA;
	[smem:$0x697] =	sst s4;
	s4 =	smulhi.u32 $0x68DB8BAD, s0;
	s0 =	sshra.s32 s0, $0x1F  }
0x138: {  	s20 =	sadd.s32 s22, s20;
	[smem:$0x731] =	sst s18;
	s0 =	smul.u32 $0x68DB8BAD, s0  }
0x139: {  	[smem:$0x734] =	sst s20  }
0x13a: {  	s1 =	sadd.s32 s1, s21;
	[smem:$0x69A] =	sst s0;
	s0 =	spop (v2sf)  }
0x13b: {  	(v2sf) =	vpush v33, $0xB;
	[smem:$0x699] =	sst s4;
	s4 =	smulhi.u32 $0x68DB8BAD, s0;
	s0 =	sshra.s32 s0, $0x1F  }
0x13c: {  	s23 =	sadd.s32 s25, s23;
	[smem:$0x72B] =	sst s1;
	s0 =	smul.u32 $0x68DB8BAD, s0  }
0x13d: {  	[smem:$0x72F] =	sst s23  }
0x13e: {  	s24 =	sadd.s32 s28, s24;
	[smem:$0x69C] =	sst s0;
	s0 =	spop (v2sf)  }
0x13f: {  	(v2sf) =	vpush v33, $0x0;
	[smem:$0x69B] =	sst s4;
	s4 =	smulhi.u32 $0x68DB8BAD, s0;
	s0 =	sshra.s32 s0, $0x1F  }
0x140: {  	[smem:$0x732] =	sst s24;
	s0 =	smul.u32 $0x68DB8BAD, s0  }
0x141: {  	s28 =	sadd.s32 s30, s26;
	s12 =	sadd.s32 s14, s11;
	(v2sf) =	vpush v33, $0x1;
	[smem:$0x69D] =	sst s4  }
0x142: {  	(v2sf) =	vpush v33, $0x2;
	s4 =	sadd.s32 $0x70, s5;
	[smem:$0x69E] =	sst s0;
	s0 =	spop (v2sf)  }
0x143: {  	[smem:$0x733] =	sst s28;
	v0 =	vmov s4;
	s4 =	smulhi.u32 $0x68DB8BAD, s0;
	s0 =	sshra.s32 s0, $0x1F  }
0x144: {  	s14 =	sadd.s32 s15, s13;
	[smem:$0x72C] =	sst s12;
	(v2sf) =	vpush v33, $0x3;
	s0 =	smul.u32 $0x68DB8BAD, s0  }
0x145: {  	[smem:$0x72E] =	sst s14  }
0x146: {  	(v2sf) =	vpush v33, $0x4;
	[smem:$0x6A0] =	sst s0;
	s0 =	spop (v2sf)  }
0x147: {  	(v2sf) =	vpush v33, $0x5;
	[smem:$0x69F] =	sst s4;
	s4 =	smulhi.u32 $0x68DB8BAD, s0;
	s0 =	sshra.s32 s0, $0x1F  }
0x148: {  	s21 =	sld [smem:$0x5F1];
	s0 =	smul.u32 $0x68DB8BAD, s0  }
0x149: {  	s24 =	sld [smem:$0x5F3]  }
0x14a: {  	(v2sf) =	vpush v33, $0x6;
	[smem:$0x6A2] =	sst s0;
	s0 =	spop (v2sf)  }
0x14b: {  	[smem:$0x6A1] =	sst s4;
	s4 =	smulhi.u32 $0x68DB8BAD, s0;
	s0 =	sshra.s32 s0, $0x1F  }
0x14c: {  	s26 =	sld [smem:$0x5F5];
	v0 =	vmul.u32 $0x29, v0;
	s0 =	smul.u32 $0x68DB8BAD, s0  }
0x14d: {  	s28 =	sld [smem:$0x5F6]  }
0x14e: {  	v0 =	vbroadcast v0, $0x0;
	[smem:$0x6A4] =	sst s0;
	s0 =	spop (v2sf)  }
0x14f: {  	(v2sf) =	vpush v33, $0x7;
	[smem:$0x6A3] =	sst s4;
	s4 =	smulhi.u32 $0x68DB8BAD, s0;
	s0 =	sshra.s32 s0, $0x1F  }
0x150: {  	v32 =	vadd.s32 v15, v0;
	s6 =	spop (v2sf);
	s8 =	smul.u32 $0x68DB8BAD, s0  }
0x151: {  	(v2sf) =	vpush v32, $0xD;
	s7 =	smulhi.u32 $0x68DB8BAD, s6;
	s0 =	sshra.s32 s6, $0x1F;
	s6 =	spop (v2sf)  }
0x152: {  	[smem:$0x6A5] =	sst s4;
	s9 =	smul.u32 $0x68DB8BAD, s0;
	s0 =	sshra.s32 s6, $0x1F  }
0x153: {  	s15 =	spop (v2sf);
	s12 =	smul.u32 $0x68DB8BAD, s0  }
0x154: {  	s4 =	sld [smem:$0x5EF];
	s11 =	smulhi.u32 $0x68DB8BAD, s15;
	s0 =	sshra.s32 s15, $0x1F  }
0x155: {  	s19 =	spop (v2sf);
	s13 =	smul.u32 $0x68DB8BAD, s0  }
0x156: {  	s14 =	smulhi.u32 $0x68DB8BAD, s19;
	s0 =	sshra.s32 s19, $0x1F;
	s22 =	spop (v2sf)  }
0x157: {  	(v2sf) =	vpush v32, $0xC;
	s19 =	sld [smem:$0x5F0];
	s16 =	smul.u32 $0x68DB8BAD, s0  }
0x158: {  	s15 =	smulhi.u32 $0x68DB8BAD, s22;
	s0 =	sshra.s32 s22, $0x1F;
	s22 =	sld [smem:$0x5F2]  }
0x159: {  	(v2sf) =	vpush v32, $0xE;
	s1 =	sadd.s32 s4, s29;
	s17 =	smul.u32 $0x68DB8BAD, s0;
	s25 =	spop (v2sf)  }
0x15a: {  	[smem:$0x735] =	sst s1;
	s18 =	smulhi.u32 $0x68DB8BAD, s25  }
0x15b: {  	s0 =	sshra.s32 s25, $0x1F;
	s1 =	sadd.s32 s19, s31;
	s25 =	sld [smem:$0x5F4]  }
0x15c: {  	[smem:$0x736] =	sst s1;
	s1 =	sadd.s32 s22, s21  }
0x15d: {  	s10 =	smulhi.u32 $0x68DB8BAD, s6;
	[smem:$0x737] =	sst s1  }
0x15e: {  	s6 =	spop (v2sf);
	s1 =	sadd.s32 s25, s24;
	s25 =	sld [smem:$0x5F8]  }
0x15f: {  	s20 =	smul.u32 $0x68DB8BAD, s0;
	s0 =	sshra.s32 s6, $0x1F;
	[smem:$0x730] =	sst s1  }
0x160: {  	s21 =	smul.u32 $0x68DB8BAD, s0;
	s23 =	spop (v2sf)  }
0x161: {  	s22 =	smulhi.u32 $0x68DB8BAD, s23;
	s0 =	sshra.s32 s23, $0x1F;
	s23 =	sld [smem:$0x5F7]  }
0x162: {  	s1 =	sadd.s32 s28, s26;
	s26 =	sld [smem:$0x5F9]  }
0x163: {  	s28 =	sld [smem:$0x5FA]  }
0x164: {  	[smem:$0x738] =	sst s1;
	s1 =	sadd.s32 s25, s23  }
0x165: {  	s19 =	smulhi.u32 $0x68DB8BAD, s6;
	[smem:$0x73A] =	sst s1  }
0x166: {  	s6 =	spop (v2sf);
	s1 =	sadd.s32 s28, s26;
	s26 =	sld [smem:$0x5FB]  }
0x167: {  	(v2sf) =	vpush v32, $0xF;
	s24 =	smul.u32 $0x68DB8BAD, s0;
	s28 =	sld [smem:$0x5FC]  }
0x168: {  	s0 =	sshra.s32 s6, $0x1F;
	s23 =	smulhi.u32 $0x68DB8BAD, s6;
	s6 =	spop (v2sf)  }
0x169: {  	s25 =	smul.u32 $0x68DB8BAD, s0;
	s0 =	sshra.s32 s6, $0x1F;
	[smem:$0x73C] =	sst s1  }
0x16a: {  	(v2sf) =	vpush v32, $0x9;
	s1 =	sadd.s32 s28, s26;
	s26 =	smulhi.u32 $0x68DB8BAD, s6;
	s6 =	sld [smem:$0x5FD]  }
0x16b: {  	s28 =	sld [smem:$0x5FE];
	_ =	sdelay $0x1  }
0x16c: {  	[smem:$0x73E] =	sst s1  }
0x16d: {  	(v2sf) =	vpush v32, $0x8;
	s1 =	sadd.s32 s28, s6;
	s6 =	sld [smem:$0x5FF]  }
0x16e: {  	s28 =	sld [smem:$0x600]  }
0x16f: {  	s4 =	sld [smem:$0x601]  }
0x170: {  	[smem:$0x742] =	sst s1  }
0x171: {  	s1 =	sadd.s32 s28, s6;
	s6 =	sld [smem:$0x602];
	_ =	sdelay $0x1  }
0x172: {  	[smem:$0x740] =	sst s1  }
0x173: {  	s29 =	smul.u32 $0x68DB8BAD, s0;
	s1 =	sadd.s32 s6, s4;
	s4 =	sld [smem:$0x603]  }
0x174: {  	s0 =	spop (v2sf);
	s6 =	sld [smem:$0x604]  }
0x175: {  	s28 =	smulhi.u32 $0x68DB8BAD, s0;
	s0 =	sshra.s32 s0, $0x1F  }
0x176: {  	(v2sf) =	vpush v32, $0xA;
	s30 =	smul.u32 $0x68DB8BAD, s0;
	[smem:$0x744] =	sst s1  }
0x177: {  	s0 =	spop (v2sf);
	s1 =	sadd.s32 s6, s4;
	s4 =	sld [smem:$0x605]  }
0x178: {  	s31 =	smulhi.u32 $0x68DB8BAD, s0;
	s0 =	sshra.s32 s0, $0x1F;
	s6 =	sld [smem:$0x606]  }
0x179: {  	s0 =	smul.u32 $0x68DB8BAD, s0;
	_ =	sdelay $0x1  }
0x17a: {  	[smem:$0x6A6] =	sst s0;
	s0 =	spop (v2sf);
	s4 =	sadd.s32 s6, s4  }
0x17b: {  	s6 =	smulhi.u32 $0x68DB8BAD, s0;
	[smem:$0x73B] =	sst s4  }
0x17c: {  	s4 =	sld [smem:$0x607]  }
0x17d: {  	[smem:$0x6A7] =	sst s6  }
0x17e: {  	s6 =	sld [smem:$0x608]  }
0x17f: {  	(v2sf) =	vpush v32, $0xB  }
0x180: {  	[smem:$0x746] =	sst s1;
	s1 =	sadd.s32 $0x80, s5  }
0x181: {  	v0 =	vmov s1;
	s0 =	sshra.s32 s0, $0x1F;
	s1 =	sadd.s32 s6, s4;
	s4 =	sld [smem:$0x609]  }
0x182: {  	s0 =	smul.u32 $0x68DB8BAD, s0;
	s6 =	sld [smem:$0x60A]  }
0x183: {  	_ = 	snop  }
0x184: {  	[smem:$0x6A8] =	sst s0;
	s0 =	spop (v2sf)  }
0x185: {  	[smem:$0x73D] =	sst s1;
	s1 =	sadd.s32 s6, s4;
	s6 =	smulhi.u32 $0x68DB8BAD, s0  }
0x186: {  	s4 =	sld [smem:$0x60B]  }
0x187: {  	[smem:$0x6A9] =	sst s6  }
0x188: {  	s6 =	sld [smem:$0x60C]  }
0x189: {  	(v2sf) =	vpush v32, $0x0  }
0x18a: {  	[smem:$0x73F] =	sst s1  }
0x18b: {  	s0 =	sshra.s32 s0, $0x1F;
	s1 =	sadd.s32 s6, s4;
	s4 =	sld [smem:$0x60D]  }
0x18c: {  	s0 =	smul.u32 $0x68DB8BAD, s0;
	s6 =	sld [smem:$0x60E]  }
0x18d: {  	_ = 	snop  }
0x18e: {  	[smem:$0x6AA] =	sst s0;
	s0 =	spop (v2sf)  }
0x18f: {  	[smem:$0x741] =	sst s1;
	s1 =	sadd.s32 s6, s4;
	s6 =	smulhi.u32 $0x68DB8BAD, s0  }
0x190: {  	s4 =	sld [smem:$0x60F]  }
0x191: {  	[smem:$0x6AB] =	sst s6  }
0x192: {  	s6 =	sld [smem:$0x610]  }
0x193: {  	(v2sf) =	vpush v32, $0x1  }
0x194: {  	[smem:$0x743] =	sst s1  }
0x195: {  	s0 =	sshra.s32 s0, $0x1F;
	s1 =	sadd.s32 s6, s4;
	s4 =	sld [smem:$0x611]  }
0x196: {  	s0 =	smul.u32 $0x68DB8BAD, s0;
	s6 =	sld [smem:$0x612]  }
0x197: {  	_ = 	snop  }
0x198: {  	[smem:$0x6AC] =	sst s0;
	s0 =	spop (v2sf)  }
0x199: {  	[smem:$0x745] =	sst s1;
	s1 =	sadd.s32 s6, s4;
	s6 =	smulhi.u32 $0x68DB8BAD, s0  }
0x19a: {  	s4 =	sld [smem:$0x613]  }
0x19b: {  	[smem:$0x6AD] =	sst s6  }
0x19c: {  	s6 =	sld [smem:$0x614]  }
0x19d: {  	(v2sf) =	vpush v32, $0x2  }
0x19e: {  	[smem:$0x747] =	sst s1  }
0x19f: {  	s0 =	sshra.s32 s0, $0x1F;
	s1 =	sadd.s32 s6, s4;
	s4 =	sld [smem:$0x615]  }
0x1a0: {  	s0 =	smul.u32 $0x68DB8BAD, s0;
	s6 =	sld [smem:$0x616]  }
0x1a1: {  	_ = 	snop  }
0x1a2: {  	[smem:$0x6AE] =	sst s0;
	s0 =	spop (v2sf)  }
0x1a3: {  	[smem:$0x739] =	sst s1;
	s1 =	sadd.s32 s6, s4;
	s6 =	smulhi.u32 $0x68DB8BAD, s0  }
0x1a4: {  	s4 =	sld [smem:$0x617]  }
0x1a5: {  	[smem:$0x6AF] =	sst s6  }
0x1a6: {  	s6 =	sld [smem:$0x618]  }
0x1a7: {  	(v2sf) =	vpush v32, $0x3  }
0x1a8: {  	[smem:$0x74B] =	sst s1  }
0x1a9: {  	s0 =	sshra.s32 s0, $0x1F;
	s1 =	sadd.s32 s6, s4;
	s4 =	sld [smem:$0x619]  }
0x1aa: {  	s0 =	smul.u32 $0x68DB8BAD, s0;
	s6 =	sld [smem:$0x61A]  }
0x1ab: {  	_ = 	snop  }
0x1ac: {  	[smem:$0x6B0] =	sst s0;
	s0 =	spop (v2sf)  }
0x1ad: {  	[smem:$0x749] =	sst s1;
	s1 =	sadd.s32 s6, s4;
	s6 =	smulhi.u32 $0x68DB8BAD, s0  }
0x1ae: {  	s4 =	sld [smem:$0x61B]  }
0x1af: {  	[smem:$0x6B1] =	sst s6  }
0x1b0: {  	s6 =	sld [smem:$0x61C]  }
0x1b1: {  	(v2sf) =	vpush v32, $0x4  }
0x1b2: {  	[smem:$0x74C] =	sst s1  }
0x1b3: {  	s0 =	sshra.s32 s0, $0x1F;
	s1 =	sadd.s32 s6, s4;
	s4 =	sld [smem:$0x61D]  }
0x1b4: {  	s0 =	smul.u32 $0x68DB8BAD, s0;
	s6 =	sld [smem:$0x61E]  }
0x1b5: {  	_ = 	snop  }
0x1b6: {  	[smem:$0x6B2] =	sst s0;
	s0 =	spop (v2sf)  }
0x1b7: {  	[smem:$0x74E] =	sst s1;
	s1 =	sadd.s32 s6, s4;
	s6 =	smulhi.u32 $0x68DB8BAD, s0  }
0x1b8: {  	s4 =	sld [smem:$0x61F]  }
0x1b9: {  	[smem:$0x6B3] =	sst s6  }
0x1ba: {  	s6 =	sld [smem:$0x620]  }
0x1bb: {  	(v2sf) =	vpush v32, $0x5  }
0x1bc: {  	[smem:$0x751] =	sst s1  }
0x1bd: {  	s0 =	sshra.s32 s0, $0x1F;
	s1 =	sadd.s32 s6, s4;
	s4 =	sld [smem:$0x621]  }
0x1be: {  	s0 =	smul.u32 $0x68DB8BAD, s0;
	s6 =	sld [smem:$0x622]  }
0x1bf: {  	_ = 	snop  }
0x1c0: {  	[smem:$0x6B4] =	sst s0;
	s0 =	spop (v2sf)  }
0x1c1: {  	[smem:$0x74F] =	sst s1;
	s1 =	sadd.s32 s6, s4;
	s6 =	smulhi.u32 $0x68DB8BAD, s0  }
0x1c2: {  	s4 =	sld [smem:$0x623]  }
0x1c3: {  	[smem:$0x6B5] =	sst s6  }
0x1c4: {  	s6 =	sld [smem:$0x624]  }
0x1c5: {  	(v2sf) =	vpush v32, $0x6  }
0x1c6: {  	[smem:$0x753] =	sst s1  }
0x1c7: {  	s0 =	sshra.s32 s0, $0x1F;
	s1 =	sadd.s32 s6, s4;
	s4 =	sld [smem:$0x625]  }
0x1c8: {  	s0 =	smul.u32 $0x68DB8BAD, s0;
	s6 =	sld [smem:$0x626]  }
0x1c9: {  	_ = 	snop  }
0x1ca: {  	[smem:$0x6B6] =	sst s0;
	s0 =	spop (v2sf)  }
0x1cb: {  	[smem:$0x755] =	sst s1;
	s1 =	sadd.s32 s6, s4;
	s6 =	smulhi.u32 $0x68DB8BAD, s0  }
0x1cc: {  	s4 =	sld [smem:$0x627]  }
0x1cd: {  	[smem:$0x6B7] =	sst s6  }
0x1ce: {  	s6 =	sld [smem:$0x628]  }
0x1cf: {  	(v2sf) =	vpush v32, $0x7  }
0x1d0: {  	[smem:$0x74A] =	sst s1  }
0x1d1: {  	s0 =	sshra.s32 s0, $0x1F;
	s1 =	sadd.s32 s6, s4;
	s4 =	sld [smem:$0x629]  }
0x1d2: {  	s0 =	smul.u32 $0x68DB8BAD, s0;
	s6 =	sld [smem:$0x62A]  }
0x1d3: {  	_ = 	snop  }
0x1d4: {  	v0 =	vmul.u32 $0x29, v0;
	[smem:$0x6B8] =	sst s0;
	s0 =	spop (v2sf)  }
0x1d5: {  	[smem:$0x74D] =	sst s1;
	s1 =	sadd.s32 s6, s4;
	s6 =	smulhi.u32 $0x68DB8BAD, s0  }
0x1d6: {  	v0 =	vbroadcast v0, $0x0;
	s4 =	sld [smem:$0x62B]  }
0x1d7: {  	[smem:$0x6B9] =	sst s6  }
0x1d8: {  	v31 =	vadd.s32 v15, v0;
	s6 =	sld [smem:$0x62C]  }
0x1d9: {  	(v2sf) =	vpush v31, $0xD  }
0x1da: {  	[smem:$0x750] =	sst s1  }
0x1db: {  	s0 =	sshra.s32 s0, $0x1F;
	s1 =	sadd.s32 s6, s4;
	s4 =	sld [smem:$0x62D]  }
0x1dc: {  	s0 =	smul.u32 $0x68DB8BAD, s0;
	s6 =	sld [smem:$0x62E]  }
0x1dd: {  	_ = 	snop  }
0x1de: {  	[smem:$0x6BA] =	sst s0;
	s0 =	spop (v2sf)  }
0x1df: {  	[smem:$0x752] =	sst s1;
	s1 =	sadd.s32 s6, s4;
	s6 =	smulhi.u32 $0x68DB8BAD, s0  }
0x1e0: {  	s4 =	sld [smem:$0x62F]  }
0x1e1: {  	[smem:$0x6BB] =	sst s6  }
0x1e2: {  	s6 =	sld [smem:$0x630]  }
0x1e3: {  	(v2sf) =	vpush v31, $0xC  }
0x1e4: {  	[smem:$0x754] =	sst s1  }
0x1e5: {  	s0 =	sshra.s32 s0, $0x1F;
	s1 =	sadd.s32 s6, s4;
	s4 =	sld [smem:$0x631]  }
0x1e6: {  	s0 =	smul.u32 $0x68DB8BAD, s0;
	s6 =	sld [smem:$0x632]  }
0x1e7: {  	_ = 	snop  }
0x1e8: {  	[smem:$0x6BC] =	sst s0;
	s0 =	spop (v2sf)  }
0x1e9: {  	[smem:$0x756] =	sst s1;
	s1 =	sadd.s32 s6, s4;
	s6 =	smulhi.u32 $0x68DB8BAD, s0  }
0x1ea: {  	s4 =	sld [smem:$0x633]  }
0x1eb: {  	[smem:$0x6BD] =	sst s6  }
0x1ec: {  	s6 =	sld [smem:$0x634]  }
0x1ed: {  	(v2sf) =	vpush v31, $0xE  }
0x1ee: {  	[smem:$0x757] =	sst s1  }
0x1ef: {  	s0 =	sshra.s32 s0, $0x1F;
	s1 =	sadd.s32 s6, s4;
	s4 =	sld [smem:$0x635]  }
0x1f0: {  	s0 =	smul.u32 $0x68DB8BAD, s0;
	s6 =	sld [smem:$0x636]  }
0x1f1: {  	_ = 	snop  }
0x1f2: {  	[smem:$0x6BE] =	sst s0;
	s0 =	spop (v2sf)  }
0x1f3: {  	[smem:$0x748] =	sst s1;
	s1 =	sadd.s32 s6, s4;
	s6 =	smulhi.u32 $0x68DB8BAD, s0  }
0x1f4: {  	s4 =	sld [smem:$0x637]  }
0x1f5: {  	[smem:$0x6BF] =	sst s6  }
0x1f6: {  	s6 =	sld [smem:$0x638]  }
0x1f7: {  	(v2sf) =	vpush v31, $0xF  }
0x1f8: {  	[smem:$0x75A] =	sst s1  }
0x1f9: {  	s0 =	sshra.s32 s0, $0x1F;
	s1 =	sadd.s32 s6, s4;
	s4 =	sld [smem:$0x639]  }
0x1fa: {  	s0 =	smul.u32 $0x68DB8BAD, s0;
	s6 =	sld [smem:$0x63A]  }
0x1fb: {  	_ = 	snop  }
0x1fc: {  	[smem:$0x6C0] =	sst s0;
	s0 =	spop (v2sf)  }
0x1fd: {  	[smem:$0x75B] =	sst s1;
	s1 =	sadd.s32 s6, s4;
	s6 =	smulhi.u32 $0x68DB8BAD, s0  }
0x1fe: {  	s4 =	sld [smem:$0x63B]  }
0x1ff: {  	[smem:$0x6C1] =	sst s6  }
0x200: {  	s6 =	sld [smem:$0x63C]  }
0x201: {  	(v2sf) =	vpush v31, $0x9  }
0x202: {  	[smem:$0x75D] =	sst s1  }
0x203: {  	s0 =	sshra.s32 s0, $0x1F;
	s1 =	sadd.s32 s6, s4;
	s4 =	sld [smem:$0x63D]  }
0x204: {  	s0 =	smul.u32 $0x68DB8BAD, s0;
	s6 =	sld [smem:$0x63E]  }
0x205: {  	_ = 	snop  }
0x206: {  	[smem:$0x6C2] =	sst s0;
	s0 =	spop (v2sf)  }
0x207: {  	[smem:$0x75F] =	sst s1;
	s1 =	sadd.s32 s6, s4;
	s6 =	smulhi.u32 $0x68DB8BAD, s0  }
0x208: {  	(v2sf) =	vpush v31, $0x8;
	s4 =	sld [smem:$0x63F]  }
0x209: {  	[smem:$0x6C3] =	sst s6  }
0x20a: {  	s6 =	sld [smem:$0x640];
	_ =	sdelay $0x1  }
0x20b: {  	[smem:$0x763] =	sst s1  }
0x20c: {  	s0 =	sshra.s32 s0, $0x1F;
	s1 =	sadd.s32 s6, s4;
	s4 =	sld [smem:$0x641]  }
0x20d: {  	s0 =	smul.u32 $0x68DB8BAD, s0;
	s6 =	sld [smem:$0x642]  }
0x20e: {  	_ = 	snop  }
0x20f: {  	[smem:$0x6C4] =	sst s0;
	s0 =	spop (v2sf)  }
0x210: {  	[smem:$0x761] =	sst s1;
	s1 =	sadd.s32 s6, s4;
	s4 =	smulhi.u32 $0x68DB8BAD, s0  }
0x211: {  	(v2sf) =	vpush v31, $0xA;
	s6 =	sld [smem:$0x644]  }
0x212: {  	[smem:$0x6C5] =	sst s4  }
0x213: {  	s0 =	sshra.s32 s0, $0x1F;
	s4 =	sld [smem:$0x643]  }
0x214: {  	s0 =	smul.u32 $0x68DB8BAD, s0;
	_ =	sdelay $0x1  }
0x215: {  	[smem:$0x6C6] =	sst s0;
	s0 =	spop (v2sf);
	s4 =	sadd.s32 s6, s4  }
0x216: {  	s6 =	smulhi.u32 $0x68DB8BAD, s0;
	[smem:$0x767] =	sst s4  }
0x217: {  	s4 =	sld [smem:$0x645]  }
0x218: {  	[smem:$0x6C7] =	sst s6  }
0x219: {  	s6 =	sld [smem:$0x646]  }
0x21a: {  	(v2sf) =	vpush v31, $0xB  }
0x21b: {  	[smem:$0x765] =	sst s1;
	s1 =	sadd.s32 $0x90, s5  }
0x21c: {  	v0 =	vmov s1;
	s0 =	sshra.s32 s0, $0x1F;
	s1 =	sadd.s32 s6, s4;
	s4 =	sld [smem:$0x647]  }
0x21d: {  	s0 =	smul.u32 $0x68DB8BAD, s0;
	s6 =	sld [smem:$0x648]  }
0x21e: {  	_ = 	snop  }
0x21f: {  	[smem:$0x6C8] =	sst s0;
	s0 =	spop (v2sf)  }
0x220: {  	[smem:$0x759] =	sst s1;
	s1 =	sadd.s32 s6, s4;
	s6 =	smulhi.u32 $0x68DB8BAD, s0  }
0x221: {  	s4 =	sld [smem:$0x649]  }
0x222: {  	[smem:$0x6C9] =	sst s6  }
0x223: {  	s6 =	sld [smem:$0x64A]  }
0x224: {  	(v2sf) =	vpush v31, $0x0  }
0x225: {  	[smem:$0x75C] =	sst s1  }
0x226: {  	s0 =	sshra.s32 s0, $0x1F;
	s1 =	sadd.s32 s6, s4;
	s4 =	sld [smem:$0x64B]  }
0x227: {  	s0 =	smul.u32 $0x68DB8BAD, s0;
	s6 =	sld [smem:$0x64C]  }
0x228: {  	_ = 	snop  }
0x229: {  	[smem:$0x6CA] =	sst s0;
	s0 =	spop (v2sf)  }
0x22a: {  	[smem:$0x75E] =	sst s1;
	s1 =	sadd.s32 s6, s4;
	s6 =	smulhi.u32 $0x68DB8BAD, s0  }
0x22b: {  	s4 =	sld [smem:$0x64D]  }
0x22c: {  	[smem:$0x6CB] =	sst s6  }
0x22d: {  	s6 =	sld [smem:$0x64E]  }
0x22e: {  	(v2sf) =	vpush v31, $0x1  }
0x22f: {  	[smem:$0x760] =	sst s1  }
0x230: {  	s0 =	sshra.s32 s0, $0x1F;
	s1 =	sadd.s32 s6, s4;
	s4 =	sld [smem:$0x64F]  }
0x231: {  	s0 =	smul.u32 $0x68DB8BAD, s0;
	s6 =	sld [smem:$0x650]  }
0x232: {  	_ = 	snop  }
0x233: {  	[smem:$0x6CC] =	sst s0;
	s0 =	spop (v2sf)  }
0x234: {  	[smem:$0x762] =	sst s1;
	s1 =	sadd.s32 s6, s4;
	s6 =	smulhi.u32 $0x68DB8BAD, s0  }
0x235: {  	s4 =	sld [smem:$0x651]  }
0x236: {  	[smem:$0x6CD] =	sst s6  }
0x237: {  	s6 =	sld [smem:$0x652]  }
0x238: {  	(v2sf) =	vpush v31, $0x2  }
0x239: {  	[smem:$0x764] =	sst s1  }
0x23a: {  	s0 =	sshra.s32 s0, $0x1F;
	s1 =	sadd.s32 s6, s4;
	s4 =	sld [smem:$0x653]  }
0x23b: {  	s0 =	smul.u32 $0x68DB8BAD, s0;
	s6 =	sld [smem:$0x654]  }
0x23c: {  	_ = 	snop  }
0x23d: {  	[smem:$0x6CE] =	sst s0;
	s0 =	spop (v2sf)  }
0x23e: {  	[smem:$0x766] =	sst s1;
	s1 =	sadd.s32 s6, s4;
	s6 =	smulhi.u32 $0x68DB8BAD, s0  }
0x23f: {  	s4 =	sld [smem:$0x655]  }
0x240: {  	[smem:$0x6CF] =	sst s6  }
0x241: {  	s6 =	sld [smem:$0x656];
	_ =	sdelay $0x1  }
0x242: {  	[smem:$0x758] =	sst s1  }
0x243: {  	(v2sf) =	vpush v31, $0x3;
	v0 =	vmul.u32 $0x29, v0;
	s0 =	sshra.s32 s0, $0x1F;
	s1 =	sadd.s32 s6, s4;
	s4 =	sld [smem:$0x657]  }
0x244: {  	(v2sf) =	vpush v31, $0x4;
	s0 =	smul.u32 $0x68DB8BAD, s0;
	s6 =	sld [smem:$0x658]  }
0x245: {  	(v2sf) =	vpush v31, $0x5;
	v0 =	vbroadcast v0, $0x0  }
0x246: {  	(v2sf) =	vpush v31, $0x6;
	[smem:$0x6D0] =	sst s0;
	s0 =	spop (v2sf)  }
0x247: {  	v29 =	vadd.s32 v15, v0;
	(v2sf) =	vpush v31, $0x7;
	[smem:$0x768] =	sst s1;
	s1 =	sadd.s32 s6, s4;
	s6 =	smulhi.u32 $0x68DB8BAD, s0  }
0x248: {  	(v2sf) =	vpush v29, $0xD;
	[smem:$0x769] =	sst s1  }
0x249: {  	(v2sf) =	vpush v29, $0xC;
	[smem:$0x6D1] =	sst s6  }
0x24a: {  	(v2sf) =	vpush v29, $0xE  }
0x24b: {  	s4 =	sld [smem:$0x659]  }
0x24c: {  	s6 =	sld [smem:$0x65A];
	_ =	sdelay $0x2  }
0x24d: {  	s0 =	sshra.s32 s0, $0x1F;
	s1 =	sadd.s32 s6, s4;
	s4 =	sld [smem:$0x65B]  }
0x24e: {  	s0 =	smul.u32 $0x68DB8BAD, s0;
	s6 =	sld [smem:$0x65C]  }
0x24f: {  	_ = 	snop  }
0x250: {  	[smem:$0x6D2] =	sst s0;
	s0 =	spop (v2sf)  }
0x251: {  	[smem:$0x76C] =	sst s1;
	s1 =	sadd.s32 s6, s4;
	s6 =	smulhi.u32 $0x68DB8BAD, s0  }
0x252: {  	s4 =	sld [smem:$0x65D]  }
0x253: {  	[smem:$0x6D3] =	sst s6  }
0x254: {  	s6 =	sld [smem:$0x65E];
	_ =	sdelay $0x1  }
0x255: {  	[smem:$0x76D] =	sst s1  }
0x256: {  	s0 =	sshra.s32 s0, $0x1F;
	s1 =	sadd.s32 s6, s4;
	s4 =	sld [smem:$0x65F]  }
0x257: {  	s0 =	smul.u32 $0x68DB8BAD, s0;
	s6 =	sld [smem:$0x660]  }
0x258: {  	_ = 	snop  }
0x259: {  	[smem:$0x6D4] =	sst s0;
	s0 =	spop (v2sf)  }
0x25a: {  	[smem:$0x771] =	sst s1;
	s1 =	sadd.s32 s6, s4;
	s6 =	smulhi.u32 $0x68DB8BAD, s0  }
0x25b: {  	s4 =	sld [smem:$0x661]  }
0x25c: {  	[smem:$0x6D5] =	sst s6  }
0x25d: {  	s6 =	sld [smem:$0x662];
	_ =	sdelay $0x1  }
0x25e: {  	[smem:$0x76F] =	sst s1  }
0x25f: {  	s0 =	sshra.s32 s0, $0x1F;
	s1 =	sadd.s32 s6, s4;
	s4 =	sld [smem:$0x663]  }
0x260: {  	s0 =	smul.u32 $0x68DB8BAD, s0;
	s6 =	sld [smem:$0x664]  }
0x261: {  	_ = 	snop  }
0x262: {  	[smem:$0x6D6] =	sst s0;
	s0 =	spop (v2sf)  }
0x263: {  	[smem:$0x773] =	sst s1;
	s1 =	sadd.s32 s6, s4;
	s6 =	smulhi.u32 $0x68DB8BAD, s0  }
0x264: {  	s4 =	sld [smem:$0x665]  }
0x265: {  	[smem:$0x6D7] =	sst s6  }
0x266: {  	s6 =	sld [smem:$0x666];
	_ =	sdelay $0x1  }
0x267: {  	[smem:$0x775] =	sst s1  }
0x268: {  	s0 =	sshra.s32 s0, $0x1F;
	s1 =	sadd.s32 s6, s4;
	s4 =	sld [smem:$0x667]  }
0x269: {  	s0 =	smul.u32 $0x68DB8BAD, s0;
	s6 =	sld [smem:$0x668]  }
0x26a: {  	_ = 	snop  }
0x26b: {  	[smem:$0x6D8] =	sst s0;
	s0 =	spop (v2sf)  }
0x26c: {  	[smem:$0x76B] =	sst s1;
	s1 =	sadd.s32 s6, s4;
	s6 =	smulhi.u32 $0x68DB8BAD, s0  }
0x26d: {  	s4 =	sld [smem:$0x669]  }
0x26e: {  	[smem:$0x6D9] =	sst s6  }
0x26f: {  	s6 =	sld [smem:$0x66A];
	_ =	sdelay $0x1  }
0x270: {  	[smem:$0x76E] =	sst s1  }
0x271: {  	s0 =	sshra.s32 s0, $0x1F;
	s1 =	sadd.s32 s6, s4;
	s4 =	sld [smem:$0x66B]  }
0x272: {  	s0 =	smul.u32 $0x68DB8BAD, s0;
	s6 =	sld [smem:$0x66C]  }
0x273: {  	_ = 	snop  }
0x274: {  	[smem:$0x6DA] =	sst s0;
	s0 =	spop (v2sf)  }
0x275: {  	[smem:$0x770] =	sst s1;
	s1 =	sadd.s32 s6, s4;
	s6 =	smulhi.u32 $0x68DB8BAD, s0  }
0x276: {  	s4 =	sld [smem:$0x66D]  }
0x277: {  	[smem:$0x6DB] =	sst s6  }
0x278: {  	s6 =	sld [smem:$0x66E];
	_ =	sdelay $0x1  }
0x279: {  	[smem:$0x772] =	sst s1  }
0x27a: {  	s0 =	sshra.s32 s0, $0x1F;
	s1 =	sadd.s32 s6, s4;
	s4 =	sld [smem:$0x66F]  }
0x27b: {  	s0 =	smul.u32 $0x68DB8BAD, s0;
	s6 =	sld [smem:$0x670]  }
0x27c: {  	_ = 	snop  }
0x27d: {  	[smem:$0x6DC] =	sst s0;
	s0 =	spop (v2sf)  }
0x27e: {  	[smem:$0x774] =	sst s1;
	s1 =	sadd.s32 s6, s4;
	s6 =	smulhi.u32 $0x68DB8BAD, s0  }
0x27f: {  	s4 =	sld [smem:$0x671]  }
0x280: {  	[smem:$0x6DD] =	sst s6  }
0x281: {  	s6 =	sld [smem:$0x672];
	_ =	sdelay $0x1  }
0x282: {  	[smem:$0x776] =	sst s1  }
0x283: {  	s0 =	sshra.s32 s0, $0x1F;
	s1 =	sadd.s32 s6, s4;
	s4 =	sld [smem:$0x673]  }
0x284: {  	s0 =	smul.u32 $0x68DB8BAD, s0;
	s6 =	sld [smem:$0x674]  }
0x285: {  	_ = 	snop  }
0x286: {  	[smem:$0x6DE] =	sst s0;
	s0 =	spop (v2sf)  }
0x287: {  	[smem:$0x777] =	sst s1;
	s1 =	sadd.s32 s6, s4;
	s6 =	smulhi.u32 $0x68DB8BAD, s0  }
0x288: {  	s4 =	sld [smem:$0x675]  }
0x289: {  	[smem:$0x6DF] =	sst s6  }
0x28a: {  	s6 =	sld [smem:$0x676]  }
0x28b: {  	(v2sf) =	vpush v29, $0xF  }
0x28c: {  	[smem:$0x76A] =	sst s1  }
0x28d: {  	s0 =	sshra.s32 s0, $0x1F;
	s1 =	sadd.s32 s6, s4;
	s4 =	sld [smem:$0x677]  }
0x28e: {  	s0 =	smul.u32 $0x68DB8BAD, s0;
	s6 =	sld [smem:$0x678]  }
0x28f: {  	_ = 	snop  }
0x290: {  	[smem:$0x6E0] =	sst s0;
	s0 =	spop (v2sf)  }
0x291: {  	[smem:$0x778] =	sst s1;
	s1 =	sadd.s32 s6, s4;
	s6 =	smulhi.u32 $0x68DB8BAD, s0  }
0x292: {  	s4 =	sld [smem:$0x679]  }
0x293: {  	[smem:$0x6E1] =	sst s6  }
0x294: {  	s6 =	sld [smem:$0x67A]  }
0x295: {  	(v2sf) =	vpush v29, $0x9  }
0x296: {  	[smem:$0x77A] =	sst s1  }
0x297: {  	s0 =	sshra.s32 s0, $0x1F;
	s1 =	sadd.s32 s6, s4;
	s4 =	sld [smem:$0x67B]  }
0x298: {  	s0 =	smul.u32 $0x68DB8BAD, s0;
	s6 =	sld [smem:$0x67C]  }
0x299: {  	_ = 	snop  }
0x29a: {  	[smem:$0x6E2] =	sst s0;
	s0 =	spop (v2sf)  }
0x29b: {  	[smem:$0x77C] =	sst s1;
	s1 =	sadd.s32 s6, s4;
	s6 =	smulhi.u32 $0x68DB8BAD, s0  }
0x29c: {  	(v2sf) =	vpush v29, $0x8;
	s4 =	sld [smem:$0x67D]  }
0x29d: {  	[smem:$0x6E3] =	sst s6  }
0x29e: {  	s6 =	sld [smem:$0x67E];
	_ =	sdelay $0x1  }
0x29f: {  	[smem:$0x77E] =	sst s1  }
0x2a0: {  	s0 =	sshra.s32 s0, $0x1F;
	s1 =	sadd.s32 s6, s4;
	s4 =	sld [smem:$0x67F]  }
0x2a1: {  	s0 =	smul.u32 $0x68DB8BAD, s0;
	s6 =	sld [smem:$0x680]  }
0x2a2: {  	_ = 	snop  }
0x2a3: {  	[smem:$0x6E4] =	sst s0;
	s0 =	spop (v2sf)  }
0x2a4: {  	[smem:$0x781] =	sst s1;
	s1 =	sadd.s32 s6, s4;
	s4 =	smulhi.u32 $0x68DB8BAD, s0  }
0x2a5: {  	(v2sf) =	vpush v29, $0xA;
	s6 =	sld [smem:$0x682]  }
0x2a6: {  	[smem:$0x6E5] =	sst s4  }
0x2a7: {  	s0 =	sshra.s32 s0, $0x1F;
	s4 =	sld [smem:$0x681]  }
0x2a8: {  	s0 =	smul.u32 $0x68DB8BAD, s0;
	_ =	sdelay $0x1  }
0x2a9: {  	[smem:$0x6E6] =	sst s0;
	s0 =	spop (v2sf);
	s4 =	sadd.s32 s6, s4  }
0x2aa: {  	s6 =	smulhi.u32 $0x68DB8BAD, s0;
	[smem:$0x782] =	sst s4  }
0x2ab: {  	s4 =	sld [smem:$0x683]  }
0x2ac: {  	[smem:$0x6E7] =	sst s6  }
0x2ad: {  	s6 =	sld [smem:$0x684]  }
0x2ae: {  	(v2sf) =	vpush v29, $0xB  }
0x2af: {  	[smem:$0x77F] =	sst s1;
	s1 =	sadd.s32 $0xA0, s5  }
0x2b0: {  	v0 =	vmov s1;
	s0 =	sshra.s32 s0, $0x1F;
	s1 =	sadd.s32 s6, s4;
	s4 =	sld [smem:$0x685]  }
0x2b1: {  	s0 =	smul.u32 $0x68DB8BAD, s0;
	s6 =	sld [smem:$0x686]  }
0x2b2: {  	_ = 	snop  }
0x2b3: {  	[smem:$0x6E8] =	sst s0;
	s0 =	spop (v2sf)  }
0x2b4: {  	[smem:$0x784] =	sst s1;
	s1 =	sadd.s32 s6, s4;
	s6 =	smulhi.u32 $0x68DB8BAD, s0  }
0x2b5: {  	s4 =	sld [smem:$0x687]  }
0x2b6: {  	[smem:$0x6E9] =	sst s6  }
0x2b7: {  	s6 =	sld [smem:$0x688]  }
0x2b8: {  	(v2sf) =	vpush v29, $0x0  }
0x2b9: {  	[smem:$0x77B] =	sst s1  }
0x2ba: {  	s0 =	sshra.s32 s0, $0x1F;
	s1 =	sadd.s32 s6, s4;
	s4 =	sld [smem:$0x689]  }
0x2bb: {  	s0 =	smul.u32 $0x68DB8BAD, s0;
	s6 =	sld [smem:$0x68A]  }
0x2bc: {  	_ = 	snop  }
0x2bd: {  	[smem:$0x6EA] =	sst s0;
	s0 =	spop (v2sf)  }
0x2be: {  	[smem:$0x77D] =	sst s1;
	s1 =	sadd.s32 s6, s4;
	s6 =	smulhi.u32 $0x68DB8BAD, s0  }
0x2bf: {  	s4 =	sld [smem:$0x68B]  }
0x2c0: {  	[smem:$0x6EB] =	sst s6  }
0x2c1: {  	s6 =	sld [smem:$0x68C]  }
0x2c2: {  	(v2sf) =	vpush v29, $0x1  }
0x2c3: {  	[smem:$0x780] =	sst s1  }
0x2c4: {  	s0 =	sshra.s32 s0, $0x1F;
	s1 =	sadd.s32 s6, s4;
	s4 =	sld [smem:$0x68D]  }
0x2c5: {  	s10 =	sadd.s32 s12, s10;
	s0 =	smul.u32 $0x68DB8BAD, s0;
	s6 =	sld [smem:$0x68E]  }
0x2c6: {  	[smem:$0x78E] =	sst s10  }
0x2c7: {  	[smem:$0x6EC] =	sst s0;
	s0 =	spop (v2sf)  }
0x2c8: {  	[smem:$0x783] =	sst s1;
	s1 =	sadd.s32 s6, s4;
	s6 =	smulhi.u32 $0x68DB8BAD, s0  }
0x2c9: {  	s4 =	sld [smem:$0x68F]  }
0x2ca: {  	[smem:$0x6ED] =	sst s6  }
0x2cb: {  	s12 =	sadd.s32 s13, s11;
	s6 =	sld [smem:$0x690]  }
0x2cc: {  	[smem:$0x791] =	sst s12;
	(v2sf) =	vpush v29, $0x2  }
0x2cd: {  	[smem:$0x785] =	sst s1  }
0x2ce: {  	s0 =	sshra.s32 s0, $0x1F;
	s1 =	sadd.s32 s6, s4;
	s4 =	sld [smem:$0x691]  }
0x2cf: {  	s14 =	sadd.s32 s16, s14;
	s0 =	smul.u32 $0x68DB8BAD, s0;
	s6 =	sld [smem:$0x692]  }
0x2d0: {  	[smem:$0x793] =	sst s14  }
0x2d1: {  	[smem:$0x6EE] =	sst s0;
	s0 =	spop (v2sf)  }
0x2d2: {  	[smem:$0x786] =	sst s1;
	s1 =	sadd.s32 s6, s4;
	s6 =	smulhi.u32 $0x68DB8BAD, s0  }
0x2d3: {  	s4 =	sld [smem:$0x693]  }
0x2d4: {  	[smem:$0x6EF] =	sst s6  }
0x2d5: {  	s16 =	sadd.s32 s17, s15;
	s6 =	sld [smem:$0x694]  }
0x2d6: {  	[smem:$0x795] =	sst s16;
	(v2sf) =	vpush v29, $0x3  }
0x2d7: {  	[smem:$0x787] =	sst s1  }
0x2d8: {  	s0 =	sshra.s32 s0, $0x1F;
	s1 =	sadd.s32 s6, s4;
	s4 =	sld [smem:$0x695]  }
0x2d9: {  	s18 =	sadd.s32 s20, s18;
	s0 =	smul.u32 $0x68DB8BAD, s0;
	s6 =	sld [smem:$0x696]  }
0x2da: {  	[smem:$0x797] =	sst s18  }
0x2db: {  	[smem:$0x6F0] =	sst s0;
	s0 =	spop (v2sf)  }
0x2dc: {  	[smem:$0x779] =	sst s1;
	s1 =	sadd.s32 s6, s4;
	s6 =	smulhi.u32 $0x68DB8BAD, s0  }
0x2dd: {  	s4 =	sld [smem:$0x697]  }
0x2de: {  	[smem:$0x6F1] =	sst s6  }
0x2df: {  	s20 =	sadd.s32 s21, s19;
	s6 =	sld [smem:$0x698]  }
0x2e0: {  	[smem:$0x788] =	sst s20;
	(v2sf) =	vpush v29, $0x4  }
0x2e1: {  	[smem:$0x78C] =	sst s1  }
0x2e2: {  	s0 =	sshra.s32 s0, $0x1F;
	s1 =	sadd.s32 s6, s4;
	s4 =	sld [smem:$0x699]  }
0x2e3: {  	s24 =	sadd.s32 s24, s22;
	s0 =	smul.u32 $0x68DB8BAD, s0;
	s6 =	sld [smem:$0x69A]  }
0x2e4: {  	[smem:$0x79B] =	sst s24  }
0x2e5: {  	[smem:$0x6F2] =	sst s0;
	s0 =	spop (v2sf)  }
0x2e6: {  	[smem:$0x78A] =	sst s1;
	s1 =	sadd.s32 s6, s4;
	s6 =	smulhi.u32 $0x68DB8BAD, s0  }
0x2e7: {  	s4 =	sld [smem:$0x69B]  }
0x2e8: {  	[smem:$0x6F3] =	sst s6  }
0x2e9: {  	s25 =	sadd.s32 s25, s23;
	s6 =	sld [smem:$0x69C]  }
0x2ea: {  	[smem:$0x799] =	sst s25;
	(v2sf) =	vpush v29, $0x5  }
0x2eb: {  	[smem:$0x78D] =	sst s1  }
0x2ec: {  	s0 =	sshra.s32 s0, $0x1F;
	s1 =	sadd.s32 s6, s4;
	s4 =	sld [smem:$0x69D]  }
0x2ed: {  	s16 =	sadd.s32 s30, s28;
	s0 =	smul.u32 $0x68DB8BAD, s0;
	s6 =	sld [smem:$0x69E]  }
0x2ee: {  	[smem:$0x79E] =	sst s16  }
0x2ef: {  	[smem:$0x6F4] =	sst s0;
	s0 =	spop (v2sf)  }
0x2f0: {  	[smem:$0x78F] =	sst s1;
	s1 =	sadd.s32 s6, s4;
	s6 =	smulhi.u32 $0x68DB8BAD, s0  }
0x2f1: {  	s4 =	sld [smem:$0x69F]  }
0x2f2: {  	[smem:$0x6F5] =	sst s6  }
0x2f3: {  	v0 =	vmul.u32 $0x29, v0;
	(v2sf) =	vpush v29, $0x6;
	s6 =	sld [smem:$0x6A0]  }
0x2f4: {  	s20 =	sld [smem:$0x6A6]  }
0x2f5: {  	v0 =	vbroadcast v0, $0x0;
	[smem:$0x792] =	sst s1  }
0x2f6: {  	(v2sf) =	vpush v29, $0x7;
	s0 =	sshra.s32 s0, $0x1F;
	s1 =	sadd.s32 s6, s4;
	s4 =	sld [smem:$0x6A1]  }
0x2f7: {  	v28 =	vadd.s32 v15, v0;
	s0 =	smul.u32 $0x68DB8BAD, s0;
	s6 =	sld [smem:$0x6A2]  }
0x2f8: {  	s24 =	sld [smem:$0x6A7];
	(v2sf) =	vpush v28, $0xD  }
0x2f9: {  	[smem:$0x6F6] =	sst s0;
	s0 =	spop (v2sf)  }
0x2fa: {  	(v2sf) =	vpush v28, $0xC;
	[smem:$0x790] =	sst s1;
	s1 =	sadd.s32 s6, s4;
	s6 =	smulhi.u32 $0x68DB8BAD, s0  }
0x2fb: {  	s4 =	sld [smem:$0x6A3]  }
0x2fc: {  	(v2sf) =	vpush v28, $0xE;
	[smem:$0x6F7] =	sst s6  }
0x2fd: {  	s6 =	sld [smem:$0x6A4]  }
0x2fe: {  	s25 =	sld [smem:$0x6A8];
	(v2sf) =	vpush v28, $0xF;
	s0 =	sshra.s32 s0, $0x1F  }
0x2ff: {  	[smem:$0x794] =	sst s1;
	s0 =	smul.u32 $0x68DB8BAD, s0  }
0x300: {  	(v2sf) =	vpush v28, $0x9;
	s1 =	sadd.s32 s6, s4;
	s6 =	sld [smem:$0x6A5]  }
0x301: {  	[smem:$0x6F8] =	sst s0  }
0x302: {  	(v2sf) =	vpush v28, $0x8;
	s4 =	spop (v2sf);
	[smem:$0x796] =	sst s1  }
0x303: {  	s0 =	sshra.s32 s4, $0x1F;
	s1 =	sadd.s32 s8, s6;
	s8 =	smulhi.u32 $0x68DB8BAD, s4  }
0x304: {  	s28 =	sld [smem:$0x6AA];
	s4 =	sadd.s32 s9, s7;
	s7 =	smul.u32 $0x68DB8BAD, s0  }
0x305: {  	s6 =	spop (v2sf);
	[smem:$0x789] =	sst s1  }
0x306: {  	[smem:$0x78B] =	sst s4;
	s9 =	smulhi.u32 $0x68DB8BAD, s6;
	s0 =	sshra.s32 s6, $0x1F  }
0x307: {  	s13 =	spop (v2sf);
	s6 =	sadd.s32 s29, s26;
	s11 =	smul.u32 $0x68DB8BAD, s0  }
0x308: {  	(v2sf) =	vpush v28, $0xA;
	s26 =	sld [smem:$0x6A9];
	s10 =	smulhi.u32 $0x68DB8BAD, s13;
	s0 =	sshra.s32 s13, $0x1F  }
0x309: {  	s17 =	spop (v2sf);
	s12 =	smul.u32 $0x68DB8BAD, s0  }
0x30a: {  	[smem:$0x79C] =	sst s6;
	s13 =	smulhi.u32 $0x68DB8BAD, s17;
	s0 =	sshra.s32 s17, $0x1F  }
0x30b: {  	s1 =	sadd.s32 s20, s31;
	s21 =	spop (v2sf);
	s15 =	smul.u32 $0x68DB8BAD, s0  }
0x30c: {  	(v2sf) =	vpush v28, $0xB;
	[smem:$0x7A2] =	sst s1;
	s14 =	smulhi.u32 $0x68DB8BAD, s21;
	s0 =	sshra.s32 s21, $0x1F  }
0x30d: {  	s4 =	spop (v2sf);
	s1 =	sadd.s32 s28, s26;
	s17 =	smul.u32 $0x68DB8BAD, s0  }
0x30e: {  	s26 =	sld [smem:$0x6AE];
	s18 =	smulhi.u32 $0x68DB8BAD, s4;
	s0 =	sshra.s32 s4, $0x1F  }
0x30f: {  	s19 =	spop (v2sf);
	s4 =	sadd.s32 s25, s24;
	s21 =	smul.u32 $0x68DB8BAD, s0  }
0x310: {  	s24 =	sld [smem:$0x6AC];
	s16 =	smulhi.u32 $0x68DB8BAD, s19;
	s0 =	sshra.s32 s19, $0x1F  }
0x311: {  	s22 =	spop (v2sf);
	s19 =	smul.u32 $0x68DB8BAD, s0  }
0x312: {  	s20 =	smulhi.u32 $0x68DB8BAD, s22;
	s0 =	sshra.s32 s22, $0x1F;
	s22 =	sld [smem:$0x6AB]  }
0x313: {  	[smem:$0x7A4] =	sst s1  }
0x314: {  	s25 =	sld [smem:$0x6AD]  }
0x315: {  	s23 =	sadd.s32 $0xB0, s5;
	[smem:$0x7A0] =	sst s4;
	s1 =	sadd.s32 s24, s22  }
0x316: {  	v0 =	vmov s23;
	s23 =	smul.u32 $0x68DB8BAD, s0;
	[smem:$0x7A6] =	sst s1  }
0x317: {  	s1 =	sadd.s32 s26, s25;
	s25 =	sld [smem:$0x6B0];
	s6 =	spop (v2sf)  }
0x318: {  	s22 =	smulhi.u32 $0x68DB8BAD, s6;
	s0 =	sshra.s32 s6, $0x1F;
	s6 =	sld [smem:$0x6AF]  }
0x319: {  	s26 =	sld [smem:$0x6B1]  }
0x31a: {  	[smem:$0x79A] =	sst s1  }
0x31b: {  	s24 =	smul.u32 $0x68DB8BAD, s0;
	s28 =	spop (v2sf);
	s1 =	sadd.s32 s25, s6  }
0x31c: {  	(v2sf) =	vpush v28, $0x0;
	s25 =	smulhi.u32 $0x68DB8BAD, s28;
	s0 =	sshra.s32 s28, $0x1F;
	s28 =	sld [smem:$0x6B2]  }
0x31d: {  	s6 =	sld [smem:$0x6B3]  }
0x31e: {  	[smem:$0x79D] =	sst s1  }
0x31f: {  	(v2sf) =	vpush v28, $0x1;
	s1 =	sadd.s32 s28, s26;
	s26 =	sld [smem:$0x6B4]  }
0x320: {  	s4 =	sld [smem:$0x6B5]  }
0x321: {  	(v2sf) =	vpush v28, $0x2;
	[smem:$0x79F] =	sst s1  }
0x322: {  	s1 =	sadd.s32 s26, s6;
	s6 =	sld [smem:$0x6B6];
	_ =	sdelay $0x1  }
0x323: {  	[smem:$0x7A1] =	sst s1  }
0x324: {  	s1 =	sadd.s32 s6, s4;
	s4 =	sld [smem:$0x6B7]  }
0x325: {  	s6 =	sld [smem:$0x6B8];
	_ =	sdelay $0x1  }
0x326: {  	[smem:$0x7A3] =	sst s1  }
0x327: {  	s1 =	sadd.s32 s6, s4;
	s4 =	sld [smem:$0x6B9]  }
0x328: {  	s6 =	sld [smem:$0x6BA]  }
0x329: {  	(v2sf) =	vpush v28, $0x3;
	s28 =	smul.u32 $0x68DB8BAD, s0;
	s0 =	spop (v2sf)  }
0x32a: {  	s26 =	smulhi.u32 $0x68DB8BAD, s0;
	s0 =	sshra.s32 s0, $0x1F;
	[smem:$0x7A5] =	sst s1  }
0x32b: {  	s30 =	smul.u32 $0x68DB8BAD, s0;
	s1 =	sadd.s32 s6, s4;
	s4 =	sld [smem:$0x6BB]  }
0x32c: {  	s0 =	spop (v2sf);
	s6 =	sld [smem:$0x6BC]  }
0x32d: {  	s29 =	smulhi.u32 $0x68DB8BAD, s0;
	s0 =	sshra.s32 s0, $0x1F  }
0x32e: {  	s31 =	smul.u32 $0x68DB8BAD, s0;
	s0 =	spop (v2sf)  }
0x32f: {  	[smem:$0x7A7] =	sst s1;
	s1 =	sadd.s32 s6, s4;
	s6 =	smulhi.u32 $0x68DB8BAD, s0  }
0x330: {  	s4 =	sld [smem:$0x6BD]  }
0x331: {  	[smem:$0x6F9] =	sst s6  }
0x332: {  	s6 =	sld [smem:$0x6BE]  }
0x333: {  	(v2sf) =	vpush v28, $0x4  }
0x334: {  	[smem:$0x798] =	sst s1  }
0x335: {  	s0 =	sshra.s32 s0, $0x1F;
	s1 =	sadd.s32 s6, s4;
	s4 =	sld [smem:$0x6BF]  }
0x336: {  	s0 =	smul.u32 $0x68DB8BAD, s0;
	s6 =	sld [smem:$0x6C0]  }
0x337: {  	_ = 	snop  }
0x338: {  	[smem:$0x6FA] =	sst s0;
	s0 =	spop (v2sf)  }
0x339: {  	[smem:$0x7A9] =	sst s1;
	s1 =	sadd.s32 s6, s4;
	s6 =	smulhi.u32 $0x68DB8BAD, s0  }
0x33a: {  	s4 =	sld [smem:$0x6C1]  }
0x33b: {  	[smem:$0x6FB] =	sst s6  }
0x33c: {  	s6 =	sld [smem:$0x6C2]  }
0x33d: {  	(v2sf) =	vpush v28, $0x5  }
0x33e: {  	[smem:$0x7A8] =	sst s1  }
0x33f: {  	s0 =	sshra.s32 s0, $0x1F;
	s1 =	sadd.s32 s6, s4;
	s4 =	sld [smem:$0x6C3]  }
0x340: {  	s0 =	smul.u32 $0x68DB8BAD, s0;
	s6 =	sld [smem:$0x6C4]  }
0x341: {  	_ = 	snop  }
0x342: {  	[smem:$0x6FC] =	sst s0;
	s0 =	spop (v2sf)  }
0x343: {  	[smem:$0x7AA] =	sst s1;
	s1 =	sadd.s32 s6, s4;
	s6 =	smulhi.u32 $0x68DB8BAD, s0  }
0x344: {  	s4 =	sld [smem:$0x6C5]  }
0x345: {  	[smem:$0x6FD] =	sst s6  }
0x346: {  	s6 =	sld [smem:$0x6C6]  }
0x347: {  	(v2sf) =	vpush v28, $0x6  }
0x348: {  	[smem:$0x7AC] =	sst s1  }
0x349: {  	s0 =	sshra.s32 s0, $0x1F;
	s1 =	sadd.s32 s6, s4;
	s4 =	sld [smem:$0x6C7]  }
0x34a: {  	s0 =	smul.u32 $0x68DB8BAD, s0;
	s6 =	sld [smem:$0x6C8]  }
0x34b: {  	_ = 	snop  }
0x34c: {  	[smem:$0x6FE] =	sst s0;
	s0 =	spop (v2sf)  }
0x34d: {  	[smem:$0x7AF] =	sst s1;
	s1 =	sadd.s32 s6, s4;
	s6 =	smulhi.u32 $0x68DB8BAD, s0  }
0x34e: {  	s4 =	sld [smem:$0x6C9]  }
0x34f: {  	[smem:$0x6FF] =	sst s6  }
0x350: {  	s6 =	sld [smem:$0x6CA]  }
0x351: {  	(v2sf) =	vpush v28, $0x7  }
0x352: {  	[smem:$0x7AE] =	sst s1  }
0x353: {  	s0 =	sshra.s32 s0, $0x1F;
	s1 =	sadd.s32 s6, s4;
	s4 =	sld [smem:$0x6CB]  }
0x354: {  	s0 =	smul.u32 $0x68DB8BAD, s0;
	s6 =	sld [smem:$0x6CC]  }
0x355: {  	_ = 	snop  }
0x356: {  	v0 =	vmul.u32 $0x29, v0;
	[smem:$0x700] =	sst s0;
	s0 =	spop (v2sf)  }
0x357: {  	[dreg:$0x17] =	wrdreg s1;
	s1 =	sadd.s32 s6, s4;
	s6 =	smulhi.u32 $0x68DB8BAD, s0  }
0x358: {  	v0 =	vbroadcast v0, $0x0;
	s4 =	sld [smem:$0x6CD]  }
0x359: {  	[smem:$0x701] =	sst s6  }
0x35a: {  	v27 =	vadd.s32 v15, v0;
	s6 =	sld [smem:$0x6CE]  }
0x35b: {  	(v2sf) =	vpush v27, $0xD  }
0x35c: {  	[dreg:$0x15] =	wrdreg s1  }
0x35d: {  	s0 =	sshra.s32 s0, $0x1F;
	s1 =	sadd.s32 s6, s4;
	s4 =	sld [smem:$0x6CF]  }
0x35e: {  	s0 =	smul.u32 $0x68DB8BAD, s0;
	s6 =	sld [smem:$0x6D0]  }
0x35f: {  	_ = 	snop  }
0x360: {  	[smem:$0x702] =	sst s0;
	s0 =	spop (v2sf)  }
0x361: {  	[smem:$0x7AD] =	sst s1;
	s1 =	sadd.s32 s6, s4;
	s6 =	smulhi.u32 $0x68DB8BAD, s0  }
0x362: {  	s4 =	sld [smem:$0x6D1]  }
0x363: {  	[smem:$0x703] =	sst s6  }
0x364: {  	s6 =	sld [smem:$0x6D2]  }
0x365: {  	(v2sf) =	vpush v27, $0xC  }
0x366: {  	[smem:$0x7B0] =	sst s1  }
0x367: {  	s0 =	sshra.s32 s0, $0x1F;
	s1 =	sadd.s32 s6, s4;
	s4 =	sld [smem:$0x6D3]  }
0x368: {  	s0 =	smul.u32 $0x68DB8BAD, s0;
	s6 =	sld [smem:$0x6D4]  }
0x369: {  	_ = 	snop  }
0x36a: {  	[smem:$0x704] =	sst s0;
	s0 =	spop (v2sf)  }
0x36b: {  	[smem:$0x7B1] =	sst s1;
	s1 =	sadd.s32 s6, s4;
	s6 =	smulhi.u32 $0x68DB8BAD, s0  }
0x36c: {  	(v2sf) =	vpush v27, $0xE;
	s4 =	sld [smem:$0x6D5]  }
0x36d: {  	[smem:$0x705] =	sst s6  }
0x36e: {  	s6 =	sld [smem:$0x6D6];
	_ =	sdelay $0x1  }
0x36f: {  	[smem:$0x7B2] =	sst s1  }
0x370: {  	s0 =	sshra.s32 s0, $0x1F;
	s1 =	sadd.s32 s6, s4;
	s4 =	sld [smem:$0x6D7]  }
0x371: {  	s0 =	smul.u32 $0x68DB8BAD, s0;
	s6 =	sld [smem:$0x6D8]  }
0x372: {  	_ = 	snop  }
0x373: {  	[smem:$0x706] =	sst s0;
	s0 =	spop (v2sf)  }
0x374: {  	[smem:$0x7B3] =	sst s1;
	s1 =	sadd.s32 s6, s4;
	s4 =	smulhi.u32 $0x68DB8BAD, s0  }
0x375: {  	(v2sf) =	vpush v27, $0xF;
	s6 =	sld [smem:$0x6DA]  }
0x376: {  	[smem:$0x707] =	sst s4  }
0x377: {  	s0 =	sshra.s32 s0, $0x1F;
	s4 =	sld [smem:$0x6D9]  }
0x378: {  	s0 =	smul.u32 $0x68DB8BAD, s0;
	_ =	sdelay $0x1  }
0x379: {  	[smem:$0x708] =	sst s0;
	s0 =	spop (v2sf);
	s4 =	sadd.s32 s6, s4  }
0x37a: {  	s6 =	smulhi.u32 $0x68DB8BAD, s0;
	[smem:$0x7B5] =	sst s4  }
0x37b: {  	s4 =	sld [smem:$0x6DB]  }
0x37c: {  	[smem:$0x709] =	sst s6  }
0x37d: {  	s6 =	sld [smem:$0x6DC]  }
0x37e: {  	(v2sf) =	vpush v27, $0x9  }
0x37f: {  	[smem:$0x7B4] =	sst s1;
	s1 =	sadd.s32 $0xC0, s5  }
0x380: {  	v0 =	vmov s1;
	s0 =	sshra.s32 s0, $0x1F;
	s1 =	sadd.s32 s6, s4;
	s4 =	sld [smem:$0x6DD]  }
0x381: {  	s0 =	smul.u32 $0x68DB8BAD, s0;
	s6 =	sld [smem:$0x6DE]  }
0x382: {  	_ = 	snop  }
0x383: {  	[smem:$0x70A] =	sst s0;
	s0 =	spop (v2sf)  }
0x384: {  	[smem:$0x7AB] =	sst s1;
	s1 =	sadd.s32 s6, s4;
	s6 =	smulhi.u32 $0x68DB8BAD, s0  }
0x385: {  	s4 =	sld [smem:$0x6DF]  }
0x386: {  	[smem:$0x70B] =	sst s6  }
0x387: {  	s11 =	sadd.s32 s11, s9;
	s6 =	sld [smem:$0x6E0]  }
0x388: {  	[smem:$0x7BE] =	sst s11;
	(v2sf) =	vpush v27, $0x8  }
0x389: {  	[smem:$0x7B6] =	sst s1  }
0x38a: {  	s0 =	sshra.s32 s0, $0x1F;
	s1 =	sadd.s32 s6, s4;
	s4 =	sld [smem:$0x6E1]  }
0x38b: {  	s9 =	sadd.s32 s15, s13;
	s0 =	smul.u32 $0x68DB8BAD, s0;
	s6 =	sld [smem:$0x6E2]  }
0x38c: {  	[smem:$0x7C0] =	sst s9  }
0x38d: {  	[smem:$0x70C] =	sst s0;
	s0 =	spop (v2sf)  }
0x38e: {  	[smem:$0x7B7] =	sst s1;
	s1 =	sadd.s32 s6, s4;
	s6 =	smulhi.u32 $0x68DB8BAD, s0  }
0x38f: {  	s4 =	sld [smem:$0x6E3]  }
0x390: {  	[smem:$0x70D] =	sst s6  }
0x391: {  	s11 =	sadd.s32 s17, s14;
	s6 =	sld [smem:$0x6E4]  }
0x392: {  	[smem:$0x7C2] =	sst s11;
	(v2sf) =	vpush v27, $0xA  }
0x393: {  	[smem:$0x7B8] =	sst s1  }
0x394: {  	s0 =	sshra.s32 s0, $0x1F;
	s1 =	sadd.s32 s6, s4;
	s4 =	sld [smem:$0x6E5]  }
0x395: {  	s13 =	sadd.s32 s21, s18;
	s0 =	smul.u32 $0x68DB8BAD, s0;
	s6 =	sld [smem:$0x6E6]  }
0x396: {  	[dreg:$0x1b] =	wrdreg s13  }
0x397: {  	[smem:$0x70E] =	sst s0;
	s0 =	spop (v2sf)  }
0x398: {  	[smem:$0x7B9] =	sst s1;
	s1 =	sadd.s32 s6, s4;
	s6 =	smulhi.u32 $0x68DB8BAD, s0  }
0x399: {  	s4 =	sld [smem:$0x6E7]  }
0x39a: {  	[smem:$0x70F] =	sst s6  }
0x39b: {  	s18 =	sadd.s32 s19, s16;
	s6 =	sld [smem:$0x6E8]  }
0x39c: {  	[smem:$0x7C3] =	sst s18;
	(v2sf) =	vpush v27, $0xB  }
0x39d: {  	[smem:$0x7BA] =	sst s1  }
0x39e: {  	s0 =	sshra.s32 s0, $0x1F;
	s1 =	sadd.s32 s6, s4;
	s4 =	sld [smem:$0x6E9]  }
0x39f: {  	s20 =	sadd.s32 s23, s20;
	s0 =	smul.u32 $0x68DB8BAD, s0;
	s6 =	sld [smem:$0x6EA]  }
0x3a0: {  	[smem:$0x7C1] =	sst s20  }
0x3a1: {  	[smem:$0x710] =	sst s0;
	s0 =	spop (v2sf)  }
0x3a2: {  	[smem:$0x7BB] =	sst s1;
	s1 =	sadd.s32 s6, s4;
	s6 =	smulhi.u32 $0x68DB8BAD, s0  }
0x3a3: {  	s4 =	sld [smem:$0x6EB]  }
0x3a4: {  	[smem:$0x711] =	sst s6  }
0x3a5: {  	s23 =	sadd.s32 s24, s22;
	s6 =	sld [smem:$0x6EC]  }
0x3a6: {  	[smem:$0x7C5] =	sst s23;
	(v2sf) =	vpush v27, $0x0  }
0x3a7: {  	[dreg:$0x1a] =	wrdreg s1  }
0x3a8: {  	s0 =	sshra.s32 s0, $0x1F;
	s1 =	sadd.s32 s6, s4;
	s4 =	sld [smem:$0x6ED]  }
0x3a9: {  	s9 =	sadd.s32 s30, s26;
	s0 =	smul.u32 $0x68DB8BAD, s0;
	s6 =	sld [smem:$0x6EE]  }
0x3aa: {  	[smem:$0x7C4] =	sst s9  }
0x3ab: {  	[smem:$0x712] =	sst s0;
	s0 =	spop (v2sf)  }
0x3ac: {  	[dreg:$0x16] =	wrdreg s1;
	s1 =	sadd.s32 s6, s4;
	s6 =	smulhi.u32 $0x68DB8BAD, s0  }
0x3ad: {  	(v2sf) =	vpush v27, $0x1;
	s4 =	sld [smem:$0x6EF]  }
0x3ae: {  	[smem:$0x713] =	sst s6  }
0x3af: {  	s11 =	sadd.s32 s31, s29;
	s6 =	sld [smem:$0x6F0]  }
0x3b0: {  	[smem:$0x7C7] =	sst s11  }
0x3b1: {  	[smem:$0x7BC] =	sst s1  }
0x3b2: {  	s0 =	sshra.s32 s0, $0x1F;
	s1 =	sadd.s32 s6, s4;
	s4 =	sld [smem:$0x6F1]  }
0x3b3: {  	s0 =	smul.u32 $0x68DB8BAD, s0;
	s6 =	sld [smem:$0x6F2]  }
0x3b4: {  	s13 =	sld [smem:$0x6F9];
	(v2sf) =	vpush v27, $0x2  }
0x3b5: {  	[smem:$0x714] =	sst s0;
	s0 =	spop (v2sf)  }
0x3b6: {  	(v2sf) =	vpush v27, $0x3;
	[smem:$0x7BD] =	sst s1;
	s1 =	sadd.s32 s6, s4;
	s6 =	smulhi.u32 $0x68DB8BAD, s0  }
0x3b7: {  	(v2sf) =	vpush v27, $0x4;
	s4 =	sld [smem:$0x6F3]  }
0x3b8: {  	[smem:$0x715] =	sst s6  }
0x3b9: {  	s6 =	sld [smem:$0x6F4]  }
0x3ba: {  	s16 =	sld [smem:$0x6FB];
	s0 =	sshra.s32 s0, $0x1F  }
0x3bb: {  	s20 =	sld [smem:$0x6FE];
	s0 =	smul.u32 $0x68DB8BAD, s0  }
0x3bc: {  	[smem:$0x7BF] =	sst s1;
	s1 =	sadd.s32 s6, s4;
	s6 =	spop (v2sf)  }
0x3bd: {  	(v2sf) =	vpush v27, $0x5;
	[smem:$0x716] =	sst s0;
	s4 =	smulhi.u32 $0x68DB8BAD, s6  }
0x3be: {  	v0 =	vmul.u32 $0x29, v0;
	s0 =	sshra.s32 s6, $0x1F;
	s6 =	sld [smem:$0x6F6]  }
0x3bf: {  	(v2sf) =	vpush v27, $0x6;
	[smem:$0x717] =	sst s4  }
0x3c0: {  	v0 =	vbroadcast v0, $0x0;
	(v2sf) =	vpush v27, $0x7;
	s4 =	sld [smem:$0x6F5]  }
0x3c1: {  	s22 =	sld [smem:$0x700];
	s0 =	smul.u32 $0x68DB8BAD, s0  }
0x3c2: {  	v26 =	vadd.s32 v15, v0;
	[dreg:$0x1e] =	wrdreg s1  }
0x3c3: {  	(v2sf) =	vpush v26, $0xD;
	s1 =	spop (v2sf);
	[smem:$0x718] =	sst s0;
	s4 =	sadd.s32 s6, s4  }
0x3c4: {  	s6 =	smulhi.u32 $0x68DB8BAD, s1;
	[dreg:$0xc] =	wrdreg s4  }
0x3c5: {  	s0 =	spop (v2sf);
	s4 =	sld [smem:$0x6F7]  }
0x3c6: {  	(v2sf) =	vpush v26, $0xC;
	[smem:$0x719] =	sst s6;
	s6 =	spop (v2sf)  }
0x3c7: {  	[dreg:$0x8] =	wrdreg s6  }
0x3c8: {  	(v2sf) =	vpush v26, $0xE;
	s6 =	sld [smem:$0x6F8]  }
0x3c9: {  	s9 =	sld [smem:$0x704]  }
0x3ca: {  	s17 =	sadd.s32 $0xD0, s5;
	s11 =	sld [smem:$0x705];
	(v2sf) =	vpush v26, $0xF  }
0x3cb: {  	v0 =	vmov s17;
	s17 =	sld [smem:$0x6FC];
	s4 =	sadd.s32 s6, s4  }
0x3cc: {  	s1 =	sshra.s32 s1, $0x1F;
	s6 =	spop (v2sf);
	[dreg:$0xe] =	wrdreg s4  }
0x3cd: {  	(v2sf) =	vpush v26, $0x9;
	s1 =	smul.u32 $0x68DB8BAD, s1;
	[dreg:$0x7] =	wrdreg s6  }
0x3ce: {  	s4 =	smulhi.u32 $0x68DB8BAD, s0;
	s6 =	spop (v2sf)  }
0x3cf: {  	s0 =	sshra.s32 s0, $0x1F;
	[dreg:$0x6] =	wrdreg s6;
	s6 =	spop (v2sf)  }
0x3d0: {  	(v2sf) =	vpush v26, $0x8;
	[smem:$0x71B] =	sst s4;
	s4 =	sadd.s32 s7, s8;
	s8 =	smul.u32 $0x68DB8BAD, s0  }
0x3d1: {  	[smem:$0x71A] =	sst s1;
	s7 =	smulhi.u32 $0x68DB8BAD, s6;
	s0 =	sshra.s32 s6, $0x1F  }
0x3d2: {  	s6 =	spop (v2sf);
	[dreg:$0xd] =	wrdreg s4;
	s4 =	sadd.s32 s12, s10  }
0x3d3: {  	s0 =	smul.u32 $0x68DB8BAD, s0;
	[dreg:$0x1c] =	wrdreg s4  }
0x3d4: {  	s10 =	smulhi.u32 $0x68DB8BAD, s6;
	s4 =	sadd.s32 s28, s25;
	s25 =	sld [smem:$0x702]  }
0x3d5: {  	s12 =	spop (v2sf);
	[smem:$0x71C] =	sst s0  }
0x3d6: {  	s14 =	smulhi.u32 $0x68DB8BAD, s12;
	[smem:$0x71D] =	sst s10  }
0x3d7: {  	s15 =	spop (v2sf);
	[smem:$0x7C6] =	sst s4  }
0x3d8: {  	s19 =	smulhi.u32 $0x68DB8BAD, s15;
	[smem:$0x71F] =	sst s14  }
0x3d9: {  	s0 =	sshra.s32 s6, $0x1F;
	s21 =	spop (v2sf);
	s14 =	sld [smem:$0x6FA]  }
0x3da: {  	s0 =	smul.u32 $0x68DB8BAD, s0;
	[smem:$0x721] =	sst s19  }
0x3db: {  	s24 =	smulhi.u32 $0x68DB8BAD, s21;
	s19 =	sld [smem:$0x6FD]  }
0x3dc: {  	s6 =	spop (v2sf);
	[smem:$0x71E] =	sst s0  }
0x3dd: {  	(v2sf) =	vpush v26, $0xA;
	s10 =	smulhi.u32 $0x68DB8BAD, s6;
	s0 =	sshra.s32 s12, $0x1F;
	[smem:$0x723] =	sst s24  }
0x3de: {  	(v2sf) =	vpush v26, $0xB;
	s24 =	sld [smem:$0x701];
	s0 =	smul.u32 $0x68DB8BAD, s0  }
0x3df: {  	(v2sf) =	vpush v26, $0x0;
	s12 =	spop (v2sf);
	[smem:$0x725] =	sst s10  }
0x3e0: {  	s1 =	sadd.s32 s14, s13;
	[smem:$0x720] =	sst s0;
	s0 =	sshra.s32 s15, $0x1F  }
0x3e1: {  	[smem:$0x7C9] =	sst s1;
	s1 =	sadd.s32 s17, s16;
	s0 =	smul.u32 $0x68DB8BAD, s0  }
0x3e2: {  	s15 =	smulhi.u32 $0x68DB8BAD, s12;
	[smem:$0x7CA] =	sst s1  }
0x3e3: {  	s1 =	sadd.s32 s20, s19;
	[smem:$0x722] =	sst s0;
	s0 =	sshra.s32 s21, $0x1F  }
0x3e4: {  	[dreg:$0x11] =	wrdreg s1;
	s0 =	smul.u32 $0x68DB8BAD, s0  }
0x3e5: {  	(v2sf) =	vpush v26, $0x1;
	[smem:$0x727] =	sst s15  }
0x3e6: {  	(v2sf) =	vpush v26, $0x2;
	[smem:$0x724] =	sst s0;
	s0 =	sshra.s32 s6, $0x1F  }
0x3e7: {  	v0 =	vmul.u32 $0x29, v0;
	(v2sf) =	vpush v26, $0x3;
	s21 =	sld [smem:$0x6FF];
	s0 =	smul.u32 $0x68DB8BAD, s0  }
0x3e8: {  	(v2sf) =	vpush v26, $0x4;
	s6 =	sld [smem:$0x703]  }
0x3e9: {  	v0 =	vbroadcast v0, $0x0;
	(v2sf) =	vpush v26, $0x5;
	[smem:$0x726] =	sst s0  }
0x3ea: {  	(v2sf) =	vpush v26, $0x6;
	s1 =	sadd.s32 s22, s21;
	s0 =	sshra.s32 s12, $0x1F;
	s12 =	sld [smem:$0x706]  }
0x3eb: {  	v20 =	vadd.s32 v15, v0;
	(v2sf) =	vpush v26, $0x7;
	[dreg:$0x10] =	wrdreg s1;
	s1 =	sadd.s32 s25, s24  }
0x3ec: {  	(v2sf) =	vpush v20, $0xD;
	s18 =	spop (v2sf);
	[dreg:$0xf] =	wrdreg s1;
	s1 =	sadd.s32 s9, s6  }
0x3ed: {  	(v2sf) =	vpush v20, $0xC;
	s23 =	spop (v2sf);
	[smem:$0x7C8] =	sst s1;
	s1 =	sadd.s32 s12, s11  }
0x3ee: {  	(v2sf) =	vpush v20, $0xE;
	s10 =	spop (v2sf);
	[smem:$0x7CC] =	sst s1  }
0x3ef: {  	s29 =	smulhi.u32 $0x68DB8BAD, s18;
	s1 =	sld [smem:$0x707]  }
0x3f0: {  	s25 =	smulhi.u32 $0x68DB8BAD, s23;
	s13 =	sld [smem:$0x708]  }
0x3f1: {  	s24 =	smulhi.u32 $0x68DB8BAD, s10;
	s16 =	sld [smem:$0x709]  }
0x3f2: {  	s28 =	smul.u32 $0x68DB8BAD, s0;
	s0 =	sshra.s32 s18, $0x1F;
	s17 =	sld [smem:$0x70A]  }
0x3f3: {  	s26 =	smul.u32 $0x68DB8BAD, s0;
	s0 =	sshra.s32 s23, $0x1F;
	s9 =	sld [smem:$0x70B]  }
0x3f4: {  	s23 =	smul.u32 $0x68DB8BAD, s0;
	s0 =	sshra.s32 s10, $0x1F;
	s10 =	sld [smem:$0x70C]  }
0x3f5: {  	s31 =	sld [smem:$0x724]  }
0x3f6: {  	s21 =	smul.u32 $0x68DB8BAD, s0;
	s26 =	sadd.s32 s26, s29;
	s30 =	sld [smem:$0x726]  }
0x3f7: {  	[smem:$0x7DF] =	sst s26;
	s23 =	sadd.s32 s23, s25  }
0x3f8: {  	[smem:$0x7E2] =	sst s23;
	s21 =	sadd.s32 s21, s24  }
0x3f9: {  	s14 =	spop (v2sf);
	[smem:$0x7DC] =	sst s21  }
0x3fa: {  	s15 =	spop (v2sf);
	s1 =	sadd.s32 s13, s1;
	s13 =	sld [smem:$0x70D]  }
0x3fb: {  	s18 =	spop (v2sf);
	s4 =	sadd.s32 s17, s16;
	[smem:$0x7CB] =	sst s1  }
0x3fc: {  	s6 =	spop (v2sf);
	[smem:$0x7CD] =	sst s4  }
0x3fd: {  	[dreg:$0xb] =	wrdreg s6  }
0x3fe: {  	s20 =	smulhi.u32 $0x68DB8BAD, s15;
	s1 =	sshra.s32 s15, $0x1F;
	s15 =	sld [smem:$0x70E]  }
0x3ff: {  	s22 =	smulhi.u32 $0x68DB8BAD, s14;
	s6 =	sld [smem:$0x710]  }
0x400: {  	s0 =	sshra.s32 s14, $0x1F;
	s4 =	sadd.s32 s10, s9;
	s9 =	sld [smem:$0x711]  }
0x401: {  	s16 =	smul.u32 $0x68DB8BAD, s0;
	s10 =	sld [smem:$0x712]  }
0x402: {  	s11 =	spop (v2sf);
	[smem:$0x7CF] =	sst s4  }
0x403: {  	s19 =	smulhi.u32 $0x68DB8BAD, s18;
	[dreg:$0xa] =	wrdreg s11  }
0x404: {  	s12 =	spop (v2sf);
	s4 =	sld [smem:$0x70F]  }
0x405: {  	s0 =	sshra.s32 s18, $0x1F;
	s14 =	smul.u32 $0x68DB8BAD, s1;
	[dreg:$0x9] =	wrdreg s12  }
0x406: {  	s16 =	sadd.s32 s16, s22;
	s17 =	spop (v2sf);
	s12 =	sld [smem:$0x713]  }
0x407: {  	[smem:$0x7E0] =	sst s16;
	s1 =	sadd.s32 s15, s13;
	s15 =	smul.u32 $0x68DB8BAD, s0  }
0x408: {  	s18 =	smulhi.u32 $0x68DB8BAD, s17;
	s0 =	sshra.s32 s17, $0x1F;
	s17 =	sld [smem:$0x714]  }
0x409: {  	[smem:$0x7D0] =	sst s1  }
0x40a: {  	(v2sf) =	vpush v20, $0xF;
	s1 =	sadd.s32 s6, s4;
	s4 =	sld [smem:$0x715]  }
0x40b: {  	s6 =	sld [smem:$0x716]  }
0x40c: {  	[smem:$0x7CE] =	sst s1  }
0x40d: {  	s11 =	spop (v2sf);
	s1 =	sadd.s32 s10, s9;
	s10 =	sld [smem:$0x717]  }
0x40e: {  	s13 =	smul.u32 $0x68DB8BAD, s0;
	s0 =	sshra.s32 s11, $0x1F;
	[smem:$0x7D2] =	sst s1  }
0x40f: {  	s1 =	sadd.s32 s17, s12;
	s17 =	smulhi.u32 $0x68DB8BAD, s11;
	s11 =	sld [smem:$0x718]  }
0x410: {  	s14 =	sadd.s32 s14, s20;
	[smem:$0x7D4] =	sst s1  }
0x411: {  	s9 =	spop (v2sf);
	s1 =	sadd.s32 s6, s4;
	s6 =	sld [smem:$0x719]  }
0x412: {  	s12 =	smul.u32 $0x68DB8BAD, s0;
	s0 =	sshra.s32 s9, $0x1F;
	[smem:$0x7D1] =	sst s1  }
0x413: {  	s1 =	sadd.s32 s11, s10;
	s11 =	smulhi.u32 $0x68DB8BAD, s9;
	s9 =	sld [smem:$0x71A]  }
0x414: {  	[smem:$0x7E3] =	sst s14  }
0x415: {  	s10 =	smul.u32 $0x68DB8BAD, s0;
	s0 =	sadd.s32 $0xE0, s5;
	s5 =	sld [smem:$0x71B]  }
0x416: {  	[smem:$0x7D5] =	sst s1;
	s1 =	spop (v2sf);
	s4 =	sadd.s32 s9, s6  }
0x417: {  	s9 =	smulhi.u32 $0x68DB8BAD, s1;
	[smem:$0x7D6] =	sst s4;
	s4 =	sshra.s32 s1, $0x1F  }
0x418: {  	s1 =	sadd.s32 s8, s5;
	s8 =	smul.u32 $0x68DB8BAD, s4;
	s4 =	sld [smem:$0x71C]  }
0x419: {  	s6 =	spop (v2sf);
	s5 =	sld [smem:$0x71D]  }
0x41a: {  	(v2sf) =	vpush v20, $0x9;
	v0 =	vmov s0;
	s0 =	sshra.s32 s6, $0x1F;
	[smem:$0x7D7] =	sst s1  }
0x41b: {  	s1 =	sadd.s32 s4, s7;
	s7 =	smulhi.u32 $0x68DB8BAD, s6;
	s6 =	sld [smem:$0x71E]  }
0x41c: {  	s4 =	sld [smem:$0x71F]  }
0x41d: {  	[smem:$0x7D3] =	sst s1  }
0x41e: {  	(v2sf) =	vpush v20, $0x8;
	s15 =	sadd.s32 s15, s19;
	s1 =	sadd.s32 s6, s5;
	s5 =	sld [smem:$0x720]  }
0x41f: {  	[smem:$0x7E4] =	sst s15  }
0x420: {  	(v2sf) =	vpush v20, $0xA;
	[smem:$0x7D9] =	sst s1  }
0x421: {  	(v2sf) =	vpush v20, $0xB;
	s1 =	sadd.s32 s5, s4;
	s4 =	sld [smem:$0x722]  }
0x422: {  	[smem:$0x7D8] =	sst s1  }
0x423: {  	s13 =	sadd.s32 s13, s18;
	s1 =	sld [smem:$0x721]  }
0x424: {  	[smem:$0x7E1] =	sst s13;
	s12 =	sadd.s32 s12, s17  }
0x425: {  	(v2sf) =	vpush v20, $0x0;
	[smem:$0x7E5] =	sst s12;
	s10 =	sadd.s32 s10, s11  }
0x426: {  	[smem:$0x7E6] =	sst s10;
	s1 =	sadd.s32 s4, s1  }
0x427: {  	(v2sf) =	vpush v20, $0x1;
	[smem:$0x7DA] =	sst s1  }
0x428: {  	s8 =	sadd.s32 s8, s9;
	s6 =	smul.u32 $0x68DB8BAD, s0;
	s1 =	sld [smem:$0x723]  }
0x429: {  	(v2sf) =	vpush v20, $0x2;
	[smem:$0x7E8] =	sst s8;
	s0 =	spop (v2sf)  }
0x42a: {  	(v2sf) =	vpush v20, $0x3;
	s6 =	sadd.s32 s6, s7;
	s7 =	sld [smem:$0x72B];
	s5 =	smulhi.u32 $0x68DB8BAD, s0  }
0x42b: {  	(v2sf) =	vpush v20, $0x4;
	s0 =	sshra.s32 s0, $0x1F;
	s1 =	sadd.s32 s31, s1;
	s31 =	sld [smem:$0x725]  }
0x42c: {  	[smem:$0x7EB] =	sst s6;
	s4 =	smul.u32 $0x68DB8BAD, s0  }
0x42d: {  	s0 =	spop (v2sf);
	[smem:$0x7DD] =	sst s1  }
0x42e: {  	(v2sf) =	vpush v20, $0x5;
	s1 =	smulhi.u32 $0x68DB8BAD, s0;
	s31 =	sadd.s32 s30, s31;
	s30 =	sld [smem:$0x727]  }
0x42f: {  	v0 =	vmul.u32 $0x29, v0;
	s0 =	sshra.s32 s0, $0x1F;
	[smem:$0x7DE] =	sst s31;
	s31 =	spop (v2sf)  }
0x430: {  	s0 =	smul.u32 $0x68DB8BAD, s0;
	s29 =	spop (v2sf)  }
0x431: {  	(v2sf) =	vpush v20, $0x6;
	v0 =	vbroadcast v0, $0x0;
	s4 =	sadd.s32 s4, s5;
	s28 =	sadd.s32 s28, s30;
	s23 =	smulhi.u32 $0x68DB8BAD, s29  }
0x432: {  	(v2sf) =	vpush v20, $0x7;
	s30 =	sshra.s32 s31, $0x1F;
	[smem:$0x7DB] =	sst s28;
	s28 =	smulhi.u32 $0x68DB8BAD, s31  }
0x433: {  	v18 =	vadd.s32 v15, v0;
	[smem:$0x7E9] =	sst s4;
	s25 =	sshra.s32 s29, $0x1F;
	s26 =	smul.u32 $0x68DB8BAD, s30  }
0x434: {  	(v2sf) =	vpush v18, $0xD;
	s0 =	sadd.s32 s0, s1;
	s21 =	smul.u32 $0x68DB8BAD, s25;
	s25 =	spop (v2sf)  }
0x435: {  	[smem:$0x7E7] =	sst s0;
	s16 =	smulhi.u32 $0x68DB8BAD, s25;
	s25 =	sshra.s32 s25, $0x1F  }
0x436: {  	(v2sf) =	vpush v18, $0xC;
	s24 =	spop (v2sf);
	s14 =	smul.u32 $0x68DB8BAD, s25  }
0x437: {  	s30 =	sld [smem:$0x7AB];
	s22 =	smulhi.u32 $0x68DB8BAD, s24;
	s20 =	sshra.s32 s24, $0x1F  }
0x438: {  	(v2sf) =	vpush v18, $0xE;
	s25 =	spop (v2sf);
	s15 =	smul.u32 $0x68DB8BAD, s20  }
0x439: {  	s17 =	sadd.s32 s26, s28;
	s19 =	spop (v2sf);
	s20 =	smulhi.u32 $0x68DB8BAD, s25  }
0x43a: {  	(v2sf) =	vpush v18, $0xF;
	s24 =	sshra.s32 s25, $0x1F;
	[smem:$0x7EC] =	sst s17;
	s25 =	spop (v2sf)  }
0x43b: {  	s13 =	smul.u32 $0x68DB8BAD, s24;
	s26 =	sadd.s32 s14, s16;
	[dreg:$0x14] =	wrdreg s25  }
0x43c: {  	(v2sf) =	vpush v18, $0x9;
	s18 =	smulhi.u32 $0x68DB8BAD, s19;
	[smem:$0x7EA] =	sst s26  }
0x43d: {  	s24 =	spop (v2sf);
	s26 =	sld [smem:$0x728]  }
0x43e: {  	s19 =	sshra.s32 s19, $0x1F;
	s14 =	sadd.s32 s15, s22;
	[dreg:$0x13] =	wrdreg s24  }
0x43f: {  	s12 =	smul.u32 $0x68DB8BAD, s19;
	[smem:$0x7EE] =	sst s14  }
0x440: {  	(v2sf) =	vpush v18, $0x8;
	s25 =	spop (v2sf);
	s14 =	sld [smem:$0x72D]  }
0x441: {  	s13 =	sadd.s32 s13, s20;
	[dreg:$0x12] =	wrdreg s25;
	s25 =	spop (v2sf)  }
0x442: {  	[smem:$0x7F0] =	sst s13;
	s10 =	smulhi.u32 $0x68DB8BAD, s25;
	s19 =	sshra.s32 s25, $0x1F  }
0x443: {  	(v2sf) =	vpush v18, $0xA;
	s12 =	sadd.s32 s12, s18;
	s24 =	spop (v2sf);
	s8 =	smul.u32 $0x68DB8BAD, s19  }
0x444: {  	[smem:$0x7F1] =	sst s12;
	s6 =	smulhi.u32 $0x68DB8BAD, s24;
	s25 =	sshra.s32 s24, $0x1F  }
0x445: {  	s24 =	sadd.s32 s21, s23;
	s4 =	smul.u32 $0x68DB8BAD, s25;
	s9 =	spop (v2sf)  }
0x446: {  	[smem:$0x7ED] =	sst s24;
	s0 =	smulhi.u32 $0x68DB8BAD, s9;
	s11 =	sshra.s32 s9, $0x1F  }
0x447: {  	s8 =	sadd.s32 s8, s10;
	s19 =	spop (v2sf);
	s1 =	smul.u32 $0x68DB8BAD, s11  }
0x448: {  	[smem:$0x7EF] =	sst s8;
	s25 =	smulhi.u32 $0x68DB8BAD, s19;
	s5 =	sshra.s32 s19, $0x1F  }
0x449: {  	s4 =	sadd.s32 s4, s6;
	s5 =	smul.u32 $0x68DB8BAD, s5;
	s28 =	spop (v2sf)  }
0x44a: {  	[dreg:$0x1f] =	wrdreg s4;
	s15 =	smulhi.u32 $0x68DB8BAD, s28;
	s9 =	sshra.s32 s28, $0x1F  }
0x44b: {  	s16 =	spop (v2sf);
	s9 =	smul.u32 $0x68DB8BAD, s9  }
0x44c: {  	s11 =	sld [smem:$0x72C];
	s0 =	sadd.s32 s1, s0;
	s17 =	smulhi.u32 $0x68DB8BAD, s16  }
0x44d: {  	(v2sf) =	vpush v18, $0xB;
	s13 =	sshra.s32 s16, $0x1F;
	[smem:$0x7F2] =	sst s0;
	s22 =	sadd.s32 s5, s25  }
0x44e: {  	s18 =	smul.u32 $0x68DB8BAD, s13;
	[dreg:$0x1d] =	wrdreg s22  }
0x44f: {  	(v2sf) =	vpush v18, $0x0;
	s19 =	spop (v2sf);
	s24 =	sadd.s32 s9, s15;
	s15 =	sld [smem:$0x72A]  }
0x450: {  	s20 =	smulhi.u32 $0x68DB8BAD, s19;
	s21 =	sshra.s32 s19, $0x1F;
	s19 =	sld [smem:$0x72F]  }
0x451: {  	s23 =	smul.u32 $0x68DB8BAD, s21;
	s25 =	sadd.s32 s18, s17;
	s17 =	sld [smem:$0x729]  }
0x452: {  	s8 =	sshrl.u32 s7, $0x1F;
	[dreg:$0x19] =	wrdreg s24;
	s9 =	spop (v2sf)  }
0x453: {  	s28 =	sshrl.u32 s26, $0x1F;
	[dreg:$0x18] =	wrdreg s25;
	s12 =	sshra.s32 s9, $0x1F  }
0x454: {  	vm10 =	vcmask $0xB08;
	v0 =	vmov s28;
	s0 =	sadd.s32 s23, s20;
	s20 =	sld [smem:$0x730];
	s5 =	sshrl.u32 s17, $0x1F  }
0x455: {  	vm9 =	vcmask $0x1310;
	vm8 =	vcmask $0x1B18;
	s6 =	sshrl.u32 s15, $0x1F;
	s4 =	smul.u32 $0x68DB8BAD, s12;
	s12 =	sld [smem:$0x734];
	v0 =	vsel vm10, s5, v0  }
0x456: {  	vm11 =	vcmask $0x300;
	s10 =	sshra.s32 s7, $0xC;
	v1 =	vmov s8;
	s13 =	sshrl.u32 s11, $0x1F;
	[smem:$0x7F3] =	sst s0;
	v0 =	vsel vm9, s6, v0  }
0x457: {  	v1 =	vnsel vm11, $0x0, v1;
	s21 =	sshrl.u32 s19, $0x1F;
	s22 =	sshra.s32 s20, $0x1F;
	v7 =	vsel vm8, s13, v0;
	s13 =	sld [smem:$0x72E]  }
0x458: {  	s16 =	sshrl.u32 s14, $0x1F;
	s0 =	sshra.s32 s26, $0xC;
	v1 =	vsel vm10, s21, v1;
	s21 =	sld [smem:$0x733];
	v2 =	vmov s22  }
0x459: {  	vm12 =	vcmask $0x704;
	s26 =	sshra.s32 s19, $0xC;
	s6 =	sshra.s32 s7, $0x1F;
	v0 =	vmov s16;
	s16 =	sld [smem:$0x731];
	v2 =	vsel vm11, s10, v2  }
0x45a: {  	v2 =	vsel vm12, s6, v2;
	s6 =	sshra.s32 s19, $0x1F;
	s19 =	sld [smem:$0x735];
	s18 =	sshrl.u32 s13, $0x1F  }
0x45b: {  	s7 =	smulhi.u32 $0x68DB8BAD, s9;
	v0 =	vsel vm10, s18, v0;
	s18 =	sld [smem:$0x732]  }
0x45c: {  	s25 =	sshrl.u32 s21, $0x1F;
	s22 =	sshrl.u32 s12, $0x1F;
	s28 =	spop (v2sf)  }
0x45d: {  	s23 =	sshrl.u32 s16, $0x1F;
	s5 =	smulhi.u32 $0x68DB8BAD, s28;
	s10 =	sshra.s32 s28, $0x1F  }
0x45e: {  	v2 =	vsel vm10, s26, v2;
	s26 =	spop (v2sf);
	v0 =	vsel vm9, s23, v0;
	s23 =	sshrl.u32 s19, $0x1F;
	s24 =	sshrl.u32 s18, $0x1F  }
0x45f: {  	vm5 =	vcmask $0x2320;
	s9 =	smulhi.u32 $0x68DB8BAD, s26;
	s8 =	sshra.s32 s26, $0x1F;
	s26 =	sld [smem:$0x737];
	v1 =	vsel vm9, s24, v1  }
0x460: {  	vm13 =	vcmask $0xF0C;
	v12 =	vsel vm8, s22, v0;
	s22 =	smul.u32 $0x68DB8BAD, s8;
	s24 =	sshra.s32 s18, $0xC;
	v1 =	vsel vm8, s25, v1;
	s25 =	sshra.s32 s18, $0x1F  }
0x461: {  	s18 =	sld [smem:$0x736];
	v0 =	vsel vm5, s23, v1;
	v1 =	vsel vm13, s6, v2;
	s6 =	smul.u32 $0x68DB8BAD, s10;
	s10 =	sadd.s32 s4, s7  }
0x462: {  	v2 =	vmov s0;
	s23 =	sshra.s32 s21, $0xC;
	s0 =	sadd.s32 s22, s9;
	s7 =	sshra.s32 s19, $0x1F  }
0x463: {  	s9 =	sshrl.u32 s20, $0x1F;
	v1 =	vsel vm9, s24, v1;
	[smem:$0x7F5] =	sst s10;
	s24 =	sshra.s32 s17, $0xC  }
0x464: {  	vm14 =	vcmask $0x1714;
	[smem:$0x7F4] =	sst s0;
	s10 =	sshra.s32 s11, $0xC;
	s11 =	sshra.s32 s13, $0xC  }
0x465: {  	s28 =	sshrl.u32 s18, $0x1F;
	v1 =	vsel vm14, s25, v1;
	s25 =	sshra.s32 s21, $0x1F;
	s4 =	sadd.s32 s6, s5  }
0x466: {  	vm3 =	vcmask $0x2B28;
	vm1 =	vcmask $0x3330;
	s5 =	sshra.s32 s19, $0xC;
	s6 =	sshra.s32 s15, $0xC;
	s21 =	sld [smem:$0x738]  }
0x467: {  	vm7 =	vcmask $0x1F1C;
	v2 =	vsel vm10, s24, v2;
	s13 =	sshra.s32 s18, $0xC;
	s15 =	sshra.s32 s16, $0xC;
	s24 =	sld [smem:$0x73A];
	v1 =	vsel vm8, s23, v1  }
0x468: {  	vm0 =	vcmask $0x3B38;
	s16 =	sshra.s32 s18, $0x1F;
	v0 =	vsel vm3, s28, v0;
	s28 =	sshrl.u32 s26, $0x1F;
	[smem:$0x7F6] =	sst s4;
	v1 =	vsel vm7, s25, v1  }
0x469: {  	vm6 =	vcmask $0x2724;
	s18 =	sshra.s32 s26, $0xC;
	s19 =	sshra.s32 s26, $0x1F;
	s26 =	sld [smem:$0x73B];
	v0 =	vsel vm1, s28, v0;
	v1 =	vsel vm5, s5, v1  }
0x46a: {  	s14 =	sshra.s32 s14, $0xC;
	v0 =	vsel vm0, s9, v0;
	s9 =	sld [smem:$0x740];
	v1 =	vsel vm6, s7, v1  }
0x46b: {  	vm4 =	vcmask $0x2F2C;
	s20 =	sshra.s32 s20, $0xC;
	s17 =	sshra.s32 s12, $0xC;
	[tilespmem:$0x1FDA0] =	vst v0;
	v0 =	vsel vm9, s6, v2;
	v1 =	vsel vm3, s13, v1;
	s13 =	sld [smem:$0x73D]  }
0x46c: {  	s22 =	sshrl.u32 s21, $0x1F;
	s0 =	sshra.s32 s21, $0xC;
	v15 =	vsel vm8, s10, v0;
	v0 =	vmov s14;
	v1 =	vsel vm4, s16, v1;
	s16 =	sld [smem:$0x739]  }
0x46d: {  	vm2 =	vcmask $0x3734;
	s25 =	sshrl.u32 s24, $0x1F;
	s1 =	sshra.s32 s24, $0xC;
	v0 =	vsel vm10, s11, v0;
	s11 =	sld [smem:$0x73C]  }
0x46e: {  	(v2sf) =	vpush v18, $0x1;
	s28 =	sshra.s32 s26, $0xC;
	v1 =	vsel vm1, s18, v1;
	v0 =	vsel vm9, s15, v0;
	s18 =	sld [smem:$0x73E];
	s14 =	sshra.s32 s13, $0xC  }
0x46f: {  	v1 =	vsel vm2, s19, v1;
	v19 =	vsel vm8, s17, v0;
	s15 =	sshrl.u32 s13, $0x1F;
	s17 =	sshra.s32 s13, $0x1F;
	s13 =	sld [smem:$0x745]  }
0x470: {  	s8 =	sshrl.u32 s26, $0x1F;
	s23 =	sshra.s32 s16, $0x1F;
	v0 =	vsel vm0, s20, v1;
	s20 =	sld [smem:$0x73F]  }
0x471: {  	s10 =	sshra.s32 s26, $0x1F;
	s24 =	sshrl.u32 s9, $0x1F;
	v1 =	vmov s25;
	s25 =	sld [smem:$0x741];
	v2 =	vmov s23  }
0x472: {  	s12 =	sshrl.u32 s11, $0x1F;
	s5 =	sshra.s32 s11, $0xC;
	[tilespmem:$0x1FDB0] =	vst v0;
	v1 =	vsel vm10, s22, v1;
	v0 =	vsel vm11, s28, v2;
	s28 =	sld [smem:$0x742]  }
0x473: {  	s11 =	sshrl.u32 s16, $0x1F;
	s19 =	sshrl.u32 s18, $0x1F;
	v2 =	vmov s8;
	v1 =	vsel vm9, s12, v1;
	s12 =	sld [smem:$0x743];
	v0 =	vsel vm12, s10, v0  }
0x474: {  	s4 =	sshra.s32 s18, $0xC;
	v2 =	vnsel vm11, $0x0, v2;
	s21 =	sshrl.u32 s20, $0x1F;
	v1 =	vsel vm8, s19, v1;
	s19 =	sld [smem:$0x744];
	v0 =	vsel vm10, s14, v0  }
0x475: {  	s22 =	sshra.s32 s20, $0xC;
	v2 =	vsel vm10, s15, v2;
	s15 =	sshra.s32 s9, $0xC;
	s9 =	sld [smem:$0x74A];
	v0 =	vsel vm13, s17, v0  }
0x476: {  	s23 =	sshra.s32 s20, $0x1F;
	s26 =	sshrl.u32 s25, $0x1F;
	[tilespmem:$0x1FCE0] =	vst v1;
	v1 =	vsel vm9, s21, v2;
	s21 =	sld [smem:$0x746];
	v0 =	vsel vm9, s22, v0  }
0x477: {  	s18 =	sshra.s32 s25, $0x1F;
	s20 =	sshrl.u32 s13, $0x1F;
	v0 =	vsel vm14, s23, v0;
	s23 =	sld [smem:$0x747]  }
0x478: {  	v2 =	vmov s24;
	s8 =	sshrl.u32 s28, $0x1F;
	s14 =	sshrl.u32 s12, $0x1F;
	s17 =	sshra.s32 s25, $0xC;
	v1 =	vsel vm8, s26, v1  }
0x479: {  	s25 =	sshra.s32 s12, $0xC;
	v2 =	vsel vm10, s8, v2;
	s10 =	sshrl.u32 s19, $0x1F;
	s26 =	sshra.s32 s28, $0xC;
	v1 =	vsel vm5, s14, v1;
	v0 =	vsel vm8, s17, v0  }
0x47a: {  	s28 =	sshra.s32 s12, $0x1F;
	v2 =	vsel vm9, s10, v2;
	v1 =	vsel vm3, s20, v1;
	s22 =	sshrl.u32 s21, $0x1F;
	v0 =	vsel vm7, s18, v0;
	s24 =	sshrl.u32 s23, $0x1F  }
0x47b: {  	s10 =	sshra.s32 s9, $0xC;
	s12 =	sshrl.u32 s9, $0x1F;
	s14 =	sld [smem:$0x74B];
	v2 =	vsel vm8, s22, v2;
	v0 =	vsel vm5, s25, v0;
	v1 =	vsel vm1, s24, v1  }
0x47c: {  	s17 =	sshra.s32 s19, $0xC;
	s19 =	sshra.s32 s21, $0xC;
	s18 =	sshra.s32 s13, $0xC;
	[tilespmem:$0x1FCF0] =	vst v2;
	v0 =	vsel vm6, s28, v0;
	v1 =	vsel vm0, s11, v1  }
0x47d: {  	s20 =	sshra.s32 s13, $0x1F;
	v2 =	vmov s15;
	s15 =	sld [smem:$0x748];
	s24 =	spop (v2sf);
	v0 =	vsel vm3, s18, v0;
	[tilespmem:$0x1FDC0] =	vst v1;
	v1 =	vmov s1  }
0x47e: {  	s21 =	sshra.s32 s23, $0xC;
	s6 =	sshra.s32 s24, $0x1F;
	s11 =	sld [smem:$0x749];
	v0 =	vsel vm4, s20, v0;
	v1 =	vsel vm10, s0, v1  }
0x47f: {  	s22 =	sshra.s32 s23, $0x1F;
	s28 =	smul.u32 $0x68DB8BAD, s6;
	s6 =	sld [smem:$0x74C];
	v0 =	vsel vm1, s21, v0;
	v1 =	vsel vm9, s5, v1  }
0x480: {  	s23 =	sshra.s32 s16, $0xC;
	v2 =	vsel vm10, s26, v2;
	s25 =	smulhi.u32 $0x68DB8BAD, s24;
	s1 =	sld [smem:$0x74E];
	v0 =	vsel vm2, s22, v0;
	v1 =	vsel vm8, s4, v1  }
0x481: {  	s13 =	sshra.s32 s9, $0x1F;
	s26 =	sshra.s32 s15, $0x1F;
	s21 =	sld [smem:$0x74D];
	v0 =	vsel vm0, s23, v0;
	[tilespmem:$0x1FD00] =	vst v1;
	v1 =	vsel vm9, s17, v2  }
0x482: {  	s8 =	sshrl.u32 s11, $0x1F;
	s0 =	sadd.s32 s28, s25;
	s28 =	sld [smem:$0x750];
	[tilespmem:$0x1FDD0] =	vst v0;
	v1 =	vsel vm8, s19, v1  }
0x483: {  	s20 =	sshrl.u32 s6, $0x1F;
	v0 =	vmov s8;
	v2 =	vmov s12;
	s12 =	sld [smem:$0x74F];
	s19 =	sshrl.u32 s14, $0x1F;
	[tilespmem:$0x1FD10] =	vst v1;
	v1 =	vmov s26  }
0x484: {  	s22 =	sshra.s32 s21, $0xC;
	s24 =	sshra.s32 s21, $0x1F;
	s17 =	sld [smem:$0x752];
	v0 =	vsel vm10, s19, v0;
	v1 =	vsel vm11, s10, v1  }
0x485: {  	s5 =	sshrl.u32 s28, $0x1F;
	s9 =	sshra.s32 s28, $0xC;
	v0 =	vsel vm9, s20, v0;
	s20 =	sld [smem:$0x754];
	v1 =	vsel vm12, s13, v1  }
0x486: {  	s10 =	sshra.s32 s28, $0x1F;
	s28 =	sshra.s32 s11, $0xC;
	s11 =	sld [smem:$0x757];
	v1 =	vsel vm10, s22, v1  }
0x487: {  	s25 =	sshrl.u32 s1, $0x1F;
	s13 =	sld [smem:$0x751];
	v1 =	vsel vm13, s24, v1  }
0x488: {  	s23 =	sshrl.u32 s21, $0x1F;
	v2 =	vnsel vm11, $0x0, v2;
	v0 =	vsel vm8, s25, v0;
	s25 =	sld [smem:$0x756];
	v1 =	vsel vm9, s9, v1  }
0x489: {  	[tilespmem:$0x1FD20] =	vst v0;
	v0 =	vsel vm10, s23, v2;
	v1 =	vsel vm14, s10, v1;
	s10 =	sld [smem:$0x753]  }
0x48a: {  	s26 =	sshrl.u32 s12, $0x1F;
	s18 =	sshrl.u32 s17, $0x1F;
	v0 =	vsel vm9, s5, v0;
	s9 =	sld [smem:$0x755]  }
0x48b: {  	[smem:$0x7F7] =	sst s0;
	v2 =	vmov s26;
	s21 =	sshrl.u32 s20, $0x1F;
	s16 =	sshrl.u32 s13, $0x1F;
	v0 =	vsel vm8, s18, v0  }
0x48c: {  	s8 =	sshra.s32 s15, $0xC;
	s26 =	sshrl.u32 s25, $0x1F;
	v2 =	vsel vm10, s16, v2;
	v0 =	vsel vm5, s21, v0;
	s19 =	sshrl.u32 s10, $0x1F  }
0x48d: {  	s22 =	sshra.s32 s17, $0xC;
	s5 =	sshrl.u32 s11, $0x1F;
	v0 =	vsel vm3, s26, v0;
	s24 =	sshrl.u32 s9, $0x1F;
	v2 =	vsel vm9, s19, v2  }
0x48e: {  	s23 =	sshra.s32 s17, $0x1F;
	s17 =	sshra.s32 s14, $0xC;
	v0 =	vsel vm1, s5, v0;
	s19 =	sshrl.u32 s15, $0x1F;
	v2 =	vsel vm8, s24, v2  }
0x48f: {  	s14 =	sld [smem:$0x758];
	s18 =	sshra.s32 s20, $0x1F;
	s16 =	sshra.s32 s20, $0xC;
	v1 =	vsel vm8, s22, v1;
	v0 =	vsel vm0, s19, v0;
	[tilespmem:$0x1FD30] =	vst v2;
	v2 =	vmov s28  }
0x490: {  	s20 =	sshra.s32 s6, $0xC;
	s21 =	sshra.s32 s12, $0xC;
	s6 =	sld [smem:$0x759];
	v1 =	vsel vm7, s23, v1;
	[tilespmem:$0x1FDE0] =	vst v0;
	v0 =	vsel vm10, s17, v2  }
0x491: {  	s22 =	sshra.s32 s25, $0xC;
	s25 =	sshra.s32 s25, $0x1F;
	s23 =	sshra.s32 s1, $0xC;
	v1 =	vsel vm5, s16, v1;
	v0 =	vsel vm9, s20, v0  }
0x492: {  	s1 =	sshra.s32 s14, $0x1F;
	v1 =	vsel vm6, s18, v1;
	s15 =	sld [smem:$0x75C];
	s24 =	sshra.s32 s13, $0xC;
	v2 =	vmov s21;
	v0 =	vsel vm8, s23, v0  }
0x493: {  	s4 =	sshra.s32 s9, $0xC;
	s26 =	sshra.s32 s10, $0xC;
	v1 =	vsel vm3, s22, v1;
	s19 =	sld [smem:$0x75E];
	[tilespmem:$0x1FD40] =	vst v0;
	v0 =	vsel vm10, s24, v2  }
0x494: {  	s5 =	sshra.s32 s11, $0x1F;
	v1 =	vsel vm4, s25, v1;
	s28 =	sshra.s32 s11, $0xC;
	s11 =	sld [smem:$0x75A];
	v0 =	vsel vm9, s26, v0  }
0x495: {  	s7 =	sshra.s32 s6, $0xC;
	s9 =	sshrl.u32 s6, $0x1F;
	v1 =	vsel vm1, s28, v1;
	s28 =	sld [smem:$0x762];
	v2 =	vmov s1;
	v0 =	vsel vm8, s4, v0  }
0x496: {  	s10 =	sshra.s32 s6, $0x1F;
	s16 =	sshra.s32 s15, $0xC;
	s1 =	sld [smem:$0x75F];
	[tilespmem:$0x1FD50] =	vst v0;
	v0 =	vsel vm2, s5, v1;
	v1 =	vsel vm11, s7, v2  }
0x497: {  	s17 =	sshrl.u32 s15, $0x1F;
	s6 =	sshra.s32 s15, $0x1F;
	v0 =	vsel vm0, s8, v0;
	v1 =	vsel vm12, s10, v1;
	s8 =	sld [smem:$0x75B]  }
0x498: {  	s20 =	sshrl.u32 s19, $0x1F;
	s21 =	sshra.s32 s19, $0xC;
	s24 =	sld [smem:$0x760];
	v1 =	vsel vm10, s16, v1  }
0x499: {  	s22 =	sshra.s32 s19, $0x1F;
	s12 =	sshrl.u32 s11, $0x1F;
	s7 =	sld [smem:$0x75D];
	v1 =	vsel vm13, s6, v1  }
0x49a: {  	s4 =	sshra.s32 s11, $0xC;
	[tilespmem:$0x1FDF0] =	vst v0;
	v0 =	vmov s9;
	s9 =	sld [smem:$0x763];
	s13 =	sshrl.u32 s8, $0x1F;
	v1 =	vsel vm9, s21, v1  }
0x49b: {  	s23 =	sshrl.u32 s1, $0x1F;
	s10 =	sshra.s32 s24, $0xC;
	s16 =	sld [smem:$0x764];
	v0 =	vnsel vm11, $0x0, v0;
	v2 =	vmov s13;
	v1 =	vsel vm14, s22, v1  }
0x49c: {  	s25 =	sshrl.u32 s24, $0x1F;
	v0 =	vsel vm10, s17, v0;
	s13 =	sshra.s32 s24, $0x1F;
	v2 =	vsel vm10, s12, v2;
	s12 =	sld [smem:$0x761];
	v1 =	vsel vm8, s10, v1  }
0x49d: {  	s18 =	sshrl.u32 s7, $0x1F;
	s6 =	sshrl.u32 s28, $0x1F;
	v0 =	vsel vm9, s20, v0;
	v1 =	vsel vm7, s13, v1;
	s13 =	sld [smem:$0x766]  }
0x49e: {  	s21 =	sshra.s32 s28, $0x1F;
	s15 =	sshrl.u32 s9, $0x1F;
	v0 =	vsel vm8, s25, v0;
	s10 =	sld [smem:$0x765];
	v2 =	vsel vm9, s18, v2  }
0x49f: {  	s17 =	sshrl.u32 s16, $0x1F;
	s22 =	sld [smem:$0x767];
	v0 =	vsel vm5, s6, v0;
	v2 =	vsel vm8, s23, v2;
	s26 =	sshrl.u32 s12, $0x1F  }
0x4a0: {  	s20 =	sshra.s32 s28, $0xC;
	s24 =	sshrl.u32 s14, $0x1F;
	v0 =	vsel vm3, s17, v0;
	[tilespmem:$0x1FD60] =	vst v2;
	v2 =	vmov s26;
	s19 =	sshrl.u32 s13, $0x1F  }
0x4a1: {  	s17 =	sshra.s32 s1, $0xC;
	s1 =	sld [smem:$0x771];
	s18 =	sshrl.u32 s10, $0x1F;
	v2 =	vsel vm10, s15, v2;
	v0 =	vsel vm1, s19, v0  }
0x4a2: {  	s28 =	sshra.s32 s16, $0xC;
	v1 =	vsel vm5, s20, v1;
	s23 =	sshrl.u32 s22, $0x1F;
	s15 =	sld [smem:$0x76E];
	v2 =	vsel vm9, s18, v2;
	v0 =	vsel vm0, s24, v0  }
0x4a3: {  	s16 =	sshra.s32 s16, $0x1F;
	s25 =	sshra.s32 s8, $0xC;
	v2 =	vsel vm8, s23, v2;
	[tilespmem:$0x1FE00] =	vst v0;
	v0 =	vsel vm6, s21, v1;
	s23 =	sld [smem:$0x768]  }
0x4a4: {  	s8 =	sshra.s32 s7, $0xC;
	s20 =	sshra.s32 s22, $0xC;
	v1 =	vmov s25;
	s25 =	sld [smem:$0x769];
	v0 =	vsel vm3, s28, v0  }
0x4a5: {  	s22 =	sshra.s32 s14, $0xC;
	s26 =	sshra.s32 s12, $0xC;
	v1 =	vsel vm10, s4, v1;
	v0 =	vsel vm4, s16, v0;
	s16 =	sld [smem:$0x76A]  }
0x4a6: {  	s12 =	sshra.s32 s9, $0xC;
	s19 =	sshra.s32 s13, $0xC;
	[tilespmem:$0x1FD70] =	vst v2;
	v2 =	vmov s26;
	v1 =	vsel vm9, s8, v1;
	s8 =	sld [smem:$0x76B]  }
0x4a7: {  	s18 =	sshra.s32 s10, $0xC;
	s21 =	sshra.s32 s13, $0x1F;
	v2 =	vsel vm10, s12, v2;
	s12 =	sld [smem:$0x76C]  }
0x4a8: {  	v1 =	vsel vm8, s17, v1;
	s24 =	sshrl.u32 s23, $0x1F;
	s26 =	sshrl.u32 s25, $0x1F;
	s17 =	sshrl.u32 s15, $0x1F  }
0x4a9: {  	v2 =	vsel vm9, s18, v2;
	v0 =	vsel vm1, s19, v0;
	s18 =	sshra.s32 s15, $0xC;
	s19 =	sshra.s32 s15, $0x1F;
	s15 =	sld [smem:$0x774]  }
0x4aa: {  	s4 =	sshra.s32 s23, $0xC;
	v0 =	vsel vm2, s21, v0;
	s21 =	sld [smem:$0x770];
	s9 =	sshrl.u32 s8, $0x1F  }
0x4ab: {  	[tilespmem:$0x1FD80] =	vst v1;
	v0 =	vsel vm0, s22, v0;
	s10 =	sshra.s32 s8, $0xC;
	s11 =	sshra.s32 s8, $0x1F;
	s8 =	sld [smem:$0x76D]  }
0x4ac: {  	s0 =	sshra.s32 s25, $0xC;
	v1 =	vsel vm8, s20, v2;
	s28 =	sshra.s32 s16, $0x1F;
	[tilespmem:$0x1FE10] =	vst v0;
	v0 =	vmov s26;
	v2 =	vmov s9;
	s9 =	sld [smem:$0x76F]  }
0x4ad: {  	s23 =	sshrl.u32 s1, $0x1F;
	s1 =	sshra.s32 s1, $0xC;
	[tilespmem:$0x1FD90] =	vst v1;
	v1 =	vmov s28;
	v0 =	vsel vm10, s24, v0;
	s24 =	sld [smem:$0x772]  }
0x4ae: {  	s13 =	sshrl.u32 s12, $0x1F;
	v1 =	vsel vm11, s10, v1;
	s22 =	sshrl.u32 s21, $0x1F;
	s10 =	sld [smem:$0x773]  }
0x4af: {  	s26 =	sshra.s32 s21, $0xC;
	v0 =	vsel vm9, s13, v0;
	v1 =	vsel vm12, s11, v1;
	s14 =	sshrl.u32 s8, $0x1F;
	s13 =	sld [smem:$0x775]  }
0x4b0: {  	v2 =	vnsel vm11, $0x0, v2;
	s28 =	sshra.s32 s21, $0x1F;
	v0 =	vsel vm8, s14, v0;
	v1 =	vsel vm10, s18, v1;
	s20 =	sshrl.u32 s9, $0x1F;
	s18 =	sld [smem:$0x776]  }
0x4b1: {  	s21 =	sshra.s32 s12, $0xC;
	s11 =	sshrl.u32 s15, $0x1F;
	s14 =	sld [smem:$0x77D];
	[tilespmem:$0x1FE20] =	vst v0;
	v0 =	vsel vm10, s17, v2;
	v2 =	vmov s20  }
0x4b2: {  	v1 =	vsel vm13, s19, v1;
	s25 =	sshrl.u32 s24, $0x1F;
	s7 =	sshrl.u32 s10, $0x1F;
	v0 =	vsel vm9, s22, v0;
	v2 =	vsel vm10, s23, v2;
	s23 =	sld [smem:$0x777]  }
0x4b3: {  	s20 =	sshra.s32 s24, $0xC;
	s10 =	sshra.s32 s10, $0xC;
	v1 =	vsel vm9, s26, v1;
	s17 =	sshrl.u32 s13, $0x1F;
	v0 =	vsel vm8, s25, v0  }
0x4b4: {  	s22 =	sshra.s32 s24, $0x1F;
	s26 =	sshrl.u32 s16, $0x1F;
	v1 =	vsel vm14, s28, v1;
	s19 =	sshrl.u32 s18, $0x1F;
	v0 =	vsel vm5, s11, v0  }
0x4b5: {  	s12 =	sshra.s32 s13, $0xC;
	v2 =	vsel vm9, s7, v2;
	s25 =	sshra.s32 s8, $0xC;
	v1 =	vsel vm8, s20, v1;
	v0 =	vsel vm3, s19, v0;
	s24 =	sshrl.u32 s23, $0x1F  }
0x4b6: {  	s28 =	sshra.s32 s15, $0xC;
	s8 =	sshra.s32 s9, $0xC;
	s9 =	sshra.s32 s15, $0x1F;
	v2 =	vsel vm8, s17, v2;
	v1 =	vsel vm7, s22, v1;
	v0 =	vsel vm1, s24, v0  }
0x4b7: {  	s15 =	sshra.s32 s18, $0xC;
	s17 =	sshra.s32 s18, $0x1F;
	[tilespmem:$0x1FE30] =	vst v2;
	v2 =	vmov s0;
	v1 =	vsel vm5, s28, v1;
	s24 =	sld [smem:$0x77A];
	v0 =	vsel vm0, s26, v0  }
0x4b8: {  	s20 =	sshra.s32 s16, $0xC;
	s16 =	sshra.s32 s14, $0xC;
	v1 =	vsel vm6, s9, v1;
	s26 =	sld [smem:$0x77B];
	[tilespmem:$0x1FE60] =	vst v0;
	v0 =	vsel vm10, s4, v2  }
0x4b9: {  	s18 =	sshra.s32 s23, $0xC;
	s19 =	sshra.s32 s23, $0x1F;
	v2 =	vmov s8;
	v1 =	vsel vm3, s15, v1;
	s15 =	sld [smem:$0x779];
	v0 =	vsel vm9, s21, v0  }
0x4ba: {  	v2 =	vsel vm10, s1, v2;
	v1 =	vsel vm4, s17, v1;
	s21 =	sld [smem:$0x778];
	s6 =	sshra.s32 s24, $0xC;
	s17 =	sshrl.u32 s14, $0x1F;
	v0 =	vsel vm8, s25, v0  }
0x4bb: {  	s1 =	sld [smem:$0x77F];
	s28 =	sshra.s32 s26, $0xC;
	s11 =	sshra.s32 s26, $0x1F;
	[tilespmem:$0x1FE40] =	vst v0;
	v0 =	vsel vm9, s10, v2  }
0x4bc: {  	s23 =	sshra.s32 s15, $0x1F;
	s10 =	sshrl.u32 s26, $0x1F;
	s26 =	sld [smem:$0x781];
	v0 =	vsel vm8, s12, v0  }
0x4bd: {  	(v2sf) =	vpush v18, $0x2;
	s25 =	sshrl.u32 s24, $0x1F;
	s22 =	sshrl.u32 s21, $0x1F;
	s12 =	sld [smem:$0x77C];
	[tilespmem:$0x1FE50] =	vst v0;
	v0 =	vsel vm1, s18, v1;
	v1 =	vmov s23  }
0x4be: {  	s5 =	sshra.s32 s21, $0xC;
	s21 =	sshrl.u32 s1, $0x1F;
	v0 =	vsel vm2, s19, v0;
	v1 =	vsel vm11, s28, v1;
	s19 =	sld [smem:$0x77E]  }
0x4bf: {  	v2 =	vmov s25;
	s18 =	sshra.s32 s14, $0x1F;
	s28 =	sshrl.u32 s26, $0x1F;
	v0 =	vsel vm0, s20, v0;
	v1 =	vsel vm12, s11, v1;
	s11 =	sld [smem:$0x782]  }
0x4c0: {  	s0 =	sshra.s32 s26, $0xC;
	s13 =	sshrl.u32 s12, $0x1F;
	[tilespmem:$0x1FE70] =	vst v0;
	v0 =	vsel vm10, s22, v2;
	s22 =	sld [smem:$0x780]  }
0x4c1: {  	s4 =	sshra.s32 s12, $0xC;
	s12 =	sld [smem:$0x78A];
	s20 =	sshrl.u32 s19, $0x1F  }
0x4c2: {  	v2 =	vmov s10;
	v0 =	vsel vm9, s13, v0;
	s7 =	sshra.s32 s19, $0xC;
	s13 =	sld [smem:$0x783];
	s10 =	sshrl.u32 s11, $0x1F  }
0x4c3: {  	v1 =	vsel vm10, s16, v1;
	v0 =	vsel vm8, s20, v0;
	s20 =	sld [smem:$0x785];
	s11 =	sshra.s32 s11, $0xC;
	s23 =	sshra.s32 s22, $0xC  }
0x4c4: {  	[tilespmem:$0x1FE80] =	vst v0;
	v0 =	vsel vm13, s18, v1;
	v1 =	vnsel vm11, $0x0, v2;
	s24 =	sshrl.u32 s22, $0x1F;
	s25 =	sshra.s32 s22, $0x1F;
	s18 =	sld [smem:$0x784]  }
0x4c5: {  	v2 =	vmov s21;
	s22 =	sld [smem:$0x786];
	v1 =	vsel vm10, s17, v1;
	s14 =	sshrl.u32 s13, $0x1F;
	s16 =	sshra.s32 s13, $0xC  }
0x4c6: {  	v0 =	vsel vm9, s23, v0;
	v2 =	vsel vm10, s28, v2;
	s17 =	sshra.s32 s13, $0x1F;
	s28 =	sld [smem:$0x787];
	v1 =	vsel vm9, s24, v1;
	s21 =	sshrl.u32 s20, $0x1F  }
0x4c7: {  	v0 =	vsel vm14, s25, v0;
	s24 =	sshra.s32 s20, $0xC;
	s25 =	sshra.s32 s1, $0xC;
	s26 =	sshra.s32 s20, $0x1F;
	v1 =	vsel vm8, s14, v1  }
0x4c8: {  	v2 =	vsel vm9, s10, v2;
	v0 =	vsel vm8, s16, v0;
	s19 =	sshrl.u32 s18, $0x1F;
	s23 =	sshrl.u32 s22, $0x1F;
	s14 =	smov.u32 s15;
	v1 =	vsel vm5, s21, v1  }
0x4c9: {  	s16 =	sshrl.u32 s15, $0x1F;
	s18 =	sshra.s32 s18, $0xC;
	v2 =	vsel vm8, s19, v2;
	v0 =	vsel vm7, s17, v0;
	s1 =	sshrl.u32 s28, $0x1F;
	v1 =	vsel vm3, s23, v1  }
0x4ca: {  	s15 =	sld [smem:$0x788];
	s17 =	sshra.s32 s22, $0xC;
	s19 =	sshra.s32 s22, $0x1F;
	[tilespmem:$0x1FE90] =	vst v2;
	v2 =	vmov s6;
	v0 =	vsel vm5, s24, v0;
	v1 =	vsel vm1, s1, v1  }
0x4cb: {  	s20 =	sshra.s32 s28, $0xC;
	s21 =	sshra.s32 s28, $0x1F;
	s6 =	sld [smem:$0x78C];
	v2 =	vsel vm10, s5, v2;
	v0 =	vsel vm6, s26, v0;
	v1 =	vsel vm0, s16, v1  }
0x4cc: {  	s10 =	sshra.s32 s14, $0xC;
	s23 =	spop (v2sf);
	s26 =	sld [smem:$0x789];
	v0 =	vsel vm3, s17, v0;
	[tilespmem:$0x1FEC0] =	vst v1;
	v1 =	vsel vm9, s4, v2  }
0x4cd: {  	s22 =	sshra.s32 s15, $0x1F;
	s24 =	smulhi.u32 $0x68DB8BAD, s23;
	s1 =	sld [smem:$0x78F];
	v0 =	vsel vm4, s19, v0;
	v1 =	vsel vm8, s7, v1  }
0x4ce: {  	s16 =	sshrl.u32 s12, $0x1F;
	s17 =	sld [smem:$0x78B];
	s19 =	sshrl.u32 s6, $0x1F;
	v0 =	vsel vm1, s20, v0;
	[tilespmem:$0x1FEA0] =	vst v1;
	v1 =	vmov s25  }
0x4cf: {  	s28 =	sshra.s32 s26, $0xC;
	s7 =	sld [smem:$0x78D];
	s25 =	sshra.s32 s23, $0x1F;
	v0 =	vsel vm2, s21, v0;
	v1 =	vsel vm10, s0, v1  }
0x4d0: {  	v2 =	vmov s22;
	s13 =	sshra.s32 s26, $0x1F;
	v0 =	vsel vm0, s10, v0;
	s10 =	sld [smem:$0x791];
	v1 =	vsel vm9, s11, v1;
	s11 =	smul.u32 $0x68DB8BAD, s25  }
0x4d1: {  	s14 =	sshrl.u32 s26, $0x1F;
	s8 =	sshrl.u32 s1, $0x1F;
	v2 =	vsel vm11, s28, v2;
	s23 =	sld [smem:$0x78E]  }
0x4d2: {  	[tilespmem:$0x1FED0] =	vst v0;
	v0 =	vsel vm12, s13, v2;
	v1 =	vsel vm8, s18, v1;
	s18 =	sshra.s32 s17, $0xC;
	s24 =	sadd.s32 s11, s24;
	s11 =	sld [smem:$0x790]  }
0x4d3: {  	s21 =	sshrl.u32 s17, $0x1F;
	v2 =	vmov s14;
	v0 =	vsel vm10, s18, v0;
	s13 =	sshrl.u32 s10, $0x1F;
	s18 =	sld [smem:$0x793]  }
0x4d4: {  	v2 =	vnsel vm11, $0x0, v2;
	[tilespmem:$0x1FEB0] =	vst v1;
	v1 =	vmov s16;
	s14 =	sshra.s32 s10, $0xC;
	s16 =	sshra.s32 s10, $0x1F;
	s10 =	sld [smem:$0x794]  }
0x4d5: {  	s20 =	sshra.s32 s17, $0x1F;
	s22 =	sshrl.u32 s7, $0x1F;
	v2 =	vsel vm10, s21, v2;
	s21 =	sld [smem:$0x795];
	v1 =	vsel vm10, s19, v1  }
0x4d6: {  	s25 =	sshra.s32 s23, $0xC;
	s26 =	sshrl.u32 s23, $0x1F;
	s28 =	sshra.s32 s23, $0x1F;
	v0 =	vsel vm13, s20, v0;
	v1 =	vsel vm9, s22, v1  }
0x4d7: {  	v0 =	vsel vm9, s25, v0;
	v1 =	vsel vm8, s8, v1;
	s9 =	sshrl.u32 s11, $0x1F;
	s8 =	sld [smem:$0x792];
	s19 =	sshrl.u32 s18, $0x1F  }
0x4d8: {  	v0 =	vsel vm14, s28, v0;
	s20 =	sshrl.u32 s10, $0x1F;
	s22 =	sshrl.u32 s21, $0x1F;
	s23 =	sshra.s32 s18, $0xC  }
0x4d9: {  	s25 =	sshra.s32 s18, $0x1F;
	s18 =	sshra.s32 s21, $0xC;
	[tilespmem:$0x1FEE0] =	vst v1;
	v1 =	vsel vm9, s26, v2;
	v2 =	vmov s9;
	v0 =	vsel vm8, s14, v0;
	s9 =	sld [smem:$0x796]  }
0x4da: {  	s21 =	sshra.s32 s21, $0x1F;
	v1 =	vsel vm8, s13, v1;
	v0 =	vsel vm7, s16, v0;
	s13 =	sld [smem:$0x797];
	s16 =	sshra.s32 s12, $0xC  }
0x4db: {  	s17 =	sshrl.u32 s8, $0x1F;
	v1 =	vsel vm5, s19, v1;
	v0 =	vsel vm5, s23, v0;
	s19 =	sshra.s32 s6, $0xC;
	s6 =	sshra.s32 s15, $0xC  }
0x4dc: {  	s26 =	sshrl.u32 s9, $0x1F;
	v0 =	vsel vm6, s25, v0;
	s5 =	sshra.s32 s9, $0xC;
	s9 =	sld [smem:$0x79A]  }
0x4dd: {  	v2 =	vsel vm10, s17, v2;
	v1 =	vsel vm3, s22, v1;
	s17 =	sshrl.u32 s15, $0x1F;
	s28 =	sshrl.u32 s13, $0x1F;
	v0 =	vsel vm3, s18, v0;
	s18 =	sld [smem:$0x79D]  }
0x4de: {  	v2 =	vsel vm9, s20, v2;
	s25 =	sshra.s32 s13, $0xC;
	v1 =	vsel vm1, s28, v1;
	s28 =	sshra.s32 s10, $0xC;
	s10 =	sld [smem:$0x799]  }
0x4df: {  	v2 =	vsel vm8, s26, v2;
	s26 =	sshra.s32 s1, $0xC;
	s1 =	sshra.s32 s13, $0x1F;
	s13 =	sld [smem:$0x79B]  }
0x4e0: {  	s20 =	sshra.s32 s11, $0xC;
	v0 =	vsel vm4, s21, v0;
	v1 =	vsel vm0, s17, v1;
	s17 =	sld [smem:$0x798];
	s11 =	sshrl.u32 s9, $0x1F  }
0x4e1: {  	[tilespmem:$0x1FEF0] =	vst v2;
	v0 =	vsel vm1, s25, v0;
	s12 =	sshra.s32 s9, $0xC;
	s15 =	sshra.s32 s9, $0x1F;
	s9 =	sld [smem:$0x7A2]  }
0x4e2: {  	s23 =	sshra.s32 s8, $0xC;
	s22 =	sshra.s32 s7, $0xC;
	v2 =	vmov s20;
	[tilespmem:$0x1FF40] =	vst v1;
	v1 =	vmov s16;
	v0 =	vsel vm2, s1, v0;
	s1 =	sld [smem:$0x79E]  }
0x4e3: {  	v2 =	vsel vm10, s23, v2;
	s20 =	sshra.s32 s18, $0xC;
	s21 =	sshra.s32 s18, $0x1F;
	s23 =	sld [smem:$0x79F];
	v1 =	vsel vm10, s19, v1  }
0x4e4: {  	v0 =	vsel vm0, s6, v0;
	s19 =	sshrl.u32 s18, $0x1F;
	s18 =	sld [smem:$0x7A3];
	v1 =	vsel vm9, s22, v1;
	s7 =	sshra.s32 s17, $0x1F  }
0x4e5: {  	s8 =	sshrl.u32 s10, $0x1F;
	[tilespmem:$0x1FF50] =	vst v0;
	v1 =	vsel vm8, s26, v1;
	v0 =	vmov s7;
	s7 =	sld [smem:$0x79C]  }
0x4e6: {  	s14 =	sshrl.u32 s13, $0x1F;
	s4 =	sshra.s32 s13, $0xC;
	[tilespmem:$0x1FF00] =	vst v1;
	v1 =	vsel vm9, s28, v2;
	s28 =	sld [smem:$0x7A1]  }
0x4e7: {  	s6 =	sshrl.u32 s17, $0x1F;
	s25 =	sshrl.u32 s23, $0x1F;
	v2 =	vmov s11;
	v0 =	vsel vm11, s12, v0;
	s11 =	sld [smem:$0x7A5];
	v1 =	vsel vm8, s5, v1  }
0x4e8: {  	s13 =	sshra.s32 s23, $0xC;
	v0 =	vsel vm12, s15, v0;
	s15 =	sshra.s32 s23, $0x1F;
	s23 =	sld [smem:$0x7A6];
	[tilespmem:$0x1FF10] =	vst v1;
	v1 =	vmov s8  }
0x4e9: {  	s22 =	sshrl.u32 s1, $0x1F;
	s16 =	sshrl.u32 s7, $0x1F;
	v0 =	vsel vm10, s20, v0;
	v1 =	vsel vm10, s14, v1;
	s14 =	sld [smem:$0x7A0]  }
0x4ea: {  	v2 =	vnsel vm11, $0x0, v2;
	s8 =	sshra.s32 s18, $0xC;
	v0 =	vsel vm13, s21, v0;
	s12 =	sshrl.u32 s28, $0x1F;
	s20 =	sshrl.u32 s11, $0x1F;
	v1 =	vsel vm9, s16, v1  }
0x4eb: {  	v2 =	vsel vm10, s19, v2;
	s21 =	sshra.s32 s28, $0xC;
	v0 =	vsel vm9, s13, v0;
	s16 =	sshrl.u32 s9, $0x1F;
	s13 =	sld [smem:$0x7A4];
	v1 =	vsel vm8, s22, v1  }
0x4ec: {  	v0 =	vsel vm14, s15, v0;
	s22 =	sshra.s32 s28, $0x1F;
	s15 =	sld [smem:$0x7A7];
	[tilespmem:$0x1FF20] =	vst v1;
	v1 =	vsel vm9, s25, v2;
	s26 =	sshrl.u32 s14, $0x1F  }
0x4ed: {  	s28 =	sshra.s32 s10, $0xC;
	v0 =	vsel vm8, s21, v0;
	s25 =	sshrl.u32 s23, $0x1F;
	v2 =	vmov s26;
	v1 =	vsel vm8, s12, v1;
	s12 =	sshrl.u32 s18, $0x1F  }
0x4ee: {  	s19 =	sshrl.u32 s13, $0x1F;
	v0 =	vsel vm7, s22, v0;
	s22 =	sshra.s32 s23, $0xC;
	s23 =	sshra.s32 s11, $0x1F;
	v2 =	vsel vm10, s16, v2  }
0x4ef: {  	v1 =	vsel vm5, s12, v1;
	s26 =	sshrl.u32 s15, $0x1F;
	v2 =	vsel vm9, s19, v2;
	s19 =	sshra.s32 s9, $0xC;
	s9 =	sld [smem:$0x7A9]  }
0x4f0: {  	v0 =	vsel vm5, s8, v0;
	s16 =	sshra.s32 s18, $0x1F;
	v1 =	vsel vm3, s20, v1;
	s20 =	sshra.s32 s11, $0xC;
	s11 =	sld [smem:$0x7AA]  }
0x4f1: {  	s10 =	sshra.s32 s7, $0xC;
	s14 =	sshra.s32 s14, $0xC;
	v0 =	vsel vm6, s16, v0;
	s16 =	sld [smem:$0x7AD];
	v2 =	vsel vm8, s25, v2;
	v1 =	vsel vm1, s26, v1  }
0x4f2: {  	s21 =	sshra.s32 s13, $0xC;
	s13 =	sshra.s32 s30, $0x1F;
	v0 =	vsel vm3, s20, v0;
	s20 =	sld [smem:$0x7AE];
	[tilespmem:$0x1FF30] =	vst v2;
	v1 =	vsel vm0, s6, v1  }
0x4f3: {  	s18 =	sshra.s32 s1, $0xC;
	s8 =	sshra.s32 s17, $0xC;
	v2 =	vmov s14;
	s14 =	sld [smem:$0x7AC];
	[tilespmem:$0x1FF80] =	vst v1;
	v1 =	vmov s28  }
0x4f4: {  	s25 =	sshra.s32 s15, $0xC;
	s26 =	sshra.s32 s15, $0x1F;
	v0 =	vsel vm4, s23, v0;
	s28 =	sld [smem:$0x7A8];
	v1 =	vsel vm10, s4, v1  }
0x4f5: {  	v0 =	vsel vm1, s25, v0;
	s12 =	sshrl.u32 s11, $0x1F;
	s17 =	sshra.s32 s16, $0xC;
	s25 =	sld [smem:$0x7B0];
	v1 =	vsel vm9, s10, v1  }
0x4f6: {  	v2 =	vsel vm10, s19, v2;
	s19 =	sshra.s32 s16, $0x1F;
	s4 =	sshra.s32 s11, $0xC;
	s11 =	sld [smem:$0x7B1];
	v1 =	vsel vm8, s18, v1  }
0x4f7: {  	s10 =	sshrl.u32 s9, $0x1F;
	s7 =	sshrl.u32 s28, $0x1F;
	s5 =	sshra.s32 s28, $0xC;
	[tilespmem:$0x1FF60] =	vst v1;
	v1 =	vsel vm9, s21, v2  }
0x4f8: {  	v0 =	vsel vm2, s26, v0;
	s18 =	sshrl.u32 s16, $0x1F;
	s26 =	sshra.s32 s25, $0xC;
	s16 =	rddreg [dreg:$0x17];
	v2 =	vmov s7;
	v1 =	vsel vm8, s22, v1  }
0x4f9: {  	v0 =	vsel vm0, s8, v0;
	s28 =	sshrl.u32 s25, $0x1F;
	s8 =	sshra.s32 s25, $0x1F;
	s25 =	rddreg [dreg:$0x15];
	[tilespmem:$0x1FF70] =	vst v1;
	v1 =	vsel vm10, s10, v2  }
0x4fa: {  	(v2sf) =	vpush v18, $0x3;
	s0 =	sshra.s32 s9, $0xC;
	s15 =	sshrl.u32 s14, $0x1F;
	s22 =	sld [smem:$0x7AF];
	v1 =	vsel vm9, s12, v1  }
0x4fb: {  	(v2sf) =	vpush v18, $0x4;
	[tilespmem:$0x1FF90] =	vst v0;
	s21 =	sshrl.u32 s20, $0x1F;
	v2 =	vmov s13;
	s10 =	sshra.s32 s20, $0xC;
	s20 =	sld [smem:$0x7B3];
	v0 =	vsel vm8, s15, v1  }
0x4fc: {  	(v2sf) =	vpush v18, $0x5;
	s6 =	sshra.s32 s14, $0xC;
	s14 =	sshra.s32 s11, $0xC;
	[tilespmem:$0x1FFA0] =	vst v0;
	v0 =	vsel vm11, s17, v2;
	v2 =	vmov s18;
	s18 =	sld [smem:$0x7B2]  }
0x4fd: {  	(v2sf) =	vpush v18, $0x6;
	s13 =	sshrl.u32 s11, $0x1F;
	s15 =	sshra.s32 s11, $0x1F;
	s11 =	sld [smem:$0x7B5];
	v0 =	vsel vm12, s19, v0;
	v2 =	vnsel vm11, $0x0, v2  }
0x4fe: {  	s7 =	sshra.s32 s16, $0xC;
	v1 =	vmov s21;
	s23 =	sshrl.u32 s22, $0x1F;
	v0 =	vsel vm10, s26, v0;
	v2 =	vsel vm10, s28, v2;
	s28 =	sld [smem:$0x7B4]  }
0x4ff: {  	s9 =	sshra.s32 s22, $0xC;
	s17 =	sshrl.u32 s16, $0x1F;
	v1 =	vsel vm10, s23, v1;
	v0 =	vsel vm13, s8, v0;
	v2 =	vsel vm9, s13, v2;
	s19 =	sshrl.u32 s18, $0x1F  }
0x500: {  	s21 =	sshrl.u32 s20, $0x1F;
	v1 =	vsel vm9, s17, v1;
	s26 =	sshrl.u32 s25, $0x1F;
	s17 =	sshrl.u32 s11, $0x1F;
	v0 =	vsel vm9, s14, v0;
	v2 =	vsel vm8, s19, v2  }
0x501: {  	s22 =	sshra.s32 s18, $0xC;
	v1 =	vsel vm8, s26, v1;
	s26 =	sld [smem:$0x7B6];
	v0 =	vsel vm14, s15, v0;
	v2 =	vsel vm5, s21, v2;
	s8 =	sshrl.u32 s28, $0x1F  }
0x502: {  	s23 =	sshra.s32 s18, $0x1F;
	s18 =	sshra.s32 s20, $0xC;
	[tilespmem:$0x1FFB0] =	vst v1;
	s15 =	sld [smem:$0x7B8];
	v0 =	vsel vm8, s22, v0;
	v1 =	vsel vm3, s8, v2  }
0x503: {  	s19 =	sshra.s32 s20, $0x1F;
	s20 =	sshrl.u32 s30, $0x1F;
	s8 =	sld [smem:$0x7B7];
	v0 =	vsel vm7, s23, v0;
	v1 =	vsel vm1, s17, v1  }
0x504: {  	s12 =	sshra.s32 s25, $0xC;
	s25 =	sshra.s32 s11, $0x1F;
	v2 =	vmov s5;
	s17 =	sld [smem:$0x7B9];
	v0 =	vsel vm5, s18, v0;
	v1 =	vsel vm0, s20, v1  }
0x505: {  	(v2sf) =	vpush v18, $0x7;
	s21 =	sshra.s32 s28, $0xC;
	s22 =	sshra.s32 s28, $0x1F;
	[tilespmem:$0x1FFD0] =	vst v1;
	v1 =	vsel vm10, s0, v2;
	v0 =	vsel vm6, s19, v0;
	s19 =	sld [smem:$0x7BA]  }
0x506: {  	s28 =	sshrl.u32 s26, $0x1F;
	v2 =	vmov s10;
	s10 =	sshra.s32 s26, $0xC;
	s26 =	rddreg [dreg:$0x1a];
	v1 =	vsel vm9, s4, v1;
	v0 =	vsel vm3, s21, v0  }
0x507: {  	s23 =	sshra.s32 s11, $0xC;
	s11 =	sshrl.u32 s8, $0x1F;
	s21 =	sld [smem:$0x7BB];
	v1 =	vsel vm8, s6, v1;
	v0 =	vsel vm4, s22, v0  }
0x508: {  	s18 =	sshrl.u32 s17, $0x1F;
	s14 =	sshra.s32 s17, $0xC;
	s17 =	sld [smem:$0x7BD];
	[tilespmem:$0x1FFC0] =	vst v1;
	v1 =	vsel vm10, s9, v2;
	v0 =	vsel vm1, s23, v0;
	v2 =	vmov s11  }
0x509: {  	s16 =	sshrl.u32 s15, $0x1F;
	s6 =	sshra.s32 s8, $0xC;
	s8 =	rddreg [dreg:$0x16];
	v6 =	vsel vm2, s25, v0;
	v0 =	vsel vm10, s28, v2  }
0x50a: {  	s11 =	spop (v2sf);
	s23 =	sld [smem:$0x7BC];
	v1 =	vsel vm9, s7, v1;
	s22 =	sshrl.u32 s21, $0x1F;
	v0 =	vsel vm9, s16, v0  }
0x50b: {  	s20 =	sshrl.u32 s19, $0x1F;
	s13 =	sshra.s32 s21, $0xC;
	s29 =	spop (v2sf);
	v63 =	vsel vm8, s12, v1;
	v1 =	vmov s22;
	v0 =	vsel vm8, s18, v0  }
0x50c: {  	s28 =	sshrl.u32 s26, $0x1F;
	s0 =	sshrl.u32 s17, $0x1F;
	[tilespmem:$0x1FFE0] =	vst v0;
	v0 =	vsel vm10, s20, v1;
	s20 =	sld [smem:$0x7BE]  }
0x50d: {  	s7 =	sshra.s32 s17, $0x1F;
	s16 =	sld [smem:$0x7BF];
	s25 =	sshrl.u32 s23, $0x1F  }
0x50e: {  	s12 =	sshra.s32 s19, $0xC;
	s19 =	sshrl.u32 s8, $0x1F;
	s31 =	spop (v2sf);
	v2 =	vmov s25  }
0x50f: {  	s22 =	sshra.s32 s23, $0xC;
	s23 =	sshra.s32 s23, $0x1F;
	v1 =	vnsel vm11, $0x0, v2;
	v0 =	vsel vm9, s28, v0;
	s1 =	sshra.s32 s20, $0x1F  }
0x510: {  	s21 =	sshrl.u32 s16, $0x1F;
	s28 =	spop (v2sf);
	v1 =	vsel vm10, s0, v1;
	v62 =	vsel vm8, s19, v0;
	s19 =	rddreg [dreg:$0x1e];
	v2 =	vmov s1  }
0x511: {  	s18 =	sshra.s32 s16, $0x1F;
	[smem:$0x7F8] =	sst s28;
	v0 =	vsel vm9, s21, v1;
	s25 =	sshrl.u32 s19, $0x1F;
	v1 =	vsel vm11, s22, v2  }
0x512: {  	s0 =	sshra.s32 s17, $0xC;
	s17 =	sshra.s32 s16, $0xC;
	s16 =	sld [smem:$0x7C1];
	v21 =	vsel vm8, s25, v0;
	v1 =	vsel vm12, s23, v1  }
0x513: {  	s15 =	sshra.s32 s15, $0xC;
	v0 =	vmov s6;
	v2 =	vmov s13;
	s13 =	sld [smem:$0x7C7];
	v1 =	vsel vm10, s0, v1  }
0x514: {  	s6 =	sshra.s32 s8, $0xC;
	s8 =	spop (v2sf);
	v0 =	vsel vm10, s10, v0;
	v1 =	vsel vm13, s7, v1;
	s7 =	sld [smem:$0x7C0]  }
0x515: {  	s26 =	sshra.s32 s26, $0xC;
	s9 =	smulhi.u32 $0x68DB8BAD, s8;
	v0 =	vsel vm9, s15, v0;
	v2 =	vsel vm10, s12, v2;
	s0 =	sld [smem:$0x7C4]  }
0x516: {  	s22 =	sshra.s32 s19, $0xC;
	s15 =	sshra.s32 s8, $0x1F;
	v57 =	vsel vm8, s14, v0;
	v0 =	vsel vm9, s26, v2;
	s14 =	sld [smem:$0x7C2]  }
0x517: {  	s12 =	smul.u32 $0x68DB8BAD, s15;
	v56 =	vsel vm8, s6, v0;
	s6 =	rddreg [dreg:$0x1c];
	v1 =	vsel vm9, s17, v1;
	s21 =	sshrl.u32 s7, $0x1F  }
0x518: {  	s15 =	sld [smem:$0x7C3];
	s23 =	sshrl.u32 s6, $0x1F;
	v0 =	vsel vm14, s18, v1;
	s1 =	sshrl.u32 s0, $0x1F;
	v1 =	vmov s21  }
0x519: {  	s26 =	sshrl.u32 s14, $0x1F;
	v5 =	vsel vm8, s22, v0;
	v2 =	vmov s1;
	s1 =	rddreg [dreg:$0x1b];
	v0 =	vsel vm10, s23, v1  }
0x51a: {  	s25 =	sshrl.u32 s16, $0x1F;
	v0 =	vsel vm9, s26, v0;
	s26 =	sadd.s32 s12, s9;
	s9 =	sld [smem:$0x7C5]  }
0x51b: {  	s22 =	sshra.s32 s7, $0xC;
	s7 =	sld [smem:$0x7C9];
	s5 =	sshrl.u32 s1, $0x1F  }
0x51c: {  	s28 =	sshrl.u32 s15, $0x1F;
	v1 =	vmov s25;
	v55 =	vsel vm8, s5, v0;
	s5 =	sld [smem:$0x7C6]  }
0x51d: {  	s21 =	sld [smem:$0x7C8];
	v1 =	vsel vm10, s28, v1;
	s8 =	sshrl.u32 s9, $0x1F  }
0x51e: {  	s17 =	sshrl.u32 s13, $0x1F;
	s25 =	sshra.s32 s0, $0xC;
	v0 =	vsel vm9, s8, v1;
	v1 =	vnsel vm11, $0x0, v2;
	v2 =	vmov s22;
	s22 =	sld [smem:$0x7CA]  }
0x51f: {  	s23 =	sshrl.u32 s7, $0x1F;
	s28 =	sshra.s32 s6, $0xC;
	s12 =	sshrl.u32 s5, $0x1F  }
0x520: {  	s6 =	sshra.s32 s0, $0x1F;
	s18 =	sshra.s32 s21, $0x1F;
	v53 =	vsel vm8, s12, v0;
	v0 =	vsel vm10, s17, v1;
	s12 =	sshra.s32 s14, $0xC  }
0x521: {  	v1 =	vmov s18;
	s17 =	sshra.s32 s1, $0xC;
	s1 =	sld [smem:$0x7CB];
	v0 =	vsel vm9, s23, v0;
	s8 =	sshrl.u32 s22, $0x1F  }
0x522: {  	s14 =	sshra.s32 s16, $0xC;
	s18 =	sshra.s32 s15, $0xC;
	s15 =	sld [smem:$0x7CE];
	v1 =	vsel vm11, s25, v1;
	v4 =	vsel vm8, s8, v0;
	v0 =	vsel vm10, s28, v2  }
0x523: {  	s16 =	sshra.s32 s13, $0xC;
	v1 =	vsel vm12, s6, v1;
	s6 =	sshra.s32 s5, $0xC;
	s5 =	sld [smem:$0x7CD];
	v2 =	vmov s14;
	v0 =	vsel vm9, s12, v0  }
0x524: {  	s23 =	sshra.s32 s13, $0x1F;
	s25 =	sshra.s32 s9, $0xC;
	v1 =	vsel vm10, s16, v1;
	s8 =	sld [smem:$0x7CC];
	v50 =	vsel vm8, s17, v0;
	v0 =	vsel vm10, s18, v2  }
0x525: {  	s28 =	sshra.s32 s7, $0xC;
	v1 =	vsel vm13, s23, v1;
	v0 =	vsel vm9, s25, v0;
	s25 =	sld [smem:$0x7D1]  }
0x526: {  	s0 =	sshrl.u32 s1, $0x1F;
	s7 =	sshra.s32 s7, $0x1F;
	v1 =	vsel vm9, s28, v1;
	v47 =	vsel vm8, s6, v0;
	s6 =	sld [smem:$0x7CF]  }
0x527: {  	v2 =	vmov s0;
	s13 =	sshrl.u32 s8, $0x1F;
	v0 =	vsel vm14, s7, v1;
	s7 =	sld [smem:$0x7D0]  }
0x528: {  	s14 =	sshra.s32 s22, $0xC;
	s16 =	sshrl.u32 s5, $0x1F;
	v1 =	vsel vm10, s13, v2  }
0x529: {  	s17 =	sshrl.u32 s15, $0x1F;
	v3 =	vsel vm8, s14, v0;
	v0 =	vsel vm9, s16, v1;
	s18 =	sshrl.u32 s6, $0x1F  }
0x52a: {  	v1 =	vmov s17;
	s14 =	sld [smem:$0x7D2];
	s28 =	sshrl.u32 s25, $0x1F;
	s23 =	sshrl.u32 s7, $0x1F;
	v0 =	vsel vm8, s18, v0  }
0x52b: {  	[tilespmem:$0x1FFF0] =	vst v0;
	v0 =	vsel vm10, s23, v1;
	v1 =	vmov s28;
	s28 =	sld [smem:$0x7D3];
	_ =	sdelay $0x1  }
0x52c: {  	s4 =	sshra.s32 s8, $0xC;
	s8 =	sshrl.u32 s14, $0x1F  }
0x52d: {  	v0 =	vsel vm9, s8, v0;
	s8 =	sld [smem:$0x7D5];
	s9 =	sshra.s32 s28, $0x1F  }
0x52e: {  	v8 =	vmov s9;
	s9 =	sld [smem:$0x7D4]  }
0x52f: {  	s0 =	sld [smem:$0x7D6];
	_ =	sdelay $0x1  }
0x530: {  	v1 =	vnsel vm11, $0x0, v1;
	s13 =	sshrl.u32 s8, $0x1F;
	s12 =	sshrl.u32 s9, $0x1F  }
0x531: {  	s23 =	sshrl.u32 s0, $0x1F;
	v61 =	vsel vm8, s12, v0;
	v0 =	vsel vm10, s13, v1  }
0x532: {  	s16 =	sshra.s32 s25, $0xC;
	v0 =	vsel vm9, s23, v0;
	s23 =	sld [smem:$0x7D7]  }
0x533: {  	s17 =	sshra.s32 s1, $0xC;
	s18 =	sshra.s32 s25, $0x1F;
	v1 =	vsel vm11, s16, v8  }
0x534: {  	s25 =	sshra.s32 s5, $0xC;
	s5 =	sshra.s32 s8, $0xC;
	s13 =	sshra.s32 s15, $0xC;
	v1 =	vsel vm12, s18, v1  }
0x535: {  	v8 =	vmov s17;
	s15 =	sshra.s32 s8, $0x1F;
	v1 =	vsel vm10, s5, v1;
	s5 =	sld [smem:$0x7D8];
	s1 =	sshrl.u32 s23, $0x1F  }
0x536: {  	s16 =	sshra.s32 s7, $0xC;
	s7 =	sld [smem:$0x7D9];
	s18 =	sshra.s32 s0, $0xC;
	v1 =	vsel vm13, s15, v1;
	v41 =	vsel vm8, s1, v0;
	v0 =	vsel vm10, s4, v8  }
0x537: {  	s6 =	sshra.s32 s6, $0xC;
	s15 =	sld [smem:$0x7DB];
	v1 =	vsel vm9, s18, v1;
	s1 =	sshra.s32 s0, $0x1F;
	v0 =	vsel vm9, s25, v0  }
0x538: {  	v8 =	vmov s13;
	v1 =	vsel vm14, s1, v1;
	s1 =	sld [smem:$0x7DE];
	v58 =	vsel vm8, s6, v0;
	s6 =	sshrl.u32 s5, $0x1F  }
0x539: {  	v0 =	vsel vm10, s16, v8;
	v8 =	vmov s6;
	s6 =	sld [smem:$0x7DA]  }
0x53a: {  	s17 =	sshra.s32 s14, $0xC;
	s4 =	sshra.s32 s5, $0xC;
	s5 =	sld [smem:$0x7DD]  }
0x53b: {  	s8 =	sshrl.u32 s7, $0x1F;
	s25 =	sshra.s32 s9, $0xC;
	v0 =	vsel vm9, s17, v0  }
0x53c: {  	s13 =	sshrl.u32 s15, $0x1F;
	v54 =	vsel vm8, s25, v0;
	v0 =	vsel vm10, s8, v8;
	s8 =	sld [smem:$0x7DC];
	s10 =	sshrl.u32 s6, $0x1F  }
0x53d: {  	v8 =	vmov s13;
	s17 =	sshrl.u32 s1, $0x1F;
	s25 =	sld [smem:$0x7E1];
	s16 =	sshrl.u32 s5, $0x1F;
	v0 =	vsel vm9, s10, v0  }
0x53e: {  	v60 =	vsel vm8, s16, v0;
	v0 =	vsel vm10, s17, v8;
	s17 =	sld [smem:$0x7E0]  }
0x53f: {  	s9 =	sshra.s32 s23, $0xC;
	s14 =	sshrl.u32 s8, $0x1F  }
0x540: {  	s12 =	sshra.s32 s7, $0xC;
	v1 =	vsel vm8, s9, v1;
	s9 =	sld [smem:$0x7DF];
	s7 =	sshra.s32 s25, $0x1F;
	v9 =	vmov s14  }
0x541: {  	v8 =	vnsel vm11, $0x0, v9;
	v9 =	vmov s7;
	s7 =	sld [smem:$0x7E2];
	s0 =	sshrl.u32 s17, $0x1F  }
0x542: {  	v8 =	vsel vm10, s0, v8;
	s0 =	sld [smem:$0x7E3];
	_ =	sdelay $0x1  }
0x543: {  	s18 =	sshrl.u32 s9, $0x1F  }
0x544: {  	v0 =	vsel vm9, s18, v0;
	s14 =	sshrl.u32 s7, $0x1F;
	s16 =	sshrl.u32 s0, $0x1F  }
0x545: {  	v59 =	vsel vm8, s14, v0;
	v0 =	vsel vm9, s16, v8;
	s16 =	sld [smem:$0x7E4];
	_ =	sdelay $0x1  }
0x546: {  	s18 =	sshra.s32 s8, $0xC  }
0x547: {  	s10 =	sshra.s32 s6, $0xC;
	s6 =	sshra.s32 s8, $0x1F;
	v8 =	vsel vm11, s18, v9;
	s8 =	sshrl.u32 s16, $0x1F  }
0x548: {  	v8 =	vsel vm12, s6, v8;
	v40 =	vsel vm8, s8, v0;
	v0 =	vmov s4;
	s4 =	sshra.s32 s5, $0xC;
	s5 =	sshra.s32 s17, $0xC  }
0x549: {  	s18 =	sshra.s32 s15, $0xC;
	v8 =	vsel vm10, s5, v8;
	s5 =	sld [smem:$0x7E6]  }
0x54a: {  	v9 =	vmov s18;
	s18 =	sld [smem:$0x7E5];
	s8 =	sshra.s32 s9, $0xC;
	s9 =	sshra.s32 s17, $0x1F  }
0x54b: {  	s15 =	sshra.s32 s0, $0xC;
	s6 =	sshra.s32 s1, $0xC;
	v0 =	vsel vm10, s12, v0;
	v8 =	vsel vm13, s9, v8;
	s9 =	sld [smem:$0x7E8]  }
0x54c: {  	v9 =	vsel vm10, s6, v9;
	v0 =	vsel vm9, s10, v0;
	s6 =	sshrl.u32 s5, $0x1F;
	s10 =	sshra.s32 s5, $0xC;
	s5 =	sld [smem:$0x7E7]  }
0x54d: {  	s14 =	sshra.s32 s7, $0xC;
	s17 =	sshra.s32 s0, $0x1F;
	v52 =	vsel vm8, s4, v0;
	v0 =	vsel vm9, s8, v9;
	v8 =	vsel vm9, s15, v8;
	s4 =	sld [smem:$0x7EB]  }
0x54e: {  	s1 =	sshrl.u32 s18, $0x1F;
	v51 =	vsel vm8, s14, v0;
	v0 =	vsel vm14, s17, v8;
	v8 =	vmov s6;
	s6 =	sld [smem:$0x7E9]  }
0x54f: {  	s7 =	sshra.s32 s16, $0xC;
	v8 =	vsel vm10, s1, v8;
	s1 =	sld [smem:$0x7EA];
	s8 =	sshrl.u32 s5, $0x1F  }
0x550: {  	s15 =	sshrl.u32 s9, $0x1F;
	v9 =	vmov s8;
	s8 =	sshra.s32 s9, $0xC;
	s9 =	sld [smem:$0x7EC]  }
0x551: {  	s12 =	sshra.s32 s18, $0xC;
	s17 =	smov.u32 s16;
	s0 =	sshrl.u32 s4, $0x1F;
	v8 =	vsel vm9, s15, v8  }
0x552: {  	s16 =	sshrl.u32 s6, $0x1F;
	v48 =	vsel vm8, s0, v8;
	s0 =	sld [smem:$0x7EE];
	s18 =	sshrl.u32 s1, $0x1F  }
0x553: {  	v0 =	vsel vm8, s7, v0;
	v9 =	vsel vm10, s16, v9;
	v10 =	vmov s18;
	s18 =	sld [smem:$0x7EF];
	s7 =	sshrl.u32 s9, $0x1F  }
0x554: {  	v8 =	vsel vm9, s7, v9;
	s7 =	sld [smem:$0x7ED];
	_ =	sdelay $0x1  }
0x555: {  	s13 =	sshra.s32 s4, $0xC;
	s4 =	sld [smem:$0x7F0]  }
0x556: {  	s15 =	sshrl.u32 s0, $0x1F;
	v9 =	vnsel vm11, $0x0, v10;
	s16 =	sshra.s32 s18, $0x1F;
	s14 =	sshrl.u32 s7, $0x1F  }
0x557: {  	v45 =	vsel vm8, s14, v8;
	v8 =	vsel vm10, s15, v9;
	v9 =	vmov s16;
	s16 =	sshra.s32 s1, $0xC  }
0x558: {  	v10 =	vmov s10;
	s10 =	sshra.s32 s6, $0xC;
	v9 =	vsel vm11, s16, v9;
	s16 =	sld [smem:$0x7F1]  }
0x559: {  	s15 =	sshrl.u32 s4, $0x1F;
	s1 =	sshra.s32 s1, $0x1F;
	s14 =	sshra.s32 s9, $0xC  }
0x55a: {  	s9 =	sshra.s32 s0, $0x1F;
	v9 =	vsel vm12, s1, v9;
	s1 =	sshra.s32 s5, $0xC;
	s5 =	sshra.s32 s0, $0xC  }
0x55b: {  	v8 =	vsel vm9, s15, v8;
	s15 =	smulhi.u32 $0x68DB8BAD, s11;
	s11 =	sshra.s32 s11, $0x1F;
	v9 =	vsel vm10, s5, v9;
	s6 =	sshrl.u32 s16, $0x1F  }
0x55c: {  	v9 =	vsel vm13, s9, v9;
	s9 =	sld [smem:$0x7F2];
	v39 =	vsel vm8, s6, v8;
	v8 =	vsel vm10, s12, v10;
	s6 =	sshra.s32 s7, $0xC;
	s7 =	smul.u32 $0x68DB8BAD, s11  }
0x55d: {  	v10 =	vmov s1;
	v8 =	vsel vm9, s8, v8  }
0x55e: {  	v49 =	vsel vm8, s13, v8;
	v8 =	vsel vm10, s10, v10;
	s15 =	sadd.s32 s7, s15;
	s7 =	sld [smem:$0x7F5]  }
0x55f: {  	s13 =	sshra.s32 s4, $0xC;
	s1 =	sshrl.u32 s9, $0x1F;
	v8 =	vsel vm9, s14, v8;
	s14 =	rddreg [dreg:$0x1f]  }
0x560: {  	s4 =	sshra.s32 s4, $0x1F;
	v9 =	vsel vm9, s13, v9;
	v10 =	vmov s1;
	s1 =	sld [smem:$0x7F3]  }
0x561: {  	s13 =	rddreg [dreg:$0x1d];
	v46 =	vsel vm8, s6, v8;
	v8 =	vsel vm14, s4, v9;
	s6 =	sshra.s32 s16, $0xC  }
0x562: {  	s5 =	sshrl.u32 s14, $0x1F;
	v11 =	vsel vm8, s6, v8;
	s6 =	rddreg [dreg:$0x19]  }
0x563: {  	s8 =	sshrl.u32 s13, $0x1F;
	v9 =	vsel vm10, s5, v10;
	s5 =	rddreg [dreg:$0x18];
	s11 =	sshrl.u32 s1, $0x1F  }
0x564: {  	v8 =	vsel vm9, s8, v9;
	v9 =	vmov s11;
	s11 =	sld [smem:$0x7F4]  }
0x565: {  	s12 =	sshrl.u32 s6, $0x1F;
	s0 =	sshrl.u32 s5, $0x1F  }
0x566: {  	v44 =	vsel vm8, s12, v8;
	v8 =	vsel vm10, s0, v9;
	s0 =	sshrl.u32 s7, $0x1F  }
0x567: {  	v8 =	vsel vm9, s0, v8;
	s0 =	sld [smem:$0x7F7];
	s8 =	sshrl.u32 s11, $0x1F  }
0x568: {  	v9 =	vmov s8;
	s8 =	sshra.s32 s26, $0x1F  }
0x569: {  	v10 =	vmov s8;
	s8 =	sld [smem:$0x7F6]  }
0x56a: {  	v9 =	vnsel vm11, $0x0, v9;
	s10 =	sshrl.u32 s0, $0x1F  }
0x56b: {  	s19 =	sshra.s32 s19, $0x1F;
	s12 =	sshra.s32 s11, $0xC;
	v9 =	vsel vm10, s10, v9;
	s10 =	sshra.s32 s14, $0xC  }
0x56c: {  	s14 =	sshra.s32 s5, $0xC;
	s5 =	sshrl.u32 s15, $0x1F;
	s4 =	sshrl.u32 s8, $0x1F  }
0x56d: {  	v43 =	vsel vm8, s4, v8;
	v8 =	vsel vm11, s12, v10;
	s4 =	sshra.s32 s9, $0xC;
	s12 =	sshra.s32 s11, $0x1F;
	s9 =	sshrl.u32 s24, $0x1F  }
0x56e: {  	s11 =	sshra.s32 s1, $0xC;
	v8 =	vsel vm12, s12, v8;
	s12 =	sshra.s32 s0, $0xC;
	s0 =	sshra.s32 s0, $0x1F  }
0x56f: {  	v9 =	vsel vm9, s9, v9;
	v10 =	vmov s4;
	v25 =	vmov s11;
	s9 =	sshra.s32 s13, $0xC;
	s11 =	sshra.s32 s24, $0xC;
	s13 =	sshra.s32 s8, $0xC  }
0x570: {  	v10 =	vsel vm10, s10, v10;
	v8 =	vsel vm10, s12, v8;
	v30 =	vsel vm10, s14, v25;
	s10 =	sshra.s32 s7, $0xC;
	s14 =	sshra.s32 s24, $0x1F;
	s24 =	rddreg [dreg:$0xc]  }
0x571: {  	v25 =	vsel vm8, s5, v9;
	s12 =	sshra.s32 s6, $0xC;
	s6 =	sshra.s32 s30, $0xC;
	s7 =	rddreg [dreg:$0xe];
	v8 =	vsel vm13, s0, v8;
	v9 =	vsel vm9, s9, v10  }
0x572: {  	s5 =	sshra.s32 s15, $0xC;
	v10 =	vsel vm9, s10, v30;
	s0 =	sshrl.u32 s24, $0x1F;
	s8 =	sshrl.u32 s7, $0x1F;
	v22 =	vsel vm0, s6, v6;
	v8 =	vsel vm9, s11, v8  }
0x573: {  	s9 =	sshra.s32 s24, $0xC;
	s10 =	sshra.s32 s24, $0x1F;
	s24 =	rddreg [dreg:$0x11];
	v42 =	vsel vm8, s12, v9;
	v30 =	vsel vm8, s13, v10;
	v8 =	vsel vm14, s14, v8  }
0x574: {  	v2 =	vld [tilespmem:$0x1FCE0];
	v9 =	vsel vm7, s19, v5;
	s13 =	sshra.s32 s22, $0x1F;
	s11 =	rddreg [dreg:$0xd];
	s19 =	sshrl.u32 s20, $0x1F;
	v23 =	vsel vm8, s5, v8;
	v8 =	vsel vm5, s0, v21  }
0x575: {  	s22 =	sshra.s32 s7, $0xC;
	v5 =	vld [tilespmem:$0x1FCF0];
	v9 =	vsel vm5, s9, v9;
	s14 =	sshrl.u32 s11, $0x1F;
	v3 =	vsel vm7, s13, v3;
	s0 =	sshra.s32 s24, $0xC;
	v8 =	vsel vm3, s8, v8  }
0x576: {  	v9 =	vsel vm6, s10, v9;
	s5 =	sshra.s32 s7, $0x1F;
	s7 =	sshra.s32 s24, $0x1F;
	s10 =	rddreg [dreg:$0x10];
	v3 =	vsel vm5, s0, v3;
	v8 =	vsel vm1, s14, v8  }
0x577: {  	s6 =	sshrl.u32 s24, $0x1F;
	v3 =	vsel vm6, s7, v3;
	s14 =	sshra.s32 s10, $0xC;
	v24 =	vsel vm0, s19, v8;
	v8 =	vsel vm3, s22, v9  }
0x578: {  	s9 =	sshra.s32 s11, $0xC;
	s24 =	rddreg [dreg:$0xf];
	v3 =	vsel vm3, s14, v3;
	s22 =	sshra.s32 s10, $0x1F;
	v8 =	vsel vm4, s5, v8  }
0x579: {  	s7 =	sshra.s32 s24, $0xC;
	v3 =	vsel vm4, s22, v3;
	v8 =	vsel vm1, s9, v8  }
0x57a: {  	v13 =	vsel vm1, s7, v3;
	v3 =	vcombine.low v12, v7;
	v7 =	vcombine.low v5, v2;
	s9 =	sshra.s32 s17, $0x1F;
	v2 =	vld [tilespmem:$0x1FD10]  }
0x57b: {  	v9 =	vsel vm5, s6, v4;
	v4 =	vcombine.low v19, v15;
	v15 =	vsel vm7, s9, v0;
	v0 =	vld [tilespmem:$0x1FD00];
	_ =	sdelay $0x4  }
0x57c: {  	v6 =	vcombine.low v2, v0;
	v0 =	vld [tilespmem:$0x1FD20]  }
0x57d: {  	v2 =	vld [tilespmem:$0x1FD30];
	_ =	sdelay $0x2  }
0x57e: {  	s19 =	sshra.s32 s11, $0x1F  }
0x57f: {  	s5 =	sshra.s32 s20, $0xC;
	v8 =	vsel vm2, s19, v8  }
0x580: {  	v17 =	vsel vm0, s5, v8;
	v8 =	vcombine.low v2, v0;
	v0 =	vld [tilespmem:$0x1FD40]  }
0x581: {  	v2 =	vld [tilespmem:$0x1FD50];
	_ =	sdelay $0x3  }
0x582: {  	v5 =	vld [tilespmem:$0x1FD70]  }
0x583: {  	v10 =	vcombine.low v2, v0;
	v2 =	vld [tilespmem:$0x1FD60];
	_ =	sdelay $0x1  }
0x584: {  	s13 =	sshrl.u32 s10, $0x1F  }
0x585: {  	s0 =	sshrl.u32 s24, $0x1F;
	v9 =	vsel vm3, s13, v9  }
0x586: {  	s6 =	sshrl.u32 s21, $0x1F;
	v9 =	vsel vm1, s0, v9  }
0x587: {  	v21 =	vsel vm0, s6, v9;
	v9 =	vcombine.low v5, v2;
	v2 =	vld [tilespmem:$0x1FD80]  }
0x588: {  	s8 =	sshra.s32 s23, $0x1F;
	v5 =	vld [tilespmem:$0x1FD90]  }
0x589: {  	v14 =	vsel vm7, s8, v1;
	v1 =	vimm.s32 $0xECA86420  }
0x58a: {  	v1 =	vunpack.c.l.s4.s8 v1;
	_ =	sdelay $0x1  }
0x58b: {  	v1 =	vunpack.c.0.s8.s32 v1  }
0x58c: {  	v12 =	vcombine.low v5, v2;
	v2 =	vld [tilespmem:$0x1FDA0]  }
0x58d: {  	v5 =	vperm.xlane v4, v1;
	v4 =	vld [tilespmem:$0x1FDB0]  }
0x58e: {  	v0 =	vlaneseq.u32  }
0x58f: {  	v0 =	vmul.u32 $0x2, v0  }
0x590: {  	s12 =	sshra.s32 s15, $0x1F  }
0x591: {  	v23 =	vsel vm7, s12, v23;
	s10 =	sshra.s32 s16, $0x1F;
	v3 =	vperm.xlane v3, v1;
	v2 =	vperm.xlane v2, v0  }
0x592: {  	v19 =	vsel vm7, s10, v11;
	vm7 =	vmmov $0xff;
	v4 =	vperm.xlane v4, v0  }
0x593: {  	v2 =	vsel vm7, v2, v3;
	v3 =	vperm.xlane v7, v1;
	v7 =	vld [tilespmem:$0x1FDC0]  }
0x594: {  	v4 =	vsel vm7, v4, v5  }
0x595: {  	v2 =	vadd.s32 v2, v4;
	v4 =	vld [tilespmem:$0x1FDE0];
	_ =	sdelay $0x1  }
0x596: {  	v5 =	vperm.xlane v6, v1;
	v6 =	vld [tilespmem:$0x1FDD0]  }
0x597: {  	v7 =	vperm.xlane v7, v0;
	_ =	sdelay $0x1  }
0x598: {  	v11 =	vperm.xlane v8, v1;
	v8 =	vperm.xlane v4, v0;
	v4 =	vsel vm7, v7, v3;
	v3 =	vld [tilespmem:$0x1FDF0];
	_ =	sdelay $0x1  }
0x599: {  	v6 =	vperm.xlane v6, v0;
	_ =	sdelay $0x1  }
0x59a: {  	v5 =	vsel vm7, v6, v5;
	v6 =	vperm.xlane v12, v1;
	v12 =	vld [tilespmem:$0x1FE10]  }
0x59b: {  	v7 =	vperm.xlane v10, v1;
	v10 =	vperm.xlane v3, v0;
	v3 =	vld [tilespmem:$0x1FE00];
	_ =	sdelay $0x3  }
0x59c: {  	v9 =	vperm.xlane v9, v1  }
0x59d: {  	v12 =	vperm.xlane v12, v0;
	v3 =	vperm.xlane v3, v0  }
0x59e: {  	v4 =	vadd.s32 v4, v5;
	v5 =	vsel vm7, v8, v11;
	v7 =	vsel vm7, v10, v7  }
0x59f: {  	v6 =	vsel vm7, v12, v6;
	v5 =	vadd.s32 v5, v7;
	v7 =	vld [tilespmem:$0x1FE30];
	v3 =	vsel vm7, v3, v9  }
0x5a0: {  	v3 =	vadd.s32 v3, v6;
	v6 =	vld [tilespmem:$0x1FE20];
	_ =	sdelay $0x3  }
0x5a1: {  	v8 =	vld [tilespmem:$0x1FE50]  }
0x5a2: {  	v6 =	vcombine.low v7, v6;
	v7 =	vld [tilespmem:$0x1FE40];
	_ =	sdelay $0x3  }
0x5a3: {  	v9 =	vld [tilespmem:$0x1FE70]  }
0x5a4: {  	v2 =	vmul.u32 $0x2710, v2;
	v7 =	vcombine.low v8, v7;
	v8 =	vld [tilespmem:$0x1FE60];
	_ =	sdelay $0x1  }
0x5a5: {  	v2 =	vsub.s32 v16, v2  }
0x5a6: {  	vm12 =	vlt.s32 v2, $0x0;
	v4 =	vmul.u32 $0x2710, v4  }
0x5a7: {  	v10 =	vadd.s32 $0x2710, v2;
	v9 =	vperm.xlane v9, v0;
	v6 =	vperm.xlane v6, v1  }
0x5a8: {  	v5 =	vmul.u32 $0x2710, v5;
	v7 =	vperm.xlane v7, v1;
	v8 =	vperm.xlane v8, v0  }
0x5a9: {  	v16 =	vsel vm12, v10, v2;
	v2 =	vsub.s32 v38, v4;
	v3 =	vmul.u32 $0x2710, v3  }
0x5aa: {  	v4 =	vsub.s32 v37, v5;
	v5 =	vsel vm7, v8, v6;
	v6 =	vsel vm7, v9, v7  }
0x5ab: {  	v7 =	vsub.s32 v36, v3;
	v3 =	vadd.s32 v5, v6;
	v5 =	vld [tilespmem:$0x1FE80]  }
0x5ac: {  	v6 =	vld [tilespmem:$0x1FE90];
	_ =	sdelay $0x3  }
0x5ad: {  	v8 =	vld [tilespmem:$0x1FEB0]  }
0x5ae: {  	v5 =	vcombine.low v6, v5;
	v6 =	vld [tilespmem:$0x1FEA0];
	_ =	sdelay $0x3  }
0x5af: {  	v9 =	vmul.u32 $0x2710, v3;
	v3 =	vld [tilespmem:$0x1FED0]  }
0x5b0: {  	v6 =	vcombine.low v8, v6;
	v8 =	vld [tilespmem:$0x1FEC0];
	_ =	sdelay $0x3  }
0x5b1: {  	v10 =	vperm.xlane v3, v0;
	v5 =	vperm.xlane v5, v1  }
0x5b2: {  	v6 =	vperm.xlane v6, v1;
	v8 =	vperm.xlane v8, v0;
	_ =	sdelay $0x1  }
0x5b3: {  	v6 =	vsel vm7, v10, v6;
	v5 =	vsel vm7, v8, v5;
	v8 =	vld [tilespmem:$0x1FEF0]  }
0x5b4: {  	v5 =	vadd.s32 v5, v6;
	v6 =	vld [tilespmem:$0x1FEE0]  }
0x5b5: {  	vm13 =	vlt.s32 v2, $0x0  }
0x5b6: {  	vm14 =	vlt.s32 v4, $0x0;
	v11 =	vadd.s32 $0x2710, v4;
	v3 =	vadd.s32 $0x2710, v2  }
0x5b7: {  	vm15 =	vlt.s32 v7, $0x0;
	v12 =	vadd.s32 $0x2710, v7;
	v2 =	vsel vm13, v3, v2  }
0x5b8: {  	v3 =	vsel vm14, v11, v4;
	v4 =	vsel vm15, v12, v7;
	v7 =	vsub.s32 v35, v9;
	v9 =	vld [tilespmem:$0x1FF10]  }
0x5b9: {  	v6 =	vcombine.low v8, v6;
	v8 =	vld [tilespmem:$0x1FF00];
	_ =	sdelay $0x3  }
0x5ba: {  	v10 =	vld [tilespmem:$0x1FF30]  }
0x5bb: {  	v8 =	vcombine.low v9, v8;
	v9 =	vld [tilespmem:$0x1FF20];
	_ =	sdelay $0x4  }
0x5bc: {  	v9 =	vcombine.low v10, v9;
	v10 =	vmul.u32 $0x2710, v5;
	v5 =	vld [tilespmem:$0x1FF40];
	_ =	sdelay $0x3  }
0x5bd: {  	vm12 =	vlt.s32 v7, $0x0  }
0x5be: {  	v12 =	vld [tilespmem:$0x1FF70];
	v6 =	vperm.xlane v6, v1;
	v11 =	vperm.xlane v5, v0;
	v5 =	vadd.s32 $0x2710, v7  }
0x5bf: {  	v5 =	vsel vm12, v5, v7;
	v7 =	vperm.xlane v8, v1;
	v8 =	vld [tilespmem:$0x1FF50]  }
0x5c0: {  	v6 =	vsel vm7, v11, v6;
	v11 =	vld [tilespmem:$0x1FF60];
	_ =	sdelay $0x3  }
0x5c1: {  	v8 =	vperm.xlane v8, v0  }
0x5c2: {  	v11 =	vcombine.low v12, v11  }
0x5c3: {  	v7 =	vsel vm7, v8, v7;
	v8 =	vperm.xlane v9, v1;
	v9 =	vld [tilespmem:$0x1FF80]  }
0x5c4: {  	v6 =	vadd.s32 v6, v7;
	v7 =	vperm.xlane v11, v1;
	v11 =	vld [tilespmem:$0x1FF90];
	_ =	sdelay $0x3  }
0x5c5: {  	v10 =	vsub.s32 v34, v10;
	v9 =	vperm.xlane v9, v0  }
0x5c6: {  	vm13 =	vlt.s32 v10, $0x0;
	v11 =	vperm.xlane v11, v0  }
0x5c7: {  	v8 =	vsel vm7, v9, v8;
	v9 =	vmul.u32 $0x2710, v6;
	v6 =	vadd.s32 $0x2710, v10  }
0x5c8: {  	s14 =	rddreg [dreg:$0x8];
	v7 =	vsel vm7, v11, v7;
	v6 =	vsel vm13, v6, v10;
	v10 =	vld [tilespmem:$0x1FFB0]  }
0x5c9: {  	s15 =	smulhi.u32 $0x68DB8BAD, s14;
	s1 =	sshra.s32 s14, $0x1F;
	v8 =	vadd.s32 v8, v7;
	v7 =	vld [tilespmem:$0x1FFA0]  }
0x5ca: {  	s22 =	rddreg [dreg:$0x14];
	s1 =	smul.u32 $0x68DB8BAD, s1  }
0x5cb: {  	s17 =	rddreg [dreg:$0xb];
	s23 =	smulhi.u32 $0x68DB8BAD, s22;
	v12 =	vld [tilespmem:$0x1FFD0]  }
0x5cc: {  	s13 =	sshra.s32 s24, $0x1F;
	s24 =	sshra.s32 s22, $0x1F;
	s19 =	smulhi.u32 $0x68DB8BAD, s17  }
0x5cd: {  	s8 =	sshra.s32 s17, $0x1F;
	s10 =	smul.u32 $0x68DB8BAD, s24;
	v9 =	vsub.s32 v33, v9  }
0x5ce: {  	s0 =	sadd.s32 s1, s15;
	s8 =	smul.u32 $0x68DB8BAD, s8;
	vm14 =	vlt.s32 v9, $0x0;
	v10 =	vcombine.low v10, v7;
	v7 =	vadd.s32 $0x2710, v9  }
0x5cf: {  	s16 =	sshra.s32 s21, $0xC;
	s20 =	sshrl.u32 s0, $0x1F;
	s21 =	sshra.s32 s0, $0xC;
	v7 =	vsel vm14, v7, v9;
	v9 =	vld [tilespmem:$0x1FFC0]  }
0x5d0: {  	s0 =	sshra.s32 s0, $0x1F;
	s1 =	sadd.s32 s8, s19;
	v14 =	vsel vm5, s21, v14;
	s8 =	sadd.s32 s10, s23;
	v12 =	vperm.xlane v12, v0;
	v10 =	vperm.xlane v10, v1  }
0x5d1: {  	s6 =	sshra.s32 s1, $0xC;
	s15 =	sshra.s32 s8, $0xC;
	v14 =	vsel vm6, s0, v14  }
0x5d2: {  	s12 =	sshrl.u32 s8, $0x1F;
	s8 =	sshra.s32 s8, $0x1F;
	v15 =	vsel vm5, s6, v15;
	v19 =	vsel vm5, s15, v19;
	v10 =	vsel vm7, v12, v10;
	v12 =	vld [tilespmem:$0x1FFE0]  }
0x5d3: {  	v19 =	vsel vm6, s8, v19;
	v24 =	vperm.xlane v24, v0;
	v21 =	vperm.xlane v21, v0  }
0x5d4: {  	s5 =	sshrl.u32 s1, $0x1F;
	v38 =	vsel vm5, s20, v41;
	v11 =	vsel vm2, s13, v13;
	v9 =	vcombine.low v63, v9  }
0x5d5: {  	v41 =	vsel vm5, s5, v40;
	s5 =	sshra.s32 s1, $0x1F;
	v13 =	vperm.xlane v22, v0;
	v11 =	vsel vm0, s16, v11  }
0x5d6: {  	s11 =	sshra.s32 s29, $0x1F;
	v15 =	vsel vm6, s5, v15;
	v11 =	vperm.xlane v11, v0;
	v9 =	vperm.xlane v9, v1  }
0x5d7: {  	s9 =	smul.u32 $0x68DB8BAD, s11;
	s13 =	rddreg [dreg:$0x7];
	v8 =	vmul.u32 $0x2710, v8;
	v63 =	vcombine.low v30, v42;
	v12 =	vcombine.low v62, v12  }
0x5d8: {  	s14 =	smulhi.u32 $0x68DB8BAD, s13;
	s11 =	sshra.s32 s13, $0x1F;
	v62 =	vcombine.low v43, v44;
	v9 =	vsel vm7, v13, v9;
	v13 =	vcombine.low v56, v57  }
0x5d9: {  	s11 =	smul.u32 $0x68DB8BAD, s11;
	v8 =	vsub.s32 v32, v8;
	v57 =	vcombine.low v54, v58;
	v58 =	vcombine.low v59, v60  }
0x5da: {  	vm15 =	vlt.s32 v8, $0x0;
	v59 =	vcombine.low v51, v52;
	v60 =	vcombine.low v45, v48  }
0x5db: {  	s30 =	simm.s32 $0x9;
	s4 =	sadd.s32 s11, s14;
	v12 =	vperm.xlane v12, v1;
	v9 =	vadd.s32 v10, v9;
	v10 =	vperm.xlane v13, v1  }
0x5dc: {  	s7 =	smulhi.u32 $0x68DB8BAD, s29;
	s22 =	rddreg [dreg:$0xa];
	s24 =	sshrl.u32 s4, $0x1F;
	v13 =	vperm.xlane v17, v0;
	v17 =	vcombine.low v53, v55;
	v9 =	vmul.u32 $0x2710, v9  }
0x5dd: {  	s23 =	smulhi.u32 $0x68DB8BAD, s22;
	s6 =	rddreg [dreg:$0x9];
	s13 =	sshra.s32 s22, $0x1F;
	v53 =	vsel vm3, s24, v38;
	v12 =	vsel vm7, v24, v12;
	v24 =	vperm.xlane v57, v1  }
0x5de: {  	s9 =	sadd.s32 s9, s7;
	s16 =	rddreg [dreg:$0x6];
	s13 =	smul.u32 $0x68DB8BAD, s13;
	v10 =	vsel vm7, v13, v10;
	v13 =	vcombine.low v47, v50;
	v47 =	vsel vm5, s12, v39  }
0x5df: {  	s19 =	sshrl.u32 s9, $0x1F;
	s0 =	smulhi.u32 $0x68DB8BAD, s6;
	v56 =	vld [tilespmem:$0x1FFF0];
	v17 =	vperm.xlane v17, v1;
	s12 =	sshra.s32 s16, $0x1F;
	v9 =	vsub.s32 v31, v9;
	v10 =	vadd.s32 v12, v10  }
0x5e0: {  	s15 =	sshra.s32 s6, $0x1F;
	s20 =	smul.u32 $0x68DB8BAD, s12;
	v12 =	vsel vm5, s19, v25;
	vm9 =	vlt.s32 v9, $0x0;
	v50 =	vadd.s32 $0x2710, v9;
	s12 =	sadd.s32 s13, s23  }
0x5e1: {  	s6 =	smul.u32 $0x68DB8BAD, s15;
	s19 =	sshra.s32 s4, $0xC;
	v13 =	vperm.xlane v13, v1;
	v17 =	vsel vm7, v21, v17;
	v10 =	vmul.u32 $0x2710, v10;
	s23 =	sshra.s32 s12, $0xC  }
0x5e2: {  	s21 =	sshra.s32 s9, $0xC;
	s17 =	smulhi.u32 $0x68DB8BAD, s16;
	s4 =	sshra.s32 s4, $0x1F;
	v9 =	vsel vm9, v50, v9;
	v14 =	vsel vm3, s19, v14;
	v15 =	vsel vm3, s23, v15  }
0x5e3: {  	s29 =	simm.s32 $0x13000;
	s9 =	sshra.s32 s9, $0x1F;
	s14 =	sshra.s32 s12, $0x1F;
	v14 =	vsel vm4, s4, v14;
	v11 =	vsel vm7, v11, v13;
	v13 =	vsel vm5, s21, v23  }
0x5e4: {  	s0 =	sadd.s32 s6, s0;
	s11 =	rddreg [dreg:$0x13];
	s1 =	sadd.s32 s20, s17;
	v10 =	vsub.s32 v29, v10;
	v23 =	vcombine.low v61, v56;
	v15 =	vsel vm4, s14, v15  }
0x5e5: {  	s16 =	smulhi.u32 $0x68DB8BAD, s11;
	s17 =	sshra.s32 s11, $0x1F;
	s10 =	sshrl.u32 s1, $0x1F;
	v61 =	vcombine.low v46, v49;
	v11 =	vadd.s32 v17, v11;
	v17 =	vadd.s32 $0x2710, v8  }
0x5e6: {  	s13 =	sshrl.u32 s18, $0x1F;
	s21 =	sshra.s32 s31, $0x1F;
	v13 =	vsel vm6, s9, v13;
	s9 =	smul.u32 $0x68DB8BAD, s17;
	vm10 =	vlt.s32 v10, $0x0;
	v21 =	vsel vm1, s10, v53  }
0x5e7: {  	s7 =	smul.u32 $0x68DB8BAD, s21;
	s17 =	sshra.s32 s1, $0xC;
	s21 =	sshrl.u32 s28, $0x1F;
	v11 =	vmul.u32 $0x2710, v11;
	v8 =	vsel vm15, v17, v8;
	v17 =	vadd.s32 $0x2710, v10  }
0x5e8: {  	s22 =	sshrl.u32 s12, $0x1F;
	s20 =	smulhi.u32 $0x68DB8BAD, s31;
	s1 =	sshra.s32 s1, $0x1F;
	v14 =	vsel vm1, s17, v14;
	v21 =	vsel vm0, s21, v21;
	v23 =	vperm.xlane v23, v1  }
0x5e9: {  	s23 =	sshra.s32 s28, $0xC;
	s17 =	sshra.s32 s0, $0xC;
	v10 =	vsel vm10, v17, v10;
	s8 =	sadd.s32 s9, s16;
	v14 =	vsel vm2, s1, v14;
	v21 =	vperm.xlane v21, v0  }
0x5ea: {  	s19 =	rddreg [dreg:$0x12];
	s7 =	sadd.s32 s7, s20;
	v15 =	vsel vm1, s17, v15;
	v11 =	vsub.s32 v28, v11;
	s24 =	sshrl.u32 s8, $0x1F;
	v14 =	vsel vm0, s23, v14  }
0x5eb: {  	s5 =	sshra.s32 s8, $0xC;
	s15 =	sshrl.u32 s7, $0x1F;
	s16 =	sshra.s32 s7, $0xC;
	vm11 =	vlt.s32 v11, $0x0;
	v17 =	vadd.s32 $0x2710, v11;
	v55 =	vsel vm3, s24, v47  }
0x5ec: {  	s11 =	sshra.s32 s19, $0x1F;
	s20 =	smulhi.u32 $0x68DB8BAD, s19;
	s23 =	rddreg [dreg:$0x5];
	v19 =	vsel vm3, s5, v19;
	v12 =	vsel vm3, s15, v12;
	v13 =	vsel vm3, s16, v13  }
0x5ed: {  	s7 =	sshra.s32 s7, $0x1F;
	s24 =	sld [smem:$0x7F8];
	v14 =	vperm.xlane v14, v0;
	s16 =	sshra.s32 s8, $0x1F;
	v21 =	vsel vm7, v21, v23;
	v23 =	vperm.xlane v59, v1  }
0x5ee: {  	s15 =	sshrl.u32 s0, $0x1F;
	s0 =	sshra.s32 s0, $0x1F;
	v11 =	vsel vm11, v17, v11;
	v17 =	vsel vm3, s22, v41;
	s22 =	smul.u32 $0x68DB8BAD, s11;
	v19 =	vsel vm4, s16, v19  }
0x5ef: {  	s31 =	simm.s32 $0xA;
	s10 =	sshra.s32 s25, $0xC;
	s1 =	smul.u32 $0x2710, s23;
	v13 =	vsel vm4, s7, v13;
	v15 =	vsel vm2, s0, v15;
	v14 =	vsel vm7, v14, v24  }
0x5f0: {  	s23 =	sshrl.u32 s26, $0x1F;
	v17 =	vsel vm1, s15, v17;
	v15 =	vsel vm0, s10, v15;
	v24 =	vperm.xlane v60, v1;
	s28 =	smulhi.u32 $0x68DB8BAD, s24;
	s4 =	sadd.s32 s22, s20  }
0x5f1: {  	s11 =	sshra.s32 s24, $0x1F;
	v14 =	vadd.s32 v21, v14;
	s24 =	sshrl.u32 s25, $0x1F;
	v21 =	vperm.xlane v58, v1;
	v15 =	vperm.xlane v15, v0;
	s19 =	sshrl.u32 s4, $0x1F  }
0x5f2: {  	s26 =	sshra.s32 s26, $0xC;
	s6 =	smul.u32 $0x68DB8BAD, s11;
	s20 =	sshra.s32 s4, $0xC;
	v14 =	vmul.u32 $0x2710, v14;
	v17 =	vsel vm0, s24, v17;
	v22 =	vsel vm1, s19, v55  }
0x5f3: {  	s1 =	sshrl.u32 s1, $0x3;
	s11 =	rddreg [dreg:$0x4];
	s4 =	sshra.s32 s4, $0x1F;
	v19 =	vsel vm1, s20, v19;
	v17 =	vperm.xlane v17, v0;
	v15 =	vsel vm7, v15, v23  }
0x5f4: {  	s12 =	sshll.u32 s11, $0x6;
	s14 =	ssub.s32 $0x2, s11;
	s6 =	sadd.s32 s6, s28;
	v22 =	vsel vm0, s13, v22;
	v19 =	vsel vm2, s4, v19;
	v14 =	vsub.s32 v27, v14  }
0x5f5: {  	s20 =	rddreg [dreg:$0x1];
	s21 =	sshrl.u32 s6, $0x1F;
	s22 =	sshra.s32 s6, $0xC;
	v22 =	vperm.xlane v22, v0;
	v17 =	vsel vm7, v17, v21;
	v21 =	vperm.xlane v61, v1  }
0x5f6: {  	s28 =	stileid.u32;
	s15 =	sshra.s32 s6, $0x1F;
	v12 =	vsel vm1, s21, v12;
	v13 =	vsel vm1, s22, v13;
	v15 =	vadd.s32 v17, v15;
	s22 =	sshra.s32 s18, $0xC  }
0x5f7: {  	s17 =	sshrl.u32 s14, $0x1;
	s1 =	sadd.s32 s1, s20;
	s5 =	smul.u32 $0x13880, s28;
	v13 =	vsel vm2, s15, v13;
	v17 =	vsel vm7, v22, v24;
	v19 =	vsel vm0, s22, v19  }
0x5f8: {  	s13 =	simm.s32 $0x5000;
	s19 =	smul.u32 $0x27100, s28;
	s4 =	ssub.s32 s14, s17;
	v12 =	vsel vm0, s23, v12;
	v22 =	vperm.xlane v62, v1;
	v15 =	vmul.u32 $0x2710, v15  }
0x5f9: {  	s14 =	simm.s32 $0x1;
	s17 =	simm.s32 $0x7;
	s21 =	sadd.s32 $0x1A00, s1;
	v19 =	vperm.xlane v19, v0;
	v12 =	vperm.xlane v12, v0;
	v13 =	vsel vm0, s26, v13  }
0x5fa: {  	vm12 =	vlt.s32 v14, $0x0;
	s1 =	sadd.s32 $0xB640, s1;
	s11 =	smax.u32 s4, $0x1;
	s18 =	simm.s32 $0x9000;
	v1 =	vperm.xlane v63, v1;
	v0 =	vperm.xlane v13, v0  }
0x5fb: {  	s4 =	simm.s32 $0xB;
	s7 =	sor.u32 s12, s5;
	[smem:$0x7F9] =	sst s21;
	v15 =	vsub.s32 v26, v15;
	v19 =	vsel vm7, v19, v21;
	v12 =	vsel vm7, v12, v22  }
0x5fc: {  	s6 =	sshrl.u32 s19, $0x2;
	[smem:$0x7FA] =	sst s1;
	s15 =	simm.s32 $0x80;
	vm13 =	vlt.s32 v15, $0x0;
	v13 =	vadd.s32 v17, v19;
	v0 =	vsel vm7, v0, v1  }
0x5fd: {  	s22 =	simm.s32 $0xD000;
	s12 =	simm.s32 $0x3;
	s19 =	simm.s32 $0x8;
	v1 =	vadd.s32 $0x2710, v14;
	v13 =	vmul.u32 $0x2710, v13;
	v0 =	vadd.s32 v12, v0  }
.Ltmp0:
0x5fe: {  	s21 =	simm.s32 $0x0;
	s6 =	sadd.s32 s6, s3;
	v12 =	vadd.s32 $0x2710, v15;
	v17 =	vmul.u32 $0x2710, v0;
	v0 =	vsel vm12, v1, v14;
	(pc) =	sbr.rel .LBB2_1-.Ltmp0, $4  }
0x5ff: {  	s16 =	sshrl.u32 s7, $0x3;
	s26 =	simm.s32 $0x11000;
	s24 =	sadd.s32 $0x2000, s6;
	v1 =	vsel vm13, v12, v15;
	v15 =	vlaneseq.u32;
	v12 =	vsub.s32 v20, v13  }
0x600: {  	s0 =	sadd.s32 s16, s20;
	s25 =	sadd.s32 $0x4000, s6;
	[smem:$0x7FB] =	sst s24;
	vm14 =	vlt.s32 v12, $0x0;
	v13 =	vadd.s32 $0x2710, v12;
	v14 =	vsub.s32 v18, v17  }
0x601: {  	s28 =	sadd.s32 $0x6000, s6;
	s9 =	sadd.s32 $0x8000, s6;
	[smem:$0x7FC] =	sst s25;
	v12 =	vsel vm14, v13, v12;
	vm15 =	vlt.s32 v14, $0x0;
	v13 =	vadd.s32 $0x2710, v14  }
0x602: {  	s16 =	simm.s32 $0x5;
	[smem:$0x7FD] =	sst s28;
	s10 =	sadd.s32 $0x15400, s0;
	v15 =	vor.u32 $0x2710, v15;
	v13 =	vsel vm15, v13, v14;
	v14 =	vimm.f32 $0.0e+00  }
.LBB2_6:
0x603: {  	_ =	swait.ge [sflag:s19], $0x2000  }
0x604: {  	[sflag:s19] =	ssyncset.done $0x0  }
0x605: {  	[sflag:s19] =	ssyncadd.s32 $0xFFFFE000  }
0x606: {  	[spmem:s3] =	stream.indirect.scatter.add.f32 [tilespmem:s29], [sflag:$0xB], $0x40, s0, s15, $0xb8;
	[tilespmem:$0x1EC40] =	vst v63  }
0x607: {  	s28 =	stileid.u32;
	s1 =	sshrl.u32 s6, $0x3;
	_ =	swait.ge [sflag:s4], $0x2000  }
0x608: {  	s5 =	simm.s32 $0x10;
	s21 =	sadd.s32 $0x1, s21;
	[sflag:s4] =	ssyncset.done $0x0  }
0x609: {  	p0 =	sne.s32 s21, s11;
	s0 =	sshll.u32 s28, $0x6;
	[sflag:s4] =	ssyncadd.s32 $0xFFFFE000  }
.Ltmp1:
0x60a: {  	s0 =	sor.u32 $0x1C0B, s0;
	[bflag:$0x0] =	sbarrier.arrive $0xFFFF;
	(pc) =	sbr.rel @!p0 .LBB2_7-.Ltmp1, $4  }
0x60b: {  	[hbm:s10@s5], [sflag:s0] =	dma.strided [spmem:s1@s19], $0x1388, s14, $0x8   }
0x60c: {  	_ =	swait.ge [sflag:s4], $0x1388  }
0x60d: {  	[sflag:s4] =	ssyncset.done $0x0  }
0x60e: {  	[sflag:s4] =	ssyncadd.s32 $0xFFFFEC78  }
.LBB2_1:
0x60f: {  	s0 =	sld [smem:$0x7F9];
	_ =	sdelay $0x1  }
0x610: {  	s1 =	simm.s32 $0x0;
	s25 =	sld [smem:$0x7FA]  }
0x611: {  	[tilespmem:s1], [sflag:$0x1] =	stream.linear.gather [hbm4b:s0+s1], $0x2710, $0x38;
	[tilespmem:$0x1EC40] =	vst v63  }
0x612: {  	s5 =	simm.s32 $0x2800;
	s28 =	sand.u32 $0x7F00, s1  }
0x613: {  	[tilespmem:s5], [sflag:$0xA] =	stream.linear.gather [hbm4b:s25+s1], $0x2710, $0x38;
	[tilespmem:$0x1EC40] =	vst v63  }
0x614: {  	s7 =	sshrl.u32 s28, $0x2;
	s1 =	sand.u32 $0x30, s1  }
0x615: {  	s0 =	simm.s32 $0x40;
	s7 =	sor.u32 s1, s7;
	s1 =	simm.s32 $0x0  }
.LBB2_2:
0x616: {  	p0 =	sne.s32 s0, $0x7FC0  }
0x617: {  	[tilespmem:s7+$0x5000] =	vst v14;
	s1 =	sadd.s32 $0x10, s1;
	s7 =	smov.u32 s0;
	s0 =	sadd.s32 $0x40, s0  }
.Ltmp2:
0x618: {  	(pc) =	sbr.rel @p0 .LBB2_2-.Ltmp2, $4  }
0x619: {  	_ = 	snop  }
0x61a: {  	s7 =	sand.u32 $0x7F00, s7  }
0x61b: {  	s20 =	sand.u32 $0x30, s1;
	s7 =	sshrl.u32 s7, $0x2  }
0x61c: {  	s7 =	sor.u32 s20, s7  }
0x61d: {  	[tilespmem:s7+$0x5000] =	vst v14;
	s0 =	sld [smem:$0x7FB]  }
0x61e: {  	[spmem:s6] =	stream.linear.scatter [tilespmem:s13], [sflag:$0x9], $0x2000, $0x38;
	[tilespmem:$0x1EC40] =	vst v63  }
0x61f: {  	s28 =	sld [smem:$0x7FC]  }
0x620: {  	[spmem:s0] =	stream.linear.scatter [tilespmem:s13], [sflag:$0x9], $0x2000, $0x38;
	[tilespmem:$0x1EC40] =	vst v63  }
0x621: {  	s1 =	sld [smem:$0x7FD]  }
0x622: {  	[spmem:s28] =	stream.linear.scatter [tilespmem:s13], [sflag:$0x9], $0x2000, $0x38;
	[tilespmem:$0x1EC40] =	vst v63  }
0x623: {  	_ = 	snop  }
0x624: {  	[spmem:s1] =	stream.linear.scatter [tilespmem:s13], [sflag:$0x9], $0x2000, $0x38;
	[tilespmem:$0x1EC40] =	vst v63  }
0x625: {  	_ = 	snop  }
0x626: {  	[spmem:s9] =	stream.linear.scatter [tilespmem:s13], [sflag:$0x9], $0x1C40, $0x38;
	[tilespmem:$0x1EC40] =	vst v63  }
0x627: {  	_ =	swait.ge [sflag:s14], $0x2710  }
0x628: {  	[sflag:s14] =	ssyncset.done $0x0  }
0x629: {  	[sflag:s14] =	ssyncadd.s32 $0xFFFFD8F0  }
0x62a: {  	[tilespmem:$0x2710] =	vst v15  }
0x62b: {  	[tilespmem:$0x2720] =	vst v15  }
0x62c: {  	[tilespmem:$0x2730] =	vst v15  }
0x62d: {  	[tilespmem:$0x2740] =	vst v15  }
0x62e: {  	[tilespmem:$0x2750] =	vst v15  }
0x62f: {  	[tilespmem:$0x2760] =	vst v15  }
0x630: {  	[tilespmem:$0x2770] =	vst v15  }
0x631: {  	[tilespmem:$0x2780] =	vst v15  }
0x632: {  	[tilespmem:$0x2790] =	vst v15  }
0x633: {  	[tilespmem:$0x27A0] =	vst v15  }
0x634: {  	[tilespmem:$0x27B0] =	vst v15  }
0x635: {  	[tilespmem:$0x27C0] =	vst v15  }
0x636: {  	[tilespmem:$0x27D0] =	vst v15  }
0x637: {  	[tilespmem:$0x27E0] =	vst v15  }
0x638: {  	s5 =	simm.s32 $0x7000;
	[tilespmem:$0x27F0] =	vst v15  }
0x639: {  	[tilespmem:s5], [sflag:$0x2] =	stream.indirect.gather [hbm4b:s2+s15], $0x40, s15, s15, $0xb8;
	[tilespmem:$0x1EC40] =	vst v63  }
0x63a: {  	s7 =	simm.s32 $0x100  }
0x63b: {  	[tilespmem:s18], [sflag:$0x3] =	stream.indirect.gather [hbm4b:s2+s15], $0x40, s7, s15, $0xb8;
	[tilespmem:$0x1EC40] =	vst v63  }
0x63c: {  	s8 =	simm.s32 $0x180;
	s1 =	simm.s32 $0xB000  }
0x63d: {  	[tilespmem:s1], [sflag:$0x4] =	stream.indirect.gather [hbm4b:s2+s15], $0x40, s8, s15, $0xb8;
	[tilespmem:$0x1EC40] =	vst v63  }
0x63e: {  	s20 =	simm.s32 $0x200  }
0x63f: {  	[tilespmem:s22], [sflag:$0x5] =	stream.indirect.gather [hbm4b:s2+s15], $0x40, s20, s15, $0xb8;
	[tilespmem:$0x1EC40] =	vst v63  }
0x640: {  	s23 =	simm.s32 $0x280;
	s24 =	simm.s32 $0xF000  }
0x641: {  	[tilespmem:s24], [sflag:$0x6] =	stream.indirect.gather [hbm4b:s2+s15], $0x40, s23, s15, $0xb8;
	[tilespmem:$0x1EC40] =	vst v63  }
0x642: {  	s25 =	simm.s32 $0x300  }
0x643: {  	[tilespmem:s26], [sflag:$0x7] =	stream.indirect.gather [hbm4b:s2+s15], $0x40, s25, s15, $0xb8;
	[tilespmem:$0x1EC40] =	vst v63  }
0x644: {  	s28 =	simm.s32 $0x380  }
0x645: {  	[tilespmem:s29], [sflag:$0x8] =	stream.indirect.gather [hbm4b:s2+s15], $0x40, s28, s15, $0xb8;
	[tilespmem:$0x1EC40] =	vst v63  }
0x646: {  	_ =	swait.ge [sflag:s30], $0x2000  }
0x647: {  	[sflag:s30] =	ssyncset.done $0x0  }
0x648: {  	[sflag:s30] =	ssyncadd.s32 $0xFFFFE000  }
0x649: {  	_ =	swait.ge [sflag:s30], $0x2000  }
0x64a: {  	[sflag:s30] =	ssyncset.done $0x0  }
0x64b: {  	[sflag:s30] =	ssyncadd.s32 $0xFFFFE000  }
0x64c: {  	_ =	swait.ge [sflag:s30], $0x2000  }
0x64d: {  	[sflag:s30] =	ssyncset.done $0x0  }
0x64e: {  	[sflag:s30] =	ssyncadd.s32 $0xFFFFE000  }
0x64f: {  	_ =	swait.ge [sflag:s30], $0x2000  }
0x650: {  	[sflag:s30] =	ssyncset.done $0x0  }
0x651: {  	[sflag:s30] =	ssyncadd.s32 $0xFFFFE000  }
0x652: {  	_ =	swait.ge [sflag:s30], $0x1C40  }
0x653: {  	[sflag:s30] =	ssyncset.done $0x0  }
0x654: {  	s23 =	simm.s32 $0x0;
	[sflag:s30] =	ssyncadd.s32 $0xFFFFE3C0  }
0x655: {  	[tilespmem:s13], [sflag:$0x1] =	stream.indirect.gather [hbm4b:s2+s15], $0x40, s23, s15, $0xb8;
	[tilespmem:$0x1EC40] =	vst v63  }
0x656: {  	_ =	swait.ge [sflag:s31], $0x2710  }
0x657: {  	[sflag:s31] =	ssyncset.done $0x0  }
0x658: {  	[sflag:s31] =	ssyncadd.s32 $0xFFFFD8F0  }
0x659: {  	[tilespmem:$0x4F10] =	vst v16  }
0x65a: {  	[tilespmem:$0x4F20] =	vst v2  }
0x65b: {  	[tilespmem:$0x4F30] =	vst v3  }
0x65c: {  	[tilespmem:$0x4F40] =	vst v4  }
0x65d: {  	[tilespmem:$0x4F50] =	vst v5  }
0x65e: {  	[tilespmem:$0x4F60] =	vst v6  }
0x65f: {  	[tilespmem:$0x4F70] =	vst v7  }
0x660: {  	[tilespmem:$0x4F80] =	vst v8  }
0x661: {  	[tilespmem:$0x4F90] =	vst v9  }
0x662: {  	[tilespmem:$0x4FA0] =	vst v10  }
0x663: {  	[tilespmem:$0x4FB0] =	vst v11  }
0x664: {  	[tilespmem:$0x4FC0] =	vst v0  }
0x665: {  	[tilespmem:$0x4FD0] =	vst v1  }
0x666: {  	[tilespmem:$0x4FE0] =	vst v12  }
0x667: {  	[tilespmem:$0x4FF0] =	vst v13  }
0x668: {  	[bflag:$0x0] =	sbarrier.arrive $0xFFFF  }
.LBB2_4:
0x669: {  	_ =	swait.ge [sflag:s14], $0x2000  }
0x66a: {  	s24 =	sshra.s32 s23, $0x2;
	[sflag:s14] =	ssyncset.done $0x0  }
0x66b: {  	s0 =	sadd.s32 $0x2800, s24;
	[sflag:s14] =	ssyncadd.s32 $0xFFFFE000  }
0x66c: {  	[spmem:s3] =	stream.indirect.scatter.add.f32 [tilespmem:s13], [sflag:$0xB], $0x40, s0, s15, $0xb8;
	[tilespmem:$0x1EC40] =	vst v63  }
0x66d: {  	_ =	swait.ge [sflag:s4], $0x2000  }
0x66e: {  	p0 =	seq.s32 s23, $0x9000;
	[sflag:s4] =	ssyncset.done $0x0  }
0x66f: {  	s0 =	simm.s32 @p0 $0x2;
	[sflag:s4] =	ssyncadd.s32 $0xFFFFE000  }
0x670: {  	_ =	swait.ge @p0 [sflag:s0], $0x2000  }
0x671: {  	s20 =	sshra.s32 @p0 s23, $0x2;
	s7 =	simm.s32 @p0 $0x7000;
	[sflag:s0] =	ssyncset.done @p0 $0x0  }
0x672: {  	s1 =	sadd.s32 @p0 $0x2880, s20;
	[sflag:s0] =	ssyncadd.s32 @p0 $0xFFFFE000;
	s0 =	simm.s32 @p0 $0x80  }
0x673: {  	[spmem:s3] =	stream.indirect.scatter.add.f32 @p0 [tilespmem:s7], [sflag:$0xB], $0x40, s1, s0, $0xb8;
	[tilespmem:$0x1EC40] =	vst v63  }
0x674: {  	s1 =	simm.s32 @p0 $0xB  }
0x675: {  	_ =	swait.ge @p0 [sflag:s1], $0x2000  }
0x676: {  	s25 =	sshra.s32 @!p0 s23, $0x2;
	s28 =	simm.s32 @!p0 $0x80;
	[sflag:s1] =	ssyncset.done @p0 $0x0  }
0x677: {  	s8 =	simm.s32 @!p0 $0x5000;
	s7 =	sadd.s32 @!p0 $0x400, s25;
	[sflag:s1] =	ssyncadd.s32 @p0 $0xFFFFE000  }
0x678: {  	[tilespmem:s8], [sflag:$0x1] =	stream.indirect.gather @!p0 [hbm4b:s2+s28], $0x40, s7, s28, $0xb8;
	[tilespmem:$0x1EC40] =	vst v63  }
0x679: {  	s7 =	simm.s32 @!p0 $0x2  }
0x67a: {  	_ =	swait.ge @!p0 [sflag:s7], $0x2000  }
0x67b: {  	[sflag:s7] =	ssyncset.done @!p0 $0x0  }
0x67c: {  	s8 =	simm.s32 @!p0 $0x7000;
	[sflag:s7] =	ssyncadd.s32 @!p0 $0xFFFFE000;
	s7 =	sadd.s32 @!p0 $0x2880, s25  }
0x67d: {  	[spmem:s3] =	stream.indirect.scatter.add.f32 @!p0 [tilespmem:s8], [sflag:$0xB], $0x40, s7, s28, $0xb8;
	[tilespmem:$0x1EC40] =	vst v63  }
0x67e: {  	s7 =	simm.s32 @!p0 $0xB  }
0x67f: {  	_ =	swait.ge @!p0 [sflag:s7], $0x2000  }
0x680: {  	[sflag:s7] =	ssyncset.done @!p0 $0x0  }
0x681: {  	s5 =	sadd.s32 @!p0 $0x480, s25;
	[sflag:s7] =	ssyncadd.s32 @!p0 $0xFFFFE000  }
0x682: {  	[tilespmem:s8], [sflag:$0x2] =	stream.indirect.gather @!p0 [hbm4b:s2+s28], $0x40, s5, s28, $0xb8;
	[tilespmem:$0x1EC40] =	vst v63  }
0x683: {  	_ =	swait.ge [sflag:s12], $0x2000  }
0x684: {  	[sflag:s12] =	ssyncset.done $0x0  }
0x685: {  	s8 =	sadd.s32 $0x2900, s24;
	[sflag:s12] =	ssyncadd.s32 $0xFFFFE000  }
0x686: {  	[spmem:s3] =	stream.indirect.scatter.add.f32 [tilespmem:s18], [sflag:$0xB], $0x40, s8, s15, $0xb8;
	[tilespmem:$0x1EC40] =	vst v63  }
0x687: {  	_ =	swait.ge [sflag:s4], $0x2000  }
0x688: {  	[sflag:s4] =	ssyncset.done $0x0  }
0x689: {  	s5 =	simm.s32 @p0 $0x4;
	[sflag:s4] =	ssyncadd.s32 $0xFFFFE000  }
0x68a: {  	_ =	swait.ge @p0 [sflag:s5], $0x2000  }
0x68b: {  	[sflag:s5] =	ssyncset.done @p0 $0x0  }
0x68c: {  	s8 =	simm.s32 @p0 $0xB000;
	[sflag:s5] =	ssyncadd.s32 @p0 $0xFFFFE000;
	s5 =	sadd.s32 @p0 $0x2980, s20  }
0x68d: {  	[spmem:s3] =	stream.indirect.scatter.add.f32 @p0 [tilespmem:s8], [sflag:$0xB], $0x40, s5, s0, $0xb8;
	[tilespmem:$0x1EC40] =	vst v63  }
0x68e: {  	_ =	swait.ge @p0 [sflag:s1], $0x2000  }
0x68f: {  	[sflag:s1] =	ssyncset.done @p0 $0x0  }
0x690: {  	s5 =	sadd.s32 @!p0 $0x500, s25;
	s8 =	simm.s32 @!p0 $0x9000;
	[sflag:s1] =	ssyncadd.s32 @p0 $0xFFFFE000  }
0x691: {  	[tilespmem:s8], [sflag:$0x3] =	stream.indirect.gather @!p0 [hbm4b:s2+s28], $0x40, s5, s28, $0xb8;
	[tilespmem:$0x1EC40] =	vst v63  }
0x692: {  	s5 =	simm.s32 @!p0 $0x4  }
0x693: {  	_ =	swait.ge @!p0 [sflag:s5], $0x2000  }
0x694: {  	[sflag:s5] =	ssyncset.done @!p0 $0x0  }
0x695: {  	s8 =	simm.s32 @!p0 $0xB000;
	[sflag:s5] =	ssyncadd.s32 @!p0 $0xFFFFE000;
	s5 =	sadd.s32 @!p0 $0x2980, s25  }
0x696: {  	[spmem:s3] =	stream.indirect.scatter.add.f32 @!p0 [tilespmem:s8], [sflag:$0xB], $0x40, s5, s28, $0xb8;
	[tilespmem:$0x1EC40] =	vst v63  }
0x697: {  	_ =	swait.ge @!p0 [sflag:s7], $0x2000  }
0x698: {  	[sflag:s7] =	ssyncset.done @!p0 $0x0  }
0x699: {  	s5 =	sadd.s32 @!p0 $0x580, s25;
	[sflag:s7] =	ssyncadd.s32 @!p0 $0xFFFFE000  }
0x69a: {  	[tilespmem:s8], [sflag:$0x4] =	stream.indirect.gather @!p0 [hbm4b:s2+s28], $0x40, s5, s28, $0xb8;
	[tilespmem:$0x1EC40] =	vst v63  }
0x69b: {  	_ =	swait.ge [sflag:s16], $0x2000  }
0x69c: {  	[sflag:s16] =	ssyncset.done $0x0  }
0x69d: {  	s8 =	sadd.s32 $0x2A00, s24;
	[sflag:s16] =	ssyncadd.s32 $0xFFFFE000  }
0x69e: {  	[spmem:s3] =	stream.indirect.scatter.add.f32 [tilespmem:s22], [sflag:$0xB], $0x40, s8, s15, $0xb8;
	[tilespmem:$0x1EC40] =	vst v63  }
0x69f: {  	_ =	swait.ge [sflag:s4], $0x2000  }
0x6a0: {  	[sflag:s4] =	ssyncset.done $0x0  }
0x6a1: {  	s5 =	simm.s32 @p0 $0x6;
	[sflag:s4] =	ssyncadd.s32 $0xFFFFE000  }
0x6a2: {  	_ =	swait.ge @p0 [sflag:s5], $0x2000  }
0x6a3: {  	[sflag:s5] =	ssyncset.done @p0 $0x0  }
0x6a4: {  	s8 =	simm.s32 @p0 $0xF000;
	[sflag:s5] =	ssyncadd.s32 @p0 $0xFFFFE000;
	s5 =	sadd.s32 @p0 $0x2A80, s20  }
0x6a5: {  	[spmem:s3] =	stream.indirect.scatter.add.f32 @p0 [tilespmem:s8], [sflag:$0xB], $0x40, s5, s0, $0xb8;
	[tilespmem:$0x1EC40] =	vst v63  }
0x6a6: {  	_ =	swait.ge @p0 [sflag:s1], $0x2000  }
0x6a7: {  	[sflag:s1] =	ssyncset.done @p0 $0x0  }
0x6a8: {  	s0 =	sadd.s32 @!p0 $0x600, s25;
	[sflag:s1] =	ssyncadd.s32 @p0 $0xFFFFE000;
	s1 =	simm.s32 @!p0 $0xD000  }
0x6a9: {  	[tilespmem:s1], [sflag:$0x5] =	stream.indirect.gather @!p0 [hbm4b:s2+s28], $0x40, s0, s28, $0xb8;
	[tilespmem:$0x1EC40] =	vst v63  }
0x6aa: {  	s0 =	simm.s32 @!p0 $0x6  }
0x6ab: {  	_ =	swait.ge @!p0 [sflag:s0], $0x2000  }
0x6ac: {  	[sflag:s0] =	ssyncset.done @!p0 $0x0  }
0x6ad: {  	s1 =	simm.s32 @!p0 $0xF000;
	[sflag:s0] =	ssyncadd.s32 @!p0 $0xFFFFE000;
	s0 =	sadd.s32 @!p0 $0x2A80, s25  }
0x6ae: {  	[spmem:s3] =	stream.indirect.scatter.add.f32 @!p0 [tilespmem:s1], [sflag:$0xB], $0x40, s0, s28, $0xb8;
	[tilespmem:$0x1EC40] =	vst v63  }
0x6af: {  	_ =	swait.ge @!p0 [sflag:s7], $0x2000  }
0x6b0: {  	[sflag:s7] =	ssyncset.done @!p0 $0x0  }
0x6b1: {  	s0 =	sadd.s32 @!p0 $0x680, s25;
	[sflag:s7] =	ssyncadd.s32 @!p0 $0xFFFFE000  }
0x6b2: {  	[tilespmem:s1], [sflag:$0x6] =	stream.indirect.gather @!p0 [hbm4b:s2+s28], $0x40, s0, s28, $0xb8;
	[tilespmem:$0x1EC40] =	vst v63  }
0x6b3: {  	_ =	swait.ge [sflag:s17], $0x2000  }
0x6b4: {  	[sflag:s17] =	ssyncset.done $0x0  }
.Ltmp3:
0x6b5: {  	s28 =	sadd.s32 $0x2B00, s24;
	[sflag:s17] =	ssyncadd.s32 $0xFFFFE000;
	(pc) =	sbr.rel @p0 .LBB2_6-.Ltmp3, $4  }
0x6b6: {  	[spmem:s3] =	stream.indirect.scatter.add.f32 [tilespmem:s26], [sflag:$0xB], $0x40, s28, s15, $0xb8;
	[tilespmem:$0x1EC40] =	vst v63  }
0x6b7: {  	_ =	swait.ge [sflag:s4], $0x2000  }
0x6b8: {  	[sflag:s4] =	ssyncset.done $0x0  }
0x6b9: {  	s0 =	sadd.s32 $0x2B80, s24;
	[sflag:s4] =	ssyncadd.s32 $0xFFFFE000  }
0x6ba: {  	s1 =	sadd.s32 $0x700, s24  }
0x6bb: {  	[tilespmem:s26], [sflag:$0x7] =	stream.indirect.gather [hbm4b:s2+s15], $0x40, s1, s15, $0xb8;
	[tilespmem:$0x1EC40] =	vst v63  }
0x6bc: {  	_ =	swait.ge [sflag:s19], $0x2000  }
0x6bd: {  	[sflag:s19] =	ssyncset.done $0x0  }
0x6be: {  	[sflag:s19] =	ssyncadd.s32 $0xFFFFE000  }
0x6bf: {  	[spmem:s3] =	stream.indirect.scatter.add.f32 [tilespmem:s29], [sflag:$0xB], $0x40, s0, s15, $0xb8;
	[tilespmem:$0x1EC40] =	vst v63  }
.Ltmp4:
0x6c0: {  	_ = 	snop;
	(pc) =	sbr.rel .LBB2_4-.Ltmp4, $4  }
0x6c1: {  	_ =	swait.ge [sflag:s4], $0x2000  }
0x6c2: {  	[sflag:s4] =	ssyncset.done $0x0  }
0x6c3: {  	s28 =	sadd.s32 $0x780, s24;
	s23 =	sadd.s32 $0x1000, s23;
	[sflag:s4] =	ssyncadd.s32 $0xFFFFE000  }
0x6c4: {  	[tilespmem:s29], [sflag:$0x8] =	stream.indirect.gather [hbm4b:s2+s15], $0x40, s28, s15, $0xb8;
	[tilespmem:$0x1EC40] =	vst v63  }
.LBB2_7:
0x6c5: {  	_ =	sfence.sel $0x180000  }
0x6c6: {  	[bflag:$0x0] =	sbarrier.arrive $0xFFFF  }
0x6c7: {  	_ =	strace $0x90000047  }
0x6c8: {  	s0 =	stileid.u32;
	[bflag:$0x2] =	sbarrier.arrive $0xFFFF  }
0x6c9: {  	p0 =	sne.s32 s0, $0x0;
	s0 =	rddreg [dreg:$0x3]  }
0x6ca: {  	s0 =	sadd.s32 @!p0 $0x100000, s0  }
0x6cb: {  	[sflag:s0] =	ssyncadd.tile.s32 @!p0 $0x1;
	_ =	shalt  }
.Lfunc_end2:
_tile_overlayer_lowered:
.L_overlay_start_2:
0x6cc: {  	(tag) =	ssettag $0x2  }
0x6cd: {  	s0 =	rddreg [dreg:$0x0];
	s2 =	stileid.u32  }
0x6ce: {  	s1 =	rddreg [dreg:$0x1];
	p0 =	sne.s32 s2, $0x0  }
0x6cf: {  	s3 =	rddreg [dreg:$0x2];
	[bflag:$0x3] =	sbarrier.arrive $0xFFFF;
	s2 =	simm.s32 @!p0 $0x1C0B  }
0x6d0: {  	[timem:s3], [sflag:s2] =	dma.local @!p0 [hbm:s0], s1  }
0x6d1: {  	s0 =	simm.s32 @!p0 $0xB  }
0x6d2: {  	_ =	swait.ge @!p0 [sflag:s0], s1  }
0x6d3: {  	s1 =	ssub.s32 @!p0 $0x0, s1;
	[sflag:s0] =	ssyncset.done @!p0 $0x0  }
0x6d4: {  	[sflag:s0] =	ssyncadd.s32 @!p0 s1  }
0x6d5: {  	[bflag:$0x3] =	sbarrier.arrive $0xFFFF  }
0x6d6: {  	_ =	shalt  }

</sc_bundles>
